<compile_context>
chip_gen: v7x
topology: tpu7x:2x2x1
jax: 0.10.2.dev20260603
libtpu: 0.0.44.dev20260713+nightly
codegen_flags: <defaults>
</compile_context>

<pallas_src>
import functools

import jax
import jax.numpy as jnp
import numpy as np
from jax import lax
from jax.experimental import pallas as pl
from jax.experimental.pallas import tpu as pltpu
from jax.experimental.pallas import tpu_sc as plsc

H = 8
DH = 16
HID = 128

_S16 = np.kron(np.eye(H, dtype=np.float32), np.ones((DH, 1), np.float32))
_R8 = np.kron(np.eye(H, dtype=np.float32), np.ones((1, DH), np.float32))

BN = 1000
BE = 1600



def _node_tables_body(h_ref, ws_ref, bs_ref, wd_ref, bd_ref, s_ref, d_ref):
    h = h_ref[...]
    s_ref[...] = h @ ws_ref[...] + bs_ref[...]
    d_ref[...] = h @ wd_ref[...] + bd_ref[...]


def _node_tables(h, WS, bS, WD, bD):
    n = h.shape[0]
    grid = (n // BN,)
    return pl.pallas_call(
        _node_tables_body,
        grid=grid,
        in_specs=[
            pl.BlockSpec((BN, HID), lambda i: (i, 0)),
            pl.BlockSpec(WS.shape, lambda i: (0, 0)),
            pl.BlockSpec(bS.shape, lambda i: (0, 0)),
            pl.BlockSpec(WD.shape, lambda i: (0, 0)),
            pl.BlockSpec(bD.shape, lambda i: (0, 0)),
        ],
        out_specs=[
            pl.BlockSpec((BN, WS.shape[1]), lambda i: (i, 0)),
            pl.BlockSpec((BN, WD.shape[1]), lambda i: (i, 0)),
        ],
        out_shape=[
            jax.ShapeDtypeStruct((n, WS.shape[1]), jnp.float32),
            jax.ShapeDtypeStruct((n, WD.shape[1]), jnp.float32),
        ],
    )(h, WS, bS, WD, bD)


def _edge_score_body(gs_ref, gd_ref, sim_ref, phi_ref, ms_ref, c2_ref,
                     pc_ref, s16_ref, r8_ref, y_ref):
    gs = gs_ref[...]
    ks = gs[:, :HID]
    vs = gs[:, HID:2 * HID]
    qd = gd_ref[...]
    S2 = sim_ref[...] @ ms_ref[...] + c2_ref[...]
    a = ks + S2
    b = qd + S2
    dots = (a * b) @ s16_ref[...]
    pc = pc_ref[...]
    s = dots + phi_ref[...] * pc[0][None, :] + pc[1][None, :]
    w = jnp.exp(jnp.clip(s, -8.0, 8.0))
    wex = w @ r8_ref[...]
    y_ref[:, :HID] = vs * wex
    y_ref[:, HID:2 * HID] = jnp.pad(w, ((0, 0), (0, HID - 8)))


def _edge_scores(Gs, Gd, sim, phi, Ms2, c2, pc):
    e = sim.shape[0]
    return pl.pallas_call(
        _edge_score_body,
        grid=(e // BE,),
        in_specs=[
            pl.BlockSpec((BE, Gs.shape[1]), lambda i: (i, 0)),
            pl.BlockSpec((BE, Gd.shape[1]), lambda i: (i, 0)),
            pl.BlockSpec((BE, 4), lambda i: (i, 0)),
            pl.BlockSpec((BE, 1), lambda i: (i, 0)),
            pl.BlockSpec(Ms2.shape, lambda i: (0, 0)),
            pl.BlockSpec(c2.shape, lambda i: (0, 0)),
            pl.BlockSpec(pc.shape, lambda i: (0, 0)),
            pl.BlockSpec(_S16.shape, lambda i: (0, 0)),
            pl.BlockSpec(_R8.shape, lambda i: (0, 0)),
        ],
        out_specs=pl.BlockSpec((BE, 256), lambda i: (i, 0)),
        out_shape=jax.ShapeDtypeStruct((e, 256), jnp.float32),
    )(Gs, Gd, sim, phi, Ms2, c2, pc, jnp.asarray(_S16), jnp.asarray(_R8))


def _ln(x, g, b):
    m = jnp.mean(x, axis=-1, keepdims=True)
    xc = x - m
    v = jnp.mean(xc * xc, axis=-1, keepdims=True)
    return xc * jax.lax.rsqrt(v + 1e-5) * g + b


def _make_post_body(nparts):
    def body(*refs):
        p_refs = refs[:nparts]
        (h_ref, wo_ref, bo_ref, g1_ref, b1g_ref, w1_ref, b1_ref,
         w2_ref, b2_ref, g2_ref, b2g_ref, r8_ref, o_ref) = refs[nparts:]
        wV = p_refs[0][0]
        z = p_refs[0][1][:, :8]
        for pr in p_refs[1:]:
            wV = wV + pr[0]
            z = z + pr[1][:, :8]
        attn = wV / (z @ r8_ref[...] + 1e-6)
        hh = attn @ wo_ref[...] + bo_ref[...]
        r1 = _ln(h_ref[...] + hh, g1_ref[...], b1g_ref[...])
        f = jnp.maximum(r1 @ w1_ref[...] + b1_ref[...], 0.0) @ w2_ref[...] + b2_ref[...]
        o_ref[...] = _ln(r1 + f, g2_ref[...], b2g_ref[...])
    return body


def _post(parts_list, h, Wo, bo, g1, b1g, W1, b1, W2, b2, g2, b2g):
    n = h.shape[0]
    full = lambda a: pl.BlockSpec(a.shape, lambda i: (0,) * a.ndim)
    return pl.pallas_call(
        _make_post_body(len(parts_list)),
        grid=(n // BN,),
        in_specs=[pl.BlockSpec((2, BN, p.shape[2]), lambda i: (0, i, 0))
                  for p in parts_list] + [
            pl.BlockSpec((BN, HID), lambda i: (i, 0)),
            full(Wo), full(bo), full(g1), full(b1g), full(W1), full(b1),
            full(W2), full(b2), full(g2), full(b2g),
            pl.BlockSpec(_R8.shape, lambda i: (0, 0)),
        ],
        out_specs=pl.BlockSpec((BN, HID), lambda i: (i, 0)),
        out_shape=jax.ShapeDtypeStruct((n, HID), jnp.float32),
    )(*parts_list, h, Wo, bo, g1, b1g, W1, b1, W2, b2, g2, b2g, jnp.asarray(_R8))


def _embed_body(x_ref, w_ref, o_ref):
    o_ref[...] = x_ref[...] @ w_ref[...]


def _embed(x, W):
    n = x.shape[0]
    return pl.pallas_call(
        _embed_body,
        grid=(n // BN,),
        in_specs=[
            pl.BlockSpec((BN, x.shape[1]), lambda i: (i, 0)),
            pl.BlockSpec(W.shape, lambda i: (0, 0)),
        ],
        out_specs=pl.BlockSpec((BN, HID), lambda i: (i, 0)),
        out_shape=jax.ShapeDtypeStruct((n, HID), jnp.float32),
    )(x, W)



_NCORES = 2
_NSUB = 16
_NW = _NCORES * _NSUB


_GCH = 128


def _sc_gather(nodeS, nodeD, src, dst):
    e = src.shape[0]
    ws, wd = nodeS.shape[1], nodeD.shape[1]
    nchunks = e // _GCH
    iters = (nchunks + _NW - 1) // _NW
    mesh = plsc.VectorSubcoreMesh(core_axis_name="c", subcore_axis_name="s")

    @functools.partial(
        pl.kernel, mesh=mesh,
        out_type=[jax.ShapeDtypeStruct((e, ws), jnp.float32),
                  jax.ShapeDtypeStruct((e, wd), jnp.float32)],
        scratch_types=[pltpu.VMEM((_GCH,), jnp.int32),
                       pltpu.VMEM((_GCH,), jnp.int32),
                       pltpu.VMEM((_GCH, ws), jnp.float32),
                       pltpu.VMEM((_GCH, wd), jnp.float32),
                       pltpu.SemaphoreType.DMA,
                       pltpu.SemaphoreType.DMA],
    )
    def k(ns_hbm, nd_hbm, src_hbm, dst_hbm, gs_hbm, gd_hbm,
          si_v, di_v, rs_v, rd_v, sem1, sem2):
        wid = lax.axis_index("s") * _NCORES + lax.axis_index("c")

        def body(ci, carry):
            cid = wid + ci * _NW

            @pl.when(cid < nchunks)
            def _():
                off = cid * _GCH
                pltpu.sync_copy(src_hbm.at[pl.ds(off, _GCH)], si_v)
                pltpu.sync_copy(dst_hbm.at[pl.ds(off, _GCH)], di_v)
                cp1 = pltpu.async_copy(ns_hbm.at[si_v], rs_v, sem1)
                cp2 = pltpu.async_copy(nd_hbm.at[di_v], rd_v, sem2)
                cp1.wait()
                cp2.wait()
                pltpu.sync_copy(rs_v, gs_hbm.at[pl.ds(off, _GCH)])
                pltpu.sync_copy(rd_v, gd_hbm.at[pl.ds(off, _GCH)])
            return carry

        lax.fori_loop(0, iters, body, 0)

    return k(nodeS, nodeD, src, dst)


def _sc_scatter_add(Y, dst, n):
    e, wy = Y.shape
    nchunks = e // _GCH
    iters = (nchunks + _NSUB - 1) // _NSUB
    npad = ((n + 8 * _NSUB - 1) // (8 * _NSUB)) * (8 * _NSUB)
    rows_pt = npad // _NSUB
    mesh = plsc.VectorSubcoreMesh(core_axis_name="c", subcore_axis_name="s")
    zeros_hbm_in = jnp.zeros((npad, HID), jnp.float32)

    @functools.partial(
        pl.kernel, mesh=mesh,
        out_type=jax.ShapeDtypeStruct((_NCORES, npad, HID), jnp.float32),
        scratch_types=[pltpu.VMEM((_GCH,), jnp.int32),
                       pltpu.VMEM((_GCH, HID), jnp.float32),
                       pltpu.VMEM_SHARED((npad, HID), jnp.float32),
                       pltpu.SemaphoreType.DMA],
    )
    def k(y_hbm, dst_hbm, zz_hbm, out_hbm, di_v, y_v, acc_sh, sem):
        cid = lax.axis_index("c")
        sid = lax.axis_index("s")

        pltpu.sync_copy(zz_hbm.at[pl.ds(sid * rows_pt, rows_pt)],
                        acc_sh.at[pl.ds(sid * rows_pt, rows_pt)])
        plsc.subcore_barrier()

        col = cid * HID

        def body(ci, carry):
            ch = sid + ci * _NSUB

            @pl.when(ch < nchunks)
            def _():
                off = ch * _GCH
                pltpu.sync_copy(dst_hbm.at[pl.ds(off, _GCH)], di_v)
                pltpu.async_copy(y_hbm.at[pl.ds(off, _GCH), pl.ds(col, HID)],
                                 y_v, sem).wait()
                pltpu.sync_copy(y_v, acc_sh.at[di_v], add=True)
            return carry
        lax.fori_loop(0, iters, body, 0)
        plsc.subcore_barrier()

        pltpu.sync_copy(acc_sh.at[pl.ds(sid * rows_pt, rows_pt)],
                        out_hbm.at[cid, pl.ds(sid * rows_pt, rows_pt)])

    return k(Y, dst, zeros_hbm_in)



def _prep_layer(params, p):
    WS = jnp.concatenate([2.0 * p['Wk'], p['Wv']], axis=1)
    bS = jnp.concatenate([2.0 * p['bk'], p['bv']])[None, :]
    WD = 2.0 * p['Wq']
    bD = (2.0 * p['bq'])[None, :]

    Ms2 = 2.0 * (params['emb_sim_W'] @ p['Wsim'])
    c2 = 2.0 * (params['emb_sim_b'] @ p['Wsim'] + p['bsim'])[None, :]

    Mp = (params['emb_phi_W'] @ p['Wphi'])[0]
    cp = params['emb_phi_b'] @ p['Wphi'] + p['bphi']
    Psum = Mp.reshape(H, DH).sum(-1)
    Csum = cp.reshape(H, DH).sum(-1)
    pc = jnp.stack([Psum, Csum], axis=0)
    return WS, bS, WD, bD, Ms2, c2, pc



def kernel(x, edge_index, phi, sim, params):
    src = edge_index[0]
    dst = edge_index[1]
    n = x.shape[0]
    e = sim.shape[0]

    layer_prep = [_prep_layer(params, p) for p in params['layers']]

    h = _embed(x, params['emb_h_W'])

    nsplit = 2
    eh = e // nsplit
    for li, p in enumerate(params['layers']):
        WS, bS, WD, bD, Ms2, c2, pc = layer_prep[li]
        nodeS, nodeD = _node_tables(h, WS, bS, WD, bD)
        parts_list = []
        for s in range(nsplit):
            sl = slice(s * eh, (s + 1) * eh)
            Gs, Gd = _sc_gather(nodeS, nodeD, src[sl], dst[sl])
            Y = _edge_scores(Gs, Gd, sim[sl], phi[sl], Ms2, c2, pc)
            parts_list.append(_sc_scatter_add(Y, dst[sl], n))
        h = _post(parts_list, h, p['Wo'], p['bo'],
                  p['ln1_g'][None, :], p['ln1_b'][None, :],
                  p['W1'], p['b1'][None, :], p['W2'], p['b2'][None, :],
                  p['ln2_g'][None, :], p['ln2_b'][None, :])
    return h

# --- scband reference (transcript-rebuilt; emitter-appended) ---
"""Pipeline reference for scband-transformer-64785286693620 (READ-ONLY COPY).

The authoritative reference and input builder live on the scoring server;
editing this copy changes nothing except your own understanding.
"""

import jax, jax.numpy as jnp
import numpy as np

N = 10000
E = 320000
IN = 128
HID = 128
H = 8
DH = 16
K_TR = 4
N_LAYERS = 3


def _lin(key, fi, fo):
    W = jax.random.normal(key, (fi, fo), dtype=jnp.float32) / np.sqrt(fi)
    b = jnp.zeros((fo,), dtype=jnp.float32)
    return W, b


def _make_layer(key):
    ks = jax.random.split(key, 8)
    p = {}
    p['Wq'], p['bq'] = _lin(ks[0], HID, HID)
    p['Wk'], p['bk'] = _lin(ks[1], HID, HID)
    p['Wv'], p['bv'] = _lin(ks[2], HID, HID)
    p['Wsim'], p['bsim'] = _lin(ks[3], HID, HID)
    p['Wphi'], p['bphi'] = _lin(ks[4], HID, HID)
    p['Wo'], p['bo'] = _lin(ks[5], HID, HID)
    p['W1'], p['b1'] = _lin(ks[6], HID, 2 * HID)
    p['W2'], p['b2'] = _lin(ks[7], 2 * HID, HID)
    p['ln1_g'] = jnp.ones((HID,), dtype=jnp.float32)
    p['ln1_b'] = jnp.zeros((HID,), dtype=jnp.float32)
    p['ln2_g'] = jnp.ones((HID,), dtype=jnp.float32)
    p['ln2_b'] = jnp.zeros((HID,), dtype=jnp.float32)
    return p


def setup_inputs(seed: int = 0):
    key = jax.random.key(seed)
    ks = jax.random.split(key, 10)
    x = jax.random.normal(ks[0], (N, IN), dtype=jnp.float32)
    edge_index = jax.random.randint(ks[1], (2, E), 0, N, dtype=jnp.int32)
    phi = jax.random.normal(ks[2], (E, 1), dtype=jnp.float32)
    sim = jax.random.normal(ks[3], (E, K_TR), dtype=jnp.float32)
    emb_h_W = jax.random.normal(ks[4], (IN, HID), dtype=jnp.float32) / np.sqrt(IN)
    emb_phi_W, emb_phi_b = _lin(ks[5], 1, HID)
    emb_sim_W, emb_sim_b = _lin(ks[6], K_TR, HID)
    layer_keys = jax.random.split(ks[7], N_LAYERS)
    layers = [_make_layer(k) for k in layer_keys]
    params = {'emb_h_W': emb_h_W, 'emb_phi_W': emb_phi_W, 'emb_phi_b': emb_phi_b,
              'emb_sim_W': emb_sim_W, 'emb_sim_b': emb_sim_b, 'layers': layers}
    return {'x': x, 'edge_index': edge_index, 'phi': phi, 'sim': sim, 'params': params}


def _ln(x, g, b):
    m = x.mean(-1, keepdims=True)
    v = ((x - m) ** 2).mean(-1, keepdims=True)
    return (x - m) / jnp.sqrt(v + 1e-5) * g + b


def _layer(h, src, dst, phi_e, sim_e, p):
    Qh = (h @ p['Wq'] + p['bq']).reshape(-1, H, DH)
    Kh = (h @ p['Wk'] + p['bk']).reshape(-1, H, DH)
    Vh = (h @ p['Wv'] + p['bv']).reshape(-1, H, DH)
    simh = (sim_e @ p['Wsim'] + p['bsim']).reshape(-1, H, DH)
    phih = (phi_e @ p['Wphi'] + p['bphi']).reshape(-1, H, DH)
    # src_dot_dst_sim: (K_h[src] + sim_h) . (Q_h[dst] + sim_h)
    score = ((Kh[src] + simh) * (Qh[dst] + simh)).sum(-1, keepdims=True)
    score = score / np.sqrt(DH)
    # imp_add_attn broadcasts score [E,H,1] + proj_phi [E,H,DH] -> [E,H,DH]
    score = score + phih
    # exp: sum over last dim, clamp, exp -> [E,H,1]
    score = jnp.exp(jnp.clip(score.sum(-1, keepdims=True), -8.0, 8.0))
    wV = jax.ops.segment_sum(Vh[src] * score, dst, num_segments=N)
    z = jax.ops.segment_sum(score, dst, num_segments=N)
    attn = (wV / (z + 1e-6)).reshape(-1, HID)
    hh = attn @ p['Wo'] + p['bo']
    h = _ln(h + hh, p['ln1_g'], p['ln1_b'])
    f = jax.nn.relu(h @ p['W1'] + p['b1']) @ p['W2'] + p['b2']
    h = _ln(h + f, p['ln2_g'], p['ln2_b'])
    return h


def _forward(x, edge_index, phi, sim, params):
    src = edge_index[0]
    dst = edge_index[1]
    h = x @ params['emb_h_W']
    phi_e = phi @ params['emb_phi_W'] + params['emb_phi_b']
    sim_e = sim @ params['emb_sim_W'] + params['emb_sim_b']
    for p in params['layers']:
        h = _layer(h, src, dst, phi_e, sim_e, p)
    return h


def reference(x, edge_index, phi, sim, params):
    return _forward(x, edge_index, phi, sim, params)

if __name__ == "__main__":
    import jax
    _d = setup_inputs()
    print(jax.jit(kernel)(*tuple(_d.values())))

</pallas_src>

<mosaic_0001>
#map = affine_map<(d0, d1) -> (0, 0)>
#map1 = affine_map<(d0, d1) -> (0)>
#map2 = affine_map<(d0, d1) -> (0, 0, 0)>
module attributes {stable_mosaic.version = 14 : i64} {
  func.func @k(%arg0: i32, %arg1: i32, %arg2: memref<160000x256xf32, #tpu.memory_space<hbm>>, %arg3: memref<160000xi32, #tpu.memory_space<hbm>>, %arg4: memref<10112x128xf32, #tpu.memory_space<hbm>>, %arg5: memref<2x10112x128xf32, #tpu.memory_space<hbm>>, %arg6: memref<128xi32, #tpu.memory_space<vmem>>, %arg7: memref<128x128xf32, #tpu.memory_space<vmem>>, %arg8: memref<10112x128xf32, #tpu.memory_space<vmem_shared>>, %arg9: memref<!tpu.dma_semaphore, #tpu.memory_space<semaphore_mem>>) attributes {dimension_semantics = [#tpu.dimension_semantics<core_parallel>, #tpu.dimension_semantics<subcore_parallel>], iteration_bounds = array<i64: 2, 16>, scalar_prefetch = 0 : i64, scratch_operands = 4 : i64, tpu.core_type = #tpu.core_type<sc_vector_subcore>, window_params = [{transform_indices = #map}, {transform_indices = #map1}, {transform_indices = #map}, {transform_indices = #map2}]} {
    %mul3A = arith.constant 632 : i32
    %mul3A_0 = arith.muli %arg1, %mul3A : i32
    %mul3A_1 = arith.constant 632 : i32
    %mul3A_2 = arith.muli %arg1, %mul3A_1 : i32
    "tpu.region"() ({
      %run_scoped3A = tpu.sem_alloc : memref<!tpu.dma_semaphore, #tpu.memory_space<semaphore_mem>>
      %dma_start3A = arith.constant 0 : i32
      %dma_start3A_15 = tpu.memref_slice %arg8[%mul3A_2, %dma_start3A] : memref<10112x128xf32, #tpu.memory_space<vmem_shared>> -> memref<632x128xf32, #tpu.memory_space<vmem_shared>>
      %dma_start3A_16 = arith.constant 0 : i32
      %dma_start3A_17 = tpu.memref_slice %arg4[%mul3A_0, %dma_start3A_16] : memref<10112x128xf32, #tpu.memory_space<hbm>> -> memref<632x128xf32, #tpu.memory_space<hbm>>
      tpu.enqueue_dma source(%dma_start3A_17 : memref<632x128xf32, #tpu.memory_space<hbm>>) target(%dma_start3A_15 : memref<632x128xf32, #tpu.memory_space<vmem_shared>>) target_semaphore(%run_scoped3A : memref<!tpu.dma_semaphore, #tpu.memory_space<semaphore_mem>>)
      %dma_wait3A = arith.constant 0 : i32
      %dma_wait3A_18 = tpu.memref_slice %arg8[%mul3A_2, %dma_wait3A] : memref<10112x128xf32, #tpu.memory_space<vmem_shared>> -> memref<632x128xf32, #tpu.memory_space<vmem_shared>>
      %dma_wait3A_19 = arith.constant 0 : i32
      %dma_wait3A_20 = tpu.memref_slice %arg4[%mul3A_0, %dma_wait3A_19] : memref<10112x128xf32, #tpu.memory_space<hbm>> -> memref<632x128xf32, #tpu.memory_space<hbm>>
      tpu.wait_dma2 semaphore(%run_scoped3A : memref<!tpu.dma_semaphore, #tpu.memory_space<semaphore_mem>>) src(%dma_wait3A_20 : memref<632x128xf32, #tpu.memory_space<hbm>>) dst(%dma_wait3A_18 : memref<632x128xf32, #tpu.memory_space<vmem_shared>>)
      tpu.yield
    }) : () -> ()
    %barrier3A = arith.constant 0 : index
    tpu.barrier barrier_id(%barrier3A)
    %mul3A_3 = arith.constant 128 : i32
    %mul3A_4 = arith.muli %arg0, %mul3A_3 : i32
    %scan3A = arith.constant 0 : i32
    %scan3A_5 = arith.constant 0 : i32
    %scan3A_6 = arith.constant 79 : i32
    %scan3A_7 = arith.addi %scan3A_5, %scan3A_6 : i32
    %scan3A_8 = arith.constant 1 : i32
    scf.for %scan3A_15 = %scan3A_5 to %scan3A_7 step %scan3A_8  : i32 {
      %mul3A_16 = arith.constant 16 : i32
      %mul3A_17 = arith.muli %scan3A_15, %mul3A_16 : i32
      %add3A = arith.addi %arg1, %mul3A_17 : i32
      %lt3A = arith.constant 1250 : i32
      %lt3A_18 = arith.cmpi slt, %add3A, %lt3A : i32
      %convert_element_type3A = arith.extui %lt3A_18 : i1 to i32
      %cond3A = arith.constant 0 : i32
      %cond3A_19 = arith.cmpi ne, %convert_element_type3A, %cond3A : i32
      scf.if %cond3A_19 {
        %mul3A_20 = arith.constant 128 : i32
        %mul3A_21 = arith.muli %add3A, %mul3A_20 : i32
        "tpu.region"() ({
          %run_scoped3A = tpu.sem_alloc : memref<!tpu.dma_semaphore, #tpu.memory_space<semaphore_mem>>
          %dma_start3A_24 = tpu.memref_slice %arg3[%mul3A_21] : memref<160000xi32, #tpu.memory_space<hbm>> -> memref<128xi32, #tpu.memory_space<hbm>>
          %dma_start3A_25 = tpu.memref_slice %arg3[%mul3A_21] : memref<160000xi32, #tpu.memory_space<hbm>> -> memref<128xi32, #tpu.memory_space<hbm>>
          tpu.enqueue_dma source(%dma_start3A_25 : memref<128xi32, #tpu.memory_space<hbm>>) target(%arg6 : memref<128xi32, #tpu.memory_space<vmem>>) target_semaphore(%run_scoped3A : memref<!tpu.dma_semaphore, #tpu.memory_space<semaphore_mem>>)
          %dma_wait3A_26 = tpu.memref_slice %arg3[%mul3A_21] : memref<160000xi32, #tpu.memory_space<hbm>> -> memref<128xi32, #tpu.memory_space<hbm>>
          %dma_wait3A_27 = tpu.memref_slice %arg3[%mul3A_21] : memref<160000xi32, #tpu.memory_space<hbm>> -> memref<128xi32, #tpu.memory_space<hbm>>
          tpu.wait_dma2 semaphore(%run_scoped3A : memref<!tpu.dma_semaphore, #tpu.memory_space<semaphore_mem>>) src(%dma_wait3A_27 : memref<128xi32, #tpu.memory_space<hbm>>) dst(%arg6 : memref<128xi32, #tpu.memory_space<vmem>>)
          tpu.yield
        }) : () -> ()
        %dma_start3A = tpu.memref_slice %arg2[%mul3A_21, %mul3A_4] : memref<160000x256xf32, #tpu.memory_space<hbm>> -> memref<128x128xf32, #tpu.memory_space<hbm>>
        %dma_start3A_22 = tpu.memref_slice %arg2[%mul3A_21, %mul3A_4] : memref<160000x256xf32, #tpu.memory_space<hbm>> -> memref<128x128xf32, #tpu.memory_space<hbm>>
        tpu.enqueue_dma source(%dma_start3A_22 : memref<128x128xf32, #tpu.memory_space<hbm>>) target(%arg7 : memref<128x128xf32, #tpu.memory_space<vmem>>) target_semaphore(%arg9 : memref<!tpu.dma_semaphore, #tpu.memory_space<semaphore_mem>>)
        %dma_wait3A = tpu.memref_slice %arg2[%mul3A_21, %mul3A_4] : memref<160000x256xf32, #tpu.memory_space<hbm>> -> memref<128x128xf32, #tpu.memory_space<hbm>>
        %dma_wait3A_23 = tpu.memref_slice %arg2[%mul3A_21, %mul3A_4] : memref<160000x256xf32, #tpu.memory_space<hbm>> -> memref<128x128xf32, #tpu.memory_space<hbm>>
        tpu.wait_dma2 semaphore(%arg9 : memref<!tpu.dma_semaphore, #tpu.memory_space<semaphore_mem>>) src(%dma_wait3A_23 : memref<128x128xf32, #tpu.memory_space<hbm>>) dst(%arg7 : memref<128x128xf32, #tpu.memory_space<vmem>>)
        "tpu.region"() ({
          %run_scoped3A = tpu.sem_alloc : memref<!tpu.dma_semaphore, #tpu.memory_space<semaphore_mem>>
          %dma_start3A_24 = arith.constant 0 : i32
          %dma_start3A_25 = arith.constant 0 : i32
          %dma_start3A_26 = tpu.memref_slice %arg8[%dma_start3A_24, %dma_start3A_25] : memref<10112x128xf32, #tpu.memory_space<vmem_shared>> -> memref<10112x128xf32, #tpu.memory_space<vmem_shared>>
          tpu.enqueue_indirect_dma source(%arg7 : memref<128x128xf32, #tpu.memory_space<vmem>>) target(%dma_start3A_26 : memref<10112x128xf32, #tpu.memory_space<vmem_shared>>) offsets(%arg6 : memref<128xi32, #tpu.memory_space<vmem>>) semaphore(%run_scoped3A : memref<!tpu.dma_semaphore, #tpu.memory_space<semaphore_mem>>) {add = true}
          %dma_wait3A_27 = arith.constant 0 : i32
          %dma_wait3A_28 = arith.constant 0 : i32
          %dma_wait3A_29 = tpu.memref_slice %arg8[%dma_wait3A_27, %dma_wait3A_28] : memref<10112x128xf32, #tpu.memory_space<vmem_shared>> -> memref<10112x128xf32, #tpu.memory_space<vmem_shared>>
          tpu.wait_indirect_dma semaphore(%run_scoped3A : memref<!tpu.dma_semaphore, #tpu.memory_space<semaphore_mem>>) src(%arg7 : memref<128x128xf32, #tpu.memory_space<vmem>>) dst(%dma_wait3A_29 : memref<10112x128xf32, #tpu.memory_space<vmem_shared>>)
          tpu.yield
        }) : () -> ()
      } else {
      }
    }
    %scan3A_9 = arith.constant 79 : i32
    %barrier3A_10 = arith.constant 0 : index
    tpu.barrier barrier_id(%barrier3A_10)
    %mul3A_11 = arith.constant 632 : i32
    %mul3A_12 = arith.muli %arg1, %mul3A_11 : i32
    %mul3A_13 = arith.constant 632 : i32
    %mul3A_14 = arith.muli %arg1, %mul3A_13 : i32
    "tpu.region"() ({
      %run_scoped3A = tpu.sem_alloc : memref<!tpu.dma_semaphore, #tpu.memory_space<semaphore_mem>>
      %dma_start3A = arith.constant 0 : i32
      %dma_start3A_15 = tpu.memref_slice %arg5[%arg0, %mul3A_14, %dma_start3A] : memref<2x10112x128xf32, #tpu.memory_space<hbm>> -> memref<1x632x128xf32, #tpu.memory_space<hbm>>
      %dma_start3A_16 = tpu.memref_squeeze %dma_start3A_15 : memref<1x632x128xf32, #tpu.memory_space<hbm>> -> memref<632x128xf32, #tpu.memory_space<hbm>>
      %dma_start3A_17 = arith.constant 0 : i32
      %dma_start3A_18 = tpu.memref_slice %arg8[%mul3A_12, %dma_start3A_17] : memref<10112x128xf32, #tpu.memory_space<vmem_shared>> -> memref<632x128xf32, #tpu.memory_space<vmem_shared>>
      tpu.enqueue_dma source(%dma_start3A_18 : memref<632x128xf32, #tpu.memory_space<vmem_shared>>) target(%dma_start3A_16 : memref<632x128xf32, #tpu.memory_space<hbm>>) target_semaphore(%run_scoped3A : memref<!tpu.dma_semaphore, #tpu.memory_space<semaphore_mem>>)
      %dma_wait3A = arith.constant 0 : i32
      %dma_wait3A_19 = tpu.memref_slice %arg5[%arg0, %mul3A_14, %dma_wait3A] : memref<2x10112x128xf32, #tpu.memory_space<hbm>> -> memref<1x632x128xf32, #tpu.memory_space<hbm>>
      %dma_wait3A_20 = tpu.memref_squeeze %dma_wait3A_19 : memref<1x632x128xf32, #tpu.memory_space<hbm>> -> memref<632x128xf32, #tpu.memory_space<hbm>>
      %dma_wait3A_21 = arith.constant 0 : i32
      %dma_wait3A_22 = tpu.memref_slice %arg8[%mul3A_12, %dma_wait3A_21] : memref<10112x128xf32, #tpu.memory_space<vmem_shared>> -> memref<632x128xf32, #tpu.memory_space<vmem_shared>>
      tpu.wait_dma2 semaphore(%run_scoped3A : memref<!tpu.dma_semaphore, #tpu.memory_space<semaphore_mem>>) src(%dma_wait3A_22 : memref<632x128xf32, #tpu.memory_space<vmem_shared>>) dst(%dma_wait3A_20 : memref<632x128xf32, #tpu.memory_space<hbm>>)
      tpu.yield
    }) : () -> ()
    return
  }
}

#map = affine_map<(d0, d1) -> (0, 0)>
#map1 = affine_map<(d0, d1) -> (0)>
module attributes {stable_mosaic.version = 14 : i64} {
  func.func @k(%arg0: i32, %arg1: i32, %arg2: memref<10000x256xf32, #tpu.memory_space<hbm>>, %arg3: memref<10000x128xf32, #tpu.memory_space<hbm>>, %arg4: memref<160000xi32, #tpu.memory_space<hbm>>, %arg5: memref<160000xi32, #tpu.memory_space<hbm>>, %arg6: memref<160000x256xf32, #tpu.memory_space<hbm>>, %arg7: memref<160000x128xf32, #tpu.memory_space<hbm>>, %arg8: memref<128xi32, #tpu.memory_space<vmem>>, %arg9: memref<128xi32, #tpu.memory_space<vmem>>, %arg10: memref<128x256xf32, #tpu.memory_space<vmem>>, %arg11: memref<128x128xf32, #tpu.memory_space<vmem>>, %arg12: memref<!tpu.dma_semaphore, #tpu.memory_space<semaphore_mem>>, %arg13: memref<!tpu.dma_semaphore, #tpu.memory_space<semaphore_mem>>) attributes {dimension_semantics = [#tpu.dimension_semantics<core_parallel>, #tpu.dimension_semantics<subcore_parallel>], iteration_bounds = array<i64: 2, 16>, scalar_prefetch = 0 : i64, scratch_operands = 6 : i64, tpu.core_type = #tpu.core_type<sc_vector_subcore>, window_params = [{transform_indices = #map}, {transform_indices = #map}, {transform_indices = #map1}, {transform_indices = #map1}, {transform_indices = #map}, {transform_indices = #map}]} {
    %mul3A = arith.constant 2 : i32
    %mul3A_0 = arith.muli %arg1, %mul3A : i32
    %add3A = arith.addi %mul3A_0, %arg0 : i32
    %scan3A = arith.constant 0 : i32
    %scan3A_1 = arith.constant 0 : i32
    %scan3A_2 = arith.constant 40 : i32
    %scan3A_3 = arith.addi %scan3A_1, %scan3A_2 : i32
    %scan3A_4 = arith.constant 1 : i32
    scf.for %scan3A_6 = %scan3A_1 to %scan3A_3 step %scan3A_4  : i32 {
      %mul3A_7 = arith.constant 32 : i32
      %mul3A_8 = arith.muli %scan3A_6, %mul3A_7 : i32
      %add3A_9 = arith.addi %add3A, %mul3A_8 : i32
      %lt3A = arith.constant 1250 : i32
      %lt3A_10 = arith.cmpi slt, %add3A_9, %lt3A : i32
      %convert_element_type3A = arith.extui %lt3A_10 : i1 to i32
      %cond3A = arith.constant 0 : i32
      %cond3A_11 = arith.cmpi ne, %convert_element_type3A, %cond3A : i32
      scf.if %cond3A_11 {
        %mul3A_12 = arith.constant 128 : i32
        %mul3A_13 = arith.muli %add3A_9, %mul3A_12 : i32
        "tpu.region"() ({
          %run_scoped3A = tpu.sem_alloc : memref<!tpu.dma_semaphore, #tpu.memory_space<semaphore_mem>>
          %dma_start3A_24 = tpu.memref_slice %arg4[%mul3A_13] : memref<160000xi32, #tpu.memory_space<hbm>> -> memref<128xi32, #tpu.memory_space<hbm>>
          %dma_start3A_25 = tpu.memref_slice %arg4[%mul3A_13] : memref<160000xi32, #tpu.memory_space<hbm>> -> memref<128xi32, #tpu.memory_space<hbm>>
          tpu.enqueue_dma source(%dma_start3A_25 : memref<128xi32, #tpu.memory_space<hbm>>) target(%arg8 : memref<128xi32, #tpu.memory_space<vmem>>) target_semaphore(%run_scoped3A : memref<!tpu.dma_semaphore, #tpu.memory_space<semaphore_mem>>)
          %dma_wait3A_26 = tpu.memref_slice %arg4[%mul3A_13] : memref<160000xi32, #tpu.memory_space<hbm>> -> memref<128xi32, #tpu.memory_space<hbm>>
          %dma_wait3A_27 = tpu.memref_slice %arg4[%mul3A_13] : memref<160000xi32, #tpu.memory_space<hbm>> -> memref<128xi32, #tpu.memory_space<hbm>>
          tpu.wait_dma2 semaphore(%run_scoped3A : memref<!tpu.dma_semaphore, #tpu.memory_space<semaphore_mem>>) src(%dma_wait3A_27 : memref<128xi32, #tpu.memory_space<hbm>>) dst(%arg8 : memref<128xi32, #tpu.memory_space<vmem>>)
          tpu.yield
        }) : () -> ()
        "tpu.region"() ({
          %run_scoped3A = tpu.sem_alloc : memref<!tpu.dma_semaphore, #tpu.memory_space<semaphore_mem>>
          %dma_start3A_24 = tpu.memref_slice %arg5[%mul3A_13] : memref<160000xi32, #tpu.memory_space<hbm>> -> memref<128xi32, #tpu.memory_space<hbm>>
          %dma_start3A_25 = tpu.memref_slice %arg5[%mul3A_13] : memref<160000xi32, #tpu.memory_space<hbm>> -> memref<128xi32, #tpu.memory_space<hbm>>
          tpu.enqueue_dma source(%dma_start3A_25 : memref<128xi32, #tpu.memory_space<hbm>>) target(%arg9 : memref<128xi32, #tpu.memory_space<vmem>>) target_semaphore(%run_scoped3A : memref<!tpu.dma_semaphore, #tpu.memory_space<semaphore_mem>>)
          %dma_wait3A_26 = tpu.memref_slice %arg5[%mul3A_13] : memref<160000xi32, #tpu.memory_space<hbm>> -> memref<128xi32, #tpu.memory_space<hbm>>
          %dma_wait3A_27 = tpu.memref_slice %arg5[%mul3A_13] : memref<160000xi32, #tpu.memory_space<hbm>> -> memref<128xi32, #tpu.memory_space<hbm>>
          tpu.wait_dma2 semaphore(%run_scoped3A : memref<!tpu.dma_semaphore, #tpu.memory_space<semaphore_mem>>) src(%dma_wait3A_27 : memref<128xi32, #tpu.memory_space<hbm>>) dst(%arg9 : memref<128xi32, #tpu.memory_space<vmem>>)
          tpu.yield
        }) : () -> ()
        %dma_start3A = arith.constant 0 : i32
        %dma_start3A_14 = arith.constant 0 : i32
        %dma_start3A_15 = tpu.memref_slice %arg2[%dma_start3A, %dma_start3A_14] : memref<10000x256xf32, #tpu.memory_space<hbm>> -> memref<10000x256xf32, #tpu.memory_space<hbm>>
        tpu.enqueue_indirect_dma source(%dma_start3A_15 : memref<10000x256xf32, #tpu.memory_space<hbm>>) target(%arg10 : memref<128x256xf32, #tpu.memory_space<vmem>>) offsets(%arg8 : memref<128xi32, #tpu.memory_space<vmem>>) semaphore(%arg12 : memref<!tpu.dma_semaphore, #tpu.memory_space<semaphore_mem>>)
        %dma_start3A_16 = arith.constant 0 : i32
        %dma_start3A_17 = arith.constant 0 : i32
        %dma_start3A_18 = tpu.memref_slice %arg3[%dma_start3A_16, %dma_start3A_17] : memref<10000x128xf32, #tpu.memory_space<hbm>> -> memref<10000x128xf32, #tpu.memory_space<hbm>>
        tpu.enqueue_indirect_dma source(%dma_start3A_18 : memref<10000x128xf32, #tpu.memory_space<hbm>>) target(%arg11 : memref<128x128xf32, #tpu.memory_space<vmem>>) offsets(%arg9 : memref<128xi32, #tpu.memory_space<vmem>>) semaphore(%arg13 : memref<!tpu.dma_semaphore, #tpu.memory_space<semaphore_mem>>)
        %dma_wait3A = arith.constant 0 : i32
        %dma_wait3A_19 = arith.constant 0 : i32
        %dma_wait3A_20 = tpu.memref_slice %arg2[%dma_wait3A, %dma_wait3A_19] : memref<10000x256xf32, #tpu.memory_space<hbm>> -> memref<10000x256xf32, #tpu.memory_space<hbm>>
        tpu.wait_indirect_dma semaphore(%arg12 : memref<!tpu.dma_semaphore, #tpu.memory_space<semaphore_mem>>) src(%dma_wait3A_20 : memref<10000x256xf32, #tpu.memory_space<hbm>>) dst(%arg10 : memref<128x256xf32, #tpu.memory_space<vmem>>)
        %dma_wait3A_21 = arith.constant 0 : i32
        %dma_wait3A_22 = arith.constant 0 : i32
        %dma_wait3A_23 = tpu.memref_slice %arg3[%dma_wait3A_21, %dma_wait3A_22] : memref<10000x128xf32, #tpu.memory_space<hbm>> -> memref<10000x128xf32, #tpu.memory_space<hbm>>
        tpu.wait_indirect_dma semaphore(%arg13 : memref<!tpu.dma_semaphore, #tpu.memory_space<semaphore_mem>>) src(%dma_wait3A_23 : memref<10000x128xf32, #tpu.memory_space<hbm>>) dst(%arg11 : memref<128x128xf32, #tpu.memory_space<vmem>>)
        "tpu.region"() ({
          %run_scoped3A = tpu.sem_alloc : memref<!tpu.dma_semaphore, #tpu.memory_space<semaphore_mem>>
          %dma_start3A_24 = arith.constant 0 : i32
          %dma_start3A_25 = tpu.memref_slice %arg6[%mul3A_13, %dma_start3A_24] : memref<160000x256xf32, #tpu.memory_space<hbm>> -> memref<128x256xf32, #tpu.memory_space<hbm>>
          %dma_start3A_26 = arith.constant 0 : i32
          %dma_start3A_27 = tpu.memref_slice %arg6[%mul3A_13, %dma_start3A_26] : memref<160000x256xf32, #tpu.memory_space<hbm>> -> memref<128x256xf32, #tpu.memory_space<hbm>>
          tpu.enqueue_dma source(%arg10 : memref<128x256xf32, #tpu.memory_space<vmem>>) target(%dma_start3A_27 : memref<128x256xf32, #tpu.memory_space<hbm>>) target_semaphore(%run_scoped3A : memref<!tpu.dma_semaphore, #tpu.memory_space<semaphore_mem>>)
          %dma_wait3A_28 = arith.constant 0 : i32
          %dma_wait3A_29 = tpu.memref_slice %arg6[%mul3A_13, %dma_wait3A_28] : memref<160000x256xf32, #tpu.memory_space<hbm>> -> memref<128x256xf32, #tpu.memory_space<hbm>>
          %dma_wait3A_30 = arith.constant 0 : i32
          %dma_wait3A_31 = tpu.memref_slice %arg6[%mul3A_13, %dma_wait3A_30] : memref<160000x256xf32, #tpu.memory_space<hbm>> -> memref<128x256xf32, #tpu.memory_space<hbm>>
          tpu.wait_dma2 semaphore(%run_scoped3A : memref<!tpu.dma_semaphore, #tpu.memory_space<semaphore_mem>>) src(%arg10 : memref<128x256xf32, #tpu.memory_space<vmem>>) dst(%dma_wait3A_31 : memref<128x256xf32, #tpu.memory_space<hbm>>)
          tpu.yield
        }) : () -> ()
        "tpu.region"() ({
          %run_scoped3A = tpu.sem_alloc : memref<!tpu.dma_semaphore, #tpu.memory_space<semaphore_mem>>
          %dma_start3A_24 = arith.constant 0 : i32
          %dma_start3A_25 = tpu.memref_slice %arg7[%mul3A_13, %dma_start3A_24] : memref<160000x128xf32, #tpu.memory_space<hbm>> -> memref<128x128xf32, #tpu.memory_space<hbm>>
          %dma_start3A_26 = arith.constant 0 : i32
          %dma_start3A_27 = tpu.memref_slice %arg7[%mul3A_13, %dma_start3A_26] : memref<160000x128xf32, #tpu.memory_space<hbm>> -> memref<128x128xf32, #tpu.memory_space<hbm>>
          tpu.enqueue_dma source(%arg11 : memref<128x128xf32, #tpu.memory_space<vmem>>) target(%dma_start3A_27 : memref<128x128xf32, #tpu.memory_space<hbm>>) target_semaphore(%run_scoped3A : memref<!tpu.dma_semaphore, #tpu.memory_space<semaphore_mem>>)
          %dma_wait3A_28 = arith.constant 0 : i32
          %dma_wait3A_29 = tpu.memref_slice %arg7[%mul3A_13, %dma_wait3A_28] : memref<160000x128xf32, #tpu.memory_space<hbm>> -> memref<128x128xf32, #tpu.memory_space<hbm>>
          %dma_wait3A_30 = arith.constant 0 : i32
          %dma_wait3A_31 = tpu.memref_slice %arg7[%mul3A_13, %dma_wait3A_30] : memref<160000x128xf32, #tpu.memory_space<hbm>> -> memref<128x128xf32, #tpu.memory_space<hbm>>
          tpu.wait_dma2 semaphore(%run_scoped3A : memref<!tpu.dma_semaphore, #tpu.memory_space<semaphore_mem>>) src(%arg11 : memref<128x128xf32, #tpu.memory_space<vmem>>) dst(%dma_wait3A_31 : memref<128x128xf32, #tpu.memory_space<hbm>>)
          tpu.yield
        }) : () -> ()
      } else {
      }
    }
    %scan3A_5 = arith.constant 40 : i32
    return
  }
}

#map = affine_map<(d0, d1) -> (0, 0)>
#map1 = affine_map<(d0, d1) -> (0)>
#map2 = affine_map<(d0, d1) -> (0, 0, 0)>
module attributes {stable_mosaic.version = 14 : i64} {
  func.func @k(%arg0: i32, %arg1: i32, %arg2: memref<160000x256xf32, #tpu.memory_space<hbm>>, %arg3: memref<160000xi32, #tpu.memory_space<hbm>>, %arg4: memref<10112x128xf32, #tpu.memory_space<hbm>>, %arg5: memref<2x10112x128xf32, #tpu.memory_space<hbm>>, %arg6: memref<128xi32, #tpu.memory_space<vmem>>, %arg7: memref<128x128xf32, #tpu.memory_space<vmem>>, %arg8: memref<10112x128xf32, #tpu.memory_space<vmem_shared>>, %arg9: memref<!tpu.dma_semaphore, #tpu.memory_space<semaphore_mem>>) attributes {dimension_semantics = [#tpu.dimension_semantics<core_parallel>, #tpu.dimension_semantics<subcore_parallel>], iteration_bounds = array<i64: 2, 16>, scalar_prefetch = 0 : i64, scratch_operands = 4 : i64, tpu.core_type = #tpu.core_type<sc_vector_subcore>, window_params = [{transform_indices = #map}, {transform_indices = #map1}, {transform_indices = #map}, {transform_indices = #map2}]} {
    %mul3A = arith.constant 632 : i32
    %mul3A_0 = arith.muli %arg1, %mul3A : i32
    %mul3A_1 = arith.constant 632 : i32
    %mul3A_2 = arith.muli %arg1, %mul3A_1 : i32
    "tpu.region"() ({
      %run_scoped3A = tpu.sem_alloc : memref<!tpu.dma_semaphore, #tpu.memory_space<semaphore_mem>>
      %dma_start3A = arith.constant 0 : i32
      %dma_start3A_15 = tpu.memref_slice %arg8[%mul3A_2, %dma_start3A] : memref<10112x128xf32, #tpu.memory_space<vmem_shared>> -> memref<632x128xf32, #tpu.memory_space<vmem_shared>>
      %dma_start3A_16 = arith.constant 0 : i32
      %dma_start3A_17 = tpu.memref_slice %arg4[%mul3A_0, %dma_start3A_16] : memref<10112x128xf32, #tpu.memory_space<hbm>> -> memref<632x128xf32, #tpu.memory_space<hbm>>
      tpu.enqueue_dma source(%dma_start3A_17 : memref<632x128xf32, #tpu.memory_space<hbm>>) target(%dma_start3A_15 : memref<632x128xf32, #tpu.memory_space<vmem_shared>>) target_semaphore(%run_scoped3A : memref<!tpu.dma_semaphore, #tpu.memory_space<semaphore_mem>>)
      %dma_wait3A = arith.constant 0 : i32
      %dma_wait3A_18 = tpu.memref_slice %arg8[%mul3A_2, %dma_wait3A] : memref<10112x128xf32, #tpu.memory_space<vmem_shared>> -> memref<632x128xf32, #tpu.memory_space<vmem_shared>>
      %dma_wait3A_19 = arith.constant 0 : i32
      %dma_wait3A_20 = tpu.memref_slice %arg4[%mul3A_0, %dma_wait3A_19] : memref<10112x128xf32, #tpu.memory_space<hbm>> -> memref<632x128xf32, #tpu.memory_space<hbm>>
      tpu.wait_dma2 semaphore(%run_scoped3A : memref<!tpu.dma_semaphore, #tpu.memory_space<semaphore_mem>>) src(%dma_wait3A_20 : memref<632x128xf32, #tpu.memory_space<hbm>>) dst(%dma_wait3A_18 : memref<632x128xf32, #tpu.memory_space<vmem_shared>>)
      tpu.yield
    }) : () -> ()
    %barrier3A = arith.constant 0 : index
    tpu.barrier barrier_id(%barrier3A)
    %mul3A_3 = arith.constant 128 : i32
    %mul3A_4 = arith.muli %arg0, %mul3A_3 : i32
    %scan3A = arith.constant 0 : i32
    %scan3A_5 = arith.constant 0 : i32
    %scan3A_6 = arith.constant 79 : i32
    %scan3A_7 = arith.addi %scan3A_5, %scan3A_6 : i32
    %scan3A_8 = arith.constant 1 : i32
    scf.for %scan3A_15 = %scan3A_5 to %scan3A_7 step %scan3A_8  : i32 {
      %mul3A_16 = arith.constant 16 : i32
      %mul3A_17 = arith.muli %scan3A_15, %mul3A_16 : i32
      %add3A = arith.addi %arg1, %mul3A_17 : i32
      %lt3A = arith.constant 1250 : i32
      %lt3A_18 = arith.cmpi slt, %add3A, %lt3A : i32
      %convert_element_type3A = arith.extui %lt3A_18 : i1 to i32
      %cond3A = arith.constant 0 : i32
      %cond3A_19 = arith.cmpi ne, %convert_element_type3A, %cond3A : i32
      scf.if %cond3A_19 {
        %mul3A_20 = arith.constant 128 : i32
        %mul3A_21 = arith.muli %add3A, %mul3A_20 : i32
        "tpu.region"() ({
          %run_scoped3A = tpu.sem_alloc : memref<!tpu.dma_semaphore, #tpu.memory_space<semaphore_mem>>
          %dma_start3A_24 = tpu.memref_slice %arg3[%mul3A_21] : memref<160000xi32, #tpu.memory_space<hbm>> -> memref<128xi32, #tpu.memory_space<hbm>>
          %dma_start3A_25 = tpu.memref_slice %arg3[%mul3A_21] : memref<160000xi32, #tpu.memory_space<hbm>> -> memref<128xi32, #tpu.memory_space<hbm>>
          tpu.enqueue_dma source(%dma_start3A_25 : memref<128xi32, #tpu.memory_space<hbm>>) target(%arg6 : memref<128xi32, #tpu.memory_space<vmem>>) target_semaphore(%run_scoped3A : memref<!tpu.dma_semaphore, #tpu.memory_space<semaphore_mem>>)
          %dma_wait3A_26 = tpu.memref_slice %arg3[%mul3A_21] : memref<160000xi32, #tpu.memory_space<hbm>> -> memref<128xi32, #tpu.memory_space<hbm>>
          %dma_wait3A_27 = tpu.memref_slice %arg3[%mul3A_21] : memref<160000xi32, #tpu.memory_space<hbm>> -> memref<128xi32, #tpu.memory_space<hbm>>
          tpu.wait_dma2 semaphore(%run_scoped3A : memref<!tpu.dma_semaphore, #tpu.memory_space<semaphore_mem>>) src(%dma_wait3A_27 : memref<128xi32, #tpu.memory_space<hbm>>) dst(%arg6 : memref<128xi32, #tpu.memory_space<vmem>>)
          tpu.yield
        }) : () -> ()
        %dma_start3A = tpu.memref_slice %arg2[%mul3A_21, %mul3A_4] : memref<160000x256xf32, #tpu.memory_space<hbm>> -> memref<128x128xf32, #tpu.memory_space<hbm>>
        %dma_start3A_22 = tpu.memref_slice %arg2[%mul3A_21, %mul3A_4] : memref<160000x256xf32, #tpu.memory_space<hbm>> -> memref<128x128xf32, #tpu.memory_space<hbm>>
        tpu.enqueue_dma source(%dma_start3A_22 : memref<128x128xf32, #tpu.memory_space<hbm>>) target(%arg7 : memref<128x128xf32, #tpu.memory_space<vmem>>) target_semaphore(%arg9 : memref<!tpu.dma_semaphore, #tpu.memory_space<semaphore_mem>>)
        %dma_wait3A = tpu.memref_slice %arg2[%mul3A_21, %mul3A_4] : memref<160000x256xf32, #tpu.memory_space<hbm>> -> memref<128x128xf32, #tpu.memory_space<hbm>>
        %dma_wait3A_23 = tpu.memref_slice %arg2[%mul3A_21, %mul3A_4] : memref<160000x256xf32, #tpu.memory_space<hbm>> -> memref<128x128xf32, #tpu.memory_space<hbm>>
        tpu.wait_dma2 semaphore(%arg9 : memref<!tpu.dma_semaphore, #tpu.memory_space<semaphore_mem>>) src(%dma_wait3A_23 : memref<128x128xf32, #tpu.memory_space<hbm>>) dst(%arg7 : memref<128x128xf32, #tpu.memory_space<vmem>>)
        "tpu.region"() ({
          %run_scoped3A = tpu.sem_alloc : memref<!tpu.dma_semaphore, #tpu.memory_space<semaphore_mem>>
          %dma_start3A_24 = arith.constant 0 : i32
          %dma_start3A_25 = arith.constant 0 : i32
          %dma_start3A_26 = tpu.memref_slice %arg8[%dma_start3A_24, %dma_start3A_25] : memref<10112x128xf32, #tpu.memory_space<vmem_shared>> -> memref<10112x128xf32, #tpu.memory_space<vmem_shared>>
          tpu.enqueue_indirect_dma source(%arg7 : memref<128x128xf32, #tpu.memory_space<vmem>>) target(%dma_start3A_26 : memref<10112x128xf32, #tpu.memory_space<vmem_shared>>) offsets(%arg6 : memref<128xi32, #tpu.memory_space<vmem>>) semaphore(%run_scoped3A : memref<!tpu.dma_semaphore, #tpu.memory_space<semaphore_mem>>) {add = true}
          %dma_wait3A_27 = arith.constant 0 : i32
          %dma_wait3A_28 = arith.constant 0 : i32
          %dma_wait3A_29 = tpu.memref_slice %arg8[%dma_wait3A_27, %dma_wait3A_28] : memref<10112x128xf32, #tpu.memory_space<vmem_shared>> -> memref<10112x128xf32, #tpu.memory_space<vmem_shared>>
          tpu.wait_indirect_dma semaphore(%run_scoped3A : memref<!tpu.dma_semaphore, #tpu.memory_space<semaphore_mem>>) src(%arg7 : memref<128x128xf32, #tpu.memory_space<vmem>>) dst(%dma_wait3A_29 : memref<10112x128xf32, #tpu.memory_space<vmem_shared>>)
          tpu.yield
        }) : () -> ()
      } else {
      }
    }
    %scan3A_9 = arith.constant 79 : i32
    %barrier3A_10 = arith.constant 0 : index
    tpu.barrier barrier_id(%barrier3A_10)
    %mul3A_11 = arith.constant 632 : i32
    %mul3A_12 = arith.muli %arg1, %mul3A_11 : i32
    %mul3A_13 = arith.constant 632 : i32
    %mul3A_14 = arith.muli %arg1, %mul3A_13 : i32
    "tpu.region"() ({
      %run_scoped3A = tpu.sem_alloc : memref<!tpu.dma_semaphore, #tpu.memory_space<semaphore_mem>>
      %dma_start3A = arith.constant 0 : i32
      %dma_start3A_15 = tpu.memref_slice %arg5[%arg0, %mul3A_14, %dma_start3A] : memref<2x10112x128xf32, #tpu.memory_space<hbm>> -> memref<1x632x128xf32, #tpu.memory_space<hbm>>
      %dma_start3A_16 = tpu.memref_squeeze %dma_start3A_15 : memref<1x632x128xf32, #tpu.memory_space<hbm>> -> memref<632x128xf32, #tpu.memory_space<hbm>>
      %dma_start3A_17 = arith.constant 0 : i32
      %dma_start3A_18 = tpu.memref_slice %arg8[%mul3A_12, %dma_start3A_17] : memref<10112x128xf32, #tpu.memory_space<vmem_shared>> -> memref<632x128xf32, #tpu.memory_space<vmem_shared>>
      tpu.enqueue_dma source(%dma_start3A_18 : memref<632x128xf32, #tpu.memory_space<vmem_shared>>) target(%dma_start3A_16 : memref<632x128xf32, #tpu.memory_space<hbm>>) target_semaphore(%run_scoped3A : memref<!tpu.dma_semaphore, #tpu.memory_space<semaphore_mem>>)
      %dma_wait3A = arith.constant 0 : i32
      %dma_wait3A_19 = tpu.memref_slice %arg5[%arg0, %mul3A_14, %dma_wait3A] : memref<2x10112x128xf32, #tpu.memory_space<hbm>> -> memref<1x632x128xf32, #tpu.memory_space<hbm>>
      %dma_wait3A_20 = tpu.memref_squeeze %dma_wait3A_19 : memref<1x632x128xf32, #tpu.memory_space<hbm>> -> memref<632x128xf32, #tpu.memory_space<hbm>>
      %dma_wait3A_21 = arith.constant 0 : i32
      %dma_wait3A_22 = tpu.memref_slice %arg8[%mul3A_12, %dma_wait3A_21] : memref<10112x128xf32, #tpu.memory_space<vmem_shared>> -> memref<632x128xf32, #tpu.memory_space<vmem_shared>>
      tpu.wait_dma2 semaphore(%run_scoped3A : memref<!tpu.dma_semaphore, #tpu.memory_space<semaphore_mem>>) src(%dma_wait3A_22 : memref<632x128xf32, #tpu.memory_space<vmem_shared>>) dst(%dma_wait3A_20 : memref<632x128xf32, #tpu.memory_space<hbm>>)
      tpu.yield
    }) : () -> ()
    return
  }
}

#map = affine_map<(d0, d1) -> (0, 0)>
#map1 = affine_map<(d0, d1) -> (0)>
module attributes {stable_mosaic.version = 14 : i64} {
  func.func @k(%arg0: i32, %arg1: i32, %arg2: memref<10000x256xf32, #tpu.memory_space<hbm>>, %arg3: memref<10000x128xf32, #tpu.memory_space<hbm>>, %arg4: memref<160000xi32, #tpu.memory_space<hbm>>, %arg5: memref<160000xi32, #tpu.memory_space<hbm>>, %arg6: memref<160000x256xf32, #tpu.memory_space<hbm>>, %arg7: memref<160000x128xf32, #tpu.memory_space<hbm>>, %arg8: memref<128xi32, #tpu.memory_space<vmem>>, %arg9: memref<128xi32, #tpu.memory_space<vmem>>, %arg10: memref<128x256xf32, #tpu.memory_space<vmem>>, %arg11: memref<128x128xf32, #tpu.memory_space<vmem>>, %arg12: memref<!tpu.dma_semaphore, #tpu.memory_space<semaphore_mem>>, %arg13: memref<!tpu.dma_semaphore, #tpu.memory_space<semaphore_mem>>) attributes {dimension_semantics = [#tpu.dimension_semantics<core_parallel>, #tpu.dimension_semantics<subcore_parallel>], iteration_bounds = array<i64: 2, 16>, scalar_prefetch = 0 : i64, scratch_operands = 6 : i64, tpu.core_type = #tpu.core_type<sc_vector_subcore>, window_params = [{transform_indices = #map}, {transform_indices = #map}, {transform_indices = #map1}, {transform_indices = #map1}, {transform_indices = #map}, {transform_indices = #map}]} {
    %mul3A = arith.constant 2 : i32
    %mul3A_0 = arith.muli %arg1, %mul3A : i32
    %add3A = arith.addi %mul3A_0, %arg0 : i32
    %scan3A = arith.constant 0 : i32
    %scan3A_1 = arith.constant 0 : i32
    %scan3A_2 = arith.constant 40 : i32
    %scan3A_3 = arith.addi %scan3A_1, %scan3A_2 : i32
    %scan3A_4 = arith.constant 1 : i32
    scf.for %scan3A_6 = %scan3A_1 to %scan3A_3 step %scan3A_4  : i32 {
      %mul3A_7 = arith.constant 32 : i32
      %mul3A_8 = arith.muli %scan3A_6, %mul3A_7 : i32
      %add3A_9 = arith.addi %add3A, %mul3A_8 : i32
      %lt3A = arith.constant 1250 : i32
      %lt3A_10 = arith.cmpi slt, %add3A_9, %lt3A : i32
      %convert_element_type3A = arith.extui %lt3A_10 : i1 to i32
      %cond3A = arith.constant 0 : i32
      %cond3A_11 = arith.cmpi ne, %convert_element_type3A, %cond3A : i32
      scf.if %cond3A_11 {
        %mul3A_12 = arith.constant 128 : i32
        %mul3A_13 = arith.muli %add3A_9, %mul3A_12 : i32
        "tpu.region"() ({
          %run_scoped3A = tpu.sem_alloc : memref<!tpu.dma_semaphore, #tpu.memory_space<semaphore_mem>>
          %dma_start3A_24 = tpu.memref_slice %arg4[%mul3A_13] : memref<160000xi32, #tpu.memory_space<hbm>> -> memref<128xi32, #tpu.memory_space<hbm>>
          %dma_start3A_25 = tpu.memref_slice %arg4[%mul3A_13] : memref<160000xi32, #tpu.memory_space<hbm>> -> memref<128xi32, #tpu.memory_space<hbm>>
          tpu.enqueue_dma source(%dma_start3A_25 : memref<128xi32, #tpu.memory_space<hbm>>) target(%arg8 : memref<128xi32, #tpu.memory_space<vmem>>) target_semaphore(%run_scoped3A : memref<!tpu.dma_semaphore, #tpu.memory_space<semaphore_mem>>)
          %dma_wait3A_26 = tpu.memref_slice %arg4[%mul3A_13] : memref<160000xi32, #tpu.memory_space<hbm>> -> memref<128xi32, #tpu.memory_space<hbm>>
          %dma_wait3A_27 = tpu.memref_slice %arg4[%mul3A_13] : memref<160000xi32, #tpu.memory_space<hbm>> -> memref<128xi32, #tpu.memory_space<hbm>>
          tpu.wait_dma2 semaphore(%run_scoped3A : memref<!tpu.dma_semaphore, #tpu.memory_space<semaphore_mem>>) src(%dma_wait3A_27 : memref<128xi32, #tpu.memory_space<hbm>>) dst(%arg8 : memref<128xi32, #tpu.memory_space<vmem>>)
          tpu.yield
        }) : () -> ()
        "tpu.region"() ({
          %run_scoped3A = tpu.sem_alloc : memref<!tpu.dma_semaphore, #tpu.memory_space<semaphore_mem>>
          %dma_start3A_24 = tpu.memref_slice %arg5[%mul3A_13] : memref<160000xi32, #tpu.memory_space<hbm>> -> memref<128xi32, #tpu.memory_space<hbm>>
          %dma_start3A_25 = tpu.memref_slice %arg5[%mul3A_13] : memref<160000xi32, #tpu.memory_space<hbm>> -> memref<128xi32, #tpu.memory_space<hbm>>
          tpu.enqueue_dma source(%dma_start3A_25 : memref<128xi32, #tpu.memory_space<hbm>>) target(%arg9 : memref<128xi32, #tpu.memory_space<vmem>>) target_semaphore(%run_scoped3A : memref<!tpu.dma_semaphore, #tpu.memory_space<semaphore_mem>>)
          %dma_wait3A_26 = tpu.memref_slice %arg5[%mul3A_13] : memref<160000xi32, #tpu.memory_space<hbm>> -> memref<128xi32, #tpu.memory_space<hbm>>
          %dma_wait3A_27 = tpu.memref_slice %arg5[%mul3A_13] : memref<160000xi32, #tpu.memory_space<hbm>> -> memref<128xi32, #tpu.memory_space<hbm>>
          tpu.wait_dma2 semaphore(%run_scoped3A : memref<!tpu.dma_semaphore, #tpu.memory_space<semaphore_mem>>) src(%dma_wait3A_27 : memref<128xi32, #tpu.memory_space<hbm>>) dst(%arg9 : memref<128xi32, #tpu.memory_space<vmem>>)
          tpu.yield
        }) : () -> ()
        %dma_start3A = arith.constant 0 : i32
        %dma_start3A_14 = arith.constant 0 : i32
        %dma_start3A_15 = tpu.memref_slice %arg2[%dma_start3A, %dma_start3A_14] : memref<10000x256xf32, #tpu.memory_space<hbm>> -> memref<10000x256xf32, #tpu.memory_space<hbm>>
        tpu.enqueue_indirect_dma source(%dma_start3A_15 : memref<10000x256xf32, #tpu.memory_space<hbm>>) target(%arg10 : memref<128x256xf32, #tpu.memory_space<vmem>>) offsets(%arg8 : memref<128xi32, #tpu.memory_space<vmem>>) semaphore(%arg12 : memref<!tpu.dma_semaphore, #tpu.memory_space<semaphore_mem>>)
        %dma_start3A_16 = arith.constant 0 : i32
        %dma_start3A_17 = arith.constant 0 : i32
        %dma_start3A_18 = tpu.memref_slice %arg3[%dma_start3A_16, %dma_start3A_17] : memref<10000x128xf32, #tpu.memory_space<hbm>> -> memref<10000x128xf32, #tpu.memory_space<hbm>>
        tpu.enqueue_indirect_dma source(%dma_start3A_18 : memref<10000x128xf32, #tpu.memory_space<hbm>>) target(%arg11 : memref<128x128xf32, #tpu.memory_space<vmem>>) offsets(%arg9 : memref<128xi32, #tpu.memory_space<vmem>>) semaphore(%arg13 : memref<!tpu.dma_semaphore, #tpu.memory_space<semaphore_mem>>)
        %dma_wait3A = arith.constant 0 : i32
        %dma_wait3A_19 = arith.constant 0 : i32
        %dma_wait3A_20 = tpu.memref_slice %arg2[%dma_wait3A, %dma_wait3A_19] : memref<10000x256xf32, #tpu.memory_space<hbm>> -> memref<10000x256xf32, #tpu.memory_space<hbm>>
        tpu.wait_indirect_dma semaphore(%arg12 : memref<!tpu.dma_semaphore, #tpu.memory_space<semaphore_mem>>) src(%dma_wait3A_20 : memref<10000x256xf32, #tpu.memory_space<hbm>>) dst(%arg10 : memref<128x256xf32, #tpu.memory_space<vmem>>)
        %dma_wait3A_21 = arith.constant 0 : i32
        %dma_wait3A_22 = arith.constant 0 : i32
        %dma_wait3A_23 = tpu.memref_slice %arg3[%dma_wait3A_21, %dma_wait3A_22] : memref<10000x128xf32, #tpu.memory_space<hbm>> -> memref<10000x128xf32, #tpu.memory_space<hbm>>
        tpu.wait_indirect_dma semaphore(%arg13 : memref<!tpu.dma_semaphore, #tpu.memory_space<semaphore_mem>>) src(%dma_wait3A_23 : memref<10000x128xf32, #tpu.memory_space<hbm>>) dst(%arg11 : memref<128x128xf32, #tpu.memory_space<vmem>>)
        "tpu.region"() ({
          %run_scoped3A = tpu.sem_alloc : memref<!tpu.dma_semaphore, #tpu.memory_space<semaphore_mem>>
          %dma_start3A_24 = arith.constant 0 : i32
          %dma_start3A_25 = tpu.memref_slice %arg6[%mul3A_13, %dma_start3A_24] : memref<160000x256xf32, #tpu.memory_space<hbm>> -> memref<128x256xf32, #tpu.memory_space<hbm>>
          %dma_start3A_26 = arith.constant 0 : i32
          %dma_start3A_27 = tpu.memref_slice %arg6[%mul3A_13, %dma_start3A_26] : memref<160000x256xf32, #tpu.memory_space<hbm>> -> memref<128x256xf32, #tpu.memory_space<hbm>>
          tpu.enqueue_dma source(%arg10 : memref<128x256xf32, #tpu.memory_space<vmem>>) target(%dma_start3A_27 : memref<128x256xf32, #tpu.memory_space<hbm>>) target_semaphore(%run_scoped3A : memref<!tpu.dma_semaphore, #tpu.memory_space<semaphore_mem>>)
          %dma_wait3A_28 = arith.constant 0 : i32
          %dma_wait3A_29 = tpu.memref_slice %arg6[%mul3A_13, %dma_wait3A_28] : memref<160000x256xf32, #tpu.memory_space<hbm>> -> memref<128x256xf32, #tpu.memory_space<hbm>>
          %dma_wait3A_30 = arith.constant 0 : i32
          %dma_wait3A_31 = tpu.memref_slice %arg6[%mul3A_13, %dma_wait3A_30] : memref<160000x256xf32, #tpu.memory_space<hbm>> -> memref<128x256xf32, #tpu.memory_space<hbm>>
          tpu.wait_dma2 semaphore(%run_scoped3A : memref<!tpu.dma_semaphore, #tpu.memory_space<semaphore_mem>>) src(%arg10 : memref<128x256xf32, #tpu.memory_space<vmem>>) dst(%dma_wait3A_31 : memref<128x256xf32, #tpu.memory_space<hbm>>)
          tpu.yield
        }) : () -> ()
        "tpu.region"() ({
          %run_scoped3A = tpu.sem_alloc : memref<!tpu.dma_semaphore, #tpu.memory_space<semaphore_mem>>
          %dma_start3A_24 = arith.constant 0 : i32
          %dma_start3A_25 = tpu.memref_slice %arg7[%mul3A_13, %dma_start3A_24] : memref<160000x128xf32, #tpu.memory_space<hbm>> -> memref<128x128xf32, #tpu.memory_space<hbm>>
          %dma_start3A_26 = arith.constant 0 : i32
          %dma_start3A_27 = tpu.memref_slice %arg7[%mul3A_13, %dma_start3A_26] : memref<160000x128xf32, #tpu.memory_space<hbm>> -> memref<128x128xf32, #tpu.memory_space<hbm>>
          tpu.enqueue_dma source(%arg11 : memref<128x128xf32, #tpu.memory_space<vmem>>) target(%dma_start3A_27 : memref<128x128xf32, #tpu.memory_space<hbm>>) target_semaphore(%run_scoped3A : memref<!tpu.dma_semaphore, #tpu.memory_space<semaphore_mem>>)
          %dma_wait3A_28 = arith.constant 0 : i32
          %dma_wait3A_29 = tpu.memref_slice %arg7[%mul3A_13, %dma_wait3A_28] : memref<160000x128xf32, #tpu.memory_space<hbm>> -> memref<128x128xf32, #tpu.memory_space<hbm>>
          %dma_wait3A_30 = arith.constant 0 : i32
          %dma_wait3A_31 = tpu.memref_slice %arg7[%mul3A_13, %dma_wait3A_30] : memref<160000x128xf32, #tpu.memory_space<hbm>> -> memref<128x128xf32, #tpu.memory_space<hbm>>
          tpu.wait_dma2 semaphore(%run_scoped3A : memref<!tpu.dma_semaphore, #tpu.memory_space<semaphore_mem>>) src(%arg11 : memref<128x128xf32, #tpu.memory_space<vmem>>) dst(%dma_wait3A_31 : memref<128x128xf32, #tpu.memory_space<hbm>>)
          tpu.yield
        }) : () -> ()
      } else {
      }
    }
    %scan3A_5 = arith.constant 40 : i32
    return
  }
}

#map = affine_map<(d0, d1) -> (0, 0)>
#map1 = affine_map<(d0, d1) -> (0)>
module attributes {stable_mosaic.version = 14 : i64} {
  func.func @k(%arg0: i32, %arg1: i32, %arg2: memref<10000x256xf32, #tpu.memory_space<hbm>>, %arg3: memref<10000x128xf32, #tpu.memory_space<hbm>>, %arg4: memref<160000xi32, #tpu.memory_space<hbm>>, %arg5: memref<160000xi32, #tpu.memory_space<hbm>>, %arg6: memref<160000x256xf32, #tpu.memory_space<hbm>>, %arg7: memref<160000x128xf32, #tpu.memory_space<hbm>>, %arg8: memref<128xi32, #tpu.memory_space<vmem>>, %arg9: memref<128xi32, #tpu.memory_space<vmem>>, %arg10: memref<128x256xf32, #tpu.memory_space<vmem>>, %arg11: memref<128x128xf32, #tpu.memory_space<vmem>>, %arg12: memref<!tpu.dma_semaphore, #tpu.memory_space<semaphore_mem>>, %arg13: memref<!tpu.dma_semaphore, #tpu.memory_space<semaphore_mem>>) attributes {dimension_semantics = [#tpu.dimension_semantics<core_parallel>, #tpu.dimension_semantics<subcore_parallel>], iteration_bounds = array<i64: 2, 16>, scalar_prefetch = 0 : i64, scratch_operands = 6 : i64, tpu.core_type = #tpu.core_type<sc_vector_subcore>, window_params = [{transform_indices = #map}, {transform_indices = #map}, {transform_indices = #map1}, {transform_indices = #map1}, {transform_indices = #map}, {transform_indices = #map}]} {
    %mul3A = arith.constant 2 : i32
    %mul3A_0 = arith.muli %arg1, %mul3A : i32
    %add3A = arith.addi %mul3A_0, %arg0 : i32
    %scan3A = arith.constant 0 : i32
    %scan3A_1 = arith.constant 0 : i32
    %scan3A_2 = arith.constant 40 : i32
    %scan3A_3 = arith.addi %scan3A_1, %scan3A_2 : i32
    %scan3A_4 = arith.constant 1 : i32
    scf.for %scan3A_6 = %scan3A_1 to %scan3A_3 step %scan3A_4  : i32 {
      %mul3A_7 = arith.constant 32 : i32
      %mul3A_8 = arith.muli %scan3A_6, %mul3A_7 : i32
      %add3A_9 = arith.addi %add3A, %mul3A_8 : i32
      %lt3A = arith.constant 1250 : i32
      %lt3A_10 = arith.cmpi slt, %add3A_9, %lt3A : i32
      %convert_element_type3A = arith.extui %lt3A_10 : i1 to i32
      %cond3A = arith.constant 0 : i32
      %cond3A_11 = arith.cmpi ne, %convert_element_type3A, %cond3A : i32
      scf.if %cond3A_11 {
        %mul3A_12 = arith.constant 128 : i32
        %mul3A_13 = arith.muli %add3A_9, %mul3A_12 : i32
        "tpu.region"() ({
          %run_scoped3A = tpu.sem_alloc : memref<!tpu.dma_semaphore, #tpu.memory_space<semaphore_mem>>
          %dma_start3A_24 = tpu.memref_slice %arg4[%mul3A_13] : memref<160000xi32, #tpu.memory_space<hbm>> -> memref<128xi32, #tpu.memory_space<hbm>>
          %dma_start3A_25 = tpu.memref_slice %arg4[%mul3A_13] : memref<160000xi32, #tpu.memory_space<hbm>> -> memref<128xi32, #tpu.memory_space<hbm>>
          tpu.enqueue_dma source(%dma_start3A_25 : memref<128xi32, #tpu.memory_space<hbm>>) target(%arg8 : memref<128xi32, #tpu.memory_space<vmem>>) target_semaphore(%run_scoped3A : memref<!tpu.dma_semaphore, #tpu.memory_space<semaphore_mem>>)
          %dma_wait3A_26 = tpu.memref_slice %arg4[%mul3A_13] : memref<160000xi32, #tpu.memory_space<hbm>> -> memref<128xi32, #tpu.memory_space<hbm>>
          %dma_wait3A_27 = tpu.memref_slice %arg4[%mul3A_13] : memref<160000xi32, #tpu.memory_space<hbm>> -> memref<128xi32, #tpu.memory_space<hbm>>
          tpu.wait_dma2 semaphore(%run_scoped3A : memref<!tpu.dma_semaphore, #tpu.memory_space<semaphore_mem>>) src(%dma_wait3A_27 : memref<128xi32, #tpu.memory_space<hbm>>) dst(%arg8 : memref<128xi32, #tpu.memory_space<vmem>>)
          tpu.yield
        }) : () -> ()
        "tpu.region"() ({
          %run_scoped3A = tpu.sem_alloc : memref<!tpu.dma_semaphore, #tpu.memory_space<semaphore_mem>>
          %dma_start3A_24 = tpu.memref_slice %arg5[%mul3A_13] : memref<160000xi32, #tpu.memory_space<hbm>> -> memref<128xi32, #tpu.memory_space<hbm>>
          %dma_start3A_25 = tpu.memref_slice %arg5[%mul3A_13] : memref<160000xi32, #tpu.memory_space<hbm>> -> memref<128xi32, #tpu.memory_space<hbm>>
          tpu.enqueue_dma source(%dma_start3A_25 : memref<128xi32, #tpu.memory_space<hbm>>) target(%arg9 : memref<128xi32, #tpu.memory_space<vmem>>) target_semaphore(%run_scoped3A : memref<!tpu.dma_semaphore, #tpu.memory_space<semaphore_mem>>)
          %dma_wait3A_26 = tpu.memref_slice %arg5[%mul3A_13] : memref<160000xi32, #tpu.memory_space<hbm>> -> memref<128xi32, #tpu.memory_space<hbm>>
          %dma_wait3A_27 = tpu.memref_slice %arg5[%mul3A_13] : memref<160000xi32, #tpu.memory_space<hbm>> -> memref<128xi32, #tpu.memory_space<hbm>>
          tpu.wait_dma2 semaphore(%run_scoped3A : memref<!tpu.dma_semaphore, #tpu.memory_space<semaphore_mem>>) src(%dma_wait3A_27 : memref<128xi32, #tpu.memory_space<hbm>>) dst(%arg9 : memref<128xi32, #tpu.memory_space<vmem>>)
          tpu.yield
        }) : () -> ()
        %dma_start3A = arith.constant 0 : i32
        %dma_start3A_14 = arith.constant 0 : i32
        %dma_start3A_15 = tpu.memref_slice %arg2[%dma_start3A, %dma_start3A_14] : memref<10000x256xf32, #tpu.memory_space<hbm>> -> memref<10000x256xf32, #tpu.memory_space<hbm>>
        tpu.enqueue_indirect_dma source(%dma_start3A_15 : memref<10000x256xf32, #tpu.memory_space<hbm>>) target(%arg10 : memref<128x256xf32, #tpu.memory_space<vmem>>) offsets(%arg8 : memref<128xi32, #tpu.memory_space<vmem>>) semaphore(%arg12 : memref<!tpu.dma_semaphore, #tpu.memory_space<semaphore_mem>>)
        %dma_start3A_16 = arith.constant 0 : i32
        %dma_start3A_17 = arith.constant 0 : i32
        %dma_start3A_18 = tpu.memref_slice %arg3[%dma_start3A_16, %dma_start3A_17] : memref<10000x128xf32, #tpu.memory_space<hbm>> -> memref<10000x128xf32, #tpu.memory_space<hbm>>
        tpu.enqueue_indirect_dma source(%dma_start3A_18 : memref<10000x128xf32, #tpu.memory_space<hbm>>) target(%arg11 : memref<128x128xf32, #tpu.memory_space<vmem>>) offsets(%arg9 : memref<128xi32, #tpu.memory_space<vmem>>) semaphore(%arg13 : memref<!tpu.dma_semaphore, #tpu.memory_space<semaphore_mem>>)
        %dma_wait3A = arith.constant 0 : i32
        %dma_wait3A_19 = arith.constant 0 : i32
        %dma_wait3A_20 = tpu.memref_slice %arg2[%dma_wait3A, %dma_wait3A_19] : memref<10000x256xf32, #tpu.memory_space<hbm>> -> memref<10000x256xf32, #tpu.memory_space<hbm>>
        tpu.wait_indirect_dma semaphore(%arg12 : memref<!tpu.dma_semaphore, #tpu.memory_space<semaphore_mem>>) src(%dma_wait3A_20 : memref<10000x256xf32, #tpu.memory_space<hbm>>) dst(%arg10 : memref<128x256xf32, #tpu.memory_space<vmem>>)
        %dma_wait3A_21 = arith.constant 0 : i32
        %dma_wait3A_22 = arith.constant 0 : i32
        %dma_wait3A_23 = tpu.memref_slice %arg3[%dma_wait3A_21, %dma_wait3A_22] : memref<10000x128xf32, #tpu.memory_space<hbm>> -> memref<10000x128xf32, #tpu.memory_space<hbm>>
        tpu.wait_indirect_dma semaphore(%arg13 : memref<!tpu.dma_semaphore, #tpu.memory_space<semaphore_mem>>) src(%dma_wait3A_23 : memref<10000x128xf32, #tpu.memory_space<hbm>>) dst(%arg11 : memref<128x128xf32, #tpu.memory_space<vmem>>)
        "tpu.region"() ({
          %run_scoped3A = tpu.sem_alloc : memref<!tpu.dma_semaphore, #tpu.memory_space<semaphore_mem>>
          %dma_start3A_24 = arith.constant 0 : i32
          %dma_start3A_25 = tpu.memref_slice %arg6[%mul3A_13, %dma_start3A_24] : memref<160000x256xf32, #tpu.memory_space<hbm>> -> memref<128x256xf32, #tpu.memory_space<hbm>>
          %dma_start3A_26 = arith.constant 0 : i32
          %dma_start3A_27 = tpu.memref_slice %arg6[%mul3A_13, %dma_start3A_26] : memref<160000x256xf32, #tpu.memory_space<hbm>> -> memref<128x256xf32, #tpu.memory_space<hbm>>
          tpu.enqueue_dma source(%arg10 : memref<128x256xf32, #tpu.memory_space<vmem>>) target(%dma_start3A_27 : memref<128x256xf32, #tpu.memory_space<hbm>>) target_semaphore(%run_scoped3A : memref<!tpu.dma_semaphore, #tpu.memory_space<semaphore_mem>>)
          %dma_wait3A_28 = arith.constant 0 : i32
          %dma_wait3A_29 = tpu.memref_slice %arg6[%mul3A_13, %dma_wait3A_28] : memref<160000x256xf32, #tpu.memory_space<hbm>> -> memref<128x256xf32, #tpu.memory_space<hbm>>
          %dma_wait3A_30 = arith.constant 0 : i32
          %dma_wait3A_31 = tpu.memref_slice %arg6[%mul3A_13, %dma_wait3A_30] : memref<160000x256xf32, #tpu.memory_space<hbm>> -> memref<128x256xf32, #tpu.memory_space<hbm>>
          tpu.wait_dma2 semaphore(%run_scoped3A : memref<!tpu.dma_semaphore, #tpu.memory_space<semaphore_mem>>) src(%arg10 : memref<128x256xf32, #tpu.memory_space<vmem>>) dst(%dma_wait3A_31 : memref<128x256xf32, #tpu.memory_space<hbm>>)
          tpu.yield
        }) : () -> ()
        "tpu.region"() ({
          %run_scoped3A = tpu.sem_alloc : memref<!tpu.dma_semaphore, #tpu.memory_space<semaphore_mem>>
          %dma_start3A_24 = arith.constant 0 : i32
          %dma_start3A_25 = tpu.memref_slice %arg7[%mul3A_13, %dma_start3A_24] : memref<160000x128xf32, #tpu.memory_space<hbm>> -> memref<128x128xf32, #tpu.memory_space<hbm>>
          %dma_start3A_26 = arith.constant 0 : i32
          %dma_start3A_27 = tpu.memref_slice %arg7[%mul3A_13, %dma_start3A_26] : memref<160000x128xf32, #tpu.memory_space<hbm>> -> memref<128x128xf32, #tpu.memory_space<hbm>>
          tpu.enqueue_dma source(%arg11 : memref<128x128xf32, #tpu.memory_space<vmem>>) target(%dma_start3A_27 : memref<128x128xf32, #tpu.memory_space<hbm>>) target_semaphore(%run_scoped3A : memref<!tpu.dma_semaphore, #tpu.memory_space<semaphore_mem>>)
          %dma_wait3A_28 = arith.constant 0 : i32
          %dma_wait3A_29 = tpu.memref_slice %arg7[%mul3A_13, %dma_wait3A_28] : memref<160000x128xf32, #tpu.memory_space<hbm>> -> memref<128x128xf32, #tpu.memory_space<hbm>>
          %dma_wait3A_30 = arith.constant 0 : i32
          %dma_wait3A_31 = tpu.memref_slice %arg7[%mul3A_13, %dma_wait3A_30] : memref<160000x128xf32, #tpu.memory_space<hbm>> -> memref<128x128xf32, #tpu.memory_space<hbm>>
          tpu.wait_dma2 semaphore(%run_scoped3A : memref<!tpu.dma_semaphore, #tpu.memory_space<semaphore_mem>>) src(%arg11 : memref<128x128xf32, #tpu.memory_space<vmem>>) dst(%dma_wait3A_31 : memref<128x128xf32, #tpu.memory_space<hbm>>)
          tpu.yield
        }) : () -> ()
      } else {
      }
    }
    %scan3A_5 = arith.constant 40 : i32
    return
  }
}

#map = affine_map<(d0, d1) -> (0, 0)>
#map1 = affine_map<(d0, d1) -> (0)>
module attributes {stable_mosaic.version = 14 : i64} {
  func.func @k(%arg0: i32, %arg1: i32, %arg2: memref<10000x256xf32, #tpu.memory_space<hbm>>, %arg3: memref<10000x128xf32, #tpu.memory_space<hbm>>, %arg4: memref<160000xi32, #tpu.memory_space<hbm>>, %arg5: memref<160000xi32, #tpu.memory_space<hbm>>, %arg6: memref<160000x256xf32, #tpu.memory_space<hbm>>, %arg7: memref<160000x128xf32, #tpu.memory_space<hbm>>, %arg8: memref<128xi32, #tpu.memory_space<vmem>>, %arg9: memref<128xi32, #tpu.memory_space<vmem>>, %arg10: memref<128x256xf32, #tpu.memory_space<vmem>>, %arg11: memref<128x128xf32, #tpu.memory_space<vmem>>, %arg12: memref<!tpu.dma_semaphore, #tpu.memory_space<semaphore_mem>>, %arg13: memref<!tpu.dma_semaphore, #tpu.memory_space<semaphore_mem>>) attributes {dimension_semantics = [#tpu.dimension_semantics<core_parallel>, #tpu.dimension_semantics<subcore_parallel>], iteration_bounds = array<i64: 2, 16>, scalar_prefetch = 0 : i64, scratch_operands = 6 : i64, tpu.core_type = #tpu.core_type<sc_vector_subcore>, window_params = [{transform_indices = #map}, {transform_indices = #map}, {transform_indices = #map1}, {transform_indices = #map1}, {transform_indices = #map}, {transform_indices = #map}]} {
    %mul3A = arith.constant 2 : i32
    %mul3A_0 = arith.muli %arg1, %mul3A : i32
    %add3A = arith.addi %mul3A_0, %arg0 : i32
    %scan3A = arith.constant 0 : i32
    %scan3A_1 = arith.constant 0 : i32
    %scan3A_2 = arith.constant 40 : i32
    %scan3A_3 = arith.addi %scan3A_1, %scan3A_2 : i32
    %scan3A_4 = arith.constant 1 : i32
    scf.for %scan3A_6 = %scan3A_1 to %scan3A_3 step %scan3A_4  : i32 {
      %mul3A_7 = arith.constant 32 : i32
      %mul3A_8 = arith.muli %scan3A_6, %mul3A_7 : i32
      %add3A_9 = arith.addi %add3A, %mul3A_8 : i32
      %lt3A = arith.constant 1250 : i32
      %lt3A_10 = arith.cmpi slt, %add3A_9, %lt3A : i32
      %convert_element_type3A = arith.extui %lt3A_10 : i1 to i32
      %cond3A = arith.constant 0 : i32
      %cond3A_11 = arith.cmpi ne, %convert_element_type3A, %cond3A : i32
      scf.if %cond3A_11 {
        %mul3A_12 = arith.constant 128 : i32
        %mul3A_13 = arith.muli %add3A_9, %mul3A_12 : i32
        "tpu.region"() ({
          %run_scoped3A = tpu.sem_alloc : memref<!tpu.dma_semaphore, #tpu.memory_space<semaphore_mem>>
          %dma_start3A_24 = tpu.memref_slice %arg4[%mul3A_13] : memref<160000xi32, #tpu.memory_space<hbm>> -> memref<128xi32, #tpu.memory_space<hbm>>
          %dma_start3A_25 = tpu.memref_slice %arg4[%mul3A_13] : memref<160000xi32, #tpu.memory_space<hbm>> -> memref<128xi32, #tpu.memory_space<hbm>>
          tpu.enqueue_dma source(%dma_start3A_25 : memref<128xi32, #tpu.memory_space<hbm>>) target(%arg8 : memref<128xi32, #tpu.memory_space<vmem>>) target_semaphore(%run_scoped3A : memref<!tpu.dma_semaphore, #tpu.memory_space<semaphore_mem>>)
          %dma_wait3A_26 = tpu.memref_slice %arg4[%mul3A_13] : memref<160000xi32, #tpu.memory_space<hbm>> -> memref<128xi32, #tpu.memory_space<hbm>>
          %dma_wait3A_27 = tpu.memref_slice %arg4[%mul3A_13] : memref<160000xi32, #tpu.memory_space<hbm>> -> memref<128xi32, #tpu.memory_space<hbm>>
          tpu.wait_dma2 semaphore(%run_scoped3A : memref<!tpu.dma_semaphore, #tpu.memory_space<semaphore_mem>>) src(%dma_wait3A_27 : memref<128xi32, #tpu.memory_space<hbm>>) dst(%arg8 : memref<128xi32, #tpu.memory_space<vmem>>)
          tpu.yield
        }) : () -> ()
        "tpu.region"() ({
          %run_scoped3A = tpu.sem_alloc : memref<!tpu.dma_semaphore, #tpu.memory_space<semaphore_mem>>
          %dma_start3A_24 = tpu.memref_slice %arg5[%mul3A_13] : memref<160000xi32, #tpu.memory_space<hbm>> -> memref<128xi32, #tpu.memory_space<hbm>>
          %dma_start3A_25 = tpu.memref_slice %arg5[%mul3A_13] : memref<160000xi32, #tpu.memory_space<hbm>> -> memref<128xi32, #tpu.memory_space<hbm>>
          tpu.enqueue_dma source(%dma_start3A_25 : memref<128xi32, #tpu.memory_space<hbm>>) target(%arg9 : memref<128xi32, #tpu.memory_space<vmem>>) target_semaphore(%run_scoped3A : memref<!tpu.dma_semaphore, #tpu.memory_space<semaphore_mem>>)
          %dma_wait3A_26 = tpu.memref_slice %arg5[%mul3A_13] : memref<160000xi32, #tpu.memory_space<hbm>> -> memref<128xi32, #tpu.memory_space<hbm>>
          %dma_wait3A_27 = tpu.memref_slice %arg5[%mul3A_13] : memref<160000xi32, #tpu.memory_space<hbm>> -> memref<128xi32, #tpu.memory_space<hbm>>
          tpu.wait_dma2 semaphore(%run_scoped3A : memref<!tpu.dma_semaphore, #tpu.memory_space<semaphore_mem>>) src(%dma_wait3A_27 : memref<128xi32, #tpu.memory_space<hbm>>) dst(%arg9 : memref<128xi32, #tpu.memory_space<vmem>>)
          tpu.yield
        }) : () -> ()
        %dma_start3A = arith.constant 0 : i32
        %dma_start3A_14 = arith.constant 0 : i32
        %dma_start3A_15 = tpu.memref_slice %arg2[%dma_start3A, %dma_start3A_14] : memref<10000x256xf32, #tpu.memory_space<hbm>> -> memref<10000x256xf32, #tpu.memory_space<hbm>>
        tpu.enqueue_indirect_dma source(%dma_start3A_15 : memref<10000x256xf32, #tpu.memory_space<hbm>>) target(%arg10 : memref<128x256xf32, #tpu.memory_space<vmem>>) offsets(%arg8 : memref<128xi32, #tpu.memory_space<vmem>>) semaphore(%arg12 : memref<!tpu.dma_semaphore, #tpu.memory_space<semaphore_mem>>)
        %dma_start3A_16 = arith.constant 0 : i32
        %dma_start3A_17 = arith.constant 0 : i32
        %dma_start3A_18 = tpu.memref_slice %arg3[%dma_start3A_16, %dma_start3A_17] : memref<10000x128xf32, #tpu.memory_space<hbm>> -> memref<10000x128xf32, #tpu.memory_space<hbm>>
        tpu.enqueue_indirect_dma source(%dma_start3A_18 : memref<10000x128xf32, #tpu.memory_space<hbm>>) target(%arg11 : memref<128x128xf32, #tpu.memory_space<vmem>>) offsets(%arg9 : memref<128xi32, #tpu.memory_space<vmem>>) semaphore(%arg13 : memref<!tpu.dma_semaphore, #tpu.memory_space<semaphore_mem>>)
        %dma_wait3A = arith.constant 0 : i32
        %dma_wait3A_19 = arith.constant 0 : i32
        %dma_wait3A_20 = tpu.memref_slice %arg2[%dma_wait3A, %dma_wait3A_19] : memref<10000x256xf32, #tpu.memory_space<hbm>> -> memref<10000x256xf32, #tpu.memory_space<hbm>>
        tpu.wait_indirect_dma semaphore(%arg12 : memref<!tpu.dma_semaphore, #tpu.memory_space<semaphore_mem>>) src(%dma_wait3A_20 : memref<10000x256xf32, #tpu.memory_space<hbm>>) dst(%arg10 : memref<128x256xf32, #tpu.memory_space<vmem>>)
        %dma_wait3A_21 = arith.constant 0 : i32
        %dma_wait3A_22 = arith.constant 0 : i32
        %dma_wait3A_23 = tpu.memref_slice %arg3[%dma_wait3A_21, %dma_wait3A_22] : memref<10000x128xf32, #tpu.memory_space<hbm>> -> memref<10000x128xf32, #tpu.memory_space<hbm>>
        tpu.wait_indirect_dma semaphore(%arg13 : memref<!tpu.dma_semaphore, #tpu.memory_space<semaphore_mem>>) src(%dma_wait3A_23 : memref<10000x128xf32, #tpu.memory_space<hbm>>) dst(%arg11 : memref<128x128xf32, #tpu.memory_space<vmem>>)
        "tpu.region"() ({
          %run_scoped3A = tpu.sem_alloc : memref<!tpu.dma_semaphore, #tpu.memory_space<semaphore_mem>>
          %dma_start3A_24 = arith.constant 0 : i32
          %dma_start3A_25 = tpu.memref_slice %arg6[%mul3A_13, %dma_start3A_24] : memref<160000x256xf32, #tpu.memory_space<hbm>> -> memref<128x256xf32, #tpu.memory_space<hbm>>
          %dma_start3A_26 = arith.constant 0 : i32
          %dma_start3A_27 = tpu.memref_slice %arg6[%mul3A_13, %dma_start3A_26] : memref<160000x256xf32, #tpu.memory_space<hbm>> -> memref<128x256xf32, #tpu.memory_space<hbm>>
          tpu.enqueue_dma source(%arg10 : memref<128x256xf32, #tpu.memory_space<vmem>>) target(%dma_start3A_27 : memref<128x256xf32, #tpu.memory_space<hbm>>) target_semaphore(%run_scoped3A : memref<!tpu.dma_semaphore, #tpu.memory_space<semaphore_mem>>)
          %dma_wait3A_28 = arith.constant 0 : i32
          %dma_wait3A_29 = tpu.memref_slice %arg6[%mul3A_13, %dma_wait3A_28] : memref<160000x256xf32, #tpu.memory_space<hbm>> -> memref<128x256xf32, #tpu.memory_space<hbm>>
          %dma_wait3A_30 = arith.constant 0 : i32
          %dma_wait3A_31 = tpu.memref_slice %arg6[%mul3A_13, %dma_wait3A_30] : memref<160000x256xf32, #tpu.memory_space<hbm>> -> memref<128x256xf32, #tpu.memory_space<hbm>>
          tpu.wait_dma2 semaphore(%run_scoped3A : memref<!tpu.dma_semaphore, #tpu.memory_space<semaphore_mem>>) src(%arg10 : memref<128x256xf32, #tpu.memory_space<vmem>>) dst(%dma_wait3A_31 : memref<128x256xf32, #tpu.memory_space<hbm>>)
          tpu.yield
        }) : () -> ()
        "tpu.region"() ({
          %run_scoped3A = tpu.sem_alloc : memref<!tpu.dma_semaphore, #tpu.memory_space<semaphore_mem>>
          %dma_start3A_24 = arith.constant 0 : i32
          %dma_start3A_25 = tpu.memref_slice %arg7[%mul3A_13, %dma_start3A_24] : memref<160000x128xf32, #tpu.memory_space<hbm>> -> memref<128x128xf32, #tpu.memory_space<hbm>>
          %dma_start3A_26 = arith.constant 0 : i32
          %dma_start3A_27 = tpu.memref_slice %arg7[%mul3A_13, %dma_start3A_26] : memref<160000x128xf32, #tpu.memory_space<hbm>> -> memref<128x128xf32, #tpu.memory_space<hbm>>
          tpu.enqueue_dma source(%arg11 : memref<128x128xf32, #tpu.memory_space<vmem>>) target(%dma_start3A_27 : memref<128x128xf32, #tpu.memory_space<hbm>>) target_semaphore(%run_scoped3A : memref<!tpu.dma_semaphore, #tpu.memory_space<semaphore_mem>>)
          %dma_wait3A_28 = arith.constant 0 : i32
          %dma_wait3A_29 = tpu.memref_slice %arg7[%mul3A_13, %dma_wait3A_28] : memref<160000x128xf32, #tpu.memory_space<hbm>> -> memref<128x128xf32, #tpu.memory_space<hbm>>
          %dma_wait3A_30 = arith.constant 0 : i32
          %dma_wait3A_31 = tpu.memref_slice %arg7[%mul3A_13, %dma_wait3A_30] : memref<160000x128xf32, #tpu.memory_space<hbm>> -> memref<128x128xf32, #tpu.memory_space<hbm>>
          tpu.wait_dma2 semaphore(%run_scoped3A : memref<!tpu.dma_semaphore, #tpu.memory_space<semaphore_mem>>) src(%arg11 : memref<128x128xf32, #tpu.memory_space<vmem>>) dst(%dma_wait3A_31 : memref<128x128xf32, #tpu.memory_space<hbm>>)
          tpu.yield
        }) : () -> ()
      } else {
      }
    }
    %scan3A_5 = arith.constant 40 : i32
    return
  }
}

#map = affine_map<(d0, d1) -> (0, 0)>
#map1 = affine_map<(d0, d1) -> (0)>
#map2 = affine_map<(d0, d1) -> (0, 0, 0)>
module attributes {stable_mosaic.version = 14 : i64} {
  func.func @k(%arg0: i32, %arg1: i32, %arg2: memref<160000x256xf32, #tpu.memory_space<hbm>>, %arg3: memref<160000xi32, #tpu.memory_space<hbm>>, %arg4: memref<10112x128xf32, #tpu.memory_space<hbm>>, %arg5: memref<2x10112x128xf32, #tpu.memory_space<hbm>>, %arg6: memref<128xi32, #tpu.memory_space<vmem>>, %arg7: memref<128x128xf32, #tpu.memory_space<vmem>>, %arg8: memref<10112x128xf32, #tpu.memory_space<vmem_shared>>, %arg9: memref<!tpu.dma_semaphore, #tpu.memory_space<semaphore_mem>>) attributes {dimension_semantics = [#tpu.dimension_semantics<core_parallel>, #tpu.dimension_semantics<subcore_parallel>], iteration_bounds = array<i64: 2, 16>, scalar_prefetch = 0 : i64, scratch_operands = 4 : i64, tpu.core_type = #tpu.core_type<sc_vector_subcore>, window_params = [{transform_indices = #map}, {transform_indices = #map1}, {transform_indices = #map}, {transform_indices = #map2}]} {
    %mul3A = arith.constant 632 : i32
    %mul3A_0 = arith.muli %arg1, %mul3A : i32
    %mul3A_1 = arith.constant 632 : i32
    %mul3A_2 = arith.muli %arg1, %mul3A_1 : i32
    "tpu.region"() ({
      %run_scoped3A = tpu.sem_alloc : memref<!tpu.dma_semaphore, #tpu.memory_space<semaphore_mem>>
      %dma_start3A = arith.constant 0 : i32
      %dma_start3A_15 = tpu.memref_slice %arg8[%mul3A_2, %dma_start3A] : memref<10112x128xf32, #tpu.memory_space<vmem_shared>> -> memref<632x128xf32, #tpu.memory_space<vmem_shared>>
      %dma_start3A_16 = arith.constant 0 : i32
      %dma_start3A_17 = tpu.memref_slice %arg4[%mul3A_0, %dma_start3A_16] : memref<10112x128xf32, #tpu.memory_space<hbm>> -> memref<632x128xf32, #tpu.memory_space<hbm>>
      tpu.enqueue_dma source(%dma_start3A_17 : memref<632x128xf32, #tpu.memory_space<hbm>>) target(%dma_start3A_15 : memref<632x128xf32, #tpu.memory_space<vmem_shared>>) target_semaphore(%run_scoped3A : memref<!tpu.dma_semaphore, #tpu.memory_space<semaphore_mem>>)
      %dma_wait3A = arith.constant 0 : i32
      %dma_wait3A_18 = tpu.memref_slice %arg8[%mul3A_2, %dma_wait3A] : memref<10112x128xf32, #tpu.memory_space<vmem_shared>> -> memref<632x128xf32, #tpu.memory_space<vmem_shared>>
      %dma_wait3A_19 = arith.constant 0 : i32
      %dma_wait3A_20 = tpu.memref_slice %arg4[%mul3A_0, %dma_wait3A_19] : memref<10112x128xf32, #tpu.memory_space<hbm>> -> memref<632x128xf32, #tpu.memory_space<hbm>>
      tpu.wait_dma2 semaphore(%run_scoped3A : memref<!tpu.dma_semaphore, #tpu.memory_space<semaphore_mem>>) src(%dma_wait3A_20 : memref<632x128xf32, #tpu.memory_space<hbm>>) dst(%dma_wait3A_18 : memref<632x128xf32, #tpu.memory_space<vmem_shared>>)
      tpu.yield
    }) : () -> ()
    %barrier3A = arith.constant 0 : index
    tpu.barrier barrier_id(%barrier3A)
    %mul3A_3 = arith.constant 128 : i32
    %mul3A_4 = arith.muli %arg0, %mul3A_3 : i32
    %scan3A = arith.constant 0 : i32
    %scan3A_5 = arith.constant 0 : i32
    %scan3A_6 = arith.constant 79 : i32
    %scan3A_7 = arith.addi %scan3A_5, %scan3A_6 : i32
    %scan3A_8 = arith.constant 1 : i32
    scf.for %scan3A_15 = %scan3A_5 to %scan3A_7 step %scan3A_8  : i32 {
      %mul3A_16 = arith.constant 16 : i32
      %mul3A_17 = arith.muli %scan3A_15, %mul3A_16 : i32
      %add3A = arith.addi %arg1, %mul3A_17 : i32
      %lt3A = arith.constant 1250 : i32
      %lt3A_18 = arith.cmpi slt, %add3A, %lt3A : i32
      %convert_element_type3A = arith.extui %lt3A_18 : i1 to i32
      %cond3A = arith.constant 0 : i32
      %cond3A_19 = arith.cmpi ne, %convert_element_type3A, %cond3A : i32
      scf.if %cond3A_19 {
        %mul3A_20 = arith.constant 128 : i32
        %mul3A_21 = arith.muli %add3A, %mul3A_20 : i32
        "tpu.region"() ({
          %run_scoped3A = tpu.sem_alloc : memref<!tpu.dma_semaphore, #tpu.memory_space<semaphore_mem>>
          %dma_start3A_24 = tpu.memref_slice %arg3[%mul3A_21] : memref<160000xi32, #tpu.memory_space<hbm>> -> memref<128xi32, #tpu.memory_space<hbm>>
          %dma_start3A_25 = tpu.memref_slice %arg3[%mul3A_21] : memref<160000xi32, #tpu.memory_space<hbm>> -> memref<128xi32, #tpu.memory_space<hbm>>
          tpu.enqueue_dma source(%dma_start3A_25 : memref<128xi32, #tpu.memory_space<hbm>>) target(%arg6 : memref<128xi32, #tpu.memory_space<vmem>>) target_semaphore(%run_scoped3A : memref<!tpu.dma_semaphore, #tpu.memory_space<semaphore_mem>>)
          %dma_wait3A_26 = tpu.memref_slice %arg3[%mul3A_21] : memref<160000xi32, #tpu.memory_space<hbm>> -> memref<128xi32, #tpu.memory_space<hbm>>
          %dma_wait3A_27 = tpu.memref_slice %arg3[%mul3A_21] : memref<160000xi32, #tpu.memory_space<hbm>> -> memref<128xi32, #tpu.memory_space<hbm>>
          tpu.wait_dma2 semaphore(%run_scoped3A : memref<!tpu.dma_semaphore, #tpu.memory_space<semaphore_mem>>) src(%dma_wait3A_27 : memref<128xi32, #tpu.memory_space<hbm>>) dst(%arg6 : memref<128xi32, #tpu.memory_space<vmem>>)
          tpu.yield
        }) : () -> ()
        %dma_start3A = tpu.memref_slice %arg2[%mul3A_21, %mul3A_4] : memref<160000x256xf32, #tpu.memory_space<hbm>> -> memref<128x128xf32, #tpu.memory_space<hbm>>
        %dma_start3A_22 = tpu.memref_slice %arg2[%mul3A_21, %mul3A_4] : memref<160000x256xf32, #tpu.memory_space<hbm>> -> memref<128x128xf32, #tpu.memory_space<hbm>>
        tpu.enqueue_dma source(%dma_start3A_22 : memref<128x128xf32, #tpu.memory_space<hbm>>) target(%arg7 : memref<128x128xf32, #tpu.memory_space<vmem>>) target_semaphore(%arg9 : memref<!tpu.dma_semaphore, #tpu.memory_space<semaphore_mem>>)
        %dma_wait3A = tpu.memref_slice %arg2[%mul3A_21, %mul3A_4] : memref<160000x256xf32, #tpu.memory_space<hbm>> -> memref<128x128xf32, #tpu.memory_space<hbm>>
        %dma_wait3A_23 = tpu.memref_slice %arg2[%mul3A_21, %mul3A_4] : memref<160000x256xf32, #tpu.memory_space<hbm>> -> memref<128x128xf32, #tpu.memory_space<hbm>>
        tpu.wait_dma2 semaphore(%arg9 : memref<!tpu.dma_semaphore, #tpu.memory_space<semaphore_mem>>) src(%dma_wait3A_23 : memref<128x128xf32, #tpu.memory_space<hbm>>) dst(%arg7 : memref<128x128xf32, #tpu.memory_space<vmem>>)
        "tpu.region"() ({
          %run_scoped3A = tpu.sem_alloc : memref<!tpu.dma_semaphore, #tpu.memory_space<semaphore_mem>>
          %dma_start3A_24 = arith.constant 0 : i32
          %dma_start3A_25 = arith.constant 0 : i32
          %dma_start3A_26 = tpu.memref_slice %arg8[%dma_start3A_24, %dma_start3A_25] : memref<10112x128xf32, #tpu.memory_space<vmem_shared>> -> memref<10112x128xf32, #tpu.memory_space<vmem_shared>>
          tpu.enqueue_indirect_dma source(%arg7 : memref<128x128xf32, #tpu.memory_space<vmem>>) target(%dma_start3A_26 : memref<10112x128xf32, #tpu.memory_space<vmem_shared>>) offsets(%arg6 : memref<128xi32, #tpu.memory_space<vmem>>) semaphore(%run_scoped3A : memref<!tpu.dma_semaphore, #tpu.memory_space<semaphore_mem>>) {add = true}
          %dma_wait3A_27 = arith.constant 0 : i32
          %dma_wait3A_28 = arith.constant 0 : i32
          %dma_wait3A_29 = tpu.memref_slice %arg8[%dma_wait3A_27, %dma_wait3A_28] : memref<10112x128xf32, #tpu.memory_space<vmem_shared>> -> memref<10112x128xf32, #tpu.memory_space<vmem_shared>>
          tpu.wait_indirect_dma semaphore(%run_scoped3A : memref<!tpu.dma_semaphore, #tpu.memory_space<semaphore_mem>>) src(%arg7 : memref<128x128xf32, #tpu.memory_space<vmem>>) dst(%dma_wait3A_29 : memref<10112x128xf32, #tpu.memory_space<vmem_shared>>)
          tpu.yield
        }) : () -> ()
      } else {
      }
    }
    %scan3A_9 = arith.constant 79 : i32
    %barrier3A_10 = arith.constant 0 : index
    tpu.barrier barrier_id(%barrier3A_10)
    %mul3A_11 = arith.constant 632 : i32
    %mul3A_12 = arith.muli %arg1, %mul3A_11 : i32
    %mul3A_13 = arith.constant 632 : i32
    %mul3A_14 = arith.muli %arg1, %mul3A_13 : i32
    "tpu.region"() ({
      %run_scoped3A = tpu.sem_alloc : memref<!tpu.dma_semaphore, #tpu.memory_space<semaphore_mem>>
      %dma_start3A = arith.constant 0 : i32
      %dma_start3A_15 = tpu.memref_slice %arg5[%arg0, %mul3A_14, %dma_start3A] : memref<2x10112x128xf32, #tpu.memory_space<hbm>> -> memref<1x632x128xf32, #tpu.memory_space<hbm>>
      %dma_start3A_16 = tpu.memref_squeeze %dma_start3A_15 : memref<1x632x128xf32, #tpu.memory_space<hbm>> -> memref<632x128xf32, #tpu.memory_space<hbm>>
      %dma_start3A_17 = arith.constant 0 : i32
      %dma_start3A_18 = tpu.memref_slice %arg8[%mul3A_12, %dma_start3A_17] : memref<10112x128xf32, #tpu.memory_space<vmem_shared>> -> memref<632x128xf32, #tpu.memory_space<vmem_shared>>
      tpu.enqueue_dma source(%dma_start3A_18 : memref<632x128xf32, #tpu.memory_space<vmem_shared>>) target(%dma_start3A_16 : memref<632x128xf32, #tpu.memory_space<hbm>>) target_semaphore(%run_scoped3A : memref<!tpu.dma_semaphore, #tpu.memory_space<semaphore_mem>>)
      %dma_wait3A = arith.constant 0 : i32
      %dma_wait3A_19 = tpu.memref_slice %arg5[%arg0, %mul3A_14, %dma_wait3A] : memref<2x10112x128xf32, #tpu.memory_space<hbm>> -> memref<1x632x128xf32, #tpu.memory_space<hbm>>
      %dma_wait3A_20 = tpu.memref_squeeze %dma_wait3A_19 : memref<1x632x128xf32, #tpu.memory_space<hbm>> -> memref<632x128xf32, #tpu.memory_space<hbm>>
      %dma_wait3A_21 = arith.constant 0 : i32
      %dma_wait3A_22 = tpu.memref_slice %arg8[%mul3A_12, %dma_wait3A_21] : memref<10112x128xf32, #tpu.memory_space<vmem_shared>> -> memref<632x128xf32, #tpu.memory_space<vmem_shared>>
      tpu.wait_dma2 semaphore(%run_scoped3A : memref<!tpu.dma_semaphore, #tpu.memory_space<semaphore_mem>>) src(%dma_wait3A_22 : memref<632x128xf32, #tpu.memory_space<vmem_shared>>) dst(%dma_wait3A_20 : memref<632x128xf32, #tpu.memory_space<hbm>>)
      tpu.yield
    }) : () -> ()
    return
  }
}

#map = affine_map<(d0, d1) -> (0, 0)>
#map1 = affine_map<(d0, d1) -> (0)>
module attributes {stable_mosaic.version = 14 : i64} {
  func.func @k(%arg0: i32, %arg1: i32, %arg2: memref<10000x256xf32, #tpu.memory_space<hbm>>, %arg3: memref<10000x128xf32, #tpu.memory_space<hbm>>, %arg4: memref<160000xi32, #tpu.memory_space<hbm>>, %arg5: memref<160000xi32, #tpu.memory_space<hbm>>, %arg6: memref<160000x256xf32, #tpu.memory_space<hbm>>, %arg7: memref<160000x128xf32, #tpu.memory_space<hbm>>, %arg8: memref<128xi32, #tpu.memory_space<vmem>>, %arg9: memref<128xi32, #tpu.memory_space<vmem>>, %arg10: memref<128x256xf32, #tpu.memory_space<vmem>>, %arg11: memref<128x128xf32, #tpu.memory_space<vmem>>, %arg12: memref<!tpu.dma_semaphore, #tpu.memory_space<semaphore_mem>>, %arg13: memref<!tpu.dma_semaphore, #tpu.memory_space<semaphore_mem>>) attributes {dimension_semantics = [#tpu.dimension_semantics<core_parallel>, #tpu.dimension_semantics<subcore_parallel>], iteration_bounds = array<i64: 2, 16>, scalar_prefetch = 0 : i64, scratch_operands = 6 : i64, tpu.core_type = #tpu.core_type<sc_vector_subcore>, window_params = [{transform_indices = #map}, {transform_indices = #map}, {transform_indices = #map1}, {transform_indices = #map1}, {transform_indices = #map}, {transform_indices = #map}]} {
    %mul3A = arith.constant 2 : i32
    %mul3A_0 = arith.muli %arg1, %mul3A : i32
    %add3A = arith.addi %mul3A_0, %arg0 : i32
    %scan3A = arith.constant 0 : i32
    %scan3A_1 = arith.constant 0 : i32
    %scan3A_2 = arith.constant 40 : i32
    %scan3A_3 = arith.addi %scan3A_1, %scan3A_2 : i32
    %scan3A_4 = arith.constant 1 : i32
    scf.for %scan3A_6 = %scan3A_1 to %scan3A_3 step %scan3A_4  : i32 {
      %mul3A_7 = arith.constant 32 : i32
      %mul3A_8 = arith.muli %scan3A_6, %mul3A_7 : i32
      %add3A_9 = arith.addi %add3A, %mul3A_8 : i32
      %lt3A = arith.constant 1250 : i32
      %lt3A_10 = arith.cmpi slt, %add3A_9, %lt3A : i32
      %convert_element_type3A = arith.extui %lt3A_10 : i1 to i32
      %cond3A = arith.constant 0 : i32
      %cond3A_11 = arith.cmpi ne, %convert_element_type3A, %cond3A : i32
      scf.if %cond3A_11 {
        %mul3A_12 = arith.constant 128 : i32
        %mul3A_13 = arith.muli %add3A_9, %mul3A_12 : i32
        "tpu.region"() ({
          %run_scoped3A = tpu.sem_alloc : memref<!tpu.dma_semaphore, #tpu.memory_space<semaphore_mem>>
          %dma_start3A_24 = tpu.memref_slice %arg4[%mul3A_13] : memref<160000xi32, #tpu.memory_space<hbm>> -> memref<128xi32, #tpu.memory_space<hbm>>
          %dma_start3A_25 = tpu.memref_slice %arg4[%mul3A_13] : memref<160000xi32, #tpu.memory_space<hbm>> -> memref<128xi32, #tpu.memory_space<hbm>>
          tpu.enqueue_dma source(%dma_start3A_25 : memref<128xi32, #tpu.memory_space<hbm>>) target(%arg8 : memref<128xi32, #tpu.memory_space<vmem>>) target_semaphore(%run_scoped3A : memref<!tpu.dma_semaphore, #tpu.memory_space<semaphore_mem>>)
          %dma_wait3A_26 = tpu.memref_slice %arg4[%mul3A_13] : memref<160000xi32, #tpu.memory_space<hbm>> -> memref<128xi32, #tpu.memory_space<hbm>>
          %dma_wait3A_27 = tpu.memref_slice %arg4[%mul3A_13] : memref<160000xi32, #tpu.memory_space<hbm>> -> memref<128xi32, #tpu.memory_space<hbm>>
          tpu.wait_dma2 semaphore(%run_scoped3A : memref<!tpu.dma_semaphore, #tpu.memory_space<semaphore_mem>>) src(%dma_wait3A_27 : memref<128xi32, #tpu.memory_space<hbm>>) dst(%arg8 : memref<128xi32, #tpu.memory_space<vmem>>)
          tpu.yield
        }) : () -> ()
        "tpu.region"() ({
          %run_scoped3A = tpu.sem_alloc : memref<!tpu.dma_semaphore, #tpu.memory_space<semaphore_mem>>
          %dma_start3A_24 = tpu.memref_slice %arg5[%mul3A_13] : memref<160000xi32, #tpu.memory_space<hbm>> -> memref<128xi32, #tpu.memory_space<hbm>>
          %dma_start3A_25 = tpu.memref_slice %arg5[%mul3A_13] : memref<160000xi32, #tpu.memory_space<hbm>> -> memref<128xi32, #tpu.memory_space<hbm>>
          tpu.enqueue_dma source(%dma_start3A_25 : memref<128xi32, #tpu.memory_space<hbm>>) target(%arg9 : memref<128xi32, #tpu.memory_space<vmem>>) target_semaphore(%run_scoped3A : memref<!tpu.dma_semaphore, #tpu.memory_space<semaphore_mem>>)
          %dma_wait3A_26 = tpu.memref_slice %arg5[%mul3A_13] : memref<160000xi32, #tpu.memory_space<hbm>> -> memref<128xi32, #tpu.memory_space<hbm>>
          %dma_wait3A_27 = tpu.memref_slice %arg5[%mul3A_13] : memref<160000xi32, #tpu.memory_space<hbm>> -> memref<128xi32, #tpu.memory_space<hbm>>
          tpu.wait_dma2 semaphore(%run_scoped3A : memref<!tpu.dma_semaphore, #tpu.memory_space<semaphore_mem>>) src(%dma_wait3A_27 : memref<128xi32, #tpu.memory_space<hbm>>) dst(%arg9 : memref<128xi32, #tpu.memory_space<vmem>>)
          tpu.yield
        }) : () -> ()
        %dma_start3A = arith.constant 0 : i32
        %dma_start3A_14 = arith.constant 0 : i32
        %dma_start3A_15 = tpu.memref_slice %arg2[%dma_start3A, %dma_start3A_14] : memref<10000x256xf32, #tpu.memory_space<hbm>> -> memref<10000x256xf32, #tpu.memory_space<hbm>>
        tpu.enqueue_indirect_dma source(%dma_start3A_15 : memref<10000x256xf32, #tpu.memory_space<hbm>>) target(%arg10 : memref<128x256xf32, #tpu.memory_space<vmem>>) offsets(%arg8 : memref<128xi32, #tpu.memory_space<vmem>>) semaphore(%arg12 : memref<!tpu.dma_semaphore, #tpu.memory_space<semaphore_mem>>)
        %dma_start3A_16 = arith.constant 0 : i32
        %dma_start3A_17 = arith.constant 0 : i32
        %dma_start3A_18 = tpu.memref_slice %arg3[%dma_start3A_16, %dma_start3A_17] : memref<10000x128xf32, #tpu.memory_space<hbm>> -> memref<10000x128xf32, #tpu.memory_space<hbm>>
        tpu.enqueue_indirect_dma source(%dma_start3A_18 : memref<10000x128xf32, #tpu.memory_space<hbm>>) target(%arg11 : memref<128x128xf32, #tpu.memory_space<vmem>>) offsets(%arg9 : memref<128xi32, #tpu.memory_space<vmem>>) semaphore(%arg13 : memref<!tpu.dma_semaphore, #tpu.memory_space<semaphore_mem>>)
        %dma_wait3A = arith.constant 0 : i32
        %dma_wait3A_19 = arith.constant 0 : i32
        %dma_wait3A_20 = tpu.memref_slice %arg2[%dma_wait3A, %dma_wait3A_19] : memref<10000x256xf32, #tpu.memory_space<hbm>> -> memref<10000x256xf32, #tpu.memory_space<hbm>>
        tpu.wait_indirect_dma semaphore(%arg12 : memref<!tpu.dma_semaphore, #tpu.memory_space<semaphore_mem>>) src(%dma_wait3A_20 : memref<10000x256xf32, #tpu.memory_space<hbm>>) dst(%arg10 : memref<128x256xf32, #tpu.memory_space<vmem>>)
        %dma_wait3A_21 = arith.constant 0 : i32
        %dma_wait3A_22 = arith.constant 0 : i32
        %dma_wait3A_23 = tpu.memref_slice %arg3[%dma_wait3A_21, %dma_wait3A_22] : memref<10000x128xf32, #tpu.memory_space<hbm>> -> memref<10000x128xf32, #tpu.memory_space<hbm>>
        tpu.wait_indirect_dma semaphore(%arg13 : memref<!tpu.dma_semaphore, #tpu.memory_space<semaphore_mem>>) src(%dma_wait3A_23 : memref<10000x128xf32, #tpu.memory_space<hbm>>) dst(%arg11 : memref<128x128xf32, #tpu.memory_space<vmem>>)
        "tpu.region"() ({
          %run_scoped3A = tpu.sem_alloc : memref<!tpu.dma_semaphore, #tpu.memory_space<semaphore_mem>>
          %dma_start3A_24 = arith.constant 0 : i32
          %dma_start3A_25 = tpu.memref_slice %arg6[%mul3A_13, %dma_start3A_24] : memref<160000x256xf32, #tpu.memory_space<hbm>> -> memref<128x256xf32, #tpu.memory_space<hbm>>
          %dma_start3A_26 = arith.constant 0 : i32
          %dma_start3A_27 = tpu.memref_slice %arg6[%mul3A_13, %dma_start3A_26] : memref<160000x256xf32, #tpu.memory_space<hbm>> -> memref<128x256xf32, #tpu.memory_space<hbm>>
          tpu.enqueue_dma source(%arg10 : memref<128x256xf32, #tpu.memory_space<vmem>>) target(%dma_start3A_27 : memref<128x256xf32, #tpu.memory_space<hbm>>) target_semaphore(%run_scoped3A : memref<!tpu.dma_semaphore, #tpu.memory_space<semaphore_mem>>)
          %dma_wait3A_28 = arith.constant 0 : i32
          %dma_wait3A_29 = tpu.memref_slice %arg6[%mul3A_13, %dma_wait3A_28] : memref<160000x256xf32, #tpu.memory_space<hbm>> -> memref<128x256xf32, #tpu.memory_space<hbm>>
          %dma_wait3A_30 = arith.constant 0 : i32
          %dma_wait3A_31 = tpu.memref_slice %arg6[%mul3A_13, %dma_wait3A_30] : memref<160000x256xf32, #tpu.memory_space<hbm>> -> memref<128x256xf32, #tpu.memory_space<hbm>>
          tpu.wait_dma2 semaphore(%run_scoped3A : memref<!tpu.dma_semaphore, #tpu.memory_space<semaphore_mem>>) src(%arg10 : memref<128x256xf32, #tpu.memory_space<vmem>>) dst(%dma_wait3A_31 : memref<128x256xf32, #tpu.memory_space<hbm>>)
          tpu.yield
        }) : () -> ()
        "tpu.region"() ({
          %run_scoped3A = tpu.sem_alloc : memref<!tpu.dma_semaphore, #tpu.memory_space<semaphore_mem>>
          %dma_start3A_24 = arith.constant 0 : i32
          %dma_start3A_25 = tpu.memref_slice %arg7[%mul3A_13, %dma_start3A_24] : memref<160000x128xf32, #tpu.memory_space<hbm>> -> memref<128x128xf32, #tpu.memory_space<hbm>>
          %dma_start3A_26 = arith.constant 0 : i32
          %dma_start3A_27 = tpu.memref_slice %arg7[%mul3A_13, %dma_start3A_26] : memref<160000x128xf32, #tpu.memory_space<hbm>> -> memref<128x128xf32, #tpu.memory_space<hbm>>
          tpu.enqueue_dma source(%arg11 : memref<128x128xf32, #tpu.memory_space<vmem>>) target(%dma_start3A_27 : memref<128x128xf32, #tpu.memory_space<hbm>>) target_semaphore(%run_scoped3A : memref<!tpu.dma_semaphore, #tpu.memory_space<semaphore_mem>>)
          %dma_wait3A_28 = arith.constant 0 : i32
          %dma_wait3A_29 = tpu.memref_slice %arg7[%mul3A_13, %dma_wait3A_28] : memref<160000x128xf32, #tpu.memory_space<hbm>> -> memref<128x128xf32, #tpu.memory_space<hbm>>
          %dma_wait3A_30 = arith.constant 0 : i32
          %dma_wait3A_31 = tpu.memref_slice %arg7[%mul3A_13, %dma_wait3A_30] : memref<160000x128xf32, #tpu.memory_space<hbm>> -> memref<128x128xf32, #tpu.memory_space<hbm>>
          tpu.wait_dma2 semaphore(%run_scoped3A : memref<!tpu.dma_semaphore, #tpu.memory_space<semaphore_mem>>) src(%arg11 : memref<128x128xf32, #tpu.memory_space<vmem>>) dst(%dma_wait3A_31 : memref<128x128xf32, #tpu.memory_space<hbm>>)
          tpu.yield
        }) : () -> ()
      } else {
      }
    }
    %scan3A_5 = arith.constant 40 : i32
    return
  }
}

#map = affine_map<(d0, d1) -> (0, 0)>
#map1 = affine_map<(d0, d1) -> (0)>
#map2 = affine_map<(d0, d1) -> (0, 0, 0)>
module attributes {stable_mosaic.version = 14 : i64} {
  func.func @k(%arg0: i32, %arg1: i32, %arg2: memref<160000x256xf32, #tpu.memory_space<hbm>>, %arg3: memref<160000xi32, #tpu.memory_space<hbm>>, %arg4: memref<10112x128xf32, #tpu.memory_space<hbm>>, %arg5: memref<2x10112x128xf32, #tpu.memory_space<hbm>>, %arg6: memref<128xi32, #tpu.memory_space<vmem>>, %arg7: memref<128x128xf32, #tpu.memory_space<vmem>>, %arg8: memref<10112x128xf32, #tpu.memory_space<vmem_shared>>, %arg9: memref<!tpu.dma_semaphore, #tpu.memory_space<semaphore_mem>>) attributes {dimension_semantics = [#tpu.dimension_semantics<core_parallel>, #tpu.dimension_semantics<subcore_parallel>], iteration_bounds = array<i64: 2, 16>, scalar_prefetch = 0 : i64, scratch_operands = 4 : i64, tpu.core_type = #tpu.core_type<sc_vector_subcore>, window_params = [{transform_indices = #map}, {transform_indices = #map1}, {transform_indices = #map}, {transform_indices = #map2}]} {
    %mul3A = arith.constant 632 : i32
    %mul3A_0 = arith.muli %arg1, %mul3A : i32
    %mul3A_1 = arith.constant 632 : i32
    %mul3A_2 = arith.muli %arg1, %mul3A_1 : i32
    "tpu.region"() ({
      %run_scoped3A = tpu.sem_alloc : memref<!tpu.dma_semaphore, #tpu.memory_space<semaphore_mem>>
      %dma_start3A = arith.constant 0 : i32
      %dma_start3A_15 = tpu.memref_slice %arg8[%mul3A_2, %dma_start3A] : memref<10112x128xf32, #tpu.memory_space<vmem_shared>> -> memref<632x128xf32, #tpu.memory_space<vmem_shared>>
      %dma_start3A_16 = arith.constant 0 : i32
      %dma_start3A_17 = tpu.memref_slice %arg4[%mul3A_0, %dma_start3A_16] : memref<10112x128xf32, #tpu.memory_space<hbm>> -> memref<632x128xf32, #tpu.memory_space<hbm>>
      tpu.enqueue_dma source(%dma_start3A_17 : memref<632x128xf32, #tpu.memory_space<hbm>>) target(%dma_start3A_15 : memref<632x128xf32, #tpu.memory_space<vmem_shared>>) target_semaphore(%run_scoped3A : memref<!tpu.dma_semaphore, #tpu.memory_space<semaphore_mem>>)
      %dma_wait3A = arith.constant 0 : i32
      %dma_wait3A_18 = tpu.memref_slice %arg8[%mul3A_2, %dma_wait3A] : memref<10112x128xf32, #tpu.memory_space<vmem_shared>> -> memref<632x128xf32, #tpu.memory_space<vmem_shared>>
      %dma_wait3A_19 = arith.constant 0 : i32
      %dma_wait3A_20 = tpu.memref_slice %arg4[%mul3A_0, %dma_wait3A_19] : memref<10112x128xf32, #tpu.memory_space<hbm>> -> memref<632x128xf32, #tpu.memory_space<hbm>>
      tpu.wait_dma2 semaphore(%run_scoped3A : memref<!tpu.dma_semaphore, #tpu.memory_space<semaphore_mem>>) src(%dma_wait3A_20 : memref<632x128xf32, #tpu.memory_space<hbm>>) dst(%dma_wait3A_18 : memref<632x128xf32, #tpu.memory_space<vmem_shared>>)
      tpu.yield
    }) : () -> ()
    %barrier3A = arith.constant 0 : index
    tpu.barrier barrier_id(%barrier3A)
    %mul3A_3 = arith.constant 128 : i32
    %mul3A_4 = arith.muli %arg0, %mul3A_3 : i32
    %scan3A = arith.constant 0 : i32
    %scan3A_5 = arith.constant 0 : i32
    %scan3A_6 = arith.constant 79 : i32
    %scan3A_7 = arith.addi %scan3A_5, %scan3A_6 : i32
    %scan3A_8 = arith.constant 1 : i32
    scf.for %scan3A_15 = %scan3A_5 to %scan3A_7 step %scan3A_8  : i32 {
      %mul3A_16 = arith.constant 16 : i32
      %mul3A_17 = arith.muli %scan3A_15, %mul3A_16 : i32
      %add3A = arith.addi %arg1, %mul3A_17 : i32
      %lt3A = arith.constant 1250 : i32
      %lt3A_18 = arith.cmpi slt, %add3A, %lt3A : i32
      %convert_element_type3A = arith.extui %lt3A_18 : i1 to i32
      %cond3A = arith.constant 0 : i32
      %cond3A_19 = arith.cmpi ne, %convert_element_type3A, %cond3A : i32
      scf.if %cond3A_19 {
        %mul3A_20 = arith.constant 128 : i32
        %mul3A_21 = arith.muli %add3A, %mul3A_20 : i32
        "tpu.region"() ({
          %run_scoped3A = tpu.sem_alloc : memref<!tpu.dma_semaphore, #tpu.memory_space<semaphore_mem>>
          %dma_start3A_24 = tpu.memref_slice %arg3[%mul3A_21] : memref<160000xi32, #tpu.memory_space<hbm>> -> memref<128xi32, #tpu.memory_space<hbm>>
          %dma_start3A_25 = tpu.memref_slice %arg3[%mul3A_21] : memref<160000xi32, #tpu.memory_space<hbm>> -> memref<128xi32, #tpu.memory_space<hbm>>
          tpu.enqueue_dma source(%dma_start3A_25 : memref<128xi32, #tpu.memory_space<hbm>>) target(%arg6 : memref<128xi32, #tpu.memory_space<vmem>>) target_semaphore(%run_scoped3A : memref<!tpu.dma_semaphore, #tpu.memory_space<semaphore_mem>>)
          %dma_wait3A_26 = tpu.memref_slice %arg3[%mul3A_21] : memref<160000xi32, #tpu.memory_space<hbm>> -> memref<128xi32, #tpu.memory_space<hbm>>
          %dma_wait3A_27 = tpu.memref_slice %arg3[%mul3A_21] : memref<160000xi32, #tpu.memory_space<hbm>> -> memref<128xi32, #tpu.memory_space<hbm>>
          tpu.wait_dma2 semaphore(%run_scoped3A : memref<!tpu.dma_semaphore, #tpu.memory_space<semaphore_mem>>) src(%dma_wait3A_27 : memref<128xi32, #tpu.memory_space<hbm>>) dst(%arg6 : memref<128xi32, #tpu.memory_space<vmem>>)
          tpu.yield
        }) : () -> ()
        %dma_start3A = tpu.memref_slice %arg2[%mul3A_21, %mul3A_4] : memref<160000x256xf32, #tpu.memory_space<hbm>> -> memref<128x128xf32, #tpu.memory_space<hbm>>
        %dma_start3A_22 = tpu.memref_slice %arg2[%mul3A_21, %mul3A_4] : memref<160000x256xf32, #tpu.memory_space<hbm>> -> memref<128x128xf32, #tpu.memory_space<hbm>>
        tpu.enqueue_dma source(%dma_start3A_22 : memref<128x128xf32, #tpu.memory_space<hbm>>) target(%arg7 : memref<128x128xf32, #tpu.memory_space<vmem>>) target_semaphore(%arg9 : memref<!tpu.dma_semaphore, #tpu.memory_space<semaphore_mem>>)
        %dma_wait3A = tpu.memref_slice %arg2[%mul3A_21, %mul3A_4] : memref<160000x256xf32, #tpu.memory_space<hbm>> -> memref<128x128xf32, #tpu.memory_space<hbm>>
        %dma_wait3A_23 = tpu.memref_slice %arg2[%mul3A_21, %mul3A_4] : memref<160000x256xf32, #tpu.memory_space<hbm>> -> memref<128x128xf32, #tpu.memory_space<hbm>>
        tpu.wait_dma2 semaphore(%arg9 : memref<!tpu.dma_semaphore, #tpu.memory_space<semaphore_mem>>) src(%dma_wait3A_23 : memref<128x128xf32, #tpu.memory_space<hbm>>) dst(%arg7 : memref<128x128xf32, #tpu.memory_space<vmem>>)
        "tpu.region"() ({
          %run_scoped3A = tpu.sem_alloc : memref<!tpu.dma_semaphore, #tpu.memory_space<semaphore_mem>>
          %dma_start3A_24 = arith.constant 0 : i32
          %dma_start3A_25 = arith.constant 0 : i32
          %dma_start3A_26 = tpu.memref_slice %arg8[%dma_start3A_24, %dma_start3A_25] : memref<10112x128xf32, #tpu.memory_space<vmem_shared>> -> memref<10112x128xf32, #tpu.memory_space<vmem_shared>>
          tpu.enqueue_indirect_dma source(%arg7 : memref<128x128xf32, #tpu.memory_space<vmem>>) target(%dma_start3A_26 : memref<10112x128xf32, #tpu.memory_space<vmem_shared>>) offsets(%arg6 : memref<128xi32, #tpu.memory_space<vmem>>) semaphore(%run_scoped3A : memref<!tpu.dma_semaphore, #tpu.memory_space<semaphore_mem>>) {add = true}
          %dma_wait3A_27 = arith.constant 0 : i32
          %dma_wait3A_28 = arith.constant 0 : i32
          %dma_wait3A_29 = tpu.memref_slice %arg8[%dma_wait3A_27, %dma_wait3A_28] : memref<10112x128xf32, #tpu.memory_space<vmem_shared>> -> memref<10112x128xf32, #tpu.memory_space<vmem_shared>>
          tpu.wait_indirect_dma semaphore(%run_scoped3A : memref<!tpu.dma_semaphore, #tpu.memory_space<semaphore_mem>>) src(%arg7 : memref<128x128xf32, #tpu.memory_space<vmem>>) dst(%dma_wait3A_29 : memref<10112x128xf32, #tpu.memory_space<vmem_shared>>)
          tpu.yield
        }) : () -> ()
      } else {
      }
    }
    %scan3A_9 = arith.constant 79 : i32
    %barrier3A_10 = arith.constant 0 : index
    tpu.barrier barrier_id(%barrier3A_10)
    %mul3A_11 = arith.constant 632 : i32
    %mul3A_12 = arith.muli %arg1, %mul3A_11 : i32
    %mul3A_13 = arith.constant 632 : i32
    %mul3A_14 = arith.muli %arg1, %mul3A_13 : i32
    "tpu.region"() ({
      %run_scoped3A = tpu.sem_alloc : memref<!tpu.dma_semaphore, #tpu.memory_space<semaphore_mem>>
      %dma_start3A = arith.constant 0 : i32
      %dma_start3A_15 = tpu.memref_slice %arg5[%arg0, %mul3A_14, %dma_start3A] : memref<2x10112x128xf32, #tpu.memory_space<hbm>> -> memref<1x632x128xf32, #tpu.memory_space<hbm>>
      %dma_start3A_16 = tpu.memref_squeeze %dma_start3A_15 : memref<1x632x128xf32, #tpu.memory_space<hbm>> -> memref<632x128xf32, #tpu.memory_space<hbm>>
      %dma_start3A_17 = arith.constant 0 : i32
      %dma_start3A_18 = tpu.memref_slice %arg8[%mul3A_12, %dma_start3A_17] : memref<10112x128xf32, #tpu.memory_space<vmem_shared>> -> memref<632x128xf32, #tpu.memory_space<vmem_shared>>
      tpu.enqueue_dma source(%dma_start3A_18 : memref<632x128xf32, #tpu.memory_space<vmem_shared>>) target(%dma_start3A_16 : memref<632x128xf32, #tpu.memory_space<hbm>>) target_semaphore(%run_scoped3A : memref<!tpu.dma_semaphore, #tpu.memory_space<semaphore_mem>>)
      %dma_wait3A = arith.constant 0 : i32
      %dma_wait3A_19 = tpu.memref_slice %arg5[%arg0, %mul3A_14, %dma_wait3A] : memref<2x10112x128xf32, #tpu.memory_space<hbm>> -> memref<1x632x128xf32, #tpu.memory_space<hbm>>
      %dma_wait3A_20 = tpu.memref_squeeze %dma_wait3A_19 : memref<1x632x128xf32, #tpu.memory_space<hbm>> -> memref<632x128xf32, #tpu.memory_space<hbm>>
      %dma_wait3A_21 = arith.constant 0 : i32
      %dma_wait3A_22 = tpu.memref_slice %arg8[%mul3A_12, %dma_wait3A_21] : memref<10112x128xf32, #tpu.memory_space<vmem_shared>> -> memref<632x128xf32, #tpu.memory_space<vmem_shared>>
      tpu.wait_dma2 semaphore(%run_scoped3A : memref<!tpu.dma_semaphore, #tpu.memory_space<semaphore_mem>>) src(%dma_wait3A_22 : memref<632x128xf32, #tpu.memory_space<vmem_shared>>) dst(%dma_wait3A_20 : memref<632x128xf32, #tpu.memory_space<hbm>>)
      tpu.yield
    }) : () -> ()
    return
  }
}

#map = affine_map<(d0, d1) -> (0, 0)>
#map1 = affine_map<(d0, d1) -> (0)>
module attributes {stable_mosaic.version = 14 : i64} {
  func.func @k(%arg0: i32, %arg1: i32, %arg2: memref<10000x256xf32, #tpu.memory_space<hbm>>, %arg3: memref<10000x128xf32, #tpu.memory_space<hbm>>, %arg4: memref<160000xi32, #tpu.memory_space<hbm>>, %arg5: memref<160000xi32, #tpu.memory_space<hbm>>, %arg6: memref<160000x256xf32, #tpu.memory_space<hbm>>, %arg7: memref<160000x128xf32, #tpu.memory_space<hbm>>, %arg8: memref<128xi32, #tpu.memory_space<vmem>>, %arg9: memref<128xi32, #tpu.memory_space<vmem>>, %arg10: memref<128x256xf32, #tpu.memory_space<vmem>>, %arg11: memref<128x128xf32, #tpu.memory_space<vmem>>, %arg12: memref<!tpu.dma_semaphore, #tpu.memory_space<semaphore_mem>>, %arg13: memref<!tpu.dma_semaphore, #tpu.memory_space<semaphore_mem>>) attributes {dimension_semantics = [#tpu.dimension_semantics<core_parallel>, #tpu.dimension_semantics<subcore_parallel>], iteration_bounds = array<i64: 2, 16>, scalar_prefetch = 0 : i64, scratch_operands = 6 : i64, tpu.core_type = #tpu.core_type<sc_vector_subcore>, window_params = [{transform_indices = #map}, {transform_indices = #map}, {transform_indices = #map1}, {transform_indices = #map1}, {transform_indices = #map}, {transform_indices = #map}]} {
    %mul3A = arith.constant 2 : i32
    %mul3A_0 = arith.muli %arg1, %mul3A : i32
    %add3A = arith.addi %mul3A_0, %arg0 : i32
    %scan3A = arith.constant 0 : i32
    %scan3A_1 = arith.constant 0 : i32
    %scan3A_2 = arith.constant 40 : i32
    %scan3A_3 = arith.addi %scan3A_1, %scan3A_2 : i32
    %scan3A_4 = arith.constant 1 : i32
    scf.for %scan3A_6 = %scan3A_1 to %scan3A_3 step %scan3A_4  : i32 {
      %mul3A_7 = arith.constant 32 : i32
      %mul3A_8 = arith.muli %scan3A_6, %mul3A_7 : i32
      %add3A_9 = arith.addi %add3A, %mul3A_8 : i32
      %lt3A = arith.constant 1250 : i32
      %lt3A_10 = arith.cmpi slt, %add3A_9, %lt3A : i32
      %convert_element_type3A = arith.extui %lt3A_10 : i1 to i32
      %cond3A = arith.constant 0 : i32
      %cond3A_11 = arith.cmpi ne, %convert_element_type3A, %cond3A : i32
      scf.if %cond3A_11 {
        %mul3A_12 = arith.constant 128 : i32
        %mul3A_13 = arith.muli %add3A_9, %mul3A_12 : i32
        "tpu.region"() ({
          %run_scoped3A = tpu.sem_alloc : memref<!tpu.dma_semaphore, #tpu.memory_space<semaphore_mem>>
          %dma_start3A_24 = tpu.memref_slice %arg4[%mul3A_13] : memref<160000xi32, #tpu.memory_space<hbm>> -> memref<128xi32, #tpu.memory_space<hbm>>
          %dma_start3A_25 = tpu.memref_slice %arg4[%mul3A_13] : memref<160000xi32, #tpu.memory_space<hbm>> -> memref<128xi32, #tpu.memory_space<hbm>>
          tpu.enqueue_dma source(%dma_start3A_25 : memref<128xi32, #tpu.memory_space<hbm>>) target(%arg8 : memref<128xi32, #tpu.memory_space<vmem>>) target_semaphore(%run_scoped3A : memref<!tpu.dma_semaphore, #tpu.memory_space<semaphore_mem>>)
          %dma_wait3A_26 = tpu.memref_slice %arg4[%mul3A_13] : memref<160000xi32, #tpu.memory_space<hbm>> -> memref<128xi32, #tpu.memory_space<hbm>>
          %dma_wait3A_27 = tpu.memref_slice %arg4[%mul3A_13] : memref<160000xi32, #tpu.memory_space<hbm>> -> memref<128xi32, #tpu.memory_space<hbm>>
          tpu.wait_dma2 semaphore(%run_scoped3A : memref<!tpu.dma_semaphore, #tpu.memory_space<semaphore_mem>>) src(%dma_wait3A_27 : memref<128xi32, #tpu.memory_space<hbm>>) dst(%arg8 : memref<128xi32, #tpu.memory_space<vmem>>)
          tpu.yield
        }) : () -> ()
        "tpu.region"() ({
          %run_scoped3A = tpu.sem_alloc : memref<!tpu.dma_semaphore, #tpu.memory_space<semaphore_mem>>
          %dma_start3A_24 = tpu.memref_slice %arg5[%mul3A_13] : memref<160000xi32, #tpu.memory_space<hbm>> -> memref<128xi32, #tpu.memory_space<hbm>>
          %dma_start3A_25 = tpu.memref_slice %arg5[%mul3A_13] : memref<160000xi32, #tpu.memory_space<hbm>> -> memref<128xi32, #tpu.memory_space<hbm>>
          tpu.enqueue_dma source(%dma_start3A_25 : memref<128xi32, #tpu.memory_space<hbm>>) target(%arg9 : memref<128xi32, #tpu.memory_space<vmem>>) target_semaphore(%run_scoped3A : memref<!tpu.dma_semaphore, #tpu.memory_space<semaphore_mem>>)
          %dma_wait3A_26 = tpu.memref_slice %arg5[%mul3A_13] : memref<160000xi32, #tpu.memory_space<hbm>> -> memref<128xi32, #tpu.memory_space<hbm>>
          %dma_wait3A_27 = tpu.memref_slice %arg5[%mul3A_13] : memref<160000xi32, #tpu.memory_space<hbm>> -> memref<128xi32, #tpu.memory_space<hbm>>
          tpu.wait_dma2 semaphore(%run_scoped3A : memref<!tpu.dma_semaphore, #tpu.memory_space<semaphore_mem>>) src(%dma_wait3A_27 : memref<128xi32, #tpu.memory_space<hbm>>) dst(%arg9 : memref<128xi32, #tpu.memory_space<vmem>>)
          tpu.yield
        }) : () -> ()
        %dma_start3A = arith.constant 0 : i32
        %dma_start3A_14 = arith.constant 0 : i32
        %dma_start3A_15 = tpu.memref_slice %arg2[%dma_start3A, %dma_start3A_14] : memref<10000x256xf32, #tpu.memory_space<hbm>> -> memref<10000x256xf32, #tpu.memory_space<hbm>>
        tpu.enqueue_indirect_dma source(%dma_start3A_15 : memref<10000x256xf32, #tpu.memory_space<hbm>>) target(%arg10 : memref<128x256xf32, #tpu.memory_space<vmem>>) offsets(%arg8 : memref<128xi32, #tpu.memory_space<vmem>>) semaphore(%arg12 : memref<!tpu.dma_semaphore, #tpu.memory_space<semaphore_mem>>)
        %dma_start3A_16 = arith.constant 0 : i32
        %dma_start3A_17 = arith.constant 0 : i32
        %dma_start3A_18 = tpu.memref_slice %arg3[%dma_start3A_16, %dma_start3A_17] : memref<10000x128xf32, #tpu.memory_space<hbm>> -> memref<10000x128xf32, #tpu.memory_space<hbm>>
        tpu.enqueue_indirect_dma source(%dma_start3A_18 : memref<10000x128xf32, #tpu.memory_space<hbm>>) target(%arg11 : memref<128x128xf32, #tpu.memory_space<vmem>>) offsets(%arg9 : memref<128xi32, #tpu.memory_space<vmem>>) semaphore(%arg13 : memref<!tpu.dma_semaphore, #tpu.memory_space<semaphore_mem>>)
        %dma_wait3A = arith.constant 0 : i32
        %dma_wait3A_19 = arith.constant 0 : i32
        %dma_wait3A_20 = tpu.memref_slice %arg2[%dma_wait3A, %dma_wait3A_19] : memref<10000x256xf32, #tpu.memory_space<hbm>> -> memref<10000x256xf32, #tpu.memory_space<hbm>>
        tpu.wait_indirect_dma semaphore(%arg12 : memref<!tpu.dma_semaphore, #tpu.memory_space<semaphore_mem>>) src(%dma_wait3A_20 : memref<10000x256xf32, #tpu.memory_space<hbm>>) dst(%arg10 : memref<128x256xf32, #tpu.memory_space<vmem>>)
        %dma_wait3A_21 = arith.constant 0 : i32
        %dma_wait3A_22 = arith.constant 0 : i32
        %dma_wait3A_23 = tpu.memref_slice %arg3[%dma_wait3A_21, %dma_wait3A_22] : memref<10000x128xf32, #tpu.memory_space<hbm>> -> memref<10000x128xf32, #tpu.memory_space<hbm>>
        tpu.wait_indirect_dma semaphore(%arg13 : memref<!tpu.dma_semaphore, #tpu.memory_space<semaphore_mem>>) src(%dma_wait3A_23 : memref<10000x128xf32, #tpu.memory_space<hbm>>) dst(%arg11 : memref<128x128xf32, #tpu.memory_space<vmem>>)
        "tpu.region"() ({
          %run_scoped3A = tpu.sem_alloc : memref<!tpu.dma_semaphore, #tpu.memory_space<semaphore_mem>>
          %dma_start3A_24 = arith.constant 0 : i32
          %dma_start3A_25 = tpu.memref_slice %arg6[%mul3A_13, %dma_start3A_24] : memref<160000x256xf32, #tpu.memory_space<hbm>> -> memref<128x256xf32, #tpu.memory_space<hbm>>
          %dma_start3A_26 = arith.constant 0 : i32
          %dma_start3A_27 = tpu.memref_slice %arg6[%mul3A_13, %dma_start3A_26] : memref<160000x256xf32, #tpu.memory_space<hbm>> -> memref<128x256xf32, #tpu.memory_space<hbm>>
          tpu.enqueue_dma source(%arg10 : memref<128x256xf32, #tpu.memory_space<vmem>>) target(%dma_start3A_27 : memref<128x256xf32, #tpu.memory_space<hbm>>) target_semaphore(%run_scoped3A : memref<!tpu.dma_semaphore, #tpu.memory_space<semaphore_mem>>)
          %dma_wait3A_28 = arith.constant 0 : i32
          %dma_wait3A_29 = tpu.memref_slice %arg6[%mul3A_13, %dma_wait3A_28] : memref<160000x256xf32, #tpu.memory_space<hbm>> -> memref<128x256xf32, #tpu.memory_space<hbm>>
          %dma_wait3A_30 = arith.constant 0 : i32
          %dma_wait3A_31 = tpu.memref_slice %arg6[%mul3A_13, %dma_wait3A_30] : memref<160000x256xf32, #tpu.memory_space<hbm>> -> memref<128x256xf32, #tpu.memory_space<hbm>>
          tpu.wait_dma2 semaphore(%run_scoped3A : memref<!tpu.dma_semaphore, #tpu.memory_space<semaphore_mem>>) src(%arg10 : memref<128x256xf32, #tpu.memory_space<vmem>>) dst(%dma_wait3A_31 : memref<128x256xf32, #tpu.memory_space<hbm>>)
          tpu.yield
        }) : () -> ()
        "tpu.region"() ({
          %run_scoped3A = tpu.sem_alloc : memref<!tpu.dma_semaphore, #tpu.memory_space<semaphore_mem>>
          %dma_start3A_24 = arith.constant 0 : i32
          %dma_start3A_25 = tpu.memref_slice %arg7[%mul3A_13, %dma_start3A_24] : memref<160000x128xf32, #tpu.memory_space<hbm>> -> memref<128x128xf32, #tpu.memory_space<hbm>>
          %dma_start3A_26 = arith.constant 0 : i32
          %dma_start3A_27 = tpu.memref_slice %arg7[%mul3A_13, %dma_start3A_26] : memref<160000x128xf32, #tpu.memory_space<hbm>> -> memref<128x128xf32, #tpu.memory_space<hbm>>
          tpu.enqueue_dma source(%arg11 : memref<128x128xf32, #tpu.memory_space<vmem>>) target(%dma_start3A_27 : memref<128x128xf32, #tpu.memory_space<hbm>>) target_semaphore(%run_scoped3A : memref<!tpu.dma_semaphore, #tpu.memory_space<semaphore_mem>>)
          %dma_wait3A_28 = arith.constant 0 : i32
          %dma_wait3A_29 = tpu.memref_slice %arg7[%mul3A_13, %dma_wait3A_28] : memref<160000x128xf32, #tpu.memory_space<hbm>> -> memref<128x128xf32, #tpu.memory_space<hbm>>
          %dma_wait3A_30 = arith.constant 0 : i32
          %dma_wait3A_31 = tpu.memref_slice %arg7[%mul3A_13, %dma_wait3A_30] : memref<160000x128xf32, #tpu.memory_space<hbm>> -> memref<128x128xf32, #tpu.memory_space<hbm>>
          tpu.wait_dma2 semaphore(%run_scoped3A : memref<!tpu.dma_semaphore, #tpu.memory_space<semaphore_mem>>) src(%arg11 : memref<128x128xf32, #tpu.memory_space<vmem>>) dst(%dma_wait3A_31 : memref<128x128xf32, #tpu.memory_space<hbm>>)
          tpu.yield
        }) : () -> ()
      } else {
      }
    }
    %scan3A_5 = arith.constant 40 : i32
    return
  }
}

#map = affine_map<(d0, d1) -> (0, 0)>
#map1 = affine_map<(d0, d1) -> (0)>
#map2 = affine_map<(d0, d1) -> (0, 0, 0)>
module attributes {stable_mosaic.version = 14 : i64} {
  func.func @k(%arg0: i32, %arg1: i32, %arg2: memref<160000x256xf32, #tpu.memory_space<hbm>>, %arg3: memref<160000xi32, #tpu.memory_space<hbm>>, %arg4: memref<10112x128xf32, #tpu.memory_space<hbm>>, %arg5: memref<2x10112x128xf32, #tpu.memory_space<hbm>>, %arg6: memref<128xi32, #tpu.memory_space<vmem>>, %arg7: memref<128x128xf32, #tpu.memory_space<vmem>>, %arg8: memref<10112x128xf32, #tpu.memory_space<vmem_shared>>, %arg9: memref<!tpu.dma_semaphore, #tpu.memory_space<semaphore_mem>>) attributes {dimension_semantics = [#tpu.dimension_semantics<core_parallel>, #tpu.dimension_semantics<subcore_parallel>], iteration_bounds = array<i64: 2, 16>, scalar_prefetch = 0 : i64, scratch_operands = 4 : i64, tpu.core_type = #tpu.core_type<sc_vector_subcore>, window_params = [{transform_indices = #map}, {transform_indices = #map1}, {transform_indices = #map}, {transform_indices = #map2}]} {
    %mul3A = arith.constant 632 : i32
    %mul3A_0 = arith.muli %arg1, %mul3A : i32
    %mul3A_1 = arith.constant 632 : i32
    %mul3A_2 = arith.muli %arg1, %mul3A_1 : i32
    "tpu.region"() ({
      %run_scoped3A = tpu.sem_alloc : memref<!tpu.dma_semaphore, #tpu.memory_space<semaphore_mem>>
      %dma_start3A = arith.constant 0 : i32
      %dma_start3A_15 = tpu.memref_slice %arg8[%mul3A_2, %dma_start3A] : memref<10112x128xf32, #tpu.memory_space<vmem_shared>> -> memref<632x128xf32, #tpu.memory_space<vmem_shared>>
      %dma_start3A_16 = arith.constant 0 : i32
      %dma_start3A_17 = tpu.memref_slice %arg4[%mul3A_0, %dma_start3A_16] : memref<10112x128xf32, #tpu.memory_space<hbm>> -> memref<632x128xf32, #tpu.memory_space<hbm>>
      tpu.enqueue_dma source(%dma_start3A_17 : memref<632x128xf32, #tpu.memory_space<hbm>>) target(%dma_start3A_15 : memref<632x128xf32, #tpu.memory_space<vmem_shared>>) target_semaphore(%run_scoped3A : memref<!tpu.dma_semaphore, #tpu.memory_space<semaphore_mem>>)
      %dma_wait3A = arith.constant 0 : i32
      %dma_wait3A_18 = tpu.memref_slice %arg8[%mul3A_2, %dma_wait3A] : memref<10112x128xf32, #tpu.memory_space<vmem_shared>> -> memref<632x128xf32, #tpu.memory_space<vmem_shared>>
      %dma_wait3A_19 = arith.constant 0 : i32
      %dma_wait3A_20 = tpu.memref_slice %arg4[%mul3A_0, %dma_wait3A_19] : memref<10112x128xf32, #tpu.memory_space<hbm>> -> memref<632x128xf32, #tpu.memory_space<hbm>>
      tpu.wait_dma2 semaphore(%run_scoped3A : memref<!tpu.dma_semaphore, #tpu.memory_space<semaphore_mem>>) src(%dma_wait3A_20 : memref<632x128xf32, #tpu.memory_space<hbm>>) dst(%dma_wait3A_18 : memref<632x128xf32, #tpu.memory_space<vmem_shared>>)
      tpu.yield
    }) : () -> ()
    %barrier3A = arith.constant 0 : index
    tpu.barrier barrier_id(%barrier3A)
    %mul3A_3 = arith.constant 128 : i32
    %mul3A_4 = arith.muli %arg0, %mul3A_3 : i32
    %scan3A = arith.constant 0 : i32
    %scan3A_5 = arith.constant 0 : i32
    %scan3A_6 = arith.constant 79 : i32
    %scan3A_7 = arith.addi %scan3A_5, %scan3A_6 : i32
    %scan3A_8 = arith.constant 1 : i32
    scf.for %scan3A_15 = %scan3A_5 to %scan3A_7 step %scan3A_8  : i32 {
      %mul3A_16 = arith.constant 16 : i32
      %mul3A_17 = arith.muli %scan3A_15, %mul3A_16 : i32
      %add3A = arith.addi %arg1, %mul3A_17 : i32
      %lt3A = arith.constant 1250 : i32
      %lt3A_18 = arith.cmpi slt, %add3A, %lt3A : i32
      %convert_element_type3A = arith.extui %lt3A_18 : i1 to i32
      %cond3A = arith.constant 0 : i32
      %cond3A_19 = arith.cmpi ne, %convert_element_type3A, %cond3A : i32
      scf.if %cond3A_19 {
        %mul3A_20 = arith.constant 128 : i32
        %mul3A_21 = arith.muli %add3A, %mul3A_20 : i32
        "tpu.region"() ({
          %run_scoped3A = tpu.sem_alloc : memref<!tpu.dma_semaphore, #tpu.memory_space<semaphore_mem>>
          %dma_start3A_24 = tpu.memref_slice %arg3[%mul3A_21] : memref<160000xi32, #tpu.memory_space<hbm>> -> memref<128xi32, #tpu.memory_space<hbm>>
          %dma_start3A_25 = tpu.memref_slice %arg3[%mul3A_21] : memref<160000xi32, #tpu.memory_space<hbm>> -> memref<128xi32, #tpu.memory_space<hbm>>
          tpu.enqueue_dma source(%dma_start3A_25 : memref<128xi32, #tpu.memory_space<hbm>>) target(%arg6 : memref<128xi32, #tpu.memory_space<vmem>>) target_semaphore(%run_scoped3A : memref<!tpu.dma_semaphore, #tpu.memory_space<semaphore_mem>>)
          %dma_wait3A_26 = tpu.memref_slice %arg3[%mul3A_21] : memref<160000xi32, #tpu.memory_space<hbm>> -> memref<128xi32, #tpu.memory_space<hbm>>
          %dma_wait3A_27 = tpu.memref_slice %arg3[%mul3A_21] : memref<160000xi32, #tpu.memory_space<hbm>> -> memref<128xi32, #tpu.memory_space<hbm>>
          tpu.wait_dma2 semaphore(%run_scoped3A : memref<!tpu.dma_semaphore, #tpu.memory_space<semaphore_mem>>) src(%dma_wait3A_27 : memref<128xi32, #tpu.memory_space<hbm>>) dst(%arg6 : memref<128xi32, #tpu.memory_space<vmem>>)
          tpu.yield
        }) : () -> ()
        %dma_start3A = tpu.memref_slice %arg2[%mul3A_21, %mul3A_4] : memref<160000x256xf32, #tpu.memory_space<hbm>> -> memref<128x128xf32, #tpu.memory_space<hbm>>
        %dma_start3A_22 = tpu.memref_slice %arg2[%mul3A_21, %mul3A_4] : memref<160000x256xf32, #tpu.memory_space<hbm>> -> memref<128x128xf32, #tpu.memory_space<hbm>>
        tpu.enqueue_dma source(%dma_start3A_22 : memref<128x128xf32, #tpu.memory_space<hbm>>) target(%arg7 : memref<128x128xf32, #tpu.memory_space<vmem>>) target_semaphore(%arg9 : memref<!tpu.dma_semaphore, #tpu.memory_space<semaphore_mem>>)
        %dma_wait3A = tpu.memref_slice %arg2[%mul3A_21, %mul3A_4] : memref<160000x256xf32, #tpu.memory_space<hbm>> -> memref<128x128xf32, #tpu.memory_space<hbm>>
        %dma_wait3A_23 = tpu.memref_slice %arg2[%mul3A_21, %mul3A_4] : memref<160000x256xf32, #tpu.memory_space<hbm>> -> memref<128x128xf32, #tpu.memory_space<hbm>>
        tpu.wait_dma2 semaphore(%arg9 : memref<!tpu.dma_semaphore, #tpu.memory_space<semaphore_mem>>) src(%dma_wait3A_23 : memref<128x128xf32, #tpu.memory_space<hbm>>) dst(%arg7 : memref<128x128xf32, #tpu.memory_space<vmem>>)
        "tpu.region"() ({
          %run_scoped3A = tpu.sem_alloc : memref<!tpu.dma_semaphore, #tpu.memory_space<semaphore_mem>>
          %dma_start3A_24 = arith.constant 0 : i32
          %dma_start3A_25 = arith.constant 0 : i32
          %dma_start3A_26 = tpu.memref_slice %arg8[%dma_start3A_24, %dma_start3A_25] : memref<10112x128xf32, #tpu.memory_space<vmem_shared>> -> memref<10112x128xf32, #tpu.memory_space<vmem_shared>>
          tpu.enqueue_indirect_dma source(%arg7 : memref<128x128xf32, #tpu.memory_space<vmem>>) target(%dma_start3A_26 : memref<10112x128xf32, #tpu.memory_space<vmem_shared>>) offsets(%arg6 : memref<128xi32, #tpu.memory_space<vmem>>) semaphore(%run_scoped3A : memref<!tpu.dma_semaphore, #tpu.memory_space<semaphore_mem>>) {add = true}
          %dma_wait3A_27 = arith.constant 0 : i32
          %dma_wait3A_28 = arith.constant 0 : i32
          %dma_wait3A_29 = tpu.memref_slice %arg8[%dma_wait3A_27, %dma_wait3A_28] : memref<10112x128xf32, #tpu.memory_space<vmem_shared>> -> memref<10112x128xf32, #tpu.memory_space<vmem_shared>>
          tpu.wait_indirect_dma semaphore(%run_scoped3A : memref<!tpu.dma_semaphore, #tpu.memory_space<semaphore_mem>>) src(%arg7 : memref<128x128xf32, #tpu.memory_space<vmem>>) dst(%dma_wait3A_29 : memref<10112x128xf32, #tpu.memory_space<vmem_shared>>)
          tpu.yield
        }) : () -> ()
      } else {
      }
    }
    %scan3A_9 = arith.constant 79 : i32
    %barrier3A_10 = arith.constant 0 : index
    tpu.barrier barrier_id(%barrier3A_10)
    %mul3A_11 = arith.constant 632 : i32
    %mul3A_12 = arith.muli %arg1, %mul3A_11 : i32
    %mul3A_13 = arith.constant 632 : i32
    %mul3A_14 = arith.muli %arg1, %mul3A_13 : i32
    "tpu.region"() ({
      %run_scoped3A = tpu.sem_alloc : memref<!tpu.dma_semaphore, #tpu.memory_space<semaphore_mem>>
      %dma_start3A = arith.constant 0 : i32
      %dma_start3A_15 = tpu.memref_slice %arg5[%arg0, %mul3A_14, %dma_start3A] : memref<2x10112x128xf32, #tpu.memory_space<hbm>> -> memref<1x632x128xf32, #tpu.memory_space<hbm>>
      %dma_start3A_16 = tpu.memref_squeeze %dma_start3A_15 : memref<1x632x128xf32, #tpu.memory_space<hbm>> -> memref<632x128xf32, #tpu.memory_space<hbm>>
      %dma_start3A_17 = arith.constant 0 : i32
      %dma_start3A_18 = tpu.memref_slice %arg8[%mul3A_12, %dma_start3A_17] : memref<10112x128xf32, #tpu.memory_space<vmem_shared>> -> memref<632x128xf32, #tpu.memory_space<vmem_shared>>
      tpu.enqueue_dma source(%dma_start3A_18 : memref<632x128xf32, #tpu.memory_space<vmem_shared>>) target(%dma_start3A_16 : memref<632x128xf32, #tpu.memory_space<hbm>>) target_semaphore(%run_scoped3A : memref<!tpu.dma_semaphore, #tpu.memory_space<semaphore_mem>>)
      %dma_wait3A = arith.constant 0 : i32
      %dma_wait3A_19 = tpu.memref_slice %arg5[%arg0, %mul3A_14, %dma_wait3A] : memref<2x10112x128xf32, #tpu.memory_space<hbm>> -> memref<1x632x128xf32, #tpu.memory_space<hbm>>
      %dma_wait3A_20 = tpu.memref_squeeze %dma_wait3A_19 : memref<1x632x128xf32, #tpu.memory_space<hbm>> -> memref<632x128xf32, #tpu.memory_space<hbm>>
      %dma_wait3A_21 = arith.constant 0 : i32
      %dma_wait3A_22 = tpu.memref_slice %arg8[%mul3A_12, %dma_wait3A_21] : memref<10112x128xf32, #tpu.memory_space<vmem_shared>> -> memref<632x128xf32, #tpu.memory_space<vmem_shared>>
      tpu.wait_dma2 semaphore(%run_scoped3A : memref<!tpu.dma_semaphore, #tpu.memory_space<semaphore_mem>>) src(%dma_wait3A_22 : memref<632x128xf32, #tpu.memory_space<vmem_shared>>) dst(%dma_wait3A_20 : memref<632x128xf32, #tpu.memory_space<hbm>>)
      tpu.yield
    }) : () -> ()
    return
  }
}

#map = affine_map<(d0, d1) -> (0, 0)>
#map1 = affine_map<(d0, d1) -> (0)>
#map2 = affine_map<(d0, d1) -> (0, 0, 0)>
module attributes {stable_mosaic.version = 14 : i64} {
  func.func @k(%arg0: i32, %arg1: i32, %arg2: memref<160000x256xf32, #tpu.memory_space<hbm>>, %arg3: memref<160000xi32, #tpu.memory_space<hbm>>, %arg4: memref<10112x128xf32, #tpu.memory_space<hbm>>, %arg5: memref<2x10112x128xf32, #tpu.memory_space<hbm>>, %arg6: memref<128xi32, #tpu.memory_space<vmem>>, %arg7: memref<128x128xf32, #tpu.memory_space<vmem>>, %arg8: memref<10112x128xf32, #tpu.memory_space<vmem_shared>>, %arg9: memref<!tpu.dma_semaphore, #tpu.memory_space<semaphore_mem>>) attributes {dimension_semantics = [#tpu.dimension_semantics<core_parallel>, #tpu.dimension_semantics<subcore_parallel>], iteration_bounds = array<i64: 2, 16>, scalar_prefetch = 0 : i64, scratch_operands = 4 : i64, tpu.core_type = #tpu.core_type<sc_vector_subcore>, window_params = [{transform_indices = #map}, {transform_indices = #map1}, {transform_indices = #map}, {transform_indices = #map2}]} {
    %mul3A = arith.constant 632 : i32
    %mul3A_0 = arith.muli %arg1, %mul3A : i32
    %mul3A_1 = arith.constant 632 : i32
    %mul3A_2 = arith.muli %arg1, %mul3A_1 : i32
    "tpu.region"() ({
      %run_scoped3A = tpu.sem_alloc : memref<!tpu.dma_semaphore, #tpu.memory_space<semaphore_mem>>
      %dma_start3A = arith.constant 0 : i32
      %dma_start3A_15 = tpu.memref_slice %arg8[%mul3A_2, %dma_start3A] : memref<10112x128xf32, #tpu.memory_space<vmem_shared>> -> memref<632x128xf32, #tpu.memory_space<vmem_shared>>
      %dma_start3A_16 = arith.constant 0 : i32
      %dma_start3A_17 = tpu.memref_slice %arg4[%mul3A_0, %dma_start3A_16] : memref<10112x128xf32, #tpu.memory_space<hbm>> -> memref<632x128xf32, #tpu.memory_space<hbm>>
      tpu.enqueue_dma source(%dma_start3A_17 : memref<632x128xf32, #tpu.memory_space<hbm>>) target(%dma_start3A_15 : memref<632x128xf32, #tpu.memory_space<vmem_shared>>) target_semaphore(%run_scoped3A : memref<!tpu.dma_semaphore, #tpu.memory_space<semaphore_mem>>)
      %dma_wait3A = arith.constant 0 : i32
      %dma_wait3A_18 = tpu.memref_slice %arg8[%mul3A_2, %dma_wait3A] : memref<10112x128xf32, #tpu.memory_space<vmem_shared>> -> memref<632x128xf32, #tpu.memory_space<vmem_shared>>
      %dma_wait3A_19 = arith.constant 0 : i32
      %dma_wait3A_20 = tpu.memref_slice %arg4[%mul3A_0, %dma_wait3A_19] : memref<10112x128xf32, #tpu.memory_space<hbm>> -> memref<632x128xf32, #tpu.memory_space<hbm>>
      tpu.wait_dma2 semaphore(%run_scoped3A : memref<!tpu.dma_semaphore, #tpu.memory_space<semaphore_mem>>) src(%dma_wait3A_20 : memref<632x128xf32, #tpu.memory_space<hbm>>) dst(%dma_wait3A_18 : memref<632x128xf32, #tpu.memory_space<vmem_shared>>)
      tpu.yield
    }) : () -> ()
    %barrier3A = arith.constant 0 : index
    tpu.barrier barrier_id(%barrier3A)
    %mul3A_3 = arith.constant 128 : i32
    %mul3A_4 = arith.muli %arg0, %mul3A_3 : i32
    %scan3A = arith.constant 0 : i32
    %scan3A_5 = arith.constant 0 : i32
    %scan3A_6 = arith.constant 79 : i32
    %scan3A_7 = arith.addi %scan3A_5, %scan3A_6 : i32
    %scan3A_8 = arith.constant 1 : i32
    scf.for %scan3A_15 = %scan3A_5 to %scan3A_7 step %scan3A_8  : i32 {
      %mul3A_16 = arith.constant 16 : i32
      %mul3A_17 = arith.muli %scan3A_15, %mul3A_16 : i32
      %add3A = arith.addi %arg1, %mul3A_17 : i32
      %lt3A = arith.constant 1250 : i32
      %lt3A_18 = arith.cmpi slt, %add3A, %lt3A : i32
      %convert_element_type3A = arith.extui %lt3A_18 : i1 to i32
      %cond3A = arith.constant 0 : i32
      %cond3A_19 = arith.cmpi ne, %convert_element_type3A, %cond3A : i32
      scf.if %cond3A_19 {
        %mul3A_20 = arith.constant 128 : i32
        %mul3A_21 = arith.muli %add3A, %mul3A_20 : i32
        "tpu.region"() ({
          %run_scoped3A = tpu.sem_alloc : memref<!tpu.dma_semaphore, #tpu.memory_space<semaphore_mem>>
          %dma_start3A_24 = tpu.memref_slice %arg3[%mul3A_21] : memref<160000xi32, #tpu.memory_space<hbm>> -> memref<128xi32, #tpu.memory_space<hbm>>
          %dma_start3A_25 = tpu.memref_slice %arg3[%mul3A_21] : memref<160000xi32, #tpu.memory_space<hbm>> -> memref<128xi32, #tpu.memory_space<hbm>>
          tpu.enqueue_dma source(%dma_start3A_25 : memref<128xi32, #tpu.memory_space<hbm>>) target(%arg6 : memref<128xi32, #tpu.memory_space<vmem>>) target_semaphore(%run_scoped3A : memref<!tpu.dma_semaphore, #tpu.memory_space<semaphore_mem>>)
          %dma_wait3A_26 = tpu.memref_slice %arg3[%mul3A_21] : memref<160000xi32, #tpu.memory_space<hbm>> -> memref<128xi32, #tpu.memory_space<hbm>>
          %dma_wait3A_27 = tpu.memref_slice %arg3[%mul3A_21] : memref<160000xi32, #tpu.memory_space<hbm>> -> memref<128xi32, #tpu.memory_space<hbm>>
          tpu.wait_dma2 semaphore(%run_scoped3A : memref<!tpu.dma_semaphore, #tpu.memory_space<semaphore_mem>>) src(%dma_wait3A_27 : memref<128xi32, #tpu.memory_space<hbm>>) dst(%arg6 : memref<128xi32, #tpu.memory_space<vmem>>)
          tpu.yield
        }) : () -> ()
        %dma_start3A = tpu.memref_slice %arg2[%mul3A_21, %mul3A_4] : memref<160000x256xf32, #tpu.memory_space<hbm>> -> memref<128x128xf32, #tpu.memory_space<hbm>>
        %dma_start3A_22 = tpu.memref_slice %arg2[%mul3A_21, %mul3A_4] : memref<160000x256xf32, #tpu.memory_space<hbm>> -> memref<128x128xf32, #tpu.memory_space<hbm>>
        tpu.enqueue_dma source(%dma_start3A_22 : memref<128x128xf32, #tpu.memory_space<hbm>>) target(%arg7 : memref<128x128xf32, #tpu.memory_space<vmem>>) target_semaphore(%arg9 : memref<!tpu.dma_semaphore, #tpu.memory_space<semaphore_mem>>)
        %dma_wait3A = tpu.memref_slice %arg2[%mul3A_21, %mul3A_4] : memref<160000x256xf32, #tpu.memory_space<hbm>> -> memref<128x128xf32, #tpu.memory_space<hbm>>
        %dma_wait3A_23 = tpu.memref_slice %arg2[%mul3A_21, %mul3A_4] : memref<160000x256xf32, #tpu.memory_space<hbm>> -> memref<128x128xf32, #tpu.memory_space<hbm>>
        tpu.wait_dma2 semaphore(%arg9 : memref<!tpu.dma_semaphore, #tpu.memory_space<semaphore_mem>>) src(%dma_wait3A_23 : memref<128x128xf32, #tpu.memory_space<hbm>>) dst(%arg7 : memref<128x128xf32, #tpu.memory_space<vmem>>)
        "tpu.region"() ({
          %run_scoped3A = tpu.sem_alloc : memref<!tpu.dma_semaphore, #tpu.memory_space<semaphore_mem>>
          %dma_start3A_24 = arith.constant 0 : i32
          %dma_start3A_25 = arith.constant 0 : i32
          %dma_start3A_26 = tpu.memref_slice %arg8[%dma_start3A_24, %dma_start3A_25] : memref<10112x128xf32, #tpu.memory_space<vmem_shared>> -> memref<10112x128xf32, #tpu.memory_space<vmem_shared>>
          tpu.enqueue_indirect_dma source(%arg7 : memref<128x128xf32, #tpu.memory_space<vmem>>) target(%dma_start3A_26 : memref<10112x128xf32, #tpu.memory_space<vmem_shared>>) offsets(%arg6 : memref<128xi32, #tpu.memory_space<vmem>>) semaphore(%run_scoped3A : memref<!tpu.dma_semaphore, #tpu.memory_space<semaphore_mem>>) {add = true}
          %dma_wait3A_27 = arith.constant 0 : i32
          %dma_wait3A_28 = arith.constant 0 : i32
          %dma_wait3A_29 = tpu.memref_slice %arg8[%dma_wait3A_27, %dma_wait3A_28] : memref<10112x128xf32, #tpu.memory_space<vmem_shared>> -> memref<10112x128xf32, #tpu.memory_space<vmem_shared>>
          tpu.wait_indirect_dma semaphore(%run_scoped3A : memref<!tpu.dma_semaphore, #tpu.memory_space<semaphore_mem>>) src(%arg7 : memref<128x128xf32, #tpu.memory_space<vmem>>) dst(%dma_wait3A_29 : memref<10112x128xf32, #tpu.memory_space<vmem_shared>>)
          tpu.yield
        }) : () -> ()
      } else {
      }
    }
    %scan3A_9 = arith.constant 79 : i32
    %barrier3A_10 = arith.constant 0 : index
    tpu.barrier barrier_id(%barrier3A_10)
    %mul3A_11 = arith.constant 632 : i32
    %mul3A_12 = arith.muli %arg1, %mul3A_11 : i32
    %mul3A_13 = arith.constant 632 : i32
    %mul3A_14 = arith.muli %arg1, %mul3A_13 : i32
    "tpu.region"() ({
      %run_scoped3A = tpu.sem_alloc : memref<!tpu.dma_semaphore, #tpu.memory_space<semaphore_mem>>
      %dma_start3A = arith.constant 0 : i32
      %dma_start3A_15 = tpu.memref_slice %arg5[%arg0, %mul3A_14, %dma_start3A] : memref<2x10112x128xf32, #tpu.memory_space<hbm>> -> memref<1x632x128xf32, #tpu.memory_space<hbm>>
      %dma_start3A_16 = tpu.memref_squeeze %dma_start3A_15 : memref<1x632x128xf32, #tpu.memory_space<hbm>> -> memref<632x128xf32, #tpu.memory_space<hbm>>
      %dma_start3A_17 = arith.constant 0 : i32
      %dma_start3A_18 = tpu.memref_slice %arg8[%mul3A_12, %dma_start3A_17] : memref<10112x128xf32, #tpu.memory_space<vmem_shared>> -> memref<632x128xf32, #tpu.memory_space<vmem_shared>>
      tpu.enqueue_dma source(%dma_start3A_18 : memref<632x128xf32, #tpu.memory_space<vmem_shared>>) target(%dma_start3A_16 : memref<632x128xf32, #tpu.memory_space<hbm>>) target_semaphore(%run_scoped3A : memref<!tpu.dma_semaphore, #tpu.memory_space<semaphore_mem>>)
      %dma_wait3A = arith.constant 0 : i32
      %dma_wait3A_19 = tpu.memref_slice %arg5[%arg0, %mul3A_14, %dma_wait3A] : memref<2x10112x128xf32, #tpu.memory_space<hbm>> -> memref<1x632x128xf32, #tpu.memory_space<hbm>>
      %dma_wait3A_20 = tpu.memref_squeeze %dma_wait3A_19 : memref<1x632x128xf32, #tpu.memory_space<hbm>> -> memref<632x128xf32, #tpu.memory_space<hbm>>
      %dma_wait3A_21 = arith.constant 0 : i32
      %dma_wait3A_22 = tpu.memref_slice %arg8[%mul3A_12, %dma_wait3A_21] : memref<10112x128xf32, #tpu.memory_space<vmem_shared>> -> memref<632x128xf32, #tpu.memory_space<vmem_shared>>
      tpu.wait_dma2 semaphore(%run_scoped3A : memref<!tpu.dma_semaphore, #tpu.memory_space<semaphore_mem>>) src(%dma_wait3A_22 : memref<632x128xf32, #tpu.memory_space<vmem_shared>>) dst(%dma_wait3A_20 : memref<632x128xf32, #tpu.memory_space<hbm>>)
      tpu.yield
    }) : () -> ()
    return
  }
}

module attributes {stable_mosaic.version = 14 : i64} {
  func.func @_node_tables_body(%arg0: i32, %arg1: memref<1000x128xf32, #tpu.memory_space<vmem>>, %arg2: memref<128x256xf32, #tpu.memory_space<vmem>>, %arg3: memref<1x256xf32, #tpu.memory_space<vmem>>, %arg4: memref<128x128xf32, #tpu.memory_space<vmem>>, %arg5: memref<1x128xf32, #tpu.memory_space<vmem>>, %arg6: memref<1000x256xf32, #tpu.memory_space<vmem>>, %arg7: memref<1000x128xf32, #tpu.memory_space<vmem>>) attributes {dimension_semantics = [#tpu.dimension_semantics<arbitrary>], iteration_bounds = array<i64: 10>, scalar_prefetch = 0 : i64, scratch_operands = 0 : i64, tpu.core_type = #tpu.core_type<tc>, window_params = [{transform_indices = @transform_0, window_bounds = array<i64: 1000, 128>}, {pipeline_mode = #tpu.pipeline_mode<synchronous>, transform_indices = @transform_1, window_bounds = array<i64: 128, 256>}, {pipeline_mode = #tpu.pipeline_mode<synchronous>, transform_indices = @transform_2, window_bounds = array<i64: 1, 256>}, {pipeline_mode = #tpu.pipeline_mode<synchronous>, transform_indices = @transform_3, window_bounds = array<i64: 128, 128>}, {pipeline_mode = #tpu.pipeline_mode<synchronous>, transform_indices = @transform_4, window_bounds = array<i64: 1, 128>}, {transform_indices = @transform_5, window_bounds = array<i64: 1000, 256>}, {transform_indices = @transform_6, window_bounds = array<i64: 1000, 128>}]} {
    %get3A = arith.constant 0 : index
    %get3A_0 = arith.constant 0 : index
    %get3A_1 = vector.load %arg1[%get3A, %get3A_0] : memref<1000x128xf32, #tpu.memory_space<vmem>>, vector<1000x128xf32>
    %get3A_2 = arith.constant 0 : index
    %get3A_3 = arith.constant 0 : index
    %get3A_4 = vector.load %arg2[%get3A_2, %get3A_3] : memref<128x256xf32, #tpu.memory_space<vmem>>, vector<128x256xf32>
    %dot_general3A = arith.constant dense<0.000000e+00> : vector<1000x256xf32>
    %dot_general3A_5 = tpu.matmul %get3A_1, %get3A_4, %dot_general3A {dimension_numbers = #tpu.dot_dimension_numbers<[1], [0], [0], [1], [0, 0, 1, 1], [], []>, transpose_lhs_hint = false} : vector<1000x128xf32>, vector<128x256xf32>, vector<1000x256xf32> -> vector<1000x256xf32>
    %get3A_6 = arith.constant 0 : index
    %get3A_7 = arith.constant 0 : index
    %get3A_8 = vector.load %arg3[%get3A_6, %get3A_7] : memref<1x256xf32, #tpu.memory_space<vmem>>, vector<1x256xf32>
    %add3A = vector.broadcast %get3A_8 : vector<1x256xf32> to vector<1000x256xf32>
    %add3A_9 = arith.addf %dot_general3A_5, %add3A : vector<1000x256xf32>
    %swap3A = arith.constant 0 : index
    %swap3A_10 = arith.constant 0 : index
    %swap3A_11 = vector.load %arg6[%swap3A, %swap3A_10] : memref<1000x256xf32, #tpu.memory_space<vmem>>, vector<1000x256xf32>
    tpu.vector_store %arg6[%swap3A, %swap3A_10], %add3A_9 {strides = array<i32>} : memref<1000x256xf32, #tpu.memory_space<vmem>>, vector<1000x256xf32>,
    %get3A_12 = arith.constant 0 : index
    %get3A_13 = arith.constant 0 : index
    %get3A_14 = vector.load %arg4[%get3A_12, %get3A_13] : memref<128x128xf32, #tpu.memory_space<vmem>>, vector<128x128xf32>
    %dot_general3A_15 = arith.constant dense<0.000000e+00> : vector<1000x128xf32>
    %dot_general3A_16 = tpu.matmul %get3A_1, %get3A_14, %dot_general3A_15 {dimension_numbers = #tpu.dot_dimension_numbers<[1], [0], [0], [1], [0, 0, 1, 1], [], []>, transpose_lhs_hint = false} : vector<1000x128xf32>, vector<128x128xf32>, vector<1000x128xf32> -> vector<1000x128xf32>
    %get3A_17 = arith.constant 0 : index
    %get3A_18 = arith.constant 0 : index
    %get3A_19 = vector.load %arg5[%get3A_17, %get3A_18] : memref<1x128xf32, #tpu.memory_space<vmem>>, vector<1x128xf32>
    %add3A_20 = vector.broadcast %get3A_19 : vector<1x128xf32> to vector<1000x128xf32>
    %add3A_21 = arith.addf %dot_general3A_16, %add3A_20 : vector<1000x128xf32>
    %swap3A_22 = arith.constant 0 : index
    %swap3A_23 = arith.constant 0 : index
    %swap3A_24 = vector.load %arg7[%swap3A_22, %swap3A_23] : memref<1000x128xf32, #tpu.memory_space<vmem>>, vector<1000x128xf32>
    tpu.vector_store %arg7[%swap3A_22, %swap3A_23], %add3A_21 {strides = array<i32>} : memref<1000x128xf32, #tpu.memory_space<vmem>>, vector<1000x128xf32>,
    return
  }
  func.func @transform_0(%arg0: i32) -> (i32, i32) {
    %c0_i32 = arith.constant 0 : i32
    %c0_i32_0 = arith.constant 0 : i32
    return %arg0, %c0_i32 : i32, i32
  }
  func.func @transform_1(%arg0: i32) -> (i32, i32) {
    %c0_i32 = arith.constant 0 : i32
    %c0_i32_0 = arith.constant 0 : i32
    %c0_i32_1 = arith.constant 0 : i32
    return %c0_i32, %c0_i32_0 : i32, i32
  }
  func.func @transform_2(%arg0: i32) -> (i32, i32) {
    %c0_i32 = arith.constant 0 : i32
    %c0_i32_0 = arith.constant 0 : i32
    %c0_i32_1 = arith.constant 0 : i32
    return %c0_i32, %c0_i32_0 : i32, i32
  }
  func.func @transform_3(%arg0: i32) -> (i32, i32) {
    %c0_i32 = arith.constant 0 : i32
    %c0_i32_0 = arith.constant 0 : i32
    %c0_i32_1 = arith.constant 0 : i32
    return %c0_i32, %c0_i32_0 : i32, i32
  }
  func.func @transform_4(%arg0: i32) -> (i32, i32) {
    %c0_i32 = arith.constant 0 : i32
    %c0_i32_0 = arith.constant 0 : i32
    %c0_i32_1 = arith.constant 0 : i32
    return %c0_i32, %c0_i32_0 : i32, i32
  }
  func.func @transform_5(%arg0: i32) -> (i32, i32) {
    %c0_i32 = arith.constant 0 : i32
    %c0_i32_0 = arith.constant 0 : i32
    return %arg0, %c0_i32 : i32, i32
  }
  func.func @transform_6(%arg0: i32) -> (i32, i32) {
    %c0_i32 = arith.constant 0 : i32
    %c0_i32_0 = arith.constant 0 : i32
    return %arg0, %c0_i32 : i32, i32
  }
}

module attributes {stable_mosaic.version = 14 : i64} {
  func.func @_embed_body(%arg0: i32, %arg1: memref<1000x128xf32, #tpu.memory_space<vmem>>, %arg2: memref<128x128xf32, #tpu.memory_space<vmem>>, %arg3: memref<1000x128xf32, #tpu.memory_space<vmem>>) attributes {dimension_semantics = [#tpu.dimension_semantics<arbitrary>], iteration_bounds = array<i64: 10>, scalar_prefetch = 0 : i64, scratch_operands = 0 : i64, tpu.core_type = #tpu.core_type<tc>, window_params = [{transform_indices = @transform_0, window_bounds = array<i64: 1000, 128>}, {pipeline_mode = #tpu.pipeline_mode<synchronous>, transform_indices = @transform_1, window_bounds = array<i64: 128, 128>}, {transform_indices = @transform_2, window_bounds = array<i64: 1000, 128>}]} {
    %get3A = arith.constant 0 : index
    %get3A_0 = arith.constant 0 : index
    %get3A_1 = vector.load %arg1[%get3A, %get3A_0] : memref<1000x128xf32, #tpu.memory_space<vmem>>, vector<1000x128xf32>
    %get3A_2 = arith.constant 0 : index
    %get3A_3 = arith.constant 0 : index
    %get3A_4 = vector.load %arg2[%get3A_2, %get3A_3] : memref<128x128xf32, #tpu.memory_space<vmem>>, vector<128x128xf32>
    %dot_general3A = arith.constant dense<0.000000e+00> : vector<1000x128xf32>
    %dot_general3A_5 = tpu.matmul %get3A_1, %get3A_4, %dot_general3A {dimension_numbers = #tpu.dot_dimension_numbers<[1], [0], [0], [1], [0, 0, 1, 1], [], []>, transpose_lhs_hint = false} : vector<1000x128xf32>, vector<128x128xf32>, vector<1000x128xf32> -> vector<1000x128xf32>
    %swap3A = arith.constant 0 : index
    %swap3A_6 = arith.constant 0 : index
    %swap3A_7 = vector.load %arg3[%swap3A, %swap3A_6] : memref<1000x128xf32, #tpu.memory_space<vmem>>, vector<1000x128xf32>
    tpu.vector_store %arg3[%swap3A, %swap3A_6], %dot_general3A_5 {strides = array<i32>} : memref<1000x128xf32, #tpu.memory_space<vmem>>, vector<1000x128xf32>,
    return
  }
  func.func @transform_0(%arg0: i32) -> (i32, i32) {
    %c0_i32 = arith.constant 0 : i32
    %c0_i32_0 = arith.constant 0 : i32
    return %arg0, %c0_i32 : i32, i32
  }
  func.func @transform_1(%arg0: i32) -> (i32, i32) {
    %c0_i32 = arith.constant 0 : i32
    %c0_i32_0 = arith.constant 0 : i32
    %c0_i32_1 = arith.constant 0 : i32
    return %c0_i32, %c0_i32_0 : i32, i32
  }
  func.func @transform_2(%arg0: i32) -> (i32, i32) {
    %c0_i32 = arith.constant 0 : i32
    %c0_i32_0 = arith.constant 0 : i32
    return %arg0, %c0_i32 : i32, i32
  }
}

module attributes {stable_mosaic.version = 14 : i64} {
  func.func @_edge_score_body(%arg0: i32, %arg1: memref<1600x256xf32, #tpu.memory_space<vmem>>, %arg2: memref<1600x128xf32, #tpu.memory_space<vmem>>, %arg3: memref<1600x4xf32, #tpu.memory_space<vmem>>, %arg4: memref<1600x1xf32, #tpu.memory_space<vmem>>, %arg5: memref<4x128xf32, #tpu.memory_space<vmem>>, %arg6: memref<1x128xf32, #tpu.memory_space<vmem>>, %arg7: memref<2x8xf32, #tpu.memory_space<vmem>>, %arg8: memref<128x8xf32, #tpu.memory_space<vmem>>, %arg9: memref<8x128xf32, #tpu.memory_space<vmem>>, %arg10: memref<1600x256xf32, #tpu.memory_space<vmem>>) attributes {dimension_semantics = [#tpu.dimension_semantics<arbitrary>], iteration_bounds = array<i64: 100>, scalar_prefetch = 0 : i64, scratch_operands = 0 : i64, tpu.core_type = #tpu.core_type<tc>, window_params = [{transform_indices = @transform_0, window_bounds = array<i64: 1600, 256>}, {transform_indices = @transform_1, window_bounds = array<i64: 1600, 128>}, {transform_indices = @transform_2, window_bounds = array<i64: 1600, 4>}, {transform_indices = @transform_3, window_bounds = array<i64: 1600, 1>}, {pipeline_mode = #tpu.pipeline_mode<synchronous>, transform_indices = @transform_4, window_bounds = array<i64: 4, 128>}, {pipeline_mode = #tpu.pipeline_mode<synchronous>, transform_indices = @transform_5, window_bounds = array<i64: 1, 128>}, {pipeline_mode = #tpu.pipeline_mode<synchronous>, transform_indices = @transform_6, window_bounds = array<i64: 2, 8>}, {pipeline_mode = #tpu.pipeline_mode<synchronous>, transform_indices = @transform_7, window_bounds = array<i64: 128, 8>}, {pipeline_mode = #tpu.pipeline_mode<synchronous>, transform_indices = @transform_8, window_bounds = array<i64: 8, 128>}, {transform_indices = @transform_9, window_bounds = array<i64: 1600, 256>}]} {
    %get3A = arith.constant 0 : index
    %get3A_0 = arith.constant 0 : index
    %get3A_1 = vector.load %arg1[%get3A, %get3A_0] : memref<1600x256xf32, #tpu.memory_space<vmem>>, vector<1600x256xf32>
    %slice3A = vector.extract_strided_slice %get3A_1 {offsets = [0, 0], sizes = [1600, 128], strides = [1, 1]} : vector<1600x256xf32> to vector<1600x128xf32>
    %slice3A_2 = vector.extract_strided_slice %get3A_1 {offsets = [0, 128], sizes = [1600, 128], strides = [1, 1]} : vector<1600x256xf32> to vector<1600x128xf32>
    %get3A_3 = arith.constant 0 : index
    %get3A_4 = arith.constant 0 : index
    %get3A_5 = vector.load %arg2[%get3A_3, %get3A_4] : memref<1600x128xf32, #tpu.memory_space<vmem>>, vector<1600x128xf32>
    %get3A_6 = arith.constant 0 : index
    %get3A_7 = arith.constant 0 : index
    %get3A_8 = vector.load %arg3[%get3A_6, %get3A_7] : memref<1600x4xf32, #tpu.memory_space<vmem>>, vector<1600x4xf32>
    %get3A_9 = arith.constant 0 : index
    %get3A_10 = arith.constant 0 : index
    %get3A_11 = vector.load %arg5[%get3A_9, %get3A_10] : memref<4x128xf32, #tpu.memory_space<vmem>>, vector<4x128xf32>
    %dot_general3A = arith.constant dense<0.000000e+00> : vector<1600x128xf32>
    %dot_general3A_12 = tpu.matmul %get3A_8, %get3A_11, %dot_general3A {dimension_numbers = #tpu.dot_dimension_numbers<[1], [0], [0], [1], [0, 0, 1, 1], [], []>, transpose_lhs_hint = false} : vector<1600x4xf32>, vector<4x128xf32>, vector<1600x128xf32> -> vector<1600x128xf32>
    %get3A_13 = arith.constant 0 : index
    %get3A_14 = arith.constant 0 : index
    %get3A_15 = vector.load %arg6[%get3A_13, %get3A_14] : memref<1x128xf32, #tpu.memory_space<vmem>>, vector<1x128xf32>
    %add3A = vector.broadcast %get3A_15 : vector<1x128xf32> to vector<1600x128xf32>
    %add3A_16 = arith.addf %dot_general3A_12, %add3A : vector<1600x128xf32>
    %add3A_17 = arith.addf %slice3A, %add3A_16 : vector<1600x128xf32>
    %add3A_18 = arith.addf %get3A_5, %add3A_16 : vector<1600x128xf32>
    %mul3A = arith.mulf %add3A_17, %add3A_18 : vector<1600x128xf32>
    %get3A_19 = arith.constant 0 : index
    %get3A_20 = arith.constant 0 : index
    %get3A_21 = vector.load %arg8[%get3A_19, %get3A_20] : memref<128x8xf32, #tpu.memory_space<vmem>>, vector<128x8xf32>
    %dot_general3A_22 = arith.constant dense<0.000000e+00> : vector<1600x8xf32>
    %dot_general3A_23 = tpu.matmul %mul3A, %get3A_21, %dot_general3A_22 {dimension_numbers = #tpu.dot_dimension_numbers<[1], [0], [0], [1], [0, 0, 1, 1], [], []>, transpose_lhs_hint = false} : vector<1600x128xf32>, vector<128x8xf32>, vector<1600x8xf32> -> vector<1600x8xf32>
    %get3A_24 = arith.constant 0 : index
    %get3A_25 = arith.constant 0 : index
    %get3A_26 = vector.load %arg7[%get3A_24, %get3A_25] : memref<2x8xf32, #tpu.memory_space<vmem>>, vector<2x8xf32>
    %get3A_27 = arith.constant 0 : index
    %get3A_28 = arith.constant 0 : index
    %get3A_29 = vector.load %arg4[%get3A_27, %get3A_28] : memref<1600x1xf32, #tpu.memory_space<vmem>>, vector<1600x1xf32>
    %slice3A_30 = vector.extract_strided_slice %get3A_26 {offsets = [0, 0], sizes = [1, 8], strides = [1, 1]} : vector<2x8xf32> to vector<1x8xf32>
    %squeeze3A = vector.shape_cast %slice3A_30 : vector<1x8xf32> to vector<8xf32>
    %broadcast_in_dim3A = vector.shape_cast %squeeze3A : vector<8xf32> to vector<1x8xf32>
    %mul3A_31 = vector.broadcast %get3A_29 : vector<1600x1xf32> to vector<1600x8xf32>
    %mul3A_32 = vector.broadcast %broadcast_in_dim3A : vector<1x8xf32> to vector<1600x8xf32>
    %mul3A_33 = arith.mulf %mul3A_31, %mul3A_32 : vector<1600x8xf32>
    %add3A_34 = arith.addf %dot_general3A_23, %mul3A_33 : vector<1600x8xf32>
    %slice3A_35 = vector.extract_strided_slice %get3A_26 {offsets = [1, 0], sizes = [1, 8], strides = [1, 1]} : vector<2x8xf32> to vector<1x8xf32>
    %squeeze3A_36 = vector.shape_cast %slice3A_35 : vector<1x8xf32> to vector<8xf32>
    %broadcast_in_dim3A_37 = vector.shape_cast %squeeze3A_36 : vector<8xf32> to vector<1x8xf32>
    %add3A_38 = vector.broadcast %broadcast_in_dim3A_37 : vector<1x8xf32> to vector<1600x8xf32>
    %add3A_39 = arith.addf %add3A_34, %add3A_38 : vector<1600x8xf32>
    %jit3A = arith.constant -8.000000e+00 : f32
    %jit3A_40 = arith.constant 8.000000e+00 : f32
    %max3A = vector.broadcast %jit3A : f32 to vector<1600x8xf32>
    %max3A_41 = arith.maximumf %max3A, %add3A_39 : vector<1600x8xf32>
    %min3A = vector.broadcast %jit3A_40 : f32 to vector<1600x8xf32>
    %min3A_42 = arith.minimumf %min3A, %max3A_41 : vector<1600x8xf32>
    %exp3A = math.exp %min3A_42 : vector<1600x8xf32>
    %get3A_43 = arith.constant 0 : index
    %get3A_44 = arith.constant 0 : index
    %get3A_45 = vector.load %arg9[%get3A_43, %get3A_44] : memref<8x128xf32, #tpu.memory_space<vmem>>, vector<8x128xf32>
    %dot_general3A_46 = arith.constant dense<0.000000e+00> : vector<1600x128xf32>
    %dot_general3A_47 = tpu.matmul %exp3A, %get3A_45, %dot_general3A_46 {dimension_numbers = #tpu.dot_dimension_numbers<[1], [0], [0], [1], [0, 0, 1, 1], [], []>, transpose_lhs_hint = false} : vector<1600x8xf32>, vector<8x128xf32>, vector<1600x128xf32> -> vector<1600x128xf32>
    %mul3A_48 = arith.mulf %slice3A_2, %dot_general3A_47 : vector<1600x128xf32>
    %swap3A = arith.constant 0 : index
    %swap3A_49 = arith.constant 0 : index
    %swap3A_50 = vector.load %arg10[%swap3A, %swap3A_49] : memref<1600x256xf32, #tpu.memory_space<vmem>>, vector<1600x128xf32>
    tpu.vector_store %arg10[%swap3A, %swap3A_49], %mul3A_48 {strides = array<i32>} : memref<1600x256xf32, #tpu.memory_space<vmem>>, vector<1600x128xf32>,
    %jit3A_51 = arith.constant 0 : i32
    %convert_element_type3A = arith.sitofp %jit3A_51 : i32 to f32
    %pad3A = vector.broadcast %convert_element_type3A : f32 to vector<1600x120xf32>
    %pad3A_52 = tpu.concatenate %exp3A, %pad3A in 1 : vector<1600x8xf32>, vector<1600x120xf32> -> vector<1600x128xf32>
    %swap3A_53 = arith.constant 0 : index
    %swap3A_54 = arith.constant 128 : index
    %swap3A_55 = vector.load %arg10[%swap3A_53, %swap3A_54] : memref<1600x256xf32, #tpu.memory_space<vmem>>, vector<1600x128xf32>
    tpu.vector_store %arg10[%swap3A_53, %swap3A_54], %pad3A_52 {strides = array<i32>} : memref<1600x256xf32, #tpu.memory_space<vmem>>, vector<1600x128xf32>,
    return
  }
  func.func @transform_0(%arg0: i32) -> (i32, i32) {
    %c0_i32 = arith.constant 0 : i32
    %c0_i32_0 = arith.constant 0 : i32
    return %arg0, %c0_i32 : i32, i32
  }
  func.func @transform_1(%arg0: i32) -> (i32, i32) {
    %c0_i32 = arith.constant 0 : i32
    %c0_i32_0 = arith.constant 0 : i32
    return %arg0, %c0_i32 : i32, i32
  }
  func.func @transform_2(%arg0: i32) -> (i32, i32) {
    %c0_i32 = arith.constant 0 : i32
    %c0_i32_0 = arith.constant 0 : i32
    return %arg0, %c0_i32 : i32, i32
  }
  func.func @transform_3(%arg0: i32) -> (i32, i32) {
    %c0_i32 = arith.constant 0 : i32
    %c0_i32_0 = arith.constant 0 : i32
    return %arg0, %c0_i32 : i32, i32
  }
  func.func @transform_4(%arg0: i32) -> (i32, i32) {
    %c0_i32 = arith.constant 0 : i32
    %c0_i32_0 = arith.constant 0 : i32
    %c0_i32_1 = arith.constant 0 : i32
    return %c0_i32, %c0_i32_0 : i32, i32
  }
  func.func @transform_5(%arg0: i32) -> (i32, i32) {
    %c0_i32 = arith.constant 0 : i32
    %c0_i32_0 = arith.constant 0 : i32
    %c0_i32_1 = arith.constant 0 : i32
    return %c0_i32, %c0_i32_0 : i32, i32
  }
  func.func @transform_6(%arg0: i32) -> (i32, i32) {
    %c0_i32 = arith.constant 0 : i32
    %c0_i32_0 = arith.constant 0 : i32
    %c0_i32_1 = arith.constant 0 : i32
    return %c0_i32, %c0_i32_0 : i32, i32
  }
  func.func @transform_7(%arg0: i32) -> (i32, i32) {
    %c0_i32 = arith.constant 0 : i32
    %c0_i32_0 = arith.constant 0 : i32
    %c0_i32_1 = arith.constant 0 : i32
    return %c0_i32, %c0_i32_0 : i32, i32
  }
  func.func @transform_8(%arg0: i32) -> (i32, i32) {
    %c0_i32 = arith.constant 0 : i32
    %c0_i32_0 = arith.constant 0 : i32
    %c0_i32_1 = arith.constant 0 : i32
    return %c0_i32, %c0_i32_0 : i32, i32
  }
  func.func @transform_9(%arg0: i32) -> (i32, i32) {
    %c0_i32 = arith.constant 0 : i32
    %c0_i32_0 = arith.constant 0 : i32
    return %arg0, %c0_i32 : i32, i32
  }
}

module attributes {stable_mosaic.version = 14 : i64} {
  func.func @body(%arg0: i32, %arg1: memref<2x1000x128xf32, #tpu.memory_space<vmem>>, %arg2: memref<2x1000x128xf32, #tpu.memory_space<vmem>>, %arg3: memref<1000x128xf32, #tpu.memory_space<vmem>>, %arg4: memref<128x128xf32, #tpu.memory_space<vmem>>, %arg5: memref<128xf32, #tpu.memory_space<vmem>>, %arg6: memref<1x128xf32, #tpu.memory_space<vmem>>, %arg7: memref<1x128xf32, #tpu.memory_space<vmem>>, %arg8: memref<128x256xf32, #tpu.memory_space<vmem>>, %arg9: memref<1x256xf32, #tpu.memory_space<vmem>>, %arg10: memref<256x128xf32, #tpu.memory_space<vmem>>, %arg11: memref<1x128xf32, #tpu.memory_space<vmem>>, %arg12: memref<1x128xf32, #tpu.memory_space<vmem>>, %arg13: memref<1x128xf32, #tpu.memory_space<vmem>>, %arg14: memref<8x128xf32, #tpu.memory_space<vmem>>, %arg15: memref<1000x128xf32, #tpu.memory_space<vmem>>) attributes {dimension_semantics = [#tpu.dimension_semantics<arbitrary>], iteration_bounds = array<i64: 10>, scalar_prefetch = 0 : i64, scratch_operands = 0 : i64, tpu.core_type = #tpu.core_type<tc>, window_params = [{transform_indices = @transform_0, window_bounds = array<i64: 2, 1000, 128>}, {transform_indices = @transform_1, window_bounds = array<i64: 2, 1000, 128>}, {transform_indices = @transform_2, window_bounds = array<i64: 1000, 128>}, {pipeline_mode = #tpu.pipeline_mode<synchronous>, transform_indices = @transform_3, window_bounds = array<i64: 128, 128>}, {pipeline_mode = #tpu.pipeline_mode<synchronous>, transform_indices = @transform_4, window_bounds = array<i64: 128>}, {pipeline_mode = #tpu.pipeline_mode<synchronous>, transform_indices = @transform_5, window_bounds = array<i64: 1, 128>}, {pipeline_mode = #tpu.pipeline_mode<synchronous>, transform_indices = @transform_6, window_bounds = array<i64: 1, 128>}, {pipeline_mode = #tpu.pipeline_mode<synchronous>, transform_indices = @transform_7, window_bounds = array<i64: 128, 256>}, {pipeline_mode = #tpu.pipeline_mode<synchronous>, transform_indices = @transform_8, window_bounds = array<i64: 1, 256>}, {pipeline_mode = #tpu.pipeline_mode<synchronous>, transform_indices = @transform_9, window_bounds = array<i64: 256, 128>}, {pipeline_mode = #tpu.pipeline_mode<synchronous>, transform_indices = @transform_10, window_bounds = array<i64: 1, 128>}, {pipeline_mode = #tpu.pipeline_mode<synchronous>, transform_indices = @transform_11, window_bounds = array<i64: 1, 128>}, {pipeline_mode = #tpu.pipeline_mode<synchronous>, transform_indices = @transform_12, window_bounds = array<i64: 1, 128>}, {pipeline_mode = #tpu.pipeline_mode<synchronous>, transform_indices = @transform_13, window_bounds = array<i64: 8, 128>}, {transform_indices = @transform_14, window_bounds = array<i64: 1000, 128>}]} {
    %get3A = arith.constant 0 : index
    %get3A_0 = arith.constant 0 : index
    %get3A_1 = arith.constant 0 : index
    %get3A_2 = vector.load %arg1[%get3A, %get3A_0, %get3A_1] : memref<2x1000x128xf32, #tpu.memory_space<vmem>>, vector<1x1000x128xf32>
    %get3A_3 = vector.shape_cast %get3A_2 : vector<1x1000x128xf32> to vector<1000x128xf32>
    %get3A_4 = arith.constant 1 : index
    %get3A_5 = arith.constant 0 : index
    %get3A_6 = arith.constant 0 : index
    %get3A_7 = vector.load %arg1[%get3A_4, %get3A_5, %get3A_6] : memref<2x1000x128xf32, #tpu.memory_space<vmem>>, vector<1x1000x128xf32>
    %get3A_8 = vector.shape_cast %get3A_7 : vector<1x1000x128xf32> to vector<1000x128xf32>
    %slice3A = vector.extract_strided_slice %get3A_8 {offsets = [0, 0], sizes = [1000, 8], strides = [1, 1]} : vector<1000x128xf32> to vector<1000x8xf32>
    %get3A_9 = arith.constant 0 : index
    %get3A_10 = arith.constant 0 : index
    %get3A_11 = arith.constant 0 : index
    %get3A_12 = vector.load %arg2[%get3A_9, %get3A_10, %get3A_11] : memref<2x1000x128xf32, #tpu.memory_space<vmem>>, vector<1x1000x128xf32>
    %get3A_13 = vector.shape_cast %get3A_12 : vector<1x1000x128xf32> to vector<1000x128xf32>
    %add3A = arith.addf %get3A_3, %get3A_13 : vector<1000x128xf32>
    %get3A_14 = arith.constant 1 : index
    %get3A_15 = arith.constant 0 : index
    %get3A_16 = arith.constant 0 : index
    %get3A_17 = vector.load %arg2[%get3A_14, %get3A_15, %get3A_16] : memref<2x1000x128xf32, #tpu.memory_space<vmem>>, vector<1x1000x128xf32>
    %get3A_18 = vector.shape_cast %get3A_17 : vector<1x1000x128xf32> to vector<1000x128xf32>
    %slice3A_19 = vector.extract_strided_slice %get3A_18 {offsets = [0, 0], sizes = [1000, 8], strides = [1, 1]} : vector<1000x128xf32> to vector<1000x8xf32>
    %add3A_20 = arith.addf %slice3A, %slice3A_19 : vector<1000x8xf32>
    %get3A_21 = arith.constant 0 : index
    %get3A_22 = arith.constant 0 : index
    %get3A_23 = vector.load %arg14[%get3A_21, %get3A_22] : memref<8x128xf32, #tpu.memory_space<vmem>>, vector<8x128xf32>
    %dot_general3A = arith.constant dense<0.000000e+00> : vector<1000x128xf32>
    %dot_general3A_24 = tpu.matmul %add3A_20, %get3A_23, %dot_general3A {dimension_numbers = #tpu.dot_dimension_numbers<[1], [0], [0], [1], [0, 0, 1, 1], [], []>, transpose_lhs_hint = false} : vector<1000x8xf32>, vector<8x128xf32>, vector<1000x128xf32> -> vector<1000x128xf32>
    %add3A_25 = arith.constant 9.99999997E-7 : f32
    %add3A_26 = vector.broadcast %add3A_25 : f32 to vector<1000x128xf32>
    %add3A_27 = arith.addf %dot_general3A_24, %add3A_26 : vector<1000x128xf32>
    %div3A = arith.divf %add3A, %add3A_27 : vector<1000x128xf32>
    %get3A_28 = arith.constant 0 : index
    %get3A_29 = arith.constant 0 : index
    %get3A_30 = vector.load %arg4[%get3A_28, %get3A_29] : memref<128x128xf32, #tpu.memory_space<vmem>>, vector<128x128xf32>
    %dot_general3A_31 = arith.constant dense<0.000000e+00> : vector<1000x128xf32>
    %dot_general3A_32 = tpu.matmul %div3A, %get3A_30, %dot_general3A_31 {dimension_numbers = #tpu.dot_dimension_numbers<[1], [0], [0], [1], [0, 0, 1, 1], [], []>, transpose_lhs_hint = false} : vector<1000x128xf32>, vector<128x128xf32>, vector<1000x128xf32> -> vector<1000x128xf32>
    %get3A_33 = arith.constant 0 : index
    %get3A_34 = vector.load %arg5[%get3A_33] : memref<128xf32, #tpu.memory_space<vmem>>, vector<128xf32>
    %broadcast_in_dim3A = vector.shape_cast %get3A_34 : vector<128xf32> to vector<1x128xf32>
    %add3A_35 = vector.broadcast %broadcast_in_dim3A : vector<1x128xf32> to vector<1000x128xf32>
    %add3A_36 = arith.addf %dot_general3A_32, %add3A_35 : vector<1000x128xf32>
    %get3A_37 = arith.constant 0 : index
    %get3A_38 = arith.constant 0 : index
    %get3A_39 = vector.load %arg3[%get3A_37, %get3A_38] : memref<1000x128xf32, #tpu.memory_space<vmem>>, vector<1000x128xf32>
    %add3A_40 = arith.addf %get3A_39, %add3A_36 : vector<1000x128xf32>
    %get3A_41 = arith.constant 0 : index
    %get3A_42 = arith.constant 0 : index
    %get3A_43 = vector.load %arg6[%get3A_41, %get3A_42] : memref<1x128xf32, #tpu.memory_space<vmem>>, vector<1x128xf32>
    %get3A_44 = arith.constant 0 : index
    %get3A_45 = arith.constant 0 : index
    %get3A_46 = vector.load %arg7[%get3A_44, %get3A_45] : memref<1x128xf32, #tpu.memory_space<vmem>>, vector<1x128xf32>
    %reduce_sum3A = arith.constant dense<0.000000e+00> : vector<1000xf32>
    %reduce_sum3A_47 = vector.multi_reduction <add>, %add3A_40, %reduce_sum3A [1] : vector<1000x128xf32> to vector<1000xf32>
    %broadcast_in_dim3A_48 = vector.shape_cast %reduce_sum3A_47 : vector<1000xf32> to vector<1000x1xf32>
    %div3A_49 = arith.constant 1.280000e+02 : f32
    %div3A_50 = vector.broadcast %div3A_49 : f32 to vector<1000x1xf32>
    %div3A_51 = arith.divf %broadcast_in_dim3A_48, %div3A_50 : vector<1000x1xf32>
    %sub3A = vector.broadcast %div3A_51 : vector<1000x1xf32> to vector<1000x128xf32>
    %sub3A_52 = arith.subf %add3A_40, %sub3A : vector<1000x128xf32>
    %integer_pow3A = arith.mulf %sub3A_52, %sub3A_52 : vector<1000x128xf32>
    %reduce_sum3A_53 = arith.constant dense<0.000000e+00> : vector<1000xf32>
    %reduce_sum3A_54 = vector.multi_reduction <add>, %integer_pow3A, %reduce_sum3A_53 [1] : vector<1000x128xf32> to vector<1000xf32>
    %broadcast_in_dim3A_55 = vector.shape_cast %reduce_sum3A_54 : vector<1000xf32> to vector<1000x1xf32>
    %div3A_56 = arith.constant 1.280000e+02 : f32
    %div3A_57 = vector.broadcast %div3A_56 : f32 to vector<1000x1xf32>
    %div3A_58 = arith.divf %broadcast_in_dim3A_55, %div3A_57 : vector<1000x1xf32>
    %sub3A_59 = vector.broadcast %div3A_51 : vector<1000x1xf32> to vector<1000x128xf32>
    %sub3A_60 = arith.subf %add3A_40, %sub3A_59 : vector<1000x128xf32>
    %add3A_61 = arith.constant 9.99999974E-6 : f32
    %add3A_62 = vector.broadcast %add3A_61 : f32 to vector<1000x1xf32>
    %add3A_63 = arith.addf %div3A_58, %add3A_62 : vector<1000x1xf32>
    %sqrt3A = math.sqrt %add3A_63 : vector<1000x1xf32>
    %div3A_64 = vector.broadcast %sqrt3A : vector<1000x1xf32> to vector<1000x128xf32>
    %div3A_65 = arith.divf %sub3A_60, %div3A_64 : vector<1000x128xf32>
    %mul3A = vector.broadcast %get3A_43 : vector<1x128xf32> to vector<1000x128xf32>
    %mul3A_66 = arith.mulf %div3A_65, %mul3A : vector<1000x128xf32>
    %add3A_67 = vector.broadcast %get3A_46 : vector<1x128xf32> to vector<1000x128xf32>
    %add3A_68 = arith.addf %mul3A_66, %add3A_67 : vector<1000x128xf32>
    %get3A_69 = arith.constant 0 : index
    %get3A_70 = arith.constant 0 : index
    %get3A_71 = vector.load %arg8[%get3A_69, %get3A_70] : memref<128x256xf32, #tpu.memory_space<vmem>>, vector<128x256xf32>
    %dot_general3A_72 = arith.constant dense<0.000000e+00> : vector<1000x256xf32>
    %dot_general3A_73 = tpu.matmul %add3A_68, %get3A_71, %dot_general3A_72 {dimension_numbers = #tpu.dot_dimension_numbers<[1], [0], [0], [1], [0, 0, 1, 1], [], []>, transpose_lhs_hint = false} : vector<1000x128xf32>, vector<128x256xf32>, vector<1000x256xf32> -> vector<1000x256xf32>
    %get3A_74 = arith.constant 0 : index
    %get3A_75 = arith.constant 0 : index
    %get3A_76 = vector.load %arg9[%get3A_74, %get3A_75] : memref<1x256xf32, #tpu.memory_space<vmem>>, vector<1x256xf32>
    %add3A_77 = vector.broadcast %get3A_76 : vector<1x256xf32> to vector<1000x256xf32>
    %add3A_78 = arith.addf %dot_general3A_73, %add3A_77 : vector<1000x256xf32>
    %max3A = arith.constant 0.000000e+00 : f32
    %max3A_79 = vector.broadcast %max3A : f32 to vector<1000x256xf32>
    %max3A_80 = arith.maximumf %add3A_78, %max3A_79 : vector<1000x256xf32>
    %get3A_81 = arith.constant 0 : index
    %get3A_82 = arith.constant 0 : index
    %get3A_83 = vector.load %arg10[%get3A_81, %get3A_82] : memref<256x128xf32, #tpu.memory_space<vmem>>, vector<256x128xf32>
    %dot_general3A_84 = arith.constant dense<0.000000e+00> : vector<1000x128xf32>
    %dot_general3A_85 = tpu.matmul %max3A_80, %get3A_83, %dot_general3A_84 {dimension_numbers = #tpu.dot_dimension_numbers<[1], [0], [0], [1], [0, 0, 1, 1], [], []>, transpose_lhs_hint = false} : vector<1000x256xf32>, vector<256x128xf32>, vector<1000x128xf32> -> vector<1000x128xf32>
    %get3A_86 = arith.constant 0 : index
    %get3A_87 = arith.constant 0 : index
    %get3A_88 = vector.load %arg11[%get3A_86, %get3A_87] : memref<1x128xf32, #tpu.memory_space<vmem>>, vector<1x128xf32>
    %add3A_89 = vector.broadcast %get3A_88 : vector<1x128xf32> to vector<1000x128xf32>
    %add3A_90 = arith.addf %dot_general3A_85, %add3A_89 : vector<1000x128xf32>
    %add3A_91 = arith.addf %add3A_68, %add3A_90 : vector<1000x128xf32>
    %get3A_92 = arith.constant 0 : index
    %get3A_93 = arith.constant 0 : index
    %get3A_94 = vector.load %arg12[%get3A_92, %get3A_93] : memref<1x128xf32, #tpu.memory_space<vmem>>, vector<1x128xf32>
    %get3A_95 = arith.constant 0 : index
    %get3A_96 = arith.constant 0 : index
    %get3A_97 = vector.load %arg13[%get3A_95, %get3A_96] : memref<1x128xf32, #tpu.memory_space<vmem>>, vector<1x128xf32>
    %reduce_sum3A_98 = arith.constant dense<0.000000e+00> : vector<1000xf32>
    %reduce_sum3A_99 = vector.multi_reduction <add>, %add3A_91, %reduce_sum3A_98 [1] : vector<1000x128xf32> to vector<1000xf32>
    %broadcast_in_dim3A_100 = vector.shape_cast %reduce_sum3A_99 : vector<1000xf32> to vector<1000x1xf32>
    %div3A_101 = arith.constant 1.280000e+02 : f32
    %div3A_102 = vector.broadcast %div3A_101 : f32 to vector<1000x1xf32>
    %div3A_103 = arith.divf %broadcast_in_dim3A_100, %div3A_102 : vector<1000x1xf32>
    %sub3A_104 = vector.broadcast %div3A_103 : vector<1000x1xf32> to vector<1000x128xf32>
    %sub3A_105 = arith.subf %add3A_91, %sub3A_104 : vector<1000x128xf32>
    %integer_pow3A_106 = arith.mulf %sub3A_105, %sub3A_105 : vector<1000x128xf32>
    %reduce_sum3A_107 = arith.constant dense<0.000000e+00> : vector<1000xf32>
    %reduce_sum3A_108 = vector.multi_reduction <add>, %integer_pow3A_106, %reduce_sum3A_107 [1] : vector<1000x128xf32> to vector<1000xf32>
    %broadcast_in_dim3A_109 = vector.shape_cast %reduce_sum3A_108 : vector<1000xf32> to vector<1000x1xf32>
    %div3A_110 = arith.constant 1.280000e+02 : f32
    %div3A_111 = vector.broadcast %div3A_110 : f32 to vector<1000x1xf32>
    %div3A_112 = arith.divf %broadcast_in_dim3A_109, %div3A_111 : vector<1000x1xf32>
    %sub3A_113 = vector.broadcast %div3A_103 : vector<1000x1xf32> to vector<1000x128xf32>
    %sub3A_114 = arith.subf %add3A_91, %sub3A_113 : vector<1000x128xf32>
    %add3A_115 = arith.constant 9.99999974E-6 : f32
    %add3A_116 = vector.broadcast %add3A_115 : f32 to vector<1000x1xf32>
    %add3A_117 = arith.addf %div3A_112, %add3A_116 : vector<1000x1xf32>
    %sqrt3A_118 = math.sqrt %add3A_117 : vector<1000x1xf32>
    %div3A_119 = vector.broadcast %sqrt3A_118 : vector<1000x1xf32> to vector<1000x128xf32>
    %div3A_120 = arith.divf %sub3A_114, %div3A_119 : vector<1000x128xf32>
    %mul3A_121 = vector.broadcast %get3A_94 : vector<1x128xf32> to vector<1000x128xf32>
    %mul3A_122 = arith.mulf %div3A_120, %mul3A_121 : vector<1000x128xf32>
    %add3A_123 = vector.broadcast %get3A_97 : vector<1x128xf32> to vector<1000x128xf32>
    %add3A_124 = arith.addf %mul3A_122, %add3A_123 : vector<1000x128xf32>
    %swap3A = arith.constant 0 : index
    %swap3A_125 = arith.constant 0 : index
    %swap3A_126 = vector.load %arg15[%swap3A, %swap3A_125] : memref<1000x128xf32, #tpu.memory_space<vmem>>, vector<1000x128xf32>
    tpu.vector_store %arg15[%swap3A, %swap3A_125], %add3A_124 {strides = array<i32>} : memref<1000x128xf32, #tpu.memory_space<vmem>>, vector<1000x128xf32>,
    return
  }
  func.func @transform_0(%arg0: i32) -> (i32, i32, i32) {
    %c0_i32 = arith.constant 0 : i32
    %c0_i32_0 = arith.constant 0 : i32
    %c0_i32_1 = arith.constant 0 : i32
    return %c0_i32, %arg0, %c0_i32_0 : i32, i32, i32
  }
  func.func @transform_1(%arg0: i32) -> (i32, i32, i32) {
    %c0_i32 = arith.constant 0 : i32
    %c0_i32_0 = arith.constant 0 : i32
    %c0_i32_1 = arith.constant 0 : i32
    return %c0_i32, %arg0, %c0_i32_0 : i32, i32, i32
  }
  func.func @transform_2(%arg0: i32) -> (i32, i32) {
    %c0_i32 = arith.constant 0 : i32
    %c0_i32_0 = arith.constant 0 : i32
    return %arg0, %c0_i32 : i32, i32
  }
  func.func @transform_3(%arg0: i32) -> (i32, i32) {
    %c0_i32 = arith.constant 0 : i32
    %c0_i32_0 = arith.constant 0 : i32
    %c0_i32_1 = arith.constant 0 : i32
    return %c0_i32, %c0_i32_0 : i32, i32
  }
  func.func @transform_4(%arg0: i32) -> i32 {
    %c0_i32 = arith.constant 0 : i32
    %c0_i32_0 = arith.constant 0 : i32
    return %c0_i32 : i32
  }
  func.func @transform_5(%arg0: i32) -> (i32, i32) {
    %c0_i32 = arith.constant 0 : i32
    %c0_i32_0 = arith.constant 0 : i32
    %c0_i32_1 = arith.constant 0 : i32
    return %c0_i32, %c0_i32_0 : i32, i32
  }
  func.func @transform_6(%arg0: i32) -> (i32, i32) {
    %c0_i32 = arith.constant 0 : i32
    %c0_i32_0 = arith.constant 0 : i32
    %c0_i32_1 = arith.constant 0 : i32
    return %c0_i32, %c0_i32_0 : i32, i32
  }
  func.func @transform_7(%arg0: i32) -> (i32, i32) {
    %c0_i32 = arith.constant 0 : i32
    %c0_i32_0 = arith.constant 0 : i32
    %c0_i32_1 = arith.constant 0 : i32
    return %c0_i32, %c0_i32_0 : i32, i32
  }
  func.func @transform_8(%arg0: i32) -> (i32, i32) {
    %c0_i32 = arith.constant 0 : i32
    %c0_i32_0 = arith.constant 0 : i32
    %c0_i32_1 = arith.constant 0 : i32
    return %c0_i32, %c0_i32_0 : i32, i32
  }
  func.func @transform_9(%arg0: i32) -> (i32, i32) {
    %c0_i32 = arith.constant 0 : i32
    %c0_i32_0 = arith.constant 0 : i32
    %c0_i32_1 = arith.constant 0 : i32
    return %c0_i32, %c0_i32_0 : i32, i32
  }
  func.func @transform_10(%arg0: i32) -> (i32, i32) {
    %c0_i32 = arith.constant 0 : i32
    %c0_i32_0 = arith.constant 0 : i32
    %c0_i32_1 = arith.constant 0 : i32
    return %c0_i32, %c0_i32_0 : i32, i32
  }
  func.func @transform_11(%arg0: i32) -> (i32, i32) {
    %c0_i32 = arith.constant 0 : i32
    %c0_i32_0 = arith.constant 0 : i32
    %c0_i32_1 = arith.constant 0 : i32
    return %c0_i32, %c0_i32_0 : i32, i32
  }
  func.func @transform_12(%arg0: i32) -> (i32, i32) {
    %c0_i32 = arith.constant 0 : i32
    %c0_i32_0 = arith.constant 0 : i32
    %c0_i32_1 = arith.constant 0 : i32
    return %c0_i32, %c0_i32_0 : i32, i32
  }
  func.func @transform_13(%arg0: i32) -> (i32, i32) {
    %c0_i32 = arith.constant 0 : i32
    %c0_i32_0 = arith.constant 0 : i32
    %c0_i32_1 = arith.constant 0 : i32
    return %c0_i32, %c0_i32_0 : i32, i32
  }
  func.func @transform_14(%arg0: i32) -> (i32, i32) {
    %c0_i32 = arith.constant 0 : i32
    %c0_i32_0 = arith.constant 0 : i32
    return %arg0, %c0_i32 : i32, i32
  }
}

module attributes {stable_mosaic.version = 14 : i64} {
  func.func @body(%arg0: i32, %arg1: memref<2x1000x128xf32, #tpu.memory_space<vmem>>, %arg2: memref<2x1000x128xf32, #tpu.memory_space<vmem>>, %arg3: memref<1000x128xf32, #tpu.memory_space<vmem>>, %arg4: memref<128x128xf32, #tpu.memory_space<vmem>>, %arg5: memref<128xf32, #tpu.memory_space<vmem>>, %arg6: memref<1x128xf32, #tpu.memory_space<vmem>>, %arg7: memref<1x128xf32, #tpu.memory_space<vmem>>, %arg8: memref<128x256xf32, #tpu.memory_space<vmem>>, %arg9: memref<1x256xf32, #tpu.memory_space<vmem>>, %arg10: memref<256x128xf32, #tpu.memory_space<vmem>>, %arg11: memref<1x128xf32, #tpu.memory_space<vmem>>, %arg12: memref<1x128xf32, #tpu.memory_space<vmem>>, %arg13: memref<1x128xf32, #tpu.memory_space<vmem>>, %arg14: memref<8x128xf32, #tpu.memory_space<vmem>>, %arg15: memref<1000x128xf32, #tpu.memory_space<vmem>>) attributes {dimension_semantics = [#tpu.dimension_semantics<arbitrary>], iteration_bounds = array<i64: 10>, scalar_prefetch = 0 : i64, scratch_operands = 0 : i64, tpu.core_type = #tpu.core_type<tc>, window_params = [{transform_indices = @transform_0, window_bounds = array<i64: 2, 1000, 128>}, {transform_indices = @transform_1, window_bounds = array<i64: 2, 1000, 128>}, {transform_indices = @transform_2, window_bounds = array<i64: 1000, 128>}, {pipeline_mode = #tpu.pipeline_mode<synchronous>, transform_indices = @transform_3, window_bounds = array<i64: 128, 128>}, {pipeline_mode = #tpu.pipeline_mode<synchronous>, transform_indices = @transform_4, window_bounds = array<i64: 128>}, {pipeline_mode = #tpu.pipeline_mode<synchronous>, transform_indices = @transform_5, window_bounds = array<i64: 1, 128>}, {pipeline_mode = #tpu.pipeline_mode<synchronous>, transform_indices = @transform_6, window_bounds = array<i64: 1, 128>}, {pipeline_mode = #tpu.pipeline_mode<synchronous>, transform_indices = @transform_7, window_bounds = array<i64: 128, 256>}, {pipeline_mode = #tpu.pipeline_mode<synchronous>, transform_indices = @transform_8, window_bounds = array<i64: 1, 256>}, {pipeline_mode = #tpu.pipeline_mode<synchronous>, transform_indices = @transform_9, window_bounds = array<i64: 256, 128>}, {pipeline_mode = #tpu.pipeline_mode<synchronous>, transform_indices = @transform_10, window_bounds = array<i64: 1, 128>}, {pipeline_mode = #tpu.pipeline_mode<synchronous>, transform_indices = @transform_11, window_bounds = array<i64: 1, 128>}, {pipeline_mode = #tpu.pipeline_mode<synchronous>, transform_indices = @transform_12, window_bounds = array<i64: 1, 128>}, {pipeline_mode = #tpu.pipeline_mode<synchronous>, transform_indices = @transform_13, window_bounds = array<i64: 8, 128>}, {transform_indices = @transform_14, window_bounds = array<i64: 1000, 128>}]} {
    %get3A = arith.constant 0 : index
    %get3A_0 = arith.constant 0 : index
    %get3A_1 = arith.constant 0 : index
    %get3A_2 = vector.load %arg1[%get3A, %get3A_0, %get3A_1] : memref<2x1000x128xf32, #tpu.memory_space<vmem>>, vector<1x1000x128xf32>
    %get3A_3 = vector.shape_cast %get3A_2 : vector<1x1000x128xf32> to vector<1000x128xf32>
    %get3A_4 = arith.constant 1 : index
    %get3A_5 = arith.constant 0 : index
    %get3A_6 = arith.constant 0 : index
    %get3A_7 = vector.load %arg1[%get3A_4, %get3A_5, %get3A_6] : memref<2x1000x128xf32, #tpu.memory_space<vmem>>, vector<1x1000x128xf32>
    %get3A_8 = vector.shape_cast %get3A_7 : vector<1x1000x128xf32> to vector<1000x128xf32>
    %slice3A = vector.extract_strided_slice %get3A_8 {offsets = [0, 0], sizes = [1000, 8], strides = [1, 1]} : vector<1000x128xf32> to vector<1000x8xf32>
    %get3A_9 = arith.constant 0 : index
    %get3A_10 = arith.constant 0 : index
    %get3A_11 = arith.constant 0 : index
    %get3A_12 = vector.load %arg2[%get3A_9, %get3A_10, %get3A_11] : memref<2x1000x128xf32, #tpu.memory_space<vmem>>, vector<1x1000x128xf32>
    %get3A_13 = vector.shape_cast %get3A_12 : vector<1x1000x128xf32> to vector<1000x128xf32>
    %add3A = arith.addf %get3A_3, %get3A_13 : vector<1000x128xf32>
    %get3A_14 = arith.constant 1 : index
    %get3A_15 = arith.constant 0 : index
    %get3A_16 = arith.constant 0 : index
    %get3A_17 = vector.load %arg2[%get3A_14, %get3A_15, %get3A_16] : memref<2x1000x128xf32, #tpu.memory_space<vmem>>, vector<1x1000x128xf32>
    %get3A_18 = vector.shape_cast %get3A_17 : vector<1x1000x128xf32> to vector<1000x128xf32>
    %slice3A_19 = vector.extract_strided_slice %get3A_18 {offsets = [0, 0], sizes = [1000, 8], strides = [1, 1]} : vector<1000x128xf32> to vector<1000x8xf32>
    %add3A_20 = arith.addf %slice3A, %slice3A_19 : vector<1000x8xf32>
    %get3A_21 = arith.constant 0 : index
    %get3A_22 = arith.constant 0 : index
    %get3A_23 = vector.load %arg14[%get3A_21, %get3A_22] : memref<8x128xf32, #tpu.memory_space<vmem>>, vector<8x128xf32>
    %dot_general3A = arith.constant dense<0.000000e+00> : vector<1000x128xf32>
    %dot_general3A_24 = tpu.matmul %add3A_20, %get3A_23, %dot_general3A {dimension_numbers = #tpu.dot_dimension_numbers<[1], [0], [0], [1], [0, 0, 1, 1], [], []>, transpose_lhs_hint = false} : vector<1000x8xf32>, vector<8x128xf32>, vector<1000x128xf32> -> vector<1000x128xf32>
    %add3A_25 = arith.constant 9.99999997E-7 : f32
    %add3A_26 = vector.broadcast %add3A_25 : f32 to vector<1000x128xf32>
    %add3A_27 = arith.addf %dot_general3A_24, %add3A_26 : vector<1000x128xf32>
    %div3A = arith.divf %add3A, %add3A_27 : vector<1000x128xf32>
    %get3A_28 = arith.constant 0 : index
    %get3A_29 = arith.constant 0 : index
    %get3A_30 = vector.load %arg4[%get3A_28, %get3A_29] : memref<128x128xf32, #tpu.memory_space<vmem>>, vector<128x128xf32>
    %dot_general3A_31 = arith.constant dense<0.000000e+00> : vector<1000x128xf32>
    %dot_general3A_32 = tpu.matmul %div3A, %get3A_30, %dot_general3A_31 {dimension_numbers = #tpu.dot_dimension_numbers<[1], [0], [0], [1], [0, 0, 1, 1], [], []>, transpose_lhs_hint = false} : vector<1000x128xf32>, vector<128x128xf32>, vector<1000x128xf32> -> vector<1000x128xf32>
    %get3A_33 = arith.constant 0 : index
    %get3A_34 = vector.load %arg5[%get3A_33] : memref<128xf32, #tpu.memory_space<vmem>>, vector<128xf32>
    %broadcast_in_dim3A = vector.shape_cast %get3A_34 : vector<128xf32> to vector<1x128xf32>
    %add3A_35 = vector.broadcast %broadcast_in_dim3A : vector<1x128xf32> to vector<1000x128xf32>
    %add3A_36 = arith.addf %dot_general3A_32, %add3A_35 : vector<1000x128xf32>
    %get3A_37 = arith.constant 0 : index
    %get3A_38 = arith.constant 0 : index
    %get3A_39 = vector.load %arg3[%get3A_37, %get3A_38] : memref<1000x128xf32, #tpu.memory_space<vmem>>, vector<1000x128xf32>
    %add3A_40 = arith.addf %get3A_39, %add3A_36 : vector<1000x128xf32>
    %get3A_41 = arith.constant 0 : index
    %get3A_42 = arith.constant 0 : index
    %get3A_43 = vector.load %arg6[%get3A_41, %get3A_42] : memref<1x128xf32, #tpu.memory_space<vmem>>, vector<1x128xf32>
    %get3A_44 = arith.constant 0 : index
    %get3A_45 = arith.constant 0 : index
    %get3A_46 = vector.load %arg7[%get3A_44, %get3A_45] : memref<1x128xf32, #tpu.memory_space<vmem>>, vector<1x128xf32>
    %reduce_sum3A = arith.constant dense<0.000000e+00> : vector<1000xf32>
    %reduce_sum3A_47 = vector.multi_reduction <add>, %add3A_40, %reduce_sum3A [1] : vector<1000x128xf32> to vector<1000xf32>
    %broadcast_in_dim3A_48 = vector.shape_cast %reduce_sum3A_47 : vector<1000xf32> to vector<1000x1xf32>
    %div3A_49 = arith.constant 1.280000e+02 : f32
    %div3A_50 = vector.broadcast %div3A_49 : f32 to vector<1000x1xf32>
    %div3A_51 = arith.divf %broadcast_in_dim3A_48, %div3A_50 : vector<1000x1xf32>
    %sub3A = vector.broadcast %div3A_51 : vector<1000x1xf32> to vector<1000x128xf32>
    %sub3A_52 = arith.subf %add3A_40, %sub3A : vector<1000x128xf32>
    %integer_pow3A = arith.mulf %sub3A_52, %sub3A_52 : vector<1000x128xf32>
    %reduce_sum3A_53 = arith.constant dense<0.000000e+00> : vector<1000xf32>
    %reduce_sum3A_54 = vector.multi_reduction <add>, %integer_pow3A, %reduce_sum3A_53 [1] : vector<1000x128xf32> to vector<1000xf32>
    %broadcast_in_dim3A_55 = vector.shape_cast %reduce_sum3A_54 : vector<1000xf32> to vector<1000x1xf32>
    %div3A_56 = arith.constant 1.280000e+02 : f32
    %div3A_57 = vector.broadcast %div3A_56 : f32 to vector<1000x1xf32>
    %div3A_58 = arith.divf %broadcast_in_dim3A_55, %div3A_57 : vector<1000x1xf32>
    %sub3A_59 = vector.broadcast %div3A_51 : vector<1000x1xf32> to vector<1000x128xf32>
    %sub3A_60 = arith.subf %add3A_40, %sub3A_59 : vector<1000x128xf32>
    %add3A_61 = arith.constant 9.99999974E-6 : f32
    %add3A_62 = vector.broadcast %add3A_61 : f32 to vector<1000x1xf32>
    %add3A_63 = arith.addf %div3A_58, %add3A_62 : vector<1000x1xf32>
    %sqrt3A = math.sqrt %add3A_63 : vector<1000x1xf32>
    %div3A_64 = vector.broadcast %sqrt3A : vector<1000x1xf32> to vector<1000x128xf32>
    %div3A_65 = arith.divf %sub3A_60, %div3A_64 : vector<1000x128xf32>
    %mul3A = vector.broadcast %get3A_43 : vector<1x128xf32> to vector<1000x128xf32>
    %mul3A_66 = arith.mulf %div3A_65, %mul3A : vector<1000x128xf32>
    %add3A_67 = vector.broadcast %get3A_46 : vector<1x128xf32> to vector<1000x128xf32>
    %add3A_68 = arith.addf %mul3A_66, %add3A_67 : vector<1000x128xf32>
    %get3A_69 = arith.constant 0 : index
    %get3A_70 = arith.constant 0 : index
    %get3A_71 = vector.load %arg8[%get3A_69, %get3A_70] : memref<128x256xf32, #tpu.memory_space<vmem>>, vector<128x256xf32>
    %dot_general3A_72 = arith.constant dense<0.000000e+00> : vector<1000x256xf32>
    %dot_general3A_73 = tpu.matmul %add3A_68, %get3A_71, %dot_general3A_72 {dimension_numbers = #tpu.dot_dimension_numbers<[1], [0], [0], [1], [0, 0, 1, 1], [], []>, transpose_lhs_hint = false} : vector<1000x128xf32>, vector<128x256xf32>, vector<1000x256xf32> -> vector<1000x256xf32>
    %get3A_74 = arith.constant 0 : index
    %get3A_75 = arith.constant 0 : index
    %get3A_76 = vector.load %arg9[%get3A_74, %get3A_75] : memref<1x256xf32, #tpu.memory_space<vmem>>, vector<1x256xf32>
    %add3A_77 = vector.broadcast %get3A_76 : vector<1x256xf32> to vector<1000x256xf32>
    %add3A_78 = arith.addf %dot_general3A_73, %add3A_77 : vector<1000x256xf32>
    %max3A = arith.constant 0.000000e+00 : f32
    %max3A_79 = vector.broadcast %max3A : f32 to vector<1000x256xf32>
    %max3A_80 = arith.maximumf %add3A_78, %max3A_79 : vector<1000x256xf32>
    %get3A_81 = arith.constant 0 : index
    %get3A_82 = arith.constant 0 : index
    %get3A_83 = vector.load %arg10[%get3A_81, %get3A_82] : memref<256x128xf32, #tpu.memory_space<vmem>>, vector<256x128xf32>
    %dot_general3A_84 = arith.constant dense<0.000000e+00> : vector<1000x128xf32>
    %dot_general3A_85 = tpu.matmul %max3A_80, %get3A_83, %dot_general3A_84 {dimension_numbers = #tpu.dot_dimension_numbers<[1], [0], [0], [1], [0, 0, 1, 1], [], []>, transpose_lhs_hint = false} : vector<1000x256xf32>, vector<256x128xf32>, vector<1000x128xf32> -> vector<1000x128xf32>
    %get3A_86 = arith.constant 0 : index
    %get3A_87 = arith.constant 0 : index
    %get3A_88 = vector.load %arg11[%get3A_86, %get3A_87] : memref<1x128xf32, #tpu.memory_space<vmem>>, vector<1x128xf32>
    %add3A_89 = vector.broadcast %get3A_88 : vector<1x128xf32> to vector<1000x128xf32>
    %add3A_90 = arith.addf %dot_general3A_85, %add3A_89 : vector<1000x128xf32>
    %add3A_91 = arith.addf %add3A_68, %add3A_90 : vector<1000x128xf32>
    %get3A_92 = arith.constant 0 : index
    %get3A_93 = arith.constant 0 : index
    %get3A_94 = vector.load %arg12[%get3A_92, %get3A_93] : memref<1x128xf32, #tpu.memory_space<vmem>>, vector<1x128xf32>
    %get3A_95 = arith.constant 0 : index
    %get3A_96 = arith.constant 0 : index
    %get3A_97 = vector.load %arg13[%get3A_95, %get3A_96] : memref<1x128xf32, #tpu.memory_space<vmem>>, vector<1x128xf32>
    %reduce_sum3A_98 = arith.constant dense<0.000000e+00> : vector<1000xf32>
    %reduce_sum3A_99 = vector.multi_reduction <add>, %add3A_91, %reduce_sum3A_98 [1] : vector<1000x128xf32> to vector<1000xf32>
    %broadcast_in_dim3A_100 = vector.shape_cast %reduce_sum3A_99 : vector<1000xf32> to vector<1000x1xf32>
    %div3A_101 = arith.constant 1.280000e+02 : f32
    %div3A_102 = vector.broadcast %div3A_101 : f32 to vector<1000x1xf32>
    %div3A_103 = arith.divf %broadcast_in_dim3A_100, %div3A_102 : vector<1000x1xf32>
    %sub3A_104 = vector.broadcast %div3A_103 : vector<1000x1xf32> to vector<1000x128xf32>
    %sub3A_105 = arith.subf %add3A_91, %sub3A_104 : vector<1000x128xf32>
    %integer_pow3A_106 = arith.mulf %sub3A_105, %sub3A_105 : vector<1000x128xf32>
    %reduce_sum3A_107 = arith.constant dense<0.000000e+00> : vector<1000xf32>
    %reduce_sum3A_108 = vector.multi_reduction <add>, %integer_pow3A_106, %reduce_sum3A_107 [1] : vector<1000x128xf32> to vector<1000xf32>
    %broadcast_in_dim3A_109 = vector.shape_cast %reduce_sum3A_108 : vector<1000xf32> to vector<1000x1xf32>
    %div3A_110 = arith.constant 1.280000e+02 : f32
    %div3A_111 = vector.broadcast %div3A_110 : f32 to vector<1000x1xf32>
    %div3A_112 = arith.divf %broadcast_in_dim3A_109, %div3A_111 : vector<1000x1xf32>
    %sub3A_113 = vector.broadcast %div3A_103 : vector<1000x1xf32> to vector<1000x128xf32>
    %sub3A_114 = arith.subf %add3A_91, %sub3A_113 : vector<1000x128xf32>
    %add3A_115 = arith.constant 9.99999974E-6 : f32
    %add3A_116 = vector.broadcast %add3A_115 : f32 to vector<1000x1xf32>
    %add3A_117 = arith.addf %div3A_112, %add3A_116 : vector<1000x1xf32>
    %sqrt3A_118 = math.sqrt %add3A_117 : vector<1000x1xf32>
    %div3A_119 = vector.broadcast %sqrt3A_118 : vector<1000x1xf32> to vector<1000x128xf32>
    %div3A_120 = arith.divf %sub3A_114, %div3A_119 : vector<1000x128xf32>
    %mul3A_121 = vector.broadcast %get3A_94 : vector<1x128xf32> to vector<1000x128xf32>
    %mul3A_122 = arith.mulf %div3A_120, %mul3A_121 : vector<1000x128xf32>
    %add3A_123 = vector.broadcast %get3A_97 : vector<1x128xf32> to vector<1000x128xf32>
    %add3A_124 = arith.addf %mul3A_122, %add3A_123 : vector<1000x128xf32>
    %swap3A = arith.constant 0 : index
    %swap3A_125 = arith.constant 0 : index
    %swap3A_126 = vector.load %arg15[%swap3A, %swap3A_125] : memref<1000x128xf32, #tpu.memory_space<vmem>>, vector<1000x128xf32>
    tpu.vector_store %arg15[%swap3A, %swap3A_125], %add3A_124 {strides = array<i32>} : memref<1000x128xf32, #tpu.memory_space<vmem>>, vector<1000x128xf32>,
    return
  }
  func.func @transform_0(%arg0: i32) -> (i32, i32, i32) {
    %c0_i32 = arith.constant 0 : i32
    %c0_i32_0 = arith.constant 0 : i32
    %c0_i32_1 = arith.constant 0 : i32
    return %c0_i32, %arg0, %c0_i32_0 : i32, i32, i32
  }
  func.func @transform_1(%arg0: i32) -> (i32, i32, i32) {
    %c0_i32 = arith.constant 0 : i32
    %c0_i32_0 = arith.constant 0 : i32
    %c0_i32_1 = arith.constant 0 : i32
    return %c0_i32, %arg0, %c0_i32_0 : i32, i32, i32
  }
  func.func @transform_2(%arg0: i32) -> (i32, i32) {
    %c0_i32 = arith.constant 0 : i32
    %c0_i32_0 = arith.constant 0 : i32
    return %arg0, %c0_i32 : i32, i32
  }
  func.func @transform_3(%arg0: i32) -> (i32, i32) {
    %c0_i32 = arith.constant 0 : i32
    %c0_i32_0 = arith.constant 0 : i32
    %c0_i32_1 = arith.constant 0 : i32
    return %c0_i32, %c0_i32_0 : i32, i32
  }
  func.func @transform_4(%arg0: i32) -> i32 {
    %c0_i32 = arith.constant 0 : i32
    %c0_i32_0 = arith.constant 0 : i32
    return %c0_i32 : i32
  }
  func.func @transform_5(%arg0: i32) -> (i32, i32) {
    %c0_i32 = arith.constant 0 : i32
    %c0_i32_0 = arith.constant 0 : i32
    %c0_i32_1 = arith.constant 0 : i32
    return %c0_i32, %c0_i32_0 : i32, i32
  }
  func.func @transform_6(%arg0: i32) -> (i32, i32) {
    %c0_i32 = arith.constant 0 : i32
    %c0_i32_0 = arith.constant 0 : i32
    %c0_i32_1 = arith.constant 0 : i32
    return %c0_i32, %c0_i32_0 : i32, i32
  }
  func.func @transform_7(%arg0: i32) -> (i32, i32) {
    %c0_i32 = arith.constant 0 : i32
    %c0_i32_0 = arith.constant 0 : i32
    %c0_i32_1 = arith.constant 0 : i32
    return %c0_i32, %c0_i32_0 : i32, i32
  }
  func.func @transform_8(%arg0: i32) -> (i32, i32) {
    %c0_i32 = arith.constant 0 : i32
    %c0_i32_0 = arith.constant 0 : i32
    %c0_i32_1 = arith.constant 0 : i32
    return %c0_i32, %c0_i32_0 : i32, i32
  }
  func.func @transform_9(%arg0: i32) -> (i32, i32) {
    %c0_i32 = arith.constant 0 : i32
    %c0_i32_0 = arith.constant 0 : i32
    %c0_i32_1 = arith.constant 0 : i32
    return %c0_i32, %c0_i32_0 : i32, i32
  }
  func.func @transform_10(%arg0: i32) -> (i32, i32) {
    %c0_i32 = arith.constant 0 : i32
    %c0_i32_0 = arith.constant 0 : i32
    %c0_i32_1 = arith.constant 0 : i32
    return %c0_i32, %c0_i32_0 : i32, i32
  }
  func.func @transform_11(%arg0: i32) -> (i32, i32) {
    %c0_i32 = arith.constant 0 : i32
    %c0_i32_0 = arith.constant 0 : i32
    %c0_i32_1 = arith.constant 0 : i32
    return %c0_i32, %c0_i32_0 : i32, i32
  }
  func.func @transform_12(%arg0: i32) -> (i32, i32) {
    %c0_i32 = arith.constant 0 : i32
    %c0_i32_0 = arith.constant 0 : i32
    %c0_i32_1 = arith.constant 0 : i32
    return %c0_i32, %c0_i32_0 : i32, i32
  }
  func.func @transform_13(%arg0: i32) -> (i32, i32) {
    %c0_i32 = arith.constant 0 : i32
    %c0_i32_0 = arith.constant 0 : i32
    %c0_i32_1 = arith.constant 0 : i32
    return %c0_i32, %c0_i32_0 : i32, i32
  }
  func.func @transform_14(%arg0: i32) -> (i32, i32) {
    %c0_i32 = arith.constant 0 : i32
    %c0_i32_0 = arith.constant 0 : i32
    return %arg0, %c0_i32 : i32, i32
  }
}

</mosaic_0001>

<sc_bundles>
// kernel: kernel.27.cloned.1.call-start
scs
__scs_entry_jumppad:
0x0: {  	(pc) =	sbr.rel $0x88, $3  }
0x1: {  	(tag) =	ssettag $0x0;
	lr =	simm.s32 $0x1  }
0x2: {  	[smem:$0x3F5C] =	sst lr;
	_ =	strace $0xD0000000  }
0x3: {  	_ = 	snop  }
0x4: {  	_ = 	snop  }
0x5: {  	_ = 	snop  }
0x6: {  	_ = 	snop  }
0x7: {  	_ = 	snop  }
__scs_overlays_trampoline_lowered:
0x8: {  	[smem:$0x3F6B] =	sst s0  }
0x9: {  	[smem:$0x3F6C] =	sst s1  }
0xa: {  	[smem:$0x3F6D] =	sst s2  }
0xb: {  	[smem:$0x3F6E] =	sst s3  }
0xc: {  	[smem:$0x3F6F] =	sst s4  }
0xd: {  	[smem:$0x3F70] =	sst s5  }
0xe: {  	[smem:$0x3F71] =	sst s6  }
0xf: {  	[smem:$0x3F72] =	sst s7  }
0x10: {  	[smem:$0x3F73] =	sst s8  }
0x11: {  	[smem:$0x3F74] =	sst s9;
	s0 =	simm.s32 @!p0 $0x0  }
0x12: {  	s1 =	sld [smem:$0x3F5A];
	s0 =	simm.s32 @p0 $0x1  }
0x13: {  	[smem:$0x3F75] =	sst s0;
	s0 =	simm.s32 @!p1 $0x0  }
0x14: {  	s2 =	sld [smem:$0x3F59];
	s0 =	simm.s32 @p1 $0x1  }
0x15: {  	[smem:$0x3F76] =	sst s0;
	s0 =	simm.s32 @!p2 $0x0  }
0x16: {  	s3 =	sld [smem:$0x3FDB];
	s0 =	simm.s32 @p2 $0x1  }
0x17: {  	s4 =	simm.s32 $0x1BF5;
	[smem:$0x3F78] =	sst s0  }
0x18: {  	s0 =	sld [smem:$0x3F5B];
	_ =	swait.ge [sflag:s4], $0x0  }
0x19: {  	s7 =	sld [smem:$0x3F5C]  }
0x1a: {  	s8 =	sadd.s32 $0xFFFFE003, lr  }
0x1b: {  	s9 =	sadd.s32 $0xFFFFFEF7, lr;
	s5 =	simm.s32 $0xFFFFFFFF;
	p2 =	slt.u32 s8, $0xFFFFF086  }
0x1c: {  	p1 =	slt.u32 s9, $0xF7A;
	s5 =	simm.s32 @!p2 $0x0  }
0x1d: {  	s5 =	simm.s32 @p1 $0x1;
	p0 =	seq.s32 s7, s2  }
0x1e: {  	s7 =	smul.u32 @!p0 $0xF7A, s2;
	p2 =	seq.s32 @!p0 s5, $0x0  }
0x1f: {  	s9 =	smul.u32 $0xF7A, s1;
	s8 =	simm.s32 @!p0 $0x1BF5;
	p2 =	por !p2, p0  }
0x20: {  	[sflag:s8] =	ssyncset.s32 @!p0 $0xFFFFF086;
	s6 =	sadd.s32 @!p0 s3, s7;
	s7 =	simm.s32 @!p0 $0x108  }
0x21: {  	s3 =	sadd.s32 s3, s9;
	s6 =	sadd.s32 @!p0 $0x88, s6;
	s7 =	simm.s32 @p2 $0x1082  }
0x22: {  	[simem:s7], [sflag:s8] =	dma.local @!p0 [hbm:s6], $0xF7A  }
0x23: {  	s9 =	sor.u32 $0xD0000000, s2;
	s6 =	simm.s32 $0x108;
	_ =	swait.ge @!p0 [sflag:s8], $0x0  }
0x24: {  	s3 =	sadd.s32 $0x88, s3;
	s6 =	simm.s32 @!p1 $0x1082;
	[sflag:s4] =	ssyncset.s32 $0xFFFFF086  }
0x25: {  	[simem:s6], [sflag:s4] =	dma.local [hbm:s3], $0xF7A  }
0x26: {  	[smem:$0x3F5C] =	sst s1;
	(tag) =	ssettag s2;
	_ =	strace s9  }
0x27: {  	s1 =	sld [smem:$0x3F6C]  }
0x28: {  	s2 =	sld [smem:$0x3F6D]  }
0x29: {  	s4 =	sld [smem:$0x3F6F]  }
0x2a: {  	p0 =	seq.s32 s5, $0x0;
	s5 =	sld [smem:$0x3F70]  }
0x2b: {  	s6 =	sld [smem:$0x3F71]  }
0x2c: {  	s7 =	sld [smem:$0x3F72]  }
0x2d: {  	s3 =	simm.s32 $0x108;
	s8 =	sld [smem:$0x3F73]  }
0x2e: {  	s3 =	simm.s32 @!p0 $0x1082;
	s9 =	sld [smem:$0x3F74]  }
0x2f: {  	lr =	sadd.s32 s0, s3;
	s0 =	sld [smem:$0x3F6B]  }
0x30: {  	s3 =	sld [smem:$0x3F6E]  }
0x31: {  	[smem:$0x3F77] =	sst s10  }
0x32: {  	s10 =	sld [smem:$0x3F75];
	_ =	sdelay $0x3  }
0x33: {  	p0 =	seq.s32 s10, $0x1;
	s10 =	sld [smem:$0x3F77];
	_ =	sdelay $0x3  }
0x34: {  	[smem:$0x3F77] =	sst s10  }
0x35: {  	s10 =	sld [smem:$0x3F76];
	_ =	sdelay $0x3  }
0x36: {  	p1 =	seq.s32 s10, $0x1;
	s10 =	sld [smem:$0x3F77];
	_ =	sdelay $0x3  }
0x37: {  	[smem:$0x3F77] =	sst s10  }
0x38: {  	s10 =	sld [smem:$0x3F78]  }
0x39: {  	_ = 	snop;
	(pc) =	sbr.ind lr, $3  }
0x3a: {  	_ = 	snop  }
0x3b: {  	_ = 	snop  }
0x3c: {  	p2 =	seq.s32 s10, $0x1;
	s10 =	sld [smem:$0x3F77]  }
0x3d: {  	_ =	shalt  }
0x3e: {  	_ =	shalt  }
0x3f: {  	_ =	shalt  }
0x40: {  	_ =	shalt  }
0x41: {  	_ =	shalt  }
0x42: {  	_ =	shalt  }
0x43: {  	_ =	shalt  }
0x44: {  	_ =	shalt  }
0x45: {  	_ =	shalt  }
0x46: {  	_ =	shalt  }
0x47: {  	_ =	shalt  }
0x48: {  	_ =	shalt  }
0x49: {  	_ =	shalt  }
0x4a: {  	_ =	shalt  }
0x4b: {  	_ =	shalt  }
0x4c: {  	_ =	shalt  }
0x4d: {  	_ =	shalt  }
0x4e: {  	_ =	shalt  }
0x4f: {  	_ =	shalt  }
0x50: {  	_ =	shalt  }
0x51: {  	_ =	shalt  }
0x52: {  	_ =	shalt  }
0x53: {  	_ =	shalt  }
0x54: {  	_ =	shalt  }
0x55: {  	_ =	shalt  }
0x56: {  	_ =	shalt  }
0x57: {  	_ =	shalt  }
0x58: {  	_ =	shalt  }
0x59: {  	_ =	shalt  }
0x5a: {  	_ =	shalt  }
0x5b: {  	_ =	shalt  }
0x5c: {  	_ =	shalt  }
0x5d: {  	_ =	shalt  }
0x5e: {  	_ =	shalt  }
0x5f: {  	_ =	shalt  }
0x60: {  	_ =	shalt  }
0x61: {  	_ =	shalt  }
0x62: {  	_ =	shalt  }
0x63: {  	_ =	shalt  }
0x64: {  	_ =	shalt  }
0x65: {  	_ =	shalt  }
0x66: {  	_ =	shalt  }
0x67: {  	_ =	shalt  }
0x68: {  	_ =	shalt  }
0x69: {  	_ =	shalt  }
0x6a: {  	_ =	shalt  }
0x6b: {  	_ =	shalt  }
0x6c: {  	_ =	shalt  }
0x6d: {  	_ =	shalt  }
0x6e: {  	_ =	shalt  }
0x6f: {  	_ =	shalt  }
0x70: {  	_ =	shalt  }
0x71: {  	_ =	shalt  }
0x72: {  	_ =	shalt  }
0x73: {  	_ =	shalt  }
0x74: {  	_ =	shalt  }
0x75: {  	_ =	shalt  }
0x76: {  	_ =	shalt  }
0x77: {  	_ =	shalt  }
0x78: {  	_ =	shalt  }
0x79: {  	_ =	shalt  }
0x7a: {  	_ =	shalt  }
0x7b: {  	_ =	shalt  }
0x7c: {  	_ =	shalt  }
0x7d: {  	_ =	shalt  }
0x7e: {  	_ =	shalt  }
0x7f: {  	_ =	shalt  }
0x80: {  	_ =	shalt  }
0x81: {  	_ =	shalt  }
0x82: {  	_ =	shalt  }
0x83: {  	_ =	shalt  }
0x84: {  	_ =	shalt  }
0x85: {  	_ =	shalt  }
0x86: {  	_ =	shalt  }
0x87: {  	_ =	shalt  }
.Lfunc_end0:
.L_simem_size_0:
called_computation_lowered:
.L_overlay_start_0:
0x88: {  	s2 =	sld [smem:$0x3FD9]  }
0x89: {  	s3 =	sld [smem:$0x3FFE];
	_ =	sdelay $0x1  }
0x8a: {  	s1 =	srdreg.scid  }
0x8b: {  	s0 =	sand.u32 $0x1, s1  }
0x8c: {  	s17 =	sshll.u32 s0, $0xA;
	s2 =	sadd.s32 s3, s2  }
0x8d: {  	s2 =	sadd.s32 s2, s17  }
0x8e: {  	[smem:$0x3F83] =	sst s2  }
0x8f: {  	_ = 	snop  }
0x90: {  	s18 =	sld [smem:$0x3FD0];
	(tm) =	ssettm $0x1  }
0x91: {  	s19 =	sld [smem:$0x3FFB];
	_ =	sdelay $0x3  }
0x92: {  	_ =	strace s19  }
0x93: {  	s2 =	sld [smem:$0x3FFC];
	_ =	sdelay $0x3  }
0x94: {  	_ =	strace s2  }
0x95: {  	s2 =	sld [smem:$0x3FFD];
	_ =	sdelay $0x3  }
0x96: {  	_ =	strace s2  }
0x97: {  	_ =	strace $0x8FFFFFFF  }
0x98: {  	s20 =	sld [smem:$0x3FDB];
	_ =	sdelay $0x1  }
0x99: {  	s4 =	simm.s32 $_scs_section_size  }
0x9a: {  	s5 =	simm.s32 $_size__tile_overlayer_lowered;
	s6 =	simm.s32 $_tile_overlayer_lowered  }
0x9b: {  	s7 =	simm.s32 $0x1BFF;
	s21 =	sshll.u32 s6, $0x1;
	s4 =	sadd.s32 s4, s20  }
0x9c: {  	s22 =	simm.s32 $0x0;
	s5 =	sshll.u32 s5, $0x1;
	s6 =	sadd.s32 s21, s4  }
0x9d: {  	[timem:s22], [sflag:s7] =	dma.local [hbm:s6], s5  }
0x9e: {  	_ =	swait.ge [sflag:s7], s5  }
0x9f: {  	s5 =	ssub.s32 $0x0, s5;
	[sflag:s7] =	ssyncset.done $0x0  }
0xa0: {  	[sflag:s7] =	ssyncadd.s32 s5;
	_ =	sdelay $0x1  }
0xa1: {  	s23 =	simm.s32 $0x1B8B  }
0xa2: {  	_ =	swait.ge [sflag:s23], $0x1  }
0xa3: {  	[sflag:s23] =	ssyncset.done $0x0  }
0xa4: {  	[sflag:s23] =	ssyncadd.s32 $0xFFFFFFFF  }
0xa5: {  	s5 =	sld [smem:$0x0]  }
0xa6: {  	s6 =	sand.u32 $0xFFFFFFFE, s1  }
0xa7: {  	p0 =	sne.s32 s1, s6  }
0xa8: {  	s6 =	sshll.u32 @p0 s6, $0xE  }
0xa9: {  	s6 =	sadd.s32 @p0 $0x11B8D, s6;
	s7 =	sshll.u32 @p0 s5, $0x11  }
0xaa: {  	s6 =	sor.u32 @p0 s7, s6  }
0xab: {  	[sflag:s6] =	ssyncadd.remote.s32 @p0 $0x1;
	_ =	sdelay $0x1  }
0xac: {  	s6 =	simm.s32 @p0 $0x1B8D  }
0xad: {  	_ =	swait.eq @p0 [sflag:s6], $0x1  }
0xae: {  	[sflag:s6] =	ssyncadd.s32 @p0 $0xFFFFFFFF  }
0xaf: {  	s7 =	sshll.u32 @!p0 s1, $0xE  }
0xb0: {  	s7 =	sor.u32 @!p0 $0x4000, s7;
	s6 =	simm.s32 @!p0 $0x1B8D  }
0xb1: {  	s5 =	sshll.u32 @!p0 s5, $0x11;
	s7 =	sadd.s32 @!p0 $0x11B8D, s7;
	_ =	swait.eq @!p0 [sflag:s6], $0x1  }
0xb2: {  	s5 =	sor.u32 @!p0 s5, s7;
	[sflag:s6] =	ssyncadd.s32 @!p0 $0xFFFFFFFF  }
0xb3: {  	s25 =	simm.s32 $0x1B8E;
	s24 =	sld [smem:$0x3FFE];
	[sflag:s5] =	ssyncadd.remote.s32 @!p0 $0x1  }
0xb4: {  	s26 =	simm.s32 $execute0_lowered;
	[smem:$0x3FD2] =	sst s25  }
0xb5: {  	s6 =	sshll.u32 s26, $0x1;
	_ =	strace $0x80000049;
	[dreg:$0x1] =	wrdreg $0xFFFFFFFF  }
0xb6: {  	s28 =	simm.s32 $_size_execute0_lowered;
	s4 =	sadd.s32 s4, s6;
	[dreg:$0x0] =	wrdreg $0x0  }
0xb7: {  	s6 =	sshll.u32 s28, $0x1;
	[dreg:$0x2] =	wrdreg s4  }
0xb8: {  	[dreg:$0x3] =	wrdreg s6  }
0xb9: {  	[dreg:$0x4] =	wrdreg $0xC0  }
0xba: {  	_ =	task [dreg:s22], $0x5FFFF  }
0xbb: {  	[dreg:$0x1] =	wrdreg $0xFFFFFFFF  }
0xbc: {  	[dreg:$0x0] =	wrdreg $0x60  }
0xbd: {  	[dreg:$0x2] =	wrdreg s24  }
0xbe: {  	[dreg:$0x3] =	wrdreg s18  }
0xbf: {  	[dreg:$0x4] =	wrdreg $0x9  }
0xc0: {  	_ =	task.clear_ibuf [dreg:s22], $0x5FFFF;
	_ =	strace $0x90000049  }
0xc1: {  	s29 =	simm.s32 $0x9;
	_ =	strace $0x8000004B  }
0xc2: {  	_ =	swait.ge [sflag:s29], $0x1  }
0xc3: {  	[sflag:s29] =	ssyncadd.s32 $0xFFFFFFFF  }
0xc4: {  	_ =	strace $0x9000004B  }
0xc5: {  	_ =	sfence  }
0xc6: {  	s30 =	sld [smem:$0x0];
	_ =	sdelay $0x2  }
0xc7: {  	s31 =	sshll.u32 s1, $0xD;
	s1 =	sshrl.u32 s1, $0x2  }
0xc8: {  	s4 =	sand.u32 $0x4000, s31;
	s1 =	sadd.s32 s1, s30  }
0xc9: {  	s0 =	sor.u32 s4, s0;
	s1 =	sshll.u32 s1, $0x11  }
0xca: {  	s0 =	sor.u32 s1, s0  }
0xcb: {  	s0 =	sadd.s32 $0x8F2B, s0  }
0xcc: {  	[sflag:s0] =	ssyncadd.remote.s32 $0x1  }
0xcd: {  	_ =	sfence.sel $0xFFFF  }
0xce: {  	[dreg:$0x0] =	wrdreg $0xFFFFFFFF;
	(pc) =	sbr.abs _section_cstart, $3  }
0xcf: {  	[dreg:$0x1] =	wrdreg $0xFFFFFFFF  }
0xd0: {  	_ =	task.clear_ibuf [dreg:s22], $0x2FFFF;
	_ =	strace $0x9FFFFFFF  }
0xd1: {  	(tm) =	ssettm $0x7FFFFFFF  }
tec
execute0_lowered:
.L_overlay_start_1:
0x0: {  	(tag) =	ssettag $0x1  }
0x1: {  	s0 =	rddreg [dreg:$0x0];
	s3 =	simm.s32 $0x0  }
0x2: {  	s8 =	stileid.u32;
	s2 =	srdreg.scid;
	s11 =	simm.s32 $0x4  }
0x3: {  	s12 =	simm.s32 $0x80;
	s13 =	simm.s32 $0x100;
	s15 =	simm.s32 $0x1100  }
0x4: {  	s16 =	simm.s32 $0x1900;
	s17 =	simm.s32 $0x2100;
	s18 =	simm.s32 $0x2900  }
0x5: {  	s19 =	simm.s32 $0x3100;
	s20 =	simm.s32 $0x3900;
	s28 =	simm.s32 $0x7100  }
0x6: {  	s29 =	simm.s32 $0x7900;
	s30 =	simm.s32 $0x8100;
	s31 =	simm.s32 $0x1  }
0x7: {  	[smem:$0x7FF] =	sst s3;
	s1 =	sshll.u32 s8, $0x5;
	s4 =	sadd.s32 $0x42800, s0  }
0x8: {  	s2 =	sand.u32 $0x1, s2;
	s5 =	sshll.u32 s8, $0xD;
	s6 =	sshll.u32 s8, $0xC  }
0x9: {  	s22 =	sshll.u32 s8, $0x1;
	_ =	strace $0x8000004A;
	s1 =	sadd.s32 s1, s0  }
0xa: {  	s7 =	ssub.s32 $0x2, s2;
	s5 =	sadd.s32 s5, s0;
	s0 =	sadd.s32 s6, s0  }
0xb: {  	[dreg:$0x3] =	wrdreg s22;
	s23 =	sshll.u32 s2, $0xB;
	s24 =	sshll.u32 s2, $0xC  }
0xc: {  	s2 =	sshll.u32 s2, $0x4;
	s22 =	simm.s32 $0x4900;
	s21 =	sshrl.u32 s7, $0x1  }
0xd: {  	s0 =	sadd.s32 s23, s0;
	s25 =	sadd.s32 s24, s5;
	s1 =	sadd.s32 s2, s1  }
0xe: {  	s23 =	simm.s32 $0x5100;
	s24 =	simm.s32 $0x5900;
	s0 =	sadd.s32 $0xCCFA00, s0  }
.Ltmp0:
0xf: {  	s5 =	simm.s32 $0x0;
	s9 =	sadd.s32 $0x7E8A00, s1;
	(pc) =	sbr.rel .LBB2_1-.Ltmp0, $4  }
0x10: {  	s6 =	ssub.s32 s7, s21;
	s10 =	sadd.s32 $0x7E3A00, s1;
	s21 =	simm.s32 $0x4100  }
0x11: {  	v2 =	vlaneseq.u32;
	s1 =	simm.s32 $0x3;
	[dreg:$0x4] =	wrdreg s0;
	s26 =	smax.u32 s6, $0x1  }
0x12: {  	vm0 =	vmmov $0xffff;
	v1 =	vshrl.u32 v2, $0x3;
	s0 =	sadd.s32 $0x7EDA00, s25;
	s25 =	simm.s32 $0x6100;
	[dreg:$0x5] =	wrdreg s26  }
0x13: {  	v0 =	vand.u32 $0x7, v2;
	v2 =	vor.u32 $0x8, v2;
	v1 =	vmul.u32 $0x8, v1;
	[dreg:$0x6] =	wrdreg s0;
	s26 =	simm.s32 $0x6900;
	s0 =	simm.s32 $0x2  }
.LBB2_5:
0x14: {  	s5 =	sadd.s32 $0x1, s5;
	s2 =	rddreg [dreg:$0x5]  }
0x15: {  	p0 =	sne.s32 s5, s2  }
.Ltmp1:
0x16: {  	_ = 	snop;
	(pc) =	sbr.rel @!p0 .LBB2_6-.Ltmp1, $1  }
0x17: {  	_ =	sdelay $0x3  }
.LBB2_1:
.Ltmp2:
0x18: {  	(pc) =	sbr.rel .LBB2_2-.Ltmp2, $4  }
0x19: {  	_ = 	snop  }
0x1a: {  	s6 =	rddreg [dreg:$0x3]  }
0x1b: {  	s8 =	rddreg [dreg:$0x6]  }
0x1c: {  	s7 =	rddreg [dreg:$0x4];
	s2 =	simm.s32 $0x0  }
.LBB2_4:
0x1d: {  	s2 =	sadd.s32 $0x200, s2  }
0x1e: {  	p0 =	sne.s32 s2, $0x5000  }
.Ltmp3:
0x1f: {  	_ = 	snop;
	(pc) =	sbr.rel @!p0 .LBB2_5-.Ltmp3, $2  }
0x20: {  	_ =	sdelay $0x2  }
0x21: {  	s7 =	sadd.s32 $0x10000, s7;
	s8 =	sadd.s32 $0x20000, s8;
	s6 =	sadd.s32 $0x20, s6  }
.LBB2_2:
0x22: {  	p0 =	sgt.u32 s6, $0x4E1  }
.Ltmp4:
0x23: {  	_ = 	snop;
	(pc) =	sbr.rel @p0 .LBB2_4-.Ltmp4, $1  }
0x24: {  	_ =	sdelay $0x3  }
0x25: {  	s14 =	sadd.s32 s2, s10  }
0x26: {  	[tilespmem:s3], [sflag:$0x4] =	stream.linear.gather [hbm4b:s14+s3], $0x80, $0x38;
	[tilespmem:$0xC100] =	vst v63  }
0x27: {  	_ =	swait.ge [sflag:s11], $0x80  }
0x28: {  	[sflag:s11] =	ssyncset.done $0x0  }
0x29: {  	s14 =	sadd.s32 s2, s9;
	[sflag:s11] =	ssyncadd.s32 $0xFFFFFF80  }
0x2a: {  	[tilespmem:s12], [sflag:$0x4] =	stream.linear.gather [hbm4b:s14+s3], $0x80, $0x38;
	[tilespmem:$0xC100] =	vst v63  }
0x2b: {  	_ =	swait.ge [sflag:s11], $0x80  }
0x2c: {  	[sflag:s11] =	ssyncset.done $0x0  }
0x2d: {  	[sflag:s11] =	ssyncadd.s32 $0xFFFFFF80  }
0x2e: {  	v3 =	vld [tilespmem:$0x0];
	_ =	sdelay $0x4  }
0x2f: {  	v4 =	vshll.u32 v3, $0x1  }
0x30: {  	v3 =	vand.u32 $0x7, v3;
	v4 =	vand.u32 $0xFFFFFFF0, v4  }
0x31: {  	v3 =	vor.u32 v3, v4  }
0x32: {  	v4 =	vperm.xlane v3, v0;
	_ =	sdelay $0x1  }
0x33: {  	v3 =	vperm.xlane v3, v2;
	v4 =	vadd.s32 v1, v4;
	_ =	sdelay $0x1  }
0x34: {  	v3 =	vadd.s32 v1, v3;
	_ =	sdelay $0x2  }
0x35: {  	[tilespmem:s13], [sflag:$0x1] =	stream.indirect_vreg.gather [hbm4b:s4+s3], $0x80, v4, vm0, $0xb8;
	[tilespmem:$0xC100] =	vst v63  }
0x36: {  	s14 =	simm.s32 $0x900  }
0x37: {  	[tilespmem:s14], [sflag:$0x1] =	stream.indirect_vreg.gather [hbm4b:s4+s3], $0x80, v3, vm0, $0xb8;
	[tilespmem:$0xC100] =	vst v63  }
0x38: {  	v3 =	vld [tilespmem:$0x10];
	_ =	sdelay $0x4  }
0x39: {  	v57 =	vshll.u32 v3, $0x1  }
0x3a: {  	v3 =	vand.u32 $0x7, v3;
	v4 =	vand.u32 $0xFFFFFFF0, v57  }
0x3b: {  	v3 =	vor.u32 v3, v4  }
0x3c: {  	v4 =	vperm.xlane v3, v0;
	_ =	sdelay $0x1  }
0x3d: {  	v3 =	vperm.xlane v3, v2;
	v4 =	vadd.s32 v1, v4;
	_ =	sdelay $0x1  }
0x3e: {  	v3 =	vadd.s32 v1, v3;
	_ =	sdelay $0x2  }
0x3f: {  	[tilespmem:s15], [sflag:$0x1] =	stream.indirect_vreg.gather [hbm4b:s4+s3], $0x80, v4, vm0, $0xb8;
	[tilespmem:$0xC100] =	vst v63  }
0x40: {  	_ = 	snop  }
0x41: {  	[tilespmem:s16], [sflag:$0x1] =	stream.indirect_vreg.gather [hbm4b:s4+s3], $0x80, v3, vm0, $0xb8;
	[tilespmem:$0xC100] =	vst v63  }
0x42: {  	v3 =	vld [tilespmem:$0x20];
	_ =	sdelay $0x4  }
0x43: {  	v58 =	vshll.u32 v3, $0x1  }
0x44: {  	v3 =	vand.u32 $0x7, v3;
	v4 =	vand.u32 $0xFFFFFFF0, v58  }
0x45: {  	v3 =	vor.u32 v3, v4  }
0x46: {  	v4 =	vperm.xlane v3, v0;
	_ =	sdelay $0x1  }
0x47: {  	v3 =	vperm.xlane v3, v2;
	v4 =	vadd.s32 v1, v4;
	_ =	sdelay $0x1  }
0x48: {  	v3 =	vadd.s32 v1, v3;
	_ =	sdelay $0x2  }
0x49: {  	[tilespmem:s17], [sflag:$0x1] =	stream.indirect_vreg.gather [hbm4b:s4+s3], $0x80, v4, vm0, $0xb8;
	[tilespmem:$0xC100] =	vst v63  }
0x4a: {  	_ = 	snop  }
0x4b: {  	[tilespmem:s18], [sflag:$0x1] =	stream.indirect_vreg.gather [hbm4b:s4+s3], $0x80, v3, vm0, $0xb8;
	[tilespmem:$0xC100] =	vst v63  }
0x4c: {  	v3 =	vld [tilespmem:$0x30];
	_ =	sdelay $0x4  }
0x4d: {  	v59 =	vshll.u32 v3, $0x1  }
0x4e: {  	v3 =	vand.u32 $0x7, v3;
	v4 =	vand.u32 $0xFFFFFFF0, v59  }
0x4f: {  	v3 =	vor.u32 v3, v4  }
0x50: {  	v4 =	vperm.xlane v3, v0;
	_ =	sdelay $0x1  }
0x51: {  	v3 =	vperm.xlane v3, v2;
	v4 =	vadd.s32 v1, v4;
	_ =	sdelay $0x1  }
0x52: {  	v3 =	vadd.s32 v1, v3;
	_ =	sdelay $0x2  }
0x53: {  	[tilespmem:s19], [sflag:$0x1] =	stream.indirect_vreg.gather [hbm4b:s4+s3], $0x80, v4, vm0, $0xb8;
	[tilespmem:$0xC100] =	vst v63  }
0x54: {  	_ = 	snop  }
0x55: {  	[tilespmem:s20], [sflag:$0x1] =	stream.indirect_vreg.gather [hbm4b:s4+s3], $0x80, v3, vm0, $0xb8;
	[tilespmem:$0xC100] =	vst v63  }
0x56: {  	v3 =	vld [tilespmem:$0x40];
	_ =	sdelay $0x4  }
0x57: {  	v60 =	vshll.u32 v3, $0x1  }
0x58: {  	v3 =	vand.u32 $0x7, v3;
	v4 =	vand.u32 $0xFFFFFFF0, v60  }
0x59: {  	v3 =	vor.u32 v3, v4  }
0x5a: {  	v4 =	vperm.xlane v3, v0;
	_ =	sdelay $0x1  }
0x5b: {  	v3 =	vperm.xlane v3, v2;
	v4 =	vadd.s32 v1, v4;
	_ =	sdelay $0x1  }
0x5c: {  	v3 =	vadd.s32 v1, v3;
	_ =	sdelay $0x2  }
0x5d: {  	[tilespmem:s21], [sflag:$0x1] =	stream.indirect_vreg.gather [hbm4b:s4+s3], $0x80, v4, vm0, $0xb8;
	[tilespmem:$0xC100] =	vst v63  }
0x5e: {  	_ = 	snop  }
0x5f: {  	[tilespmem:s22], [sflag:$0x1] =	stream.indirect_vreg.gather [hbm4b:s4+s3], $0x80, v3, vm0, $0xb8;
	[tilespmem:$0xC100] =	vst v63  }
0x60: {  	v3 =	vld [tilespmem:$0x50];
	_ =	sdelay $0x4  }
0x61: {  	v61 =	vshll.u32 v3, $0x1  }
0x62: {  	v3 =	vand.u32 $0x7, v3;
	v4 =	vand.u32 $0xFFFFFFF0, v61  }
0x63: {  	v3 =	vor.u32 v3, v4  }
0x64: {  	v4 =	vperm.xlane v3, v0;
	_ =	sdelay $0x1  }
0x65: {  	v3 =	vperm.xlane v3, v2;
	v4 =	vadd.s32 v1, v4;
	_ =	sdelay $0x1  }
0x66: {  	v3 =	vadd.s32 v1, v3;
	_ =	sdelay $0x2  }
0x67: {  	[tilespmem:s23], [sflag:$0x1] =	stream.indirect_vreg.gather [hbm4b:s4+s3], $0x80, v4, vm0, $0xb8;
	[tilespmem:$0xC100] =	vst v63  }
0x68: {  	_ = 	snop  }
0x69: {  	[tilespmem:s24], [sflag:$0x1] =	stream.indirect_vreg.gather [hbm4b:s4+s3], $0x80, v3, vm0, $0xb8;
	[tilespmem:$0xC100] =	vst v63  }
0x6a: {  	v3 =	vld [tilespmem:$0x60];
	_ =	sdelay $0x4  }
0x6b: {  	v62 =	vshll.u32 v3, $0x1  }
0x6c: {  	v3 =	vand.u32 $0x7, v3;
	v4 =	vand.u32 $0xFFFFFFF0, v62  }
0x6d: {  	v3 =	vor.u32 v3, v4  }
0x6e: {  	v4 =	vperm.xlane v3, v0;
	_ =	sdelay $0x1  }
0x6f: {  	v3 =	vperm.xlane v3, v2;
	v4 =	vadd.s32 v1, v4;
	_ =	sdelay $0x1  }
0x70: {  	v3 =	vadd.s32 v1, v3;
	_ =	sdelay $0x2  }
0x71: {  	[tilespmem:s25], [sflag:$0x1] =	stream.indirect_vreg.gather [hbm4b:s4+s3], $0x80, v4, vm0, $0xb8;
	[tilespmem:$0xC100] =	vst v63  }
0x72: {  	_ = 	snop  }
0x73: {  	[tilespmem:s26], [sflag:$0x1] =	stream.indirect_vreg.gather [hbm4b:s4+s3], $0x80, v3, vm0, $0xb8;
	[tilespmem:$0xC100] =	vst v63  }
0x74: {  	v3 =	vld [tilespmem:$0x70];
	_ =	sdelay $0x4  }
0x75: {  	v63 =	vshll.u32 v3, $0x1  }
0x76: {  	v3 =	vand.u32 $0x7, v3;
	v4 =	vand.u32 $0xFFFFFFF0, v63  }
0x77: {  	v3 =	vor.u32 v3, v4  }
0x78: {  	v4 =	vperm.xlane v3, v0;
	_ =	sdelay $0x1  }
0x79: {  	v3 =	vperm.xlane v3, v2;
	v4 =	vadd.s32 v1, v4;
	_ =	sdelay $0x1  }
0x7a: {  	v3 =	vadd.s32 v1, v3;
	_ =	sdelay $0x2  }
0x7b: {  	[tilespmem:s28], [sflag:$0x1] =	stream.indirect_vreg.gather [hbm4b:s4+s3], $0x80, v4, vm0, $0xb8;
	[tilespmem:$0xC100] =	vst v63  }
0x7c: {  	_ = 	snop  }
0x7d: {  	[tilespmem:s29], [sflag:$0x1] =	stream.indirect_vreg.gather [hbm4b:s4+s3], $0x80, v3, vm0, $0xb8;
	[tilespmem:$0xC100] =	vst v63  }
0x7e: {  	s14 =	rddreg [dreg:$0x1]  }
0x7f: {  	[tilespmem:s30], [sflag:$0x2] =	stream.indirect.gather [hbm4b:s14+s12], $0x80, s12, s12, $0xb8;
	[tilespmem:$0xC100] =	vst v63  }
0x80: {  	_ =	swait.ge [sflag:s31], $0x8000  }
0x81: {  	[sflag:s31] =	ssyncset.done $0x0  }
0x82: {  	[sflag:s31] =	ssyncadd.s32 $0xFFFF8000  }
0x83: {  	_ =	swait.ge [sflag:s0], $0x4000  }
0x84: {  	[sflag:s0] =	ssyncset.done $0x0  }
0x85: {  	[sflag:s0] =	ssyncadd.s32 $0xFFFFC000  }
0x86: {  	[hbm4b:s8+s3] =	stream.linear.scatter [tilespmem:s13], [sflag:$0x4], $0x8000, $0x38;
	[tilespmem:$0xC100] =	vst v63  }
0x87: {  	_ =	swait.ge [sflag:s11], $0x8000  }
0x88: {  	[sflag:s11] =	ssyncset.done $0x0  }
.Ltmp5:
0x89: {  	[sflag:s11] =	ssyncadd.s32 $0xFFFF8000;
	(pc) =	sbr.rel .LBB2_4-.Ltmp5, $4  }
0x8a: {  	[hbm4b:s7+s3] =	stream.linear.scatter [tilespmem:s30], [sflag:$0x3], $0x4000, $0x38;
	[tilespmem:$0xC100] =	vst v63  }
0x8b: {  	_ =	swait.ge [sflag:s1], $0x4000  }
0x8c: {  	[sflag:s1] =	ssyncset.done $0x0  }
0x8d: {  	[sflag:s1] =	ssyncadd.s32 $0xFFFFC000  }
.LBB2_6:
0x8e: {  	_ =	sfence.sel $0x180000  }
0x8f: {  	[bflag:$0x0] =	sbarrier.arrive $0xFFFF  }
0x90: {  	_ =	strace $0x9000004A  }
0x91: {  	s0 =	stileid.u32;
	[bflag:$0x2] =	sbarrier.arrive $0xFFFF  }
0x92: {  	p0 =	sne.s32 s0, $0x0;
	s0 =	rddreg [dreg:$0x2]  }
0x93: {  	s0 =	sadd.s32 @!p0 $0x100000, s0  }
0x94: {  	[sflag:s0] =	ssyncadd.tile.s32 @!p0 $0x1;
	_ =	shalt  }
.Lfunc_end2:
_tile_overlayer_lowered:
.L_overlay_start_2:
0x95: {  	(tag) =	ssettag $0x2  }
0x96: {  	s0 =	rddreg [dreg:$0x0];
	s2 =	stileid.u32  }
0x97: {  	s1 =	rddreg [dreg:$0x1];
	p0 =	sne.s32 s2, $0x0  }
0x98: {  	s3 =	rddreg [dreg:$0x2];
	[bflag:$0x3] =	sbarrier.arrive $0xFFFF;
	s2 =	simm.s32 @!p0 $0x1C03  }
0x99: {  	[timem:s3], [sflag:s2] =	dma.local @!p0 [hbm:s0], s1  }
0x9a: {  	s0 =	simm.s32 @!p0 $0x3  }
0x9b: {  	_ =	swait.ge @!p0 [sflag:s0], s1  }
0x9c: {  	s1 =	ssub.s32 @!p0 $0x0, s1;
	[sflag:s0] =	ssyncset.done @!p0 $0x0  }
0x9d: {  	[sflag:s0] =	ssyncadd.s32 @!p0 s1  }
0x9e: {  	[bflag:$0x3] =	sbarrier.arrive $0xFFFF  }
0x9f: {  	_ =	shalt  }

// kernel: kernel.30.cloned.1.call-start
scs
__scs_entry_jumppad:
0x0: {  	(pc) =	sbr.rel $0x88, $3  }
0x1: {  	(tag) =	ssettag $0x0;
	lr =	simm.s32 $0x1  }
0x2: {  	[smem:$0x3F5C] =	sst lr;
	_ =	strace $0xD0000000  }
0x3: {  	_ = 	snop  }
0x4: {  	_ = 	snop  }
0x5: {  	_ = 	snop  }
0x6: {  	_ = 	snop  }
0x7: {  	_ = 	snop  }
__scs_overlays_trampoline_lowered:
0x8: {  	[smem:$0x3F6B] =	sst s0  }
0x9: {  	[smem:$0x3F6C] =	sst s1  }
0xa: {  	[smem:$0x3F6D] =	sst s2  }
0xb: {  	[smem:$0x3F6E] =	sst s3  }
0xc: {  	[smem:$0x3F6F] =	sst s4  }
0xd: {  	[smem:$0x3F70] =	sst s5  }
0xe: {  	[smem:$0x3F71] =	sst s6  }
0xf: {  	[smem:$0x3F72] =	sst s7  }
0x10: {  	[smem:$0x3F73] =	sst s8  }
0x11: {  	[smem:$0x3F74] =	sst s9;
	s0 =	simm.s32 @!p0 $0x0  }
0x12: {  	s1 =	sld [smem:$0x3F5A];
	s0 =	simm.s32 @p0 $0x1  }
0x13: {  	[smem:$0x3F75] =	sst s0;
	s0 =	simm.s32 @!p1 $0x0  }
0x14: {  	s2 =	sld [smem:$0x3F59];
	s0 =	simm.s32 @p1 $0x1  }
0x15: {  	[smem:$0x3F76] =	sst s0;
	s0 =	simm.s32 @!p2 $0x0  }
0x16: {  	s3 =	sld [smem:$0x3FDB];
	s0 =	simm.s32 @p2 $0x1  }
0x17: {  	s4 =	simm.s32 $0x1BF5;
	[smem:$0x3F78] =	sst s0  }
0x18: {  	s0 =	sld [smem:$0x3F5B];
	_ =	swait.ge [sflag:s4], $0x0  }
0x19: {  	s7 =	sld [smem:$0x3F5C]  }
0x1a: {  	s8 =	sadd.s32 $0xFFFFE003, lr  }
0x1b: {  	s9 =	sadd.s32 $0xFFFFFEF7, lr;
	s5 =	simm.s32 $0xFFFFFFFF;
	p2 =	slt.u32 s8, $0xFFFFF086  }
0x1c: {  	p1 =	slt.u32 s9, $0xF7A;
	s5 =	simm.s32 @!p2 $0x0  }
0x1d: {  	s5 =	simm.s32 @p1 $0x1;
	p0 =	seq.s32 s7, s2  }
0x1e: {  	s7 =	smul.u32 @!p0 $0xF7A, s2;
	p2 =	seq.s32 @!p0 s5, $0x0  }
0x1f: {  	s9 =	smul.u32 $0xF7A, s1;
	s8 =	simm.s32 @!p0 $0x1BF5;
	p2 =	por !p2, p0  }
0x20: {  	[sflag:s8] =	ssyncset.s32 @!p0 $0xFFFFF086;
	s6 =	sadd.s32 @!p0 s3, s7;
	s7 =	simm.s32 @!p0 $0x108  }
0x21: {  	s3 =	sadd.s32 s3, s9;
	s6 =	sadd.s32 @!p0 $0x88, s6;
	s7 =	simm.s32 @p2 $0x1082  }
0x22: {  	[simem:s7], [sflag:s8] =	dma.local @!p0 [hbm:s6], $0xF7A  }
0x23: {  	s9 =	sor.u32 $0xD0000000, s2;
	s6 =	simm.s32 $0x108;
	_ =	swait.ge @!p0 [sflag:s8], $0x0  }
0x24: {  	s3 =	sadd.s32 $0x88, s3;
	s6 =	simm.s32 @!p1 $0x1082;
	[sflag:s4] =	ssyncset.s32 $0xFFFFF086  }
0x25: {  	[simem:s6], [sflag:s4] =	dma.local [hbm:s3], $0xF7A  }
0x26: {  	[smem:$0x3F5C] =	sst s1;
	(tag) =	ssettag s2;
	_ =	strace s9  }
0x27: {  	s1 =	sld [smem:$0x3F6C]  }
0x28: {  	s2 =	sld [smem:$0x3F6D]  }
0x29: {  	s4 =	sld [smem:$0x3F6F]  }
0x2a: {  	p0 =	seq.s32 s5, $0x0;
	s5 =	sld [smem:$0x3F70]  }
0x2b: {  	s6 =	sld [smem:$0x3F71]  }
0x2c: {  	s7 =	sld [smem:$0x3F72]  }
0x2d: {  	s3 =	simm.s32 $0x108;
	s8 =	sld [smem:$0x3F73]  }
0x2e: {  	s3 =	simm.s32 @!p0 $0x1082;
	s9 =	sld [smem:$0x3F74]  }
0x2f: {  	lr =	sadd.s32 s0, s3;
	s0 =	sld [smem:$0x3F6B]  }
0x30: {  	s3 =	sld [smem:$0x3F6E]  }
0x31: {  	[smem:$0x3F77] =	sst s10  }
0x32: {  	s10 =	sld [smem:$0x3F75];
	_ =	sdelay $0x3  }
0x33: {  	p0 =	seq.s32 s10, $0x1;
	s10 =	sld [smem:$0x3F77];
	_ =	sdelay $0x3  }
0x34: {  	[smem:$0x3F77] =	sst s10  }
0x35: {  	s10 =	sld [smem:$0x3F76];
	_ =	sdelay $0x3  }
0x36: {  	p1 =	seq.s32 s10, $0x1;
	s10 =	sld [smem:$0x3F77];
	_ =	sdelay $0x3  }
0x37: {  	[smem:$0x3F77] =	sst s10  }
0x38: {  	s10 =	sld [smem:$0x3F78]  }
0x39: {  	_ = 	snop;
	(pc) =	sbr.ind lr, $3  }
0x3a: {  	_ = 	snop  }
0x3b: {  	_ = 	snop  }
0x3c: {  	p2 =	seq.s32 s10, $0x1;
	s10 =	sld [smem:$0x3F77]  }
0x3d: {  	_ =	shalt  }
0x3e: {  	_ =	shalt  }
0x3f: {  	_ =	shalt  }
0x40: {  	_ =	shalt  }
0x41: {  	_ =	shalt  }
0x42: {  	_ =	shalt  }
0x43: {  	_ =	shalt  }
0x44: {  	_ =	shalt  }
0x45: {  	_ =	shalt  }
0x46: {  	_ =	shalt  }
0x47: {  	_ =	shalt  }
0x48: {  	_ =	shalt  }
0x49: {  	_ =	shalt  }
0x4a: {  	_ =	shalt  }
0x4b: {  	_ =	shalt  }
0x4c: {  	_ =	shalt  }
0x4d: {  	_ =	shalt  }
0x4e: {  	_ =	shalt  }
0x4f: {  	_ =	shalt  }
0x50: {  	_ =	shalt  }
0x51: {  	_ =	shalt  }
0x52: {  	_ =	shalt  }
0x53: {  	_ =	shalt  }
0x54: {  	_ =	shalt  }
0x55: {  	_ =	shalt  }
0x56: {  	_ =	shalt  }
0x57: {  	_ =	shalt  }
0x58: {  	_ =	shalt  }
0x59: {  	_ =	shalt  }
0x5a: {  	_ =	shalt  }
0x5b: {  	_ =	shalt  }
0x5c: {  	_ =	shalt  }
0x5d: {  	_ =	shalt  }
0x5e: {  	_ =	shalt  }
0x5f: {  	_ =	shalt  }
0x60: {  	_ =	shalt  }
0x61: {  	_ =	shalt  }
0x62: {  	_ =	shalt  }
0x63: {  	_ =	shalt  }
0x64: {  	_ =	shalt  }
0x65: {  	_ =	shalt  }
0x66: {  	_ =	shalt  }
0x67: {  	_ =	shalt  }
0x68: {  	_ =	shalt  }
0x69: {  	_ =	shalt  }
0x6a: {  	_ =	shalt  }
0x6b: {  	_ =	shalt  }
0x6c: {  	_ =	shalt  }
0x6d: {  	_ =	shalt  }
0x6e: {  	_ =	shalt  }
0x6f: {  	_ =	shalt  }
0x70: {  	_ =	shalt  }
0x71: {  	_ =	shalt  }
0x72: {  	_ =	shalt  }
0x73: {  	_ =	shalt  }
0x74: {  	_ =	shalt  }
0x75: {  	_ =	shalt  }
0x76: {  	_ =	shalt  }
0x77: {  	_ =	shalt  }
0x78: {  	_ =	shalt  }
0x79: {  	_ =	shalt  }
0x7a: {  	_ =	shalt  }
0x7b: {  	_ =	shalt  }
0x7c: {  	_ =	shalt  }
0x7d: {  	_ =	shalt  }
0x7e: {  	_ =	shalt  }
0x7f: {  	_ =	shalt  }
0x80: {  	_ =	shalt  }
0x81: {  	_ =	shalt  }
0x82: {  	_ =	shalt  }
0x83: {  	_ =	shalt  }
0x84: {  	_ =	shalt  }
0x85: {  	_ =	shalt  }
0x86: {  	_ =	shalt  }
0x87: {  	_ =	shalt  }
.Lfunc_end0:
.L_simem_size_0:
called_computation.1_lowered:
.L_overlay_start_0:
0x88: {  	s2 =	sld [smem:$0x3FD9]  }
0x89: {  	s3 =	sld [smem:$0x3FFE];
	_ =	sdelay $0x1  }
0x8a: {  	s1 =	srdreg.scid  }
0x8b: {  	s0 =	sand.u32 $0x1, s1  }
0x8c: {  	s17 =	sshll.u32 s0, $0xA;
	s2 =	sadd.s32 s3, s2  }
0x8d: {  	s2 =	sadd.s32 s2, s17  }
0x8e: {  	[smem:$0x3F83] =	sst s2  }
0x8f: {  	_ = 	snop  }
0x90: {  	(tm) =	ssettm $0x1  }
0x91: {  	s18 =	sld [smem:$0x3FFB];
	_ =	sdelay $0x3  }
0x92: {  	_ =	strace s18  }
0x93: {  	s2 =	sld [smem:$0x3FFC];
	_ =	sdelay $0x3  }
0x94: {  	_ =	strace s2  }
0x95: {  	s2 =	sld [smem:$0x3FFD];
	_ =	sdelay $0x3  }
0x96: {  	_ =	strace s2  }
0x97: {  	_ =	strace $0x8FFFFFFF  }
0x98: {  	s19 =	sld [smem:$0x3FDB];
	_ =	sdelay $0x1  }
0x99: {  	s20 =	simm.s32 $_scs_section_size  }
0x9a: {  	s4 =	simm.s32 $_size__tile_overlayer_lowered;
	s5 =	simm.s32 $_tile_overlayer_lowered  }
0x9b: {  	s6 =	simm.s32 $0x1BFF;
	s21 =	sshll.u32 s5, $0x1;
	s3 =	sadd.s32 s20, s19  }
0x9c: {  	s22 =	simm.s32 $0x0;
	s4 =	sshll.u32 s4, $0x1;
	s5 =	sadd.s32 s21, s3  }
0x9d: {  	[timem:s22], [sflag:s6] =	dma.local [hbm:s5], s4  }
0x9e: {  	_ =	swait.ge [sflag:s6], s4  }
0x9f: {  	s4 =	ssub.s32 $0x0, s4;
	[sflag:s6] =	ssyncset.done $0x0  }
0xa0: {  	[sflag:s6] =	ssyncadd.s32 s4;
	_ =	sdelay $0x1  }
0xa1: {  	s23 =	simm.s32 $0x1B8B  }
0xa2: {  	_ =	swait.ge [sflag:s23], $0x1  }
0xa3: {  	[sflag:s23] =	ssyncset.done $0x0  }
0xa4: {  	[sflag:s23] =	ssyncadd.s32 $0xFFFFFFFF  }
0xa5: {  	s4 =	sld [smem:$0x0]  }
0xa6: {  	s5 =	sand.u32 $0xFFFFFFFE, s1  }
0xa7: {  	p0 =	sne.s32 s1, s5  }
0xa8: {  	s5 =	sshll.u32 @p0 s5, $0xE  }
0xa9: {  	s5 =	sadd.s32 @p0 $0x11B8D, s5;
	s6 =	sshll.u32 @p0 s4, $0x11  }
0xaa: {  	s5 =	sor.u32 @p0 s6, s5  }
0xab: {  	[sflag:s5] =	ssyncadd.remote.s32 @p0 $0x1;
	_ =	sdelay $0x1  }
0xac: {  	s5 =	simm.s32 @p0 $0x1B8D  }
0xad: {  	_ =	swait.eq @p0 [sflag:s5], $0x1  }
0xae: {  	[sflag:s5] =	ssyncadd.s32 @p0 $0xFFFFFFFF  }
0xaf: {  	s6 =	sshll.u32 @!p0 s1, $0xE  }
0xb0: {  	s6 =	sor.u32 @!p0 $0x4000, s6;
	s5 =	simm.s32 @!p0 $0x1B8D  }
0xb1: {  	s4 =	sshll.u32 @!p0 s4, $0x11;
	s6 =	sadd.s32 @!p0 $0x11B8D, s6;
	_ =	swait.eq @!p0 [sflag:s5], $0x1  }
0xb2: {  	s4 =	sor.u32 @!p0 s4, s6;
	[sflag:s5] =	ssyncadd.s32 @!p0 $0xFFFFFFFF  }
0xb3: {  	s25 =	simm.s32 $0x1B8E;
	s24 =	sld [smem:$0x3FFE];
	[sflag:s4] =	ssyncadd.remote.s32 @!p0 $0x1  }
0xb4: {  	s26 =	simm.s32 $execute0_lowered;
	[smem:$0x3FD2] =	sst s25  }
0xb5: {  	s5 =	sshll.u32 s26, $0x1;
	_ =	strace $0x8000004F;
	[dreg:$0x1] =	wrdreg $0xFFFFFFFF  }
0xb6: {  	s28 =	simm.s32 $_size_execute0_lowered;
	s3 =	sadd.s32 s3, s5;
	[dreg:$0x0] =	wrdreg $0x0  }
0xb7: {  	s5 =	sshll.u32 s28, $0x1;
	[dreg:$0x2] =	wrdreg s3  }
0xb8: {  	[dreg:$0x3] =	wrdreg s5  }
0xb9: {  	[dreg:$0x4] =	wrdreg $0xC0  }
0xba: {  	_ =	task [dreg:s22], $0x5FFFF  }
0xbb: {  	[dreg:$0x1] =	wrdreg $0xFFFFFFFF  }
0xbc: {  	[dreg:$0x0] =	wrdreg $0x60  }
0xbd: {  	[dreg:$0x2] =	wrdreg s24  }
0xbe: {  	[dreg:$0x3] =	wrdreg $0x40800  }
0xbf: {  	[dreg:$0x4] =	wrdreg $0x9  }
0xc0: {  	_ =	task.clear_ibuf [dreg:s22], $0x5FFFF;
	_ =	strace $0x9000004F  }
0xc1: {  	s29 =	simm.s32 $0x9;
	_ =	strace $0x80000051  }
0xc2: {  	_ =	swait.ge [sflag:s29], $0x1  }
0xc3: {  	[sflag:s29] =	ssyncadd.s32 $0xFFFFFFFF  }
0xc4: {  	_ =	strace $0x90000051  }
0xc5: {  	_ =	sfence  }
0xc6: {  	s30 =	sld [smem:$0x0];
	_ =	sdelay $0x2  }
0xc7: {  	s31 =	sshll.u32 s1, $0xD;
	s1 =	sshrl.u32 s1, $0x2  }
0xc8: {  	s4 =	sand.u32 $0x4000, s31;
	s1 =	sadd.s32 s1, s30  }
0xc9: {  	s0 =	sor.u32 s4, s0;
	s1 =	sshll.u32 s1, $0x11  }
0xca: {  	s0 =	sor.u32 s1, s0  }
0xcb: {  	s0 =	sadd.s32 $0x8F2B, s0  }
0xcc: {  	[sflag:s0] =	ssyncadd.remote.s32 $0x1  }
0xcd: {  	_ =	sfence.sel $0xFFFF  }
0xce: {  	[dreg:$0x0] =	wrdreg $0xFFFFFFFF;
	(pc) =	sbr.abs _section_cstart, $3  }
0xcf: {  	[dreg:$0x1] =	wrdreg $0xFFFFFFFF  }
0xd0: {  	_ =	task.clear_ibuf [dreg:s22], $0x2FFFF;
	_ =	strace $0x9FFFFFFF  }
0xd1: {  	(tm) =	ssettm $0x7FFFFFFF  }
tec
execute0_lowered:
.L_overlay_start_1:
0x0: {  	(tag) =	ssettag $0x1  }
0x1: {  	s4 =	rddreg [dreg:$0x0]  }
0x2: {  	s2 =	rddreg [dreg:$0x1]  }
0x3: {  	s1 =	stileid.u32;
	s3 =	srdreg.scid  }
0x4: {  	s0 =	rddreg [dreg:$0x2];
	s5 =	smul.u32 $0x13C00, s1;
	s6 =	sand.u32 $0x1, s3  }
0x5: {  	s3 =	simm.s32 $0x0;
	s7 =	sshll.u32 s1, $0xC;
	s11 =	smul.u32 $0x4F000, s1  }
0x6: {  	s25 =	sshll.u32 s1, $0x4;
	s31 =	sshll.u32 s1, $0x6;
	s8 =	smul.u32 $0x13C000, s6  }
0x7: {  	[smem:$0x7FF] =	sst s3;
	s9 =	sadd.s32 s7, s4;
	s10 =	sadd.s32 s25, s4  }
0x8: {  	s28 =	ssub.s32 $0x2, s6;
	s13 =	sshll.u32 s6, $0x7;
	s26 =	sshrl.u32 s5, $0x3  }
0x9: {  	s29 =	sshrl.u32 s28, $0x1;
	_ =	strace $0x80000050;
	s30 =	sshrl.u32 s11, $0x2  }
0xa: {  	s9 =	sadd.s32 s13, s9;
	s5 =	sadd.s32 s5, s8;
	s7 =	sadd.s32 s26, s4  }
0xb: {  	s8 =	ssub.s32 s28, s29;
	s11 =	sadd.s32 s30, s2;
	s5 =	sshrl.u32 s5, $0x3  }
0xc: {  	s9 =	sadd.s32 $0x191DA00, s9;
	s12 =	sadd.s32 s5, s4;
	s4 =	sadd.s32 $0x90A00, s7  }
0xd: {  	s5 =	sor.u32 $0x1C02, s31;
	s7 =	smax.u32 s8, $0x1;
	s8 =	sadd.s32 $0x7E8A00, s10  }
0xe: {  	s10 =	sshrl.u32 s11, $0x3;
	s11 =	simm.s32 $0x2;
	s6 =	sadd.s32 $0x5E9200, s12  }
.LBB2_1:
0xf: {  	[spmem:s10], [sflag:s5] =	dma.local [hbm:s4], $0x2780  }
0x10: {  	_ =	swait.ge [sflag:s11], $0x2780  }
0x11: {  	s12 =	sadd.s32 $0x0, s1;
	[sflag:s11] =	ssyncset.done $0x0  }
0x12: {  	p0 =	sgt.u32 s12, $0x4E1;
	[sflag:s11] =	ssyncadd.s32 $0xFFFFD880  }
0x13: {  	s12 =	simm.s32 @!p0 $0x0;
	s13 =	simm.s32 @!p0 $0x3;
	[bflag:$0x0] =	sbarrier.arrive $0xFFFF  }
0x14: {  	[tilespmem:s12], [sflag:$0x3] =	stream.linear.gather @!p0 [hbm4b:s8+s12], $0x80, $0x38;
	[tilespmem:$0x17C80] =	vst v63  }
0x15: {  	_ =	swait.ge @!p0 [sflag:s13], $0x80  }
0x16: {  	s14 =	simm.s32 @!p0 $0x80;
	s15 =	simm.s32 @!p0 $0x1;
	[sflag:s13] =	ssyncset.done @!p0 $0x0  }
0x17: {  	s16 =	simm.s32 @!p0 $0x800;
	[sflag:s13] =	ssyncadd.s32 @!p0 $0xFFFFFF80;
	s13 =	simm.s32 @!p0 $0x400  }
0x18: {  	[tilespmem:s14], [sflag:$0x1] =	stream.strided.gather @!p0 [hbm4b:s9+s13], $0x4000, s16, s13, $0x38;
	[tilespmem:$0x17C80] =	vst v63  }
0x19: {  	p1 =	por p0, p0;
	_ =	swait.ge @!p0 [sflag:s15], $0x4000  }
0x1a: {  	[sflag:s15] =	ssyncset.done @!p1 $0x0  }
0x1b: {  	s31 =	sadd.s32 $0x10, s1;
	[sflag:s15] =	ssyncadd.s32 @!p1 $0xFFFFC000;
	s15 =	simm.s32 @!p1 $0x2  }
0x1c: {  	[spmem:s2] =	stream.indirect.scatter.add.f32 @!p1 [tilespmem:s14], [sflag:$0x2], $0x80, s12, s14, $0xb8;
	[tilespmem:$0x17C80] =	vst v63  }
0x1d: {  	s13 =	simm.s32 $0x20;
	p0 =	sgt.u32 s31, $0x4E1;
	_ =	swait.ge @!p1 [sflag:s15], $0x4000  }
0x1e: {  	s12 =	sadd.s32 $0x10000, s9;
	s14 =	sadd.s32 $0x100, s8;
	[sflag:s15] =	ssyncset.done @!p1 $0x0  }
.LBB2_2:
0x1f: {  	s16 =	simm.s32 @!p0 $0x0;
	s17 =	simm.s32 @!p0 $0x3;
	[sflag:s15] =	ssyncadd.s32 @!p1 $0xFFFFC000  }
0x20: {  	[tilespmem:s16], [sflag:$0x3] =	stream.linear.gather @!p0 [hbm4b:s14+s16], $0x80, $0x38;
	[tilespmem:$0x17C80] =	vst v63  }
0x21: {  	s18 =	smov.u32 s13;
	s13 =	sadd.s32 $0x10, s13;
	_ =	swait.ge @!p0 [sflag:s17], $0x80  }
0x22: {  	s19 =	simm.s32 @!p0 $0x80;
	s15 =	simm.s32 @!p0 $0x1;
	[sflag:s17] =	ssyncset.done @!p0 $0x0  }
0x23: {  	s20 =	simm.s32 @!p0 $0x800;
	[sflag:s17] =	ssyncadd.s32 @!p0 $0xFFFFFF80;
	s17 =	simm.s32 @!p0 $0x400  }
0x24: {  	[tilespmem:s19], [sflag:$0x1] =	stream.strided.gather @!p0 [hbm4b:s12+s17], $0x4000, s20, s17, $0x38;
	[tilespmem:$0x17C80] =	vst v63  }
0x25: {  	p1 =	por p0, p0;
	p2 =	sne.s32 s13, $0x4F0;
	_ =	swait.ge @!p0 [sflag:s15], $0x4000  }
.Ltmp0:
0x26: {  	[sflag:s15] =	ssyncset.done @!p1 $0x0;
	(pc) =	sbr.rel @p2 .LBB2_2-.Ltmp0, $4  }
0x27: {  	[sflag:s15] =	ssyncadd.s32 @!p1 $0xFFFFC000;
	s15 =	simm.s32 @!p1 $0x2  }
0x28: {  	[spmem:s2] =	stream.indirect.scatter.add.f32 @!p1 [tilespmem:s19], [sflag:$0x2], $0x80, s16, s19, $0xb8;
	[tilespmem:$0x17C80] =	vst v63  }
0x29: {  	s12 =	sadd.s32 $0x10000, s12;
	s16 =	sadd.s32 s18, s1;
	_ =	swait.ge @!p1 [sflag:s15], $0x4000  }
0x2a: {  	s14 =	sadd.s32 $0x100, s14;
	p0 =	sgt.u32 s16, $0x4E1;
	[sflag:s15] =	ssyncset.done @!p1 $0x0  }
0x2b: {  	s13 =	simm.s32 @!p0 $0x0;
	s16 =	simm.s32 @!p0 $0x3;
	[sflag:s15] =	ssyncadd.s32 @!p1 $0xFFFFC000  }
0x2c: {  	[tilespmem:s13], [sflag:$0x3] =	stream.linear.gather @!p0 [hbm4b:s14+s13], $0x80, $0x38;
	[tilespmem:$0x17C80] =	vst v63  }
0x2d: {  	_ =	swait.ge @!p0 [sflag:s16], $0x80  }
0x2e: {  	s15 =	simm.s32 @!p0 $0x1;
	s17 =	simm.s32 @!p0 $0x800;
	[sflag:s16] =	ssyncset.done @!p0 $0x0  }
0x2f: {  	s14 =	simm.s32 @!p0 $0x80;
	[sflag:s16] =	ssyncadd.s32 @!p0 $0xFFFFFF80;
	s16 =	simm.s32 @!p0 $0x400  }
0x30: {  	[tilespmem:s14], [sflag:$0x1] =	stream.strided.gather @!p0 [hbm4b:s12+s16], $0x4000, s17, s16, $0x38;
	[tilespmem:$0x17C80] =	vst v63  }
0x31: {  	_ =	swait.ge @!p0 [sflag:s15], $0x4000;
	p0 =	por p0, p0  }
0x32: {  	[sflag:s15] =	ssyncset.done @!p0 $0x0  }
0x33: {  	s12 =	simm.s32 @!p0 $0x2;
	[sflag:s15] =	ssyncadd.s32 @!p0 $0xFFFFC000  }
0x34: {  	[spmem:s2] =	stream.indirect.scatter.add.f32 @!p0 [tilespmem:s14], [sflag:$0x2], $0x80, s13, s14, $0xb8;
	[tilespmem:$0x17C80] =	vst v63  }
0x35: {  	_ =	swait.ge @!p0 [sflag:s12], $0x4000  }
0x36: {  	s3 =	sadd.s32 $0x1, s3;
	[sflag:s12] =	ssyncset.done @!p0 $0x0  }
0x37: {  	[sflag:s12] =	ssyncadd.s32 @!p0 $0xFFFFC000;
	p0 =	sne.s32 s3, s7  }
.Ltmp1:
0x38: {  	[bflag:$0x0] =	sbarrier.arrive $0xFFFF;
	(pc) =	sbr.rel @p0 .LBB2_1-.Ltmp1, $4  }
0x39: {  	[hbm:s6], [sflag:s5] =	dma.local [spmem:s10], $0x2780  }
0x3a: {  	_ =	swait.ge [sflag:s11], $0x2780  }
0x3b: {  	[sflag:s11] =	ssyncset.done $0x0  }
0x3c: {  	[sflag:s11] =	ssyncadd.s32 $0xFFFFD880  }
0x3d: {  	_ =	sfence.sel $0x180000  }
0x3e: {  	[bflag:$0x0] =	sbarrier.arrive $0xFFFF  }
0x3f: {  	p0 =	sne.s32 s1, $0x0;
	_ =	strace $0x90000050  }
0x40: {  	s0 =	sadd.s32 @!p0 $0x100000, s0;
	[bflag:$0x2] =	sbarrier.arrive $0xFFFF  }
0x41: {  	[sflag:s0] =	ssyncadd.tile.s32 @!p0 $0x1;
	_ =	shalt  }
.Lfunc_end2:
_tile_overlayer_lowered:
.L_overlay_start_2:
0x42: {  	(tag) =	ssettag $0x2  }
0x43: {  	s0 =	rddreg [dreg:$0x0];
	s2 =	stileid.u32  }
0x44: {  	s1 =	rddreg [dreg:$0x1];
	p0 =	sne.s32 s2, $0x0  }
0x45: {  	s3 =	rddreg [dreg:$0x2];
	[bflag:$0x3] =	sbarrier.arrive $0xFFFF;
	s2 =	simm.s32 @!p0 $0x1C02  }
0x46: {  	[timem:s3], [sflag:s2] =	dma.local @!p0 [hbm:s0], s1  }
0x47: {  	s0 =	simm.s32 @!p0 $0x2  }
0x48: {  	_ =	swait.ge @!p0 [sflag:s0], s1  }
0x49: {  	s1 =	ssub.s32 @!p0 $0x0, s1;
	[sflag:s0] =	ssyncset.done @!p0 $0x0  }
0x4a: {  	[sflag:s0] =	ssyncadd.s32 @!p0 s1  }
0x4b: {  	[bflag:$0x3] =	sbarrier.arrive $0xFFFF  }
0x4c: {  	_ =	shalt  }

// kernel: kernel.33.cloned.1.call-start
scs
__scs_entry_jumppad:
0x0: {  	(pc) =	sbr.rel $0x88, $3  }
0x1: {  	(tag) =	ssettag $0x0;
	lr =	simm.s32 $0x1  }
0x2: {  	[smem:$0x3F5C] =	sst lr;
	_ =	strace $0xD0000000  }
0x3: {  	_ = 	snop  }
0x4: {  	_ = 	snop  }
0x5: {  	_ = 	snop  }
0x6: {  	_ = 	snop  }
0x7: {  	_ = 	snop  }
__scs_overlays_trampoline_lowered:
0x8: {  	[smem:$0x3F6B] =	sst s0  }
0x9: {  	[smem:$0x3F6C] =	sst s1  }
0xa: {  	[smem:$0x3F6D] =	sst s2  }
0xb: {  	[smem:$0x3F6E] =	sst s3  }
0xc: {  	[smem:$0x3F6F] =	sst s4  }
0xd: {  	[smem:$0x3F70] =	sst s5  }
0xe: {  	[smem:$0x3F71] =	sst s6  }
0xf: {  	[smem:$0x3F72] =	sst s7  }
0x10: {  	[smem:$0x3F73] =	sst s8  }
0x11: {  	[smem:$0x3F74] =	sst s9;
	s0 =	simm.s32 @!p0 $0x0  }
0x12: {  	s1 =	sld [smem:$0x3F5A];
	s0 =	simm.s32 @p0 $0x1  }
0x13: {  	[smem:$0x3F75] =	sst s0;
	s0 =	simm.s32 @!p1 $0x0  }
0x14: {  	s2 =	sld [smem:$0x3F59];
	s0 =	simm.s32 @p1 $0x1  }
0x15: {  	[smem:$0x3F76] =	sst s0;
	s0 =	simm.s32 @!p2 $0x0  }
0x16: {  	s3 =	sld [smem:$0x3FDB];
	s0 =	simm.s32 @p2 $0x1  }
0x17: {  	s4 =	simm.s32 $0x1BF5;
	[smem:$0x3F78] =	sst s0  }
0x18: {  	s0 =	sld [smem:$0x3F5B];
	_ =	swait.ge [sflag:s4], $0x0  }
0x19: {  	s7 =	sld [smem:$0x3F5C]  }
0x1a: {  	s8 =	sadd.s32 $0xFFFFE003, lr  }
0x1b: {  	s9 =	sadd.s32 $0xFFFFFEF7, lr;
	s5 =	simm.s32 $0xFFFFFFFF;
	p2 =	slt.u32 s8, $0xFFFFF086  }
0x1c: {  	p1 =	slt.u32 s9, $0xF7A;
	s5 =	simm.s32 @!p2 $0x0  }
0x1d: {  	s5 =	simm.s32 @p1 $0x1;
	p0 =	seq.s32 s7, s2  }
0x1e: {  	s7 =	smul.u32 @!p0 $0xF7A, s2;
	p2 =	seq.s32 @!p0 s5, $0x0  }
0x1f: {  	s9 =	smul.u32 $0xF7A, s1;
	s8 =	simm.s32 @!p0 $0x1BF5;
	p2 =	por !p2, p0  }
0x20: {  	[sflag:s8] =	ssyncset.s32 @!p0 $0xFFFFF086;
	s6 =	sadd.s32 @!p0 s3, s7;
	s7 =	simm.s32 @!p0 $0x108  }
0x21: {  	s3 =	sadd.s32 s3, s9;
	s6 =	sadd.s32 @!p0 $0x88, s6;
	s7 =	simm.s32 @p2 $0x1082  }
0x22: {  	[simem:s7], [sflag:s8] =	dma.local @!p0 [hbm:s6], $0xF7A  }
0x23: {  	s9 =	sor.u32 $0xD0000000, s2;
	s6 =	simm.s32 $0x108;
	_ =	swait.ge @!p0 [sflag:s8], $0x0  }
0x24: {  	s3 =	sadd.s32 $0x88, s3;
	s6 =	simm.s32 @!p1 $0x1082;
	[sflag:s4] =	ssyncset.s32 $0xFFFFF086  }
0x25: {  	[simem:s6], [sflag:s4] =	dma.local [hbm:s3], $0xF7A  }
0x26: {  	[smem:$0x3F5C] =	sst s1;
	(tag) =	ssettag s2;
	_ =	strace s9  }
0x27: {  	s1 =	sld [smem:$0x3F6C]  }
0x28: {  	s2 =	sld [smem:$0x3F6D]  }
0x29: {  	s4 =	sld [smem:$0x3F6F]  }
0x2a: {  	p0 =	seq.s32 s5, $0x0;
	s5 =	sld [smem:$0x3F70]  }
0x2b: {  	s6 =	sld [smem:$0x3F71]  }
0x2c: {  	s7 =	sld [smem:$0x3F72]  }
0x2d: {  	s3 =	simm.s32 $0x108;
	s8 =	sld [smem:$0x3F73]  }
0x2e: {  	s3 =	simm.s32 @!p0 $0x1082;
	s9 =	sld [smem:$0x3F74]  }
0x2f: {  	lr =	sadd.s32 s0, s3;
	s0 =	sld [smem:$0x3F6B]  }
0x30: {  	s3 =	sld [smem:$0x3F6E]  }
0x31: {  	[smem:$0x3F77] =	sst s10  }
0x32: {  	s10 =	sld [smem:$0x3F75];
	_ =	sdelay $0x3  }
0x33: {  	p0 =	seq.s32 s10, $0x1;
	s10 =	sld [smem:$0x3F77];
	_ =	sdelay $0x3  }
0x34: {  	[smem:$0x3F77] =	sst s10  }
0x35: {  	s10 =	sld [smem:$0x3F76];
	_ =	sdelay $0x3  }
0x36: {  	p1 =	seq.s32 s10, $0x1;
	s10 =	sld [smem:$0x3F77];
	_ =	sdelay $0x3  }
0x37: {  	[smem:$0x3F77] =	sst s10  }
0x38: {  	s10 =	sld [smem:$0x3F78]  }
0x39: {  	_ = 	snop;
	(pc) =	sbr.ind lr, $3  }
0x3a: {  	_ = 	snop  }
0x3b: {  	_ = 	snop  }
0x3c: {  	p2 =	seq.s32 s10, $0x1;
	s10 =	sld [smem:$0x3F77]  }
0x3d: {  	_ =	shalt  }
0x3e: {  	_ =	shalt  }
0x3f: {  	_ =	shalt  }
0x40: {  	_ =	shalt  }
0x41: {  	_ =	shalt  }
0x42: {  	_ =	shalt  }
0x43: {  	_ =	shalt  }
0x44: {  	_ =	shalt  }
0x45: {  	_ =	shalt  }
0x46: {  	_ =	shalt  }
0x47: {  	_ =	shalt  }
0x48: {  	_ =	shalt  }
0x49: {  	_ =	shalt  }
0x4a: {  	_ =	shalt  }
0x4b: {  	_ =	shalt  }
0x4c: {  	_ =	shalt  }
0x4d: {  	_ =	shalt  }
0x4e: {  	_ =	shalt  }
0x4f: {  	_ =	shalt  }
0x50: {  	_ =	shalt  }
0x51: {  	_ =	shalt  }
0x52: {  	_ =	shalt  }
0x53: {  	_ =	shalt  }
0x54: {  	_ =	shalt  }
0x55: {  	_ =	shalt  }
0x56: {  	_ =	shalt  }
0x57: {  	_ =	shalt  }
0x58: {  	_ =	shalt  }
0x59: {  	_ =	shalt  }
0x5a: {  	_ =	shalt  }
0x5b: {  	_ =	shalt  }
0x5c: {  	_ =	shalt  }
0x5d: {  	_ =	shalt  }
0x5e: {  	_ =	shalt  }
0x5f: {  	_ =	shalt  }
0x60: {  	_ =	shalt  }
0x61: {  	_ =	shalt  }
0x62: {  	_ =	shalt  }
0x63: {  	_ =	shalt  }
0x64: {  	_ =	shalt  }
0x65: {  	_ =	shalt  }
0x66: {  	_ =	shalt  }
0x67: {  	_ =	shalt  }
0x68: {  	_ =	shalt  }
0x69: {  	_ =	shalt  }
0x6a: {  	_ =	shalt  }
0x6b: {  	_ =	shalt  }
0x6c: {  	_ =	shalt  }
0x6d: {  	_ =	shalt  }
0x6e: {  	_ =	shalt  }
0x6f: {  	_ =	shalt  }
0x70: {  	_ =	shalt  }
0x71: {  	_ =	shalt  }
0x72: {  	_ =	shalt  }
0x73: {  	_ =	shalt  }
0x74: {  	_ =	shalt  }
0x75: {  	_ =	shalt  }
0x76: {  	_ =	shalt  }
0x77: {  	_ =	shalt  }
0x78: {  	_ =	shalt  }
0x79: {  	_ =	shalt  }
0x7a: {  	_ =	shalt  }
0x7b: {  	_ =	shalt  }
0x7c: {  	_ =	shalt  }
0x7d: {  	_ =	shalt  }
0x7e: {  	_ =	shalt  }
0x7f: {  	_ =	shalt  }
0x80: {  	_ =	shalt  }
0x81: {  	_ =	shalt  }
0x82: {  	_ =	shalt  }
0x83: {  	_ =	shalt  }
0x84: {  	_ =	shalt  }
0x85: {  	_ =	shalt  }
0x86: {  	_ =	shalt  }
0x87: {  	_ =	shalt  }
.Lfunc_end0:
.L_simem_size_0:
called_computation.2_lowered:
.L_overlay_start_0:
0x88: {  	s2 =	sld [smem:$0x3FD9]  }
0x89: {  	s3 =	sld [smem:$0x3FFE];
	_ =	sdelay $0x1  }
0x8a: {  	s1 =	srdreg.scid  }
0x8b: {  	s0 =	sand.u32 $0x1, s1  }
0x8c: {  	s17 =	sshll.u32 s0, $0xA;
	s2 =	sadd.s32 s3, s2  }
0x8d: {  	s2 =	sadd.s32 s2, s17  }
0x8e: {  	[smem:$0x3F83] =	sst s2  }
0x8f: {  	_ = 	snop  }
0x90: {  	s2 =	sld [smem:$0x3FD0];
	(tm) =	ssettm $0x1  }
0x91: {  	s18 =	sld [smem:$0x3FFB];
	_ =	sdelay $0x3  }
0x92: {  	_ =	strace s18  }
0x93: {  	s3 =	sld [smem:$0x3FFC];
	_ =	sdelay $0x3  }
0x94: {  	_ =	strace s3  }
0x95: {  	s3 =	sld [smem:$0x3FFD];
	_ =	sdelay $0x3  }
0x96: {  	_ =	strace s3  }
0x97: {  	_ =	strace $0x8FFFFFFF  }
0x98: {  	s19 =	sld [smem:$0x3FDB];
	_ =	sdelay $0x1  }
0x99: {  	s4 =	simm.s32 $_scs_section_size  }
0x9a: {  	s5 =	simm.s32 $_size__tile_overlayer_lowered;
	s6 =	simm.s32 $_tile_overlayer_lowered  }
0x9b: {  	s22 =	simm.s32 $0x1BFF;
	s21 =	sshll.u32 s6, $0x1;
	s3 =	sadd.s32 s4, s19  }
0x9c: {  	s7 =	simm.s32 $0x0;
	s20 =	sshll.u32 s5, $0x1;
	s5 =	sadd.s32 s21, s3  }
0x9d: {  	[timem:s7], [sflag:s22] =	dma.local [hbm:s5], s20  }
0x9e: {  	_ =	swait.ge [sflag:s22], s20  }
0x9f: {  	s4 =	ssub.s32 $0x0, s20;
	[sflag:s22] =	ssyncset.done $0x0  }
0xa0: {  	[sflag:s22] =	ssyncadd.s32 s4;
	_ =	sdelay $0x1  }
0xa1: {  	s23 =	simm.s32 $0x1B8B  }
0xa2: {  	_ =	swait.ge [sflag:s23], $0x1  }
0xa3: {  	[sflag:s23] =	ssyncset.done $0x0  }
0xa4: {  	s25 =	simm.s32 $0x1B8E;
	s24 =	sld [smem:$0x3FFE];
	[sflag:s23] =	ssyncadd.s32 $0xFFFFFFFF  }
0xa5: {  	s26 =	simm.s32 $execute0_lowered;
	[smem:$0x3FD2] =	sst s25  }
0xa6: {  	s5 =	sshll.u32 s26, $0x1;
	_ =	strace $0x80000046;
	[dreg:$0x1] =	wrdreg $0xFFFFFFFF  }
0xa7: {  	s28 =	simm.s32 $_size_execute0_lowered;
	s3 =	sadd.s32 s3, s5;
	[dreg:$0x0] =	wrdreg $0x0  }
0xa8: {  	s5 =	sshll.u32 s28, $0x1;
	[dreg:$0x2] =	wrdreg s3  }
0xa9: {  	[dreg:$0x3] =	wrdreg s5  }
0xaa: {  	[dreg:$0x4] =	wrdreg $0xC0  }
0xab: {  	_ =	task [dreg:s7], $0x5FFFF  }
0xac: {  	[dreg:$0x1] =	wrdreg $0xFFFFFFFF  }
0xad: {  	[dreg:$0x0] =	wrdreg $0x60  }
0xae: {  	[dreg:$0x2] =	wrdreg s24  }
0xaf: {  	[dreg:$0x3] =	wrdreg s2  }
0xb0: {  	[dreg:$0x4] =	wrdreg $0xA  }
0xb1: {  	_ =	task.clear_ibuf [dreg:s7], $0x5FFFF;
	_ =	strace $0x90000046  }
0xb2: {  	s29 =	simm.s32 $0xA;
	_ =	strace $0x80000048  }
0xb3: {  	_ =	swait.ge [sflag:s29], $0x1  }
0xb4: {  	[sflag:s29] =	ssyncadd.s32 $0xFFFFFFFF  }
0xb5: {  	_ =	strace $0x90000048  }
0xb6: {  	_ =	sfence  }
0xb7: {  	s30 =	sld [smem:$0x0];
	_ =	sdelay $0x2  }
0xb8: {  	s31 =	sshll.u32 s1, $0xD;
	s1 =	sshrl.u32 s1, $0x2  }
0xb9: {  	s3 =	sand.u32 $0x4000, s31;
	s1 =	sadd.s32 s1, s30  }
0xba: {  	s0 =	sor.u32 s3, s0;
	s1 =	sshll.u32 s1, $0x11  }
0xbb: {  	s0 =	sor.u32 s1, s0  }
0xbc: {  	s0 =	sadd.s32 $0x8F2B, s0  }
0xbd: {  	[sflag:s0] =	ssyncadd.remote.s32 $0x1  }
0xbe: {  	_ =	sfence.sel $0xFFFF  }
0xbf: {  	[dreg:$0x0] =	wrdreg $0xFFFFFFFF;
	(pc) =	sbr.abs _section_cstart, $3  }
0xc0: {  	[dreg:$0x1] =	wrdreg $0xFFFFFFFF  }
0xc1: {  	_ =	task.clear_ibuf [dreg:s7], $0x2FFFF;
	_ =	strace $0x9FFFFFFF  }
0xc2: {  	(tm) =	ssettm $0x7FFFFFFF  }
0xc3: {  	_ =	shalt  }
tec
execute0_lowered:
.L_overlay_start_1:
0x0: {  	(tag) =	ssettag $0x1  }
0x1: {  	s0 =	rddreg [dreg:$0x0];
	s3 =	simm.s32 $0x0  }
0x2: {  	s1 =	srdreg.scid;
	s9 =	stileid.u32;
	s11 =	simm.s32 $0x4  }
0x3: {  	s12 =	simm.s32 $0x80;
	s13 =	simm.s32 $0x100;
	s15 =	simm.s32 $0x1100  }
0x4: {  	s16 =	simm.s32 $0x1900;
	s17 =	simm.s32 $0x2100;
	s18 =	simm.s32 $0x2900  }
0x5: {  	s19 =	simm.s32 $0x3100;
	s20 =	simm.s32 $0x3900;
	s21 =	simm.s32 $0x4100  }
0x6: {  	s28 =	simm.s32 $0x7100;
	s29 =	simm.s32 $0x7900;
	s30 =	simm.s32 $0x8100  }
0x7: {  	s31 =	simm.s32 $0x1;
	[smem:$0x7FF] =	sst s3;
	s1 =	sand.u32 $0x1, s1  }
0x8: {  	s4 =	sadd.s32 $0x42800, s0;
	s2 =	sshll.u32 s9, $0x5;
	s6 =	sshll.u32 s9, $0xD  }
0x9: {  	s8 =	sshll.u32 s9, $0xC;
	s22 =	sshll.u32 s9, $0x1;
	_ =	strace $0x80000047  }
0xa: {  	s5 =	ssub.s32 $0x2, s1;
	s2 =	sadd.s32 s2, s0;
	s6 =	sadd.s32 s6, s0  }
0xb: {  	s0 =	sadd.s32 s8, s0;
	[dreg:$0x3] =	wrdreg s22;
	s23 =	sshll.u32 s1, $0xB  }
0xc: {  	s24 =	sshll.u32 s1, $0xC;
	s1 =	sshll.u32 s1, $0x4;
	s22 =	simm.s32 $0x4900  }
0xd: {  	s7 =	sshrl.u32 s5, $0x1;
	s0 =	sadd.s32 s23, s0;
	s25 =	sadd.s32 s24, s6  }
0xe: {  	s1 =	sadd.s32 s1, s2;
	s23 =	simm.s32 $0x5100;
	s24 =	simm.s32 $0x5900  }
.Ltmp0:
0xf: {  	s2 =	simm.s32 $0x3;
	s6 =	simm.s32 $0x0;
	(pc) =	sbr.rel .LBB2_1-.Ltmp0, $4  }
0x10: {  	s5 =	ssub.s32 s5, s7;
	s0 =	sadd.s32 $0x572A00, s0;
	s26 =	sadd.s32 $0x90A00, s25  }
0x11: {  	v2 =	vlaneseq.u32;
	s9 =	sadd.s32 $0x11600, s1;
	s10 =	sadd.s32 $0x16600, s1;
	[dreg:$0x5] =	wrdreg s0  }
0x12: {  	vm0 =	vmmov $0xffff;
	v1 =	vshrl.u32 v2, $0x3;
	s25 =	simm.s32 $0x6100;
	s5 =	smax.u32 s5, $0x1;
	[dreg:$0x6] =	wrdreg s26  }
0x13: {  	v0 =	vand.u32 $0x7, v2;
	v2 =	vor.u32 $0x8, v2;
	v1 =	vmul.u32 $0x8, v1;
	s26 =	simm.s32 $0x6900;
	s0 =	simm.s32 $0x2;
	[dreg:$0x4] =	wrdreg s5  }
.LBB2_5:
0x14: {  	s6 =	sadd.s32 $0x1, s6;
	s1 =	rddreg [dreg:$0x4]  }
0x15: {  	p0 =	sne.s32 s6, s1  }
.Ltmp1:
0x16: {  	_ = 	snop;
	(pc) =	sbr.rel @!p0 .LBB2_6-.Ltmp1, $1  }
0x17: {  	_ =	sdelay $0x3  }
.LBB2_1:
.Ltmp2:
0x18: {  	(pc) =	sbr.rel .LBB2_2-.Ltmp2, $4  }
0x19: {  	_ = 	snop  }
0x1a: {  	s5 =	rddreg [dreg:$0x3]  }
0x1b: {  	s8 =	rddreg [dreg:$0x6]  }
0x1c: {  	s7 =	rddreg [dreg:$0x5];
	s1 =	simm.s32 $0x0  }
.LBB2_4:
0x1d: {  	s1 =	sadd.s32 $0x200, s1  }
0x1e: {  	p0 =	sne.s32 s1, $0x5000  }
.Ltmp3:
0x1f: {  	_ = 	snop;
	(pc) =	sbr.rel @!p0 .LBB2_5-.Ltmp3, $2  }
0x20: {  	_ =	sdelay $0x2  }
0x21: {  	s7 =	sadd.s32 $0x10000, s7;
	s8 =	sadd.s32 $0x20000, s8;
	s5 =	sadd.s32 $0x20, s5  }
.LBB2_2:
0x22: {  	p0 =	sgt.u32 s5, $0x4E1  }
.Ltmp4:
0x23: {  	_ = 	snop;
	(pc) =	sbr.rel @p0 .LBB2_4-.Ltmp4, $1  }
0x24: {  	_ =	sdelay $0x3  }
0x25: {  	s14 =	sadd.s32 s1, s10  }
0x26: {  	[tilespmem:s3], [sflag:$0x4] =	stream.linear.gather [hbm4b:s14+s3], $0x80, $0x38;
	[tilespmem:$0xC100] =	vst v63  }
0x27: {  	_ =	swait.ge [sflag:s11], $0x80  }
0x28: {  	[sflag:s11] =	ssyncset.done $0x0  }
0x29: {  	s14 =	sadd.s32 s1, s9;
	[sflag:s11] =	ssyncadd.s32 $0xFFFFFF80  }
0x2a: {  	[tilespmem:s12], [sflag:$0x4] =	stream.linear.gather [hbm4b:s14+s3], $0x80, $0x38;
	[tilespmem:$0xC100] =	vst v63  }
0x2b: {  	_ =	swait.ge [sflag:s11], $0x80  }
0x2c: {  	[sflag:s11] =	ssyncset.done $0x0  }
0x2d: {  	[sflag:s11] =	ssyncadd.s32 $0xFFFFFF80  }
0x2e: {  	v3 =	vld [tilespmem:$0x0];
	_ =	sdelay $0x4  }
0x2f: {  	v4 =	vshll.u32 v3, $0x1  }
0x30: {  	v3 =	vand.u32 $0x7, v3;
	v4 =	vand.u32 $0xFFFFFFF0, v4  }
0x31: {  	v3 =	vor.u32 v3, v4  }
0x32: {  	v4 =	vperm.xlane v3, v0;
	_ =	sdelay $0x1  }
0x33: {  	v3 =	vperm.xlane v3, v2;
	v4 =	vadd.s32 v1, v4;
	_ =	sdelay $0x1  }
0x34: {  	v3 =	vadd.s32 v1, v3;
	_ =	sdelay $0x2  }
0x35: {  	[tilespmem:s13], [sflag:$0x1] =	stream.indirect_vreg.gather [hbm4b:s4+s3], $0x80, v4, vm0, $0xb8;
	[tilespmem:$0xC100] =	vst v63  }
0x36: {  	s14 =	simm.s32 $0x900  }
0x37: {  	[tilespmem:s14], [sflag:$0x1] =	stream.indirect_vreg.gather [hbm4b:s4+s3], $0x80, v3, vm0, $0xb8;
	[tilespmem:$0xC100] =	vst v63  }
0x38: {  	v3 =	vld [tilespmem:$0x10];
	_ =	sdelay $0x4  }
0x39: {  	v57 =	vshll.u32 v3, $0x1  }
0x3a: {  	v3 =	vand.u32 $0x7, v3;
	v4 =	vand.u32 $0xFFFFFFF0, v57  }
0x3b: {  	v3 =	vor.u32 v3, v4  }
0x3c: {  	v4 =	vperm.xlane v3, v0;
	_ =	sdelay $0x1  }
0x3d: {  	v3 =	vperm.xlane v3, v2;
	v4 =	vadd.s32 v1, v4;
	_ =	sdelay $0x1  }
0x3e: {  	v3 =	vadd.s32 v1, v3;
	_ =	sdelay $0x2  }
0x3f: {  	[tilespmem:s15], [sflag:$0x1] =	stream.indirect_vreg.gather [hbm4b:s4+s3], $0x80, v4, vm0, $0xb8;
	[tilespmem:$0xC100] =	vst v63  }
0x40: {  	_ = 	snop  }
0x41: {  	[tilespmem:s16], [sflag:$0x1] =	stream.indirect_vreg.gather [hbm4b:s4+s3], $0x80, v3, vm0, $0xb8;
	[tilespmem:$0xC100] =	vst v63  }
0x42: {  	v3 =	vld [tilespmem:$0x20];
	_ =	sdelay $0x4  }
0x43: {  	v58 =	vshll.u32 v3, $0x1  }
0x44: {  	v3 =	vand.u32 $0x7, v3;
	v4 =	vand.u32 $0xFFFFFFF0, v58  }
0x45: {  	v3 =	vor.u32 v3, v4  }
0x46: {  	v4 =	vperm.xlane v3, v0;
	_ =	sdelay $0x1  }
0x47: {  	v3 =	vperm.xlane v3, v2;
	v4 =	vadd.s32 v1, v4;
	_ =	sdelay $0x1  }
0x48: {  	v3 =	vadd.s32 v1, v3;
	_ =	sdelay $0x2  }
0x49: {  	[tilespmem:s17], [sflag:$0x1] =	stream.indirect_vreg.gather [hbm4b:s4+s3], $0x80, v4, vm0, $0xb8;
	[tilespmem:$0xC100] =	vst v63  }
0x4a: {  	_ = 	snop  }
0x4b: {  	[tilespmem:s18], [sflag:$0x1] =	stream.indirect_vreg.gather [hbm4b:s4+s3], $0x80, v3, vm0, $0xb8;
	[tilespmem:$0xC100] =	vst v63  }
0x4c: {  	v3 =	vld [tilespmem:$0x30];
	_ =	sdelay $0x4  }
0x4d: {  	v59 =	vshll.u32 v3, $0x1  }
0x4e: {  	v3 =	vand.u32 $0x7, v3;
	v4 =	vand.u32 $0xFFFFFFF0, v59  }
0x4f: {  	v3 =	vor.u32 v3, v4  }
0x50: {  	v4 =	vperm.xlane v3, v0;
	_ =	sdelay $0x1  }
0x51: {  	v3 =	vperm.xlane v3, v2;
	v4 =	vadd.s32 v1, v4;
	_ =	sdelay $0x1  }
0x52: {  	v3 =	vadd.s32 v1, v3;
	_ =	sdelay $0x2  }
0x53: {  	[tilespmem:s19], [sflag:$0x1] =	stream.indirect_vreg.gather [hbm4b:s4+s3], $0x80, v4, vm0, $0xb8;
	[tilespmem:$0xC100] =	vst v63  }
0x54: {  	_ = 	snop  }
0x55: {  	[tilespmem:s20], [sflag:$0x1] =	stream.indirect_vreg.gather [hbm4b:s4+s3], $0x80, v3, vm0, $0xb8;
	[tilespmem:$0xC100] =	vst v63  }
0x56: {  	v3 =	vld [tilespmem:$0x40];
	_ =	sdelay $0x4  }
0x57: {  	v60 =	vshll.u32 v3, $0x1  }
0x58: {  	v3 =	vand.u32 $0x7, v3;
	v4 =	vand.u32 $0xFFFFFFF0, v60  }
0x59: {  	v3 =	vor.u32 v3, v4  }
0x5a: {  	v4 =	vperm.xlane v3, v0;
	_ =	sdelay $0x1  }
0x5b: {  	v3 =	vperm.xlane v3, v2;
	v4 =	vadd.s32 v1, v4;
	_ =	sdelay $0x1  }
0x5c: {  	v3 =	vadd.s32 v1, v3;
	_ =	sdelay $0x2  }
0x5d: {  	[tilespmem:s21], [sflag:$0x1] =	stream.indirect_vreg.gather [hbm4b:s4+s3], $0x80, v4, vm0, $0xb8;
	[tilespmem:$0xC100] =	vst v63  }
0x5e: {  	_ = 	snop  }
0x5f: {  	[tilespmem:s22], [sflag:$0x1] =	stream.indirect_vreg.gather [hbm4b:s4+s3], $0x80, v3, vm0, $0xb8;
	[tilespmem:$0xC100] =	vst v63  }
0x60: {  	v3 =	vld [tilespmem:$0x50];
	_ =	sdelay $0x4  }
0x61: {  	v61 =	vshll.u32 v3, $0x1  }
0x62: {  	v3 =	vand.u32 $0x7, v3;
	v4 =	vand.u32 $0xFFFFFFF0, v61  }
0x63: {  	v3 =	vor.u32 v3, v4  }
0x64: {  	v4 =	vperm.xlane v3, v0;
	_ =	sdelay $0x1  }
0x65: {  	v3 =	vperm.xlane v3, v2;
	v4 =	vadd.s32 v1, v4;
	_ =	sdelay $0x1  }
0x66: {  	v3 =	vadd.s32 v1, v3;
	_ =	sdelay $0x2  }
0x67: {  	[tilespmem:s23], [sflag:$0x1] =	stream.indirect_vreg.gather [hbm4b:s4+s3], $0x80, v4, vm0, $0xb8;
	[tilespmem:$0xC100] =	vst v63  }
0x68: {  	_ = 	snop  }
0x69: {  	[tilespmem:s24], [sflag:$0x1] =	stream.indirect_vreg.gather [hbm4b:s4+s3], $0x80, v3, vm0, $0xb8;
	[tilespmem:$0xC100] =	vst v63  }
0x6a: {  	v3 =	vld [tilespmem:$0x60];
	_ =	sdelay $0x4  }
0x6b: {  	v62 =	vshll.u32 v3, $0x1  }
0x6c: {  	v3 =	vand.u32 $0x7, v3;
	v4 =	vand.u32 $0xFFFFFFF0, v62  }
0x6d: {  	v3 =	vor.u32 v3, v4  }
0x6e: {  	v4 =	vperm.xlane v3, v0;
	_ =	sdelay $0x1  }
0x6f: {  	v3 =	vperm.xlane v3, v2;
	v4 =	vadd.s32 v1, v4;
	_ =	sdelay $0x1  }
0x70: {  	v3 =	vadd.s32 v1, v3;
	_ =	sdelay $0x2  }
0x71: {  	[tilespmem:s25], [sflag:$0x1] =	stream.indirect_vreg.gather [hbm4b:s4+s3], $0x80, v4, vm0, $0xb8;
	[tilespmem:$0xC100] =	vst v63  }
0x72: {  	_ = 	snop  }
0x73: {  	[tilespmem:s26], [sflag:$0x1] =	stream.indirect_vreg.gather [hbm4b:s4+s3], $0x80, v3, vm0, $0xb8;
	[tilespmem:$0xC100] =	vst v63  }
0x74: {  	v3 =	vld [tilespmem:$0x70];
	_ =	sdelay $0x4  }
0x75: {  	v63 =	vshll.u32 v3, $0x1  }
0x76: {  	v3 =	vand.u32 $0x7, v3;
	v4 =	vand.u32 $0xFFFFFFF0, v63  }
0x77: {  	v3 =	vor.u32 v3, v4  }
0x78: {  	v4 =	vperm.xlane v3, v0;
	_ =	sdelay $0x1  }
0x79: {  	v3 =	vperm.xlane v3, v2;
	v4 =	vadd.s32 v1, v4;
	_ =	sdelay $0x1  }
0x7a: {  	v3 =	vadd.s32 v1, v3;
	_ =	sdelay $0x2  }
0x7b: {  	[tilespmem:s28], [sflag:$0x1] =	stream.indirect_vreg.gather [hbm4b:s4+s3], $0x80, v4, vm0, $0xb8;
	[tilespmem:$0xC100] =	vst v63  }
0x7c: {  	_ = 	snop  }
0x7d: {  	[tilespmem:s29], [sflag:$0x1] =	stream.indirect_vreg.gather [hbm4b:s4+s3], $0x80, v3, vm0, $0xb8;
	[tilespmem:$0xC100] =	vst v63  }
0x7e: {  	s14 =	rddreg [dreg:$0x1]  }
0x7f: {  	[tilespmem:s30], [sflag:$0x2] =	stream.indirect.gather [hbm4b:s14+s12], $0x80, s12, s12, $0xb8;
	[tilespmem:$0xC100] =	vst v63  }
0x80: {  	_ =	swait.ge [sflag:s31], $0x8000  }
0x81: {  	[sflag:s31] =	ssyncset.done $0x0  }
0x82: {  	[sflag:s31] =	ssyncadd.s32 $0xFFFF8000  }
0x83: {  	_ =	swait.ge [sflag:s0], $0x4000  }
0x84: {  	[sflag:s0] =	ssyncset.done $0x0  }
0x85: {  	[sflag:s0] =	ssyncadd.s32 $0xFFFFC000  }
0x86: {  	[hbm4b:s8+s3] =	stream.linear.scatter [tilespmem:s13], [sflag:$0x4], $0x8000, $0x38;
	[tilespmem:$0xC100] =	vst v63  }
0x87: {  	_ =	swait.ge [sflag:s11], $0x8000  }
0x88: {  	[sflag:s11] =	ssyncset.done $0x0  }
.Ltmp5:
0x89: {  	[sflag:s11] =	ssyncadd.s32 $0xFFFF8000;
	(pc) =	sbr.rel .LBB2_4-.Ltmp5, $4  }
0x8a: {  	[hbm4b:s7+s3] =	stream.linear.scatter [tilespmem:s30], [sflag:$0x3], $0x4000, $0x38;
	[tilespmem:$0xC100] =	vst v63  }
0x8b: {  	_ =	swait.ge [sflag:s2], $0x4000  }
0x8c: {  	[sflag:s2] =	ssyncset.done $0x0  }
0x8d: {  	[sflag:s2] =	ssyncadd.s32 $0xFFFFC000  }
.LBB2_6:
0x8e: {  	_ =	sfence.sel $0x180000  }
0x8f: {  	[bflag:$0x0] =	sbarrier.arrive $0xFFFF  }
0x90: {  	_ =	strace $0x90000047  }
0x91: {  	s0 =	stileid.u32;
	[bflag:$0x2] =	sbarrier.arrive $0xFFFF  }
0x92: {  	p0 =	sne.s32 s0, $0x0;
	s0 =	rddreg [dreg:$0x2]  }
0x93: {  	s0 =	sadd.s32 @!p0 $0x100000, s0  }
0x94: {  	[sflag:s0] =	ssyncadd.tile.s32 @!p0 $0x1;
	_ =	shalt  }
.Lfunc_end2:
_tile_overlayer_lowered:
.L_overlay_start_2:
0x95: {  	(tag) =	ssettag $0x2  }
0x96: {  	s0 =	rddreg [dreg:$0x0];
	s2 =	stileid.u32  }
0x97: {  	s1 =	rddreg [dreg:$0x1];
	p0 =	sne.s32 s2, $0x0  }
0x98: {  	s3 =	rddreg [dreg:$0x2];
	[bflag:$0x3] =	sbarrier.arrive $0xFFFF;
	s2 =	simm.s32 @!p0 $0x1C03  }
0x99: {  	[timem:s3], [sflag:s2] =	dma.local @!p0 [hbm:s0], s1  }
0x9a: {  	s0 =	simm.s32 @!p0 $0x3  }
0x9b: {  	_ =	swait.ge @!p0 [sflag:s0], s1  }
0x9c: {  	s1 =	ssub.s32 @!p0 $0x0, s1;
	[sflag:s0] =	ssyncset.done @!p0 $0x0  }
0x9d: {  	[sflag:s0] =	ssyncadd.s32 @!p0 s1  }
0x9e: {  	[bflag:$0x3] =	sbarrier.arrive $0xFFFF  }
0x9f: {  	_ =	shalt  }

// kernel: kernel.36.cloned.1.call-start
scs
__scs_entry_jumppad:
0x0: {  	(pc) =	sbr.rel $0x88, $3  }
0x1: {  	(tag) =	ssettag $0x0;
	lr =	simm.s32 $0x1  }
0x2: {  	[smem:$0x3F5C] =	sst lr;
	_ =	strace $0xD0000000  }
0x3: {  	_ = 	snop  }
0x4: {  	_ = 	snop  }
0x5: {  	_ = 	snop  }
0x6: {  	_ = 	snop  }
0x7: {  	_ = 	snop  }
__scs_overlays_trampoline_lowered:
0x8: {  	[smem:$0x3F6B] =	sst s0  }
0x9: {  	[smem:$0x3F6C] =	sst s1  }
0xa: {  	[smem:$0x3F6D] =	sst s2  }
0xb: {  	[smem:$0x3F6E] =	sst s3  }
0xc: {  	[smem:$0x3F6F] =	sst s4  }
0xd: {  	[smem:$0x3F70] =	sst s5  }
0xe: {  	[smem:$0x3F71] =	sst s6  }
0xf: {  	[smem:$0x3F72] =	sst s7  }
0x10: {  	[smem:$0x3F73] =	sst s8  }
0x11: {  	[smem:$0x3F74] =	sst s9;
	s0 =	simm.s32 @!p0 $0x0  }
0x12: {  	s1 =	sld [smem:$0x3F5A];
	s0 =	simm.s32 @p0 $0x1  }
0x13: {  	[smem:$0x3F75] =	sst s0;
	s0 =	simm.s32 @!p1 $0x0  }
0x14: {  	s2 =	sld [smem:$0x3F59];
	s0 =	simm.s32 @p1 $0x1  }
0x15: {  	[smem:$0x3F76] =	sst s0;
	s0 =	simm.s32 @!p2 $0x0  }
0x16: {  	s3 =	sld [smem:$0x3FDB];
	s0 =	simm.s32 @p2 $0x1  }
0x17: {  	s4 =	simm.s32 $0x1BF5;
	[smem:$0x3F78] =	sst s0  }
0x18: {  	s0 =	sld [smem:$0x3F5B];
	_ =	swait.ge [sflag:s4], $0x0  }
0x19: {  	s7 =	sld [smem:$0x3F5C]  }
0x1a: {  	s8 =	sadd.s32 $0xFFFFE003, lr  }
0x1b: {  	s9 =	sadd.s32 $0xFFFFFEF7, lr;
	s5 =	simm.s32 $0xFFFFFFFF;
	p2 =	slt.u32 s8, $0xFFFFF086  }
0x1c: {  	p1 =	slt.u32 s9, $0xF7A;
	s5 =	simm.s32 @!p2 $0x0  }
0x1d: {  	s5 =	simm.s32 @p1 $0x1;
	p0 =	seq.s32 s7, s2  }
0x1e: {  	s7 =	smul.u32 @!p0 $0xF7A, s2;
	p2 =	seq.s32 @!p0 s5, $0x0  }
0x1f: {  	s9 =	smul.u32 $0xF7A, s1;
	s8 =	simm.s32 @!p0 $0x1BF5;
	p2 =	por !p2, p0  }
0x20: {  	[sflag:s8] =	ssyncset.s32 @!p0 $0xFFFFF086;
	s6 =	sadd.s32 @!p0 s3, s7;
	s7 =	simm.s32 @!p0 $0x108  }
0x21: {  	s3 =	sadd.s32 s3, s9;
	s6 =	sadd.s32 @!p0 $0x88, s6;
	s7 =	simm.s32 @p2 $0x1082  }
0x22: {  	[simem:s7], [sflag:s8] =	dma.local @!p0 [hbm:s6], $0xF7A  }
0x23: {  	s9 =	sor.u32 $0xD0000000, s2;
	s6 =	simm.s32 $0x108;
	_ =	swait.ge @!p0 [sflag:s8], $0x0  }
0x24: {  	s3 =	sadd.s32 $0x88, s3;
	s6 =	simm.s32 @!p1 $0x1082;
	[sflag:s4] =	ssyncset.s32 $0xFFFFF086  }
0x25: {  	[simem:s6], [sflag:s4] =	dma.local [hbm:s3], $0xF7A  }
0x26: {  	[smem:$0x3F5C] =	sst s1;
	(tag) =	ssettag s2;
	_ =	strace s9  }
0x27: {  	s1 =	sld [smem:$0x3F6C]  }
0x28: {  	s2 =	sld [smem:$0x3F6D]  }
0x29: {  	s4 =	sld [smem:$0x3F6F]  }
0x2a: {  	p0 =	seq.s32 s5, $0x0;
	s5 =	sld [smem:$0x3F70]  }
0x2b: {  	s6 =	sld [smem:$0x3F71]  }
0x2c: {  	s7 =	sld [smem:$0x3F72]  }
0x2d: {  	s3 =	simm.s32 $0x108;
	s8 =	sld [smem:$0x3F73]  }
0x2e: {  	s3 =	simm.s32 @!p0 $0x1082;
	s9 =	sld [smem:$0x3F74]  }
0x2f: {  	lr =	sadd.s32 s0, s3;
	s0 =	sld [smem:$0x3F6B]  }
0x30: {  	s3 =	sld [smem:$0x3F6E]  }
0x31: {  	[smem:$0x3F77] =	sst s10  }
0x32: {  	s10 =	sld [smem:$0x3F75];
	_ =	sdelay $0x3  }
0x33: {  	p0 =	seq.s32 s10, $0x1;
	s10 =	sld [smem:$0x3F77];
	_ =	sdelay $0x3  }
0x34: {  	[smem:$0x3F77] =	sst s10  }
0x35: {  	s10 =	sld [smem:$0x3F76];
	_ =	sdelay $0x3  }
0x36: {  	p1 =	seq.s32 s10, $0x1;
	s10 =	sld [smem:$0x3F77];
	_ =	sdelay $0x3  }
0x37: {  	[smem:$0x3F77] =	sst s10  }
0x38: {  	s10 =	sld [smem:$0x3F78]  }
0x39: {  	_ = 	snop;
	(pc) =	sbr.ind lr, $3  }
0x3a: {  	_ = 	snop  }
0x3b: {  	_ = 	snop  }
0x3c: {  	p2 =	seq.s32 s10, $0x1;
	s10 =	sld [smem:$0x3F77]  }
0x3d: {  	_ =	shalt  }
0x3e: {  	_ =	shalt  }
0x3f: {  	_ =	shalt  }
0x40: {  	_ =	shalt  }
0x41: {  	_ =	shalt  }
0x42: {  	_ =	shalt  }
0x43: {  	_ =	shalt  }
0x44: {  	_ =	shalt  }
0x45: {  	_ =	shalt  }
0x46: {  	_ =	shalt  }
0x47: {  	_ =	shalt  }
0x48: {  	_ =	shalt  }
0x49: {  	_ =	shalt  }
0x4a: {  	_ =	shalt  }
0x4b: {  	_ =	shalt  }
0x4c: {  	_ =	shalt  }
0x4d: {  	_ =	shalt  }
0x4e: {  	_ =	shalt  }
0x4f: {  	_ =	shalt  }
0x50: {  	_ =	shalt  }
0x51: {  	_ =	shalt  }
0x52: {  	_ =	shalt  }
0x53: {  	_ =	shalt  }
0x54: {  	_ =	shalt  }
0x55: {  	_ =	shalt  }
0x56: {  	_ =	shalt  }
0x57: {  	_ =	shalt  }
0x58: {  	_ =	shalt  }
0x59: {  	_ =	shalt  }
0x5a: {  	_ =	shalt  }
0x5b: {  	_ =	shalt  }
0x5c: {  	_ =	shalt  }
0x5d: {  	_ =	shalt  }
0x5e: {  	_ =	shalt  }
0x5f: {  	_ =	shalt  }
0x60: {  	_ =	shalt  }
0x61: {  	_ =	shalt  }
0x62: {  	_ =	shalt  }
0x63: {  	_ =	shalt  }
0x64: {  	_ =	shalt  }
0x65: {  	_ =	shalt  }
0x66: {  	_ =	shalt  }
0x67: {  	_ =	shalt  }
0x68: {  	_ =	shalt  }
0x69: {  	_ =	shalt  }
0x6a: {  	_ =	shalt  }
0x6b: {  	_ =	shalt  }
0x6c: {  	_ =	shalt  }
0x6d: {  	_ =	shalt  }
0x6e: {  	_ =	shalt  }
0x6f: {  	_ =	shalt  }
0x70: {  	_ =	shalt  }
0x71: {  	_ =	shalt  }
0x72: {  	_ =	shalt  }
0x73: {  	_ =	shalt  }
0x74: {  	_ =	shalt  }
0x75: {  	_ =	shalt  }
0x76: {  	_ =	shalt  }
0x77: {  	_ =	shalt  }
0x78: {  	_ =	shalt  }
0x79: {  	_ =	shalt  }
0x7a: {  	_ =	shalt  }
0x7b: {  	_ =	shalt  }
0x7c: {  	_ =	shalt  }
0x7d: {  	_ =	shalt  }
0x7e: {  	_ =	shalt  }
0x7f: {  	_ =	shalt  }
0x80: {  	_ =	shalt  }
0x81: {  	_ =	shalt  }
0x82: {  	_ =	shalt  }
0x83: {  	_ =	shalt  }
0x84: {  	_ =	shalt  }
0x85: {  	_ =	shalt  }
0x86: {  	_ =	shalt  }
0x87: {  	_ =	shalt  }
.Lfunc_end0:
.L_simem_size_0:
called_computation.3_lowered:
.L_overlay_start_0:
0x88: {  	s2 =	sld [smem:$0x3FD9]  }
0x89: {  	s3 =	sld [smem:$0x3FFE];
	_ =	sdelay $0x1  }
0x8a: {  	s1 =	srdreg.scid  }
0x8b: {  	s0 =	sand.u32 $0x1, s1  }
0x8c: {  	s17 =	sshll.u32 s0, $0xA;
	s2 =	sadd.s32 s3, s2  }
0x8d: {  	s2 =	sadd.s32 s2, s17  }
0x8e: {  	[smem:$0x3F83] =	sst s2  }
0x8f: {  	_ = 	snop  }
0x90: {  	(tm) =	ssettm $0x1  }
0x91: {  	s18 =	sld [smem:$0x3FFB];
	_ =	sdelay $0x3  }
0x92: {  	_ =	strace s18  }
0x93: {  	s2 =	sld [smem:$0x3FFC];
	_ =	sdelay $0x3  }
0x94: {  	_ =	strace s2  }
0x95: {  	s2 =	sld [smem:$0x3FFD];
	_ =	sdelay $0x3  }
0x96: {  	_ =	strace s2  }
0x97: {  	_ =	strace $0x8FFFFFFF  }
0x98: {  	s19 =	sld [smem:$0x3FDB];
	_ =	sdelay $0x1  }
0x99: {  	s20 =	simm.s32 $_scs_section_size  }
0x9a: {  	s4 =	simm.s32 $_size__tile_overlayer_lowered;
	s5 =	simm.s32 $_tile_overlayer_lowered  }
0x9b: {  	s6 =	simm.s32 $0x1BFF;
	s21 =	sshll.u32 s5, $0x1;
	s3 =	sadd.s32 s20, s19  }
0x9c: {  	s22 =	simm.s32 $0x0;
	s4 =	sshll.u32 s4, $0x1;
	s5 =	sadd.s32 s21, s3  }
0x9d: {  	[timem:s22], [sflag:s6] =	dma.local [hbm:s5], s4  }
0x9e: {  	_ =	swait.ge [sflag:s6], s4  }
0x9f: {  	s4 =	ssub.s32 $0x0, s4;
	[sflag:s6] =	ssyncset.done $0x0  }
0xa0: {  	[sflag:s6] =	ssyncadd.s32 s4;
	_ =	sdelay $0x1  }
0xa1: {  	s23 =	simm.s32 $0x1B8B  }
0xa2: {  	_ =	swait.ge [sflag:s23], $0x1  }
0xa3: {  	[sflag:s23] =	ssyncset.done $0x0  }
0xa4: {  	[sflag:s23] =	ssyncadd.s32 $0xFFFFFFFF  }
0xa5: {  	s4 =	sld [smem:$0x0]  }
0xa6: {  	s5 =	sand.u32 $0xFFFFFFFE, s1  }
0xa7: {  	p0 =	sne.s32 s1, s5  }
0xa8: {  	s5 =	sshll.u32 @p0 s5, $0xE  }
0xa9: {  	s5 =	sadd.s32 @p0 $0x11B8D, s5;
	s6 =	sshll.u32 @p0 s4, $0x11  }
0xaa: {  	s5 =	sor.u32 @p0 s6, s5  }
0xab: {  	[sflag:s5] =	ssyncadd.remote.s32 @p0 $0x1;
	_ =	sdelay $0x1  }
0xac: {  	s5 =	simm.s32 @p0 $0x1B8D  }
0xad: {  	_ =	swait.eq @p0 [sflag:s5], $0x1  }
0xae: {  	[sflag:s5] =	ssyncadd.s32 @p0 $0xFFFFFFFF  }
0xaf: {  	s6 =	sshll.u32 @!p0 s1, $0xE  }
0xb0: {  	s6 =	sor.u32 @!p0 $0x4000, s6;
	s5 =	simm.s32 @!p0 $0x1B8D  }
0xb1: {  	s4 =	sshll.u32 @!p0 s4, $0x11;
	s6 =	sadd.s32 @!p0 $0x11B8D, s6;
	_ =	swait.eq @!p0 [sflag:s5], $0x1  }
0xb2: {  	s4 =	sor.u32 @!p0 s4, s6;
	[sflag:s5] =	ssyncadd.s32 @!p0 $0xFFFFFFFF  }
0xb3: {  	s25 =	simm.s32 $0x1B8E;
	s24 =	sld [smem:$0x3FFE];
	[sflag:s4] =	ssyncadd.remote.s32 @!p0 $0x1  }
0xb4: {  	s26 =	simm.s32 $execute0_lowered;
	[smem:$0x3FD2] =	sst s25  }
0xb5: {  	s5 =	sshll.u32 s26, $0x1;
	_ =	strace $0x8000004C;
	[dreg:$0x1] =	wrdreg $0xFFFFFFFF  }
0xb6: {  	s28 =	simm.s32 $_size_execute0_lowered;
	s3 =	sadd.s32 s3, s5;
	[dreg:$0x0] =	wrdreg $0x0  }
0xb7: {  	s5 =	sshll.u32 s28, $0x1;
	[dreg:$0x2] =	wrdreg s3  }
0xb8: {  	[dreg:$0x3] =	wrdreg s5  }
0xb9: {  	[dreg:$0x4] =	wrdreg $0xC0  }
0xba: {  	_ =	task [dreg:s22], $0x5FFFF  }
0xbb: {  	[dreg:$0x1] =	wrdreg $0xFFFFFFFF  }
0xbc: {  	[dreg:$0x0] =	wrdreg $0x60  }
0xbd: {  	[dreg:$0x2] =	wrdreg s24  }
0xbe: {  	[dreg:$0x3] =	wrdreg $0x40800  }
0xbf: {  	[dreg:$0x4] =	wrdreg $0xA  }
0xc0: {  	_ =	task.clear_ibuf [dreg:s22], $0x5FFFF;
	_ =	strace $0x9000004C  }
0xc1: {  	s29 =	simm.s32 $0xA;
	_ =	strace $0x8000004E  }
0xc2: {  	_ =	swait.ge [sflag:s29], $0x1  }
0xc3: {  	[sflag:s29] =	ssyncadd.s32 $0xFFFFFFFF  }
0xc4: {  	_ =	strace $0x9000004E  }
0xc5: {  	_ =	sfence  }
0xc6: {  	s30 =	sld [smem:$0x0];
	_ =	sdelay $0x2  }
0xc7: {  	s31 =	sshll.u32 s1, $0xD;
	s1 =	sshrl.u32 s1, $0x2  }
0xc8: {  	s4 =	sand.u32 $0x4000, s31;
	s1 =	sadd.s32 s1, s30  }
0xc9: {  	s0 =	sor.u32 s4, s0;
	s1 =	sshll.u32 s1, $0x11  }
0xca: {  	s0 =	sor.u32 s1, s0  }
0xcb: {  	s0 =	sadd.s32 $0x8F2B, s0  }
0xcc: {  	[sflag:s0] =	ssyncadd.remote.s32 $0x1  }
0xcd: {  	_ =	sfence.sel $0xFFFF  }
0xce: {  	[dreg:$0x0] =	wrdreg $0xFFFFFFFF;
	(pc) =	sbr.abs _section_cstart, $3  }
0xcf: {  	[dreg:$0x1] =	wrdreg $0xFFFFFFFF  }
0xd0: {  	_ =	task.clear_ibuf [dreg:s22], $0x2FFFF;
	_ =	strace $0x9FFFFFFF  }
0xd1: {  	(tm) =	ssettm $0x7FFFFFFF  }
tec
execute0_lowered:
.L_overlay_start_1:
0x0: {  	(tag) =	ssettag $0x1  }
0x1: {  	s4 =	rddreg [dreg:$0x0]  }
0x2: {  	s2 =	rddreg [dreg:$0x1]  }
0x3: {  	s1 =	stileid.u32;
	s3 =	srdreg.scid  }
0x4: {  	s0 =	rddreg [dreg:$0x2];
	s5 =	smul.u32 $0x13C00, s1;
	s6 =	sand.u32 $0x1, s3  }
0x5: {  	s3 =	simm.s32 $0x0;
	s7 =	sshll.u32 s1, $0xC;
	s11 =	smul.u32 $0x4F000, s1  }
0x6: {  	s25 =	sshll.u32 s1, $0x4;
	s31 =	sshll.u32 s1, $0x6;
	s8 =	smul.u32 $0x13C000, s6  }
0x7: {  	[smem:$0x7FF] =	sst s3;
	s9 =	sadd.s32 s7, s4;
	s10 =	sadd.s32 s25, s4  }
0x8: {  	s28 =	ssub.s32 $0x2, s6;
	s13 =	sshll.u32 s6, $0x7;
	s26 =	sshrl.u32 s5, $0x3  }
0x9: {  	s29 =	sshrl.u32 s28, $0x1;
	_ =	strace $0x8000004D;
	s30 =	sshrl.u32 s11, $0x2  }
0xa: {  	s9 =	sadd.s32 s13, s9;
	s5 =	sadd.s32 s5, s8;
	s7 =	sadd.s32 s26, s4  }
0xb: {  	s8 =	ssub.s32 s28, s29;
	s11 =	sadd.s32 s30, s2;
	s5 =	sshrl.u32 s5, $0x3  }
0xc: {  	s9 =	sadd.s32 $0x143BA00, s9;
	s12 =	sadd.s32 s5, s4;
	s4 =	sadd.s32 $0x90A00, s7  }
0xd: {  	s5 =	sor.u32 $0x1C02, s31;
	s7 =	smax.u32 s8, $0x1;
	s8 =	sadd.s32 $0x11600, s10  }
0xe: {  	s10 =	sshrl.u32 s11, $0x3;
	s11 =	simm.s32 $0x2;
	s6 =	sadd.s32 $0xB8200, s12  }
.LBB2_1:
0xf: {  	[spmem:s10], [sflag:s5] =	dma.local [hbm:s4], $0x2780  }
0x10: {  	_ =	swait.ge [sflag:s11], $0x2780  }
0x11: {  	s12 =	sadd.s32 $0x0, s1;
	[sflag:s11] =	ssyncset.done $0x0  }
0x12: {  	p0 =	sgt.u32 s12, $0x4E1;
	[sflag:s11] =	ssyncadd.s32 $0xFFFFD880  }
0x13: {  	s12 =	simm.s32 @!p0 $0x0;
	s13 =	simm.s32 @!p0 $0x3;
	[bflag:$0x0] =	sbarrier.arrive $0xFFFF  }
0x14: {  	[tilespmem:s12], [sflag:$0x3] =	stream.linear.gather @!p0 [hbm4b:s8+s12], $0x80, $0x38;
	[tilespmem:$0x17C80] =	vst v63  }
0x15: {  	_ =	swait.ge @!p0 [sflag:s13], $0x80  }
0x16: {  	s14 =	simm.s32 @!p0 $0x80;
	s15 =	simm.s32 @!p0 $0x1;
	[sflag:s13] =	ssyncset.done @!p0 $0x0  }
0x17: {  	s16 =	simm.s32 @!p0 $0x800;
	[sflag:s13] =	ssyncadd.s32 @!p0 $0xFFFFFF80;
	s13 =	simm.s32 @!p0 $0x400  }
0x18: {  	[tilespmem:s14], [sflag:$0x1] =	stream.strided.gather @!p0 [hbm4b:s9+s13], $0x4000, s16, s13, $0x38;
	[tilespmem:$0x17C80] =	vst v63  }
0x19: {  	p1 =	por p0, p0;
	_ =	swait.ge @!p0 [sflag:s15], $0x4000  }
0x1a: {  	[sflag:s15] =	ssyncset.done @!p1 $0x0  }
0x1b: {  	s31 =	sadd.s32 $0x10, s1;
	[sflag:s15] =	ssyncadd.s32 @!p1 $0xFFFFC000;
	s15 =	simm.s32 @!p1 $0x2  }
0x1c: {  	[spmem:s2] =	stream.indirect.scatter.add.f32 @!p1 [tilespmem:s14], [sflag:$0x2], $0x80, s12, s14, $0xb8;
	[tilespmem:$0x17C80] =	vst v63  }
0x1d: {  	s13 =	simm.s32 $0x20;
	p0 =	sgt.u32 s31, $0x4E1;
	_ =	swait.ge @!p1 [sflag:s15], $0x4000  }
0x1e: {  	s12 =	sadd.s32 $0x10000, s9;
	s14 =	sadd.s32 $0x100, s8;
	[sflag:s15] =	ssyncset.done @!p1 $0x0  }
.LBB2_2:
0x1f: {  	s16 =	simm.s32 @!p0 $0x0;
	s17 =	simm.s32 @!p0 $0x3;
	[sflag:s15] =	ssyncadd.s32 @!p1 $0xFFFFC000  }
0x20: {  	[tilespmem:s16], [sflag:$0x3] =	stream.linear.gather @!p0 [hbm4b:s14+s16], $0x80, $0x38;
	[tilespmem:$0x17C80] =	vst v63  }
0x21: {  	s18 =	smov.u32 s13;
	s13 =	sadd.s32 $0x10, s13;
	_ =	swait.ge @!p0 [sflag:s17], $0x80  }
0x22: {  	s19 =	simm.s32 @!p0 $0x80;
	s15 =	simm.s32 @!p0 $0x1;
	[sflag:s17] =	ssyncset.done @!p0 $0x0  }
0x23: {  	s20 =	simm.s32 @!p0 $0x800;
	[sflag:s17] =	ssyncadd.s32 @!p0 $0xFFFFFF80;
	s17 =	simm.s32 @!p0 $0x400  }
0x24: {  	[tilespmem:s19], [sflag:$0x1] =	stream.strided.gather @!p0 [hbm4b:s12+s17], $0x4000, s20, s17, $0x38;
	[tilespmem:$0x17C80] =	vst v63  }
0x25: {  	p1 =	por p0, p0;
	p2 =	sne.s32 s13, $0x4F0;
	_ =	swait.ge @!p0 [sflag:s15], $0x4000  }
.Ltmp0:
0x26: {  	[sflag:s15] =	ssyncset.done @!p1 $0x0;
	(pc) =	sbr.rel @p2 .LBB2_2-.Ltmp0, $4  }
0x27: {  	[sflag:s15] =	ssyncadd.s32 @!p1 $0xFFFFC000;
	s15 =	simm.s32 @!p1 $0x2  }
0x28: {  	[spmem:s2] =	stream.indirect.scatter.add.f32 @!p1 [tilespmem:s19], [sflag:$0x2], $0x80, s16, s19, $0xb8;
	[tilespmem:$0x17C80] =	vst v63  }
0x29: {  	s12 =	sadd.s32 $0x10000, s12;
	s16 =	sadd.s32 s18, s1;
	_ =	swait.ge @!p1 [sflag:s15], $0x4000  }
0x2a: {  	s14 =	sadd.s32 $0x100, s14;
	p0 =	sgt.u32 s16, $0x4E1;
	[sflag:s15] =	ssyncset.done @!p1 $0x0  }
0x2b: {  	s13 =	simm.s32 @!p0 $0x0;
	s16 =	simm.s32 @!p0 $0x3;
	[sflag:s15] =	ssyncadd.s32 @!p1 $0xFFFFC000  }
0x2c: {  	[tilespmem:s13], [sflag:$0x3] =	stream.linear.gather @!p0 [hbm4b:s14+s13], $0x80, $0x38;
	[tilespmem:$0x17C80] =	vst v63  }
0x2d: {  	_ =	swait.ge @!p0 [sflag:s16], $0x80  }
0x2e: {  	s15 =	simm.s32 @!p0 $0x1;
	s17 =	simm.s32 @!p0 $0x800;
	[sflag:s16] =	ssyncset.done @!p0 $0x0  }
0x2f: {  	s14 =	simm.s32 @!p0 $0x80;
	[sflag:s16] =	ssyncadd.s32 @!p0 $0xFFFFFF80;
	s16 =	simm.s32 @!p0 $0x400  }
0x30: {  	[tilespmem:s14], [sflag:$0x1] =	stream.strided.gather @!p0 [hbm4b:s12+s16], $0x4000, s17, s16, $0x38;
	[tilespmem:$0x17C80] =	vst v63  }
0x31: {  	_ =	swait.ge @!p0 [sflag:s15], $0x4000;
	p0 =	por p0, p0  }
0x32: {  	[sflag:s15] =	ssyncset.done @!p0 $0x0  }
0x33: {  	s12 =	simm.s32 @!p0 $0x2;
	[sflag:s15] =	ssyncadd.s32 @!p0 $0xFFFFC000  }
0x34: {  	[spmem:s2] =	stream.indirect.scatter.add.f32 @!p0 [tilespmem:s14], [sflag:$0x2], $0x80, s13, s14, $0xb8;
	[tilespmem:$0x17C80] =	vst v63  }
0x35: {  	_ =	swait.ge @!p0 [sflag:s12], $0x4000  }
0x36: {  	s3 =	sadd.s32 $0x1, s3;
	[sflag:s12] =	ssyncset.done @!p0 $0x0  }
0x37: {  	[sflag:s12] =	ssyncadd.s32 @!p0 $0xFFFFC000;
	p0 =	sne.s32 s3, s7  }
.Ltmp1:
0x38: {  	[bflag:$0x0] =	sbarrier.arrive $0xFFFF;
	(pc) =	sbr.rel @p0 .LBB2_1-.Ltmp1, $4  }
0x39: {  	[hbm:s6], [sflag:s5] =	dma.local [spmem:s10], $0x2780  }
0x3a: {  	_ =	swait.ge [sflag:s11], $0x2780  }
0x3b: {  	[sflag:s11] =	ssyncset.done $0x0  }
0x3c: {  	[sflag:s11] =	ssyncadd.s32 $0xFFFFD880  }
0x3d: {  	_ =	sfence.sel $0x180000  }
0x3e: {  	[bflag:$0x0] =	sbarrier.arrive $0xFFFF  }
0x3f: {  	p0 =	sne.s32 s1, $0x0;
	_ =	strace $0x9000004D  }
0x40: {  	s0 =	sadd.s32 @!p0 $0x100000, s0;
	[bflag:$0x2] =	sbarrier.arrive $0xFFFF  }
0x41: {  	[sflag:s0] =	ssyncadd.tile.s32 @!p0 $0x1;
	_ =	shalt  }
.Lfunc_end2:
_tile_overlayer_lowered:
.L_overlay_start_2:
0x42: {  	(tag) =	ssettag $0x2  }
0x43: {  	s0 =	rddreg [dreg:$0x0];
	s2 =	stileid.u32  }
0x44: {  	s1 =	rddreg [dreg:$0x1];
	p0 =	sne.s32 s2, $0x0  }
0x45: {  	s3 =	rddreg [dreg:$0x2];
	[bflag:$0x3] =	sbarrier.arrive $0xFFFF;
	s2 =	simm.s32 @!p0 $0x1C02  }
0x46: {  	[timem:s3], [sflag:s2] =	dma.local @!p0 [hbm:s0], s1  }
0x47: {  	s0 =	simm.s32 @!p0 $0x2  }
0x48: {  	_ =	swait.ge @!p0 [sflag:s0], s1  }
0x49: {  	s1 =	ssub.s32 @!p0 $0x0, s1;
	[sflag:s0] =	ssyncset.done @!p0 $0x0  }
0x4a: {  	[sflag:s0] =	ssyncadd.s32 @!p0 s1  }
0x4b: {  	[bflag:$0x3] =	sbarrier.arrive $0xFFFF  }
0x4c: {  	_ =	shalt  }

// kernel: kernel.39.cloned.1.call-start
scs
__scs_entry_jumppad:
0x0: {  	(pc) =	sbr.rel $0x88, $3  }
0x1: {  	(tag) =	ssettag $0x0;
	lr =	simm.s32 $0x1  }
0x2: {  	[smem:$0x3F5C] =	sst lr;
	_ =	strace $0xD0000000  }
0x3: {  	_ = 	snop  }
0x4: {  	_ = 	snop  }
0x5: {  	_ = 	snop  }
0x6: {  	_ = 	snop  }
0x7: {  	_ = 	snop  }
__scs_overlays_trampoline_lowered:
0x8: {  	[smem:$0x3F6B] =	sst s0  }
0x9: {  	[smem:$0x3F6C] =	sst s1  }
0xa: {  	[smem:$0x3F6D] =	sst s2  }
0xb: {  	[smem:$0x3F6E] =	sst s3  }
0xc: {  	[smem:$0x3F6F] =	sst s4  }
0xd: {  	[smem:$0x3F70] =	sst s5  }
0xe: {  	[smem:$0x3F71] =	sst s6  }
0xf: {  	[smem:$0x3F72] =	sst s7  }
0x10: {  	[smem:$0x3F73] =	sst s8  }
0x11: {  	[smem:$0x3F74] =	sst s9;
	s0 =	simm.s32 @!p0 $0x0  }
0x12: {  	s1 =	sld [smem:$0x3F5A];
	s0 =	simm.s32 @p0 $0x1  }
0x13: {  	[smem:$0x3F75] =	sst s0;
	s0 =	simm.s32 @!p1 $0x0  }
0x14: {  	s2 =	sld [smem:$0x3F59];
	s0 =	simm.s32 @p1 $0x1  }
0x15: {  	[smem:$0x3F76] =	sst s0;
	s0 =	simm.s32 @!p2 $0x0  }
0x16: {  	s3 =	sld [smem:$0x3FDB];
	s0 =	simm.s32 @p2 $0x1  }
0x17: {  	s4 =	simm.s32 $0x1BF5;
	[smem:$0x3F78] =	sst s0  }
0x18: {  	s0 =	sld [smem:$0x3F5B];
	_ =	swait.ge [sflag:s4], $0x0  }
0x19: {  	s7 =	sld [smem:$0x3F5C]  }
0x1a: {  	s8 =	sadd.s32 $0xFFFFE003, lr  }
0x1b: {  	s9 =	sadd.s32 $0xFFFFFEF7, lr;
	s5 =	simm.s32 $0xFFFFFFFF;
	p2 =	slt.u32 s8, $0xFFFFF086  }
0x1c: {  	p1 =	slt.u32 s9, $0xF7A;
	s5 =	simm.s32 @!p2 $0x0  }
0x1d: {  	s5 =	simm.s32 @p1 $0x1;
	p0 =	seq.s32 s7, s2  }
0x1e: {  	s7 =	smul.u32 @!p0 $0xF7A, s2;
	p2 =	seq.s32 @!p0 s5, $0x0  }
0x1f: {  	s9 =	smul.u32 $0xF7A, s1;
	s8 =	simm.s32 @!p0 $0x1BF5;
	p2 =	por !p2, p0  }
0x20: {  	[sflag:s8] =	ssyncset.s32 @!p0 $0xFFFFF086;
	s6 =	sadd.s32 @!p0 s3, s7;
	s7 =	simm.s32 @!p0 $0x108  }
0x21: {  	s3 =	sadd.s32 s3, s9;
	s6 =	sadd.s32 @!p0 $0x88, s6;
	s7 =	simm.s32 @p2 $0x1082  }
0x22: {  	[simem:s7], [sflag:s8] =	dma.local @!p0 [hbm:s6], $0xF7A  }
0x23: {  	s9 =	sor.u32 $0xD0000000, s2;
	s6 =	simm.s32 $0x108;
	_ =	swait.ge @!p0 [sflag:s8], $0x0  }
0x24: {  	s3 =	sadd.s32 $0x88, s3;
	s6 =	simm.s32 @!p1 $0x1082;
	[sflag:s4] =	ssyncset.s32 $0xFFFFF086  }
0x25: {  	[simem:s6], [sflag:s4] =	dma.local [hbm:s3], $0xF7A  }
0x26: {  	[smem:$0x3F5C] =	sst s1;
	(tag) =	ssettag s2;
	_ =	strace s9  }
0x27: {  	s1 =	sld [smem:$0x3F6C]  }
0x28: {  	s2 =	sld [smem:$0x3F6D]  }
0x29: {  	s4 =	sld [smem:$0x3F6F]  }
0x2a: {  	p0 =	seq.s32 s5, $0x0;
	s5 =	sld [smem:$0x3F70]  }
0x2b: {  	s6 =	sld [smem:$0x3F71]  }
0x2c: {  	s7 =	sld [smem:$0x3F72]  }
0x2d: {  	s3 =	simm.s32 $0x108;
	s8 =	sld [smem:$0x3F73]  }
0x2e: {  	s3 =	simm.s32 @!p0 $0x1082;
	s9 =	sld [smem:$0x3F74]  }
0x2f: {  	lr =	sadd.s32 s0, s3;
	s0 =	sld [smem:$0x3F6B]  }
0x30: {  	s3 =	sld [smem:$0x3F6E]  }
0x31: {  	[smem:$0x3F77] =	sst s10  }
0x32: {  	s10 =	sld [smem:$0x3F75];
	_ =	sdelay $0x3  }
0x33: {  	p0 =	seq.s32 s10, $0x1;
	s10 =	sld [smem:$0x3F77];
	_ =	sdelay $0x3  }
0x34: {  	[smem:$0x3F77] =	sst s10  }
0x35: {  	s10 =	sld [smem:$0x3F76];
	_ =	sdelay $0x3  }
0x36: {  	p1 =	seq.s32 s10, $0x1;
	s10 =	sld [smem:$0x3F77];
	_ =	sdelay $0x3  }
0x37: {  	[smem:$0x3F77] =	sst s10  }
0x38: {  	s10 =	sld [smem:$0x3F78]  }
0x39: {  	_ = 	snop;
	(pc) =	sbr.ind lr, $3  }
0x3a: {  	_ = 	snop  }
0x3b: {  	_ = 	snop  }
0x3c: {  	p2 =	seq.s32 s10, $0x1;
	s10 =	sld [smem:$0x3F77]  }
0x3d: {  	_ =	shalt  }
0x3e: {  	_ =	shalt  }
0x3f: {  	_ =	shalt  }
0x40: {  	_ =	shalt  }
0x41: {  	_ =	shalt  }
0x42: {  	_ =	shalt  }
0x43: {  	_ =	shalt  }
0x44: {  	_ =	shalt  }
0x45: {  	_ =	shalt  }
0x46: {  	_ =	shalt  }
0x47: {  	_ =	shalt  }
0x48: {  	_ =	shalt  }
0x49: {  	_ =	shalt  }
0x4a: {  	_ =	shalt  }
0x4b: {  	_ =	shalt  }
0x4c: {  	_ =	shalt  }
0x4d: {  	_ =	shalt  }
0x4e: {  	_ =	shalt  }
0x4f: {  	_ =	shalt  }
0x50: {  	_ =	shalt  }
0x51: {  	_ =	shalt  }
0x52: {  	_ =	shalt  }
0x53: {  	_ =	shalt  }
0x54: {  	_ =	shalt  }
0x55: {  	_ =	shalt  }
0x56: {  	_ =	shalt  }
0x57: {  	_ =	shalt  }
0x58: {  	_ =	shalt  }
0x59: {  	_ =	shalt  }
0x5a: {  	_ =	shalt  }
0x5b: {  	_ =	shalt  }
0x5c: {  	_ =	shalt  }
0x5d: {  	_ =	shalt  }
0x5e: {  	_ =	shalt  }
0x5f: {  	_ =	shalt  }
0x60: {  	_ =	shalt  }
0x61: {  	_ =	shalt  }
0x62: {  	_ =	shalt  }
0x63: {  	_ =	shalt  }
0x64: {  	_ =	shalt  }
0x65: {  	_ =	shalt  }
0x66: {  	_ =	shalt  }
0x67: {  	_ =	shalt  }
0x68: {  	_ =	shalt  }
0x69: {  	_ =	shalt  }
0x6a: {  	_ =	shalt  }
0x6b: {  	_ =	shalt  }
0x6c: {  	_ =	shalt  }
0x6d: {  	_ =	shalt  }
0x6e: {  	_ =	shalt  }
0x6f: {  	_ =	shalt  }
0x70: {  	_ =	shalt  }
0x71: {  	_ =	shalt  }
0x72: {  	_ =	shalt  }
0x73: {  	_ =	shalt  }
0x74: {  	_ =	shalt  }
0x75: {  	_ =	shalt  }
0x76: {  	_ =	shalt  }
0x77: {  	_ =	shalt  }
0x78: {  	_ =	shalt  }
0x79: {  	_ =	shalt  }
0x7a: {  	_ =	shalt  }
0x7b: {  	_ =	shalt  }
0x7c: {  	_ =	shalt  }
0x7d: {  	_ =	shalt  }
0x7e: {  	_ =	shalt  }
0x7f: {  	_ =	shalt  }
0x80: {  	_ =	shalt  }
0x81: {  	_ =	shalt  }
0x82: {  	_ =	shalt  }
0x83: {  	_ =	shalt  }
0x84: {  	_ =	shalt  }
0x85: {  	_ =	shalt  }
0x86: {  	_ =	shalt  }
0x87: {  	_ =	shalt  }
.Lfunc_end0:
.L_simem_size_0:
called_computation.4_lowered:
.L_overlay_start_0:
0x88: {  	s2 =	sld [smem:$0x3FD9]  }
0x89: {  	s3 =	sld [smem:$0x3FFE];
	_ =	sdelay $0x1  }
0x8a: {  	s1 =	srdreg.scid  }
0x8b: {  	s0 =	sand.u32 $0x1, s1  }
0x8c: {  	s17 =	sshll.u32 s0, $0xA;
	s2 =	sadd.s32 s3, s2  }
0x8d: {  	s2 =	sadd.s32 s2, s17  }
0x8e: {  	[smem:$0x3F83] =	sst s2  }
0x8f: {  	_ = 	snop  }
0x90: {  	s18 =	sld [smem:$0x3FD0];
	(tm) =	ssettm $0x1  }
0x91: {  	s19 =	sld [smem:$0x3FFB];
	_ =	sdelay $0x3  }
0x92: {  	_ =	strace s19  }
0x93: {  	s2 =	sld [smem:$0x3FFC];
	_ =	sdelay $0x3  }
0x94: {  	_ =	strace s2  }
0x95: {  	s2 =	sld [smem:$0x3FFD];
	_ =	sdelay $0x3  }
0x96: {  	_ =	strace s2  }
0x97: {  	_ =	strace $0x8FFFFFFF  }
0x98: {  	s20 =	sld [smem:$0x3FDB];
	_ =	sdelay $0x1  }
0x99: {  	s4 =	simm.s32 $_scs_section_size  }
0x9a: {  	s5 =	simm.s32 $_size__tile_overlayer_lowered;
	s6 =	simm.s32 $_tile_overlayer_lowered  }
0x9b: {  	s7 =	simm.s32 $0x1BFF;
	s21 =	sshll.u32 s6, $0x1;
	s4 =	sadd.s32 s4, s20  }
0x9c: {  	s22 =	simm.s32 $0x0;
	s5 =	sshll.u32 s5, $0x1;
	s6 =	sadd.s32 s21, s4  }
0x9d: {  	[timem:s22], [sflag:s7] =	dma.local [hbm:s6], s5  }
0x9e: {  	_ =	swait.ge [sflag:s7], s5  }
0x9f: {  	s5 =	ssub.s32 $0x0, s5;
	[sflag:s7] =	ssyncset.done $0x0  }
0xa0: {  	[sflag:s7] =	ssyncadd.s32 s5;
	_ =	sdelay $0x1  }
0xa1: {  	s23 =	simm.s32 $0x1B8B  }
0xa2: {  	_ =	swait.ge [sflag:s23], $0x1  }
0xa3: {  	[sflag:s23] =	ssyncset.done $0x0  }
0xa4: {  	[sflag:s23] =	ssyncadd.s32 $0xFFFFFFFF  }
0xa5: {  	s5 =	sld [smem:$0x0]  }
0xa6: {  	s6 =	sand.u32 $0xFFFFFFFE, s1  }
0xa7: {  	p0 =	sne.s32 s1, s6  }
0xa8: {  	s6 =	sshll.u32 @p0 s6, $0xE  }
0xa9: {  	s6 =	sadd.s32 @p0 $0x11B8D, s6;
	s7 =	sshll.u32 @p0 s5, $0x11  }
0xaa: {  	s6 =	sor.u32 @p0 s7, s6  }
0xab: {  	[sflag:s6] =	ssyncadd.remote.s32 @p0 $0x1;
	_ =	sdelay $0x1  }
0xac: {  	s6 =	simm.s32 @p0 $0x1B8D  }
0xad: {  	_ =	swait.eq @p0 [sflag:s6], $0x1  }
0xae: {  	[sflag:s6] =	ssyncadd.s32 @p0 $0xFFFFFFFF  }
0xaf: {  	s7 =	sshll.u32 @!p0 s1, $0xE  }
0xb0: {  	s7 =	sor.u32 @!p0 $0x4000, s7;
	s6 =	simm.s32 @!p0 $0x1B8D  }
0xb1: {  	s5 =	sshll.u32 @!p0 s5, $0x11;
	s7 =	sadd.s32 @!p0 $0x11B8D, s7;
	_ =	swait.eq @!p0 [sflag:s6], $0x1  }
0xb2: {  	s5 =	sor.u32 @!p0 s5, s7;
	[sflag:s6] =	ssyncadd.s32 @!p0 $0xFFFFFFFF  }
0xb3: {  	s25 =	simm.s32 $0x1B8E;
	s24 =	sld [smem:$0x3FFE];
	[sflag:s5] =	ssyncadd.remote.s32 @!p0 $0x1  }
0xb4: {  	s26 =	simm.s32 $execute0_lowered;
	[smem:$0x3FD2] =	sst s25  }
0xb5: {  	s6 =	sshll.u32 s26, $0x1;
	_ =	strace $0x80000055;
	[dreg:$0x1] =	wrdreg $0xFFFFFFFF  }
0xb6: {  	s28 =	simm.s32 $_size_execute0_lowered;
	s4 =	sadd.s32 s4, s6;
	[dreg:$0x0] =	wrdreg $0x0  }
0xb7: {  	s6 =	sshll.u32 s28, $0x1;
	[dreg:$0x2] =	wrdreg s4  }
0xb8: {  	[dreg:$0x3] =	wrdreg s6  }
0xb9: {  	[dreg:$0x4] =	wrdreg $0xC0  }
0xba: {  	_ =	task [dreg:s22], $0x5FFFF  }
0xbb: {  	[dreg:$0x1] =	wrdreg $0xFFFFFFFF  }
0xbc: {  	[dreg:$0x0] =	wrdreg $0x60  }
0xbd: {  	[dreg:$0x2] =	wrdreg s24  }
0xbe: {  	[dreg:$0x3] =	wrdreg s18  }
0xbf: {  	[dreg:$0x4] =	wrdreg $0x9  }
0xc0: {  	_ =	task.clear_ibuf [dreg:s22], $0x5FFFF;
	_ =	strace $0x90000055  }
0xc1: {  	s29 =	simm.s32 $0x9;
	_ =	strace $0x80000057  }
0xc2: {  	_ =	swait.ge [sflag:s29], $0x1  }
0xc3: {  	[sflag:s29] =	ssyncadd.s32 $0xFFFFFFFF  }
0xc4: {  	_ =	strace $0x90000057  }
0xc5: {  	_ =	sfence  }
0xc6: {  	s30 =	sld [smem:$0x0];
	_ =	sdelay $0x2  }
0xc7: {  	s31 =	sshll.u32 s1, $0xD;
	s1 =	sshrl.u32 s1, $0x2  }
0xc8: {  	s4 =	sand.u32 $0x4000, s31;
	s1 =	sadd.s32 s1, s30  }
0xc9: {  	s0 =	sor.u32 s4, s0;
	s1 =	sshll.u32 s1, $0x11  }
0xca: {  	s0 =	sor.u32 s1, s0  }
0xcb: {  	s0 =	sadd.s32 $0x8F2B, s0  }
0xcc: {  	[sflag:s0] =	ssyncadd.remote.s32 $0x1  }
0xcd: {  	_ =	sfence.sel $0xFFFF  }
0xce: {  	[dreg:$0x0] =	wrdreg $0xFFFFFFFF;
	(pc) =	sbr.abs _section_cstart, $3  }
0xcf: {  	[dreg:$0x1] =	wrdreg $0xFFFFFFFF  }
0xd0: {  	_ =	task.clear_ibuf [dreg:s22], $0x2FFFF;
	_ =	strace $0x9FFFFFFF  }
0xd1: {  	(tm) =	ssettm $0x7FFFFFFF  }
tec
execute0_lowered:
.L_overlay_start_1:
0x0: {  	(tag) =	ssettag $0x1  }
0x1: {  	s0 =	rddreg [dreg:$0x0];
	s3 =	simm.s32 $0x0  }
0x2: {  	s8 =	stileid.u32;
	s2 =	srdreg.scid;
	s11 =	simm.s32 $0x4  }
0x3: {  	s12 =	simm.s32 $0x80;
	s13 =	simm.s32 $0x100;
	s15 =	simm.s32 $0x1100  }
0x4: {  	s16 =	simm.s32 $0x1900;
	s17 =	simm.s32 $0x2100;
	s18 =	simm.s32 $0x2900  }
0x5: {  	s19 =	simm.s32 $0x3100;
	s20 =	simm.s32 $0x3900;
	s28 =	simm.s32 $0x7100  }
0x6: {  	s29 =	simm.s32 $0x7900;
	s30 =	simm.s32 $0x8100;
	s31 =	simm.s32 $0x1  }
0x7: {  	[smem:$0x7FF] =	sst s3;
	s1 =	sshll.u32 s8, $0x5;
	s4 =	sadd.s32 $0x1B600, s0  }
0x8: {  	s2 =	sand.u32 $0x1, s2;
	s5 =	sshll.u32 s8, $0xD;
	s6 =	sshll.u32 s8, $0xC  }
0x9: {  	s22 =	sshll.u32 s8, $0x1;
	_ =	strace $0x80000056;
	s1 =	sadd.s32 s1, s0  }
0xa: {  	s7 =	ssub.s32 $0x2, s2;
	s5 =	sadd.s32 s5, s0;
	s0 =	sadd.s32 s6, s0  }
0xb: {  	[dreg:$0x3] =	wrdreg s22;
	s23 =	sshll.u32 s2, $0xB;
	s24 =	sshll.u32 s2, $0xC  }
0xc: {  	s2 =	sshll.u32 s2, $0x4;
	s22 =	simm.s32 $0x4900;
	s21 =	sshrl.u32 s7, $0x1  }
0xd: {  	s0 =	sadd.s32 s23, s0;
	s25 =	sadd.s32 s24, s5;
	s1 =	sadd.s32 s2, s1  }
0xe: {  	s23 =	simm.s32 $0x5100;
	s24 =	simm.s32 $0x5900;
	s0 =	sadd.s32 $0x191D400, s0  }
.Ltmp0:
0xf: {  	s5 =	simm.s32 $0x0;
	s9 =	sadd.s32 $0x7E8A00, s1;
	(pc) =	sbr.rel .LBB2_1-.Ltmp0, $4  }
0x10: {  	s6 =	ssub.s32 s7, s21;
	s10 =	sadd.s32 $0x7E3A00, s1;
	s21 =	simm.s32 $0x4100  }
0x11: {  	v2 =	vlaneseq.u32;
	s1 =	simm.s32 $0x3;
	[dreg:$0x4] =	wrdreg s0;
	s26 =	smax.u32 s6, $0x1  }
0x12: {  	vm0 =	vmmov $0xffff;
	v1 =	vshrl.u32 v2, $0x3;
	s0 =	sadd.s32 $0x143B400, s25;
	s25 =	simm.s32 $0x6100;
	[dreg:$0x5] =	wrdreg s26  }
0x13: {  	v0 =	vand.u32 $0x7, v2;
	v2 =	vor.u32 $0x8, v2;
	v1 =	vmul.u32 $0x8, v1;
	[dreg:$0x6] =	wrdreg s0;
	s26 =	simm.s32 $0x6900;
	s0 =	simm.s32 $0x2  }
.LBB2_5:
0x14: {  	s5 =	sadd.s32 $0x1, s5;
	s2 =	rddreg [dreg:$0x5]  }
0x15: {  	p0 =	sne.s32 s5, s2  }
.Ltmp1:
0x16: {  	_ = 	snop;
	(pc) =	sbr.rel @!p0 .LBB2_6-.Ltmp1, $1  }
0x17: {  	_ =	sdelay $0x3  }
.LBB2_1:
.Ltmp2:
0x18: {  	(pc) =	sbr.rel .LBB2_2-.Ltmp2, $4  }
0x19: {  	_ = 	snop  }
0x1a: {  	s6 =	rddreg [dreg:$0x3]  }
0x1b: {  	s8 =	rddreg [dreg:$0x6]  }
0x1c: {  	s7 =	rddreg [dreg:$0x4];
	s2 =	simm.s32 $0x0  }
.LBB2_4:
0x1d: {  	s2 =	sadd.s32 $0x200, s2  }
0x1e: {  	p0 =	sne.s32 s2, $0x5000  }
.Ltmp3:
0x1f: {  	_ = 	snop;
	(pc) =	sbr.rel @!p0 .LBB2_5-.Ltmp3, $2  }
0x20: {  	_ =	sdelay $0x2  }
0x21: {  	s7 =	sadd.s32 $0x10000, s7;
	s8 =	sadd.s32 $0x20000, s8;
	s6 =	sadd.s32 $0x20, s6  }
.LBB2_2:
0x22: {  	p0 =	sgt.u32 s6, $0x4E1  }
.Ltmp4:
0x23: {  	_ = 	snop;
	(pc) =	sbr.rel @p0 .LBB2_4-.Ltmp4, $1  }
0x24: {  	_ =	sdelay $0x3  }
0x25: {  	s14 =	sadd.s32 s2, s10  }
0x26: {  	[tilespmem:s3], [sflag:$0x4] =	stream.linear.gather [hbm4b:s14+s3], $0x80, $0x38;
	[tilespmem:$0xC100] =	vst v63  }
0x27: {  	_ =	swait.ge [sflag:s11], $0x80  }
0x28: {  	[sflag:s11] =	ssyncset.done $0x0  }
0x29: {  	s14 =	sadd.s32 s2, s9;
	[sflag:s11] =	ssyncadd.s32 $0xFFFFFF80  }
0x2a: {  	[tilespmem:s12], [sflag:$0x4] =	stream.linear.gather [hbm4b:s14+s3], $0x80, $0x38;
	[tilespmem:$0xC100] =	vst v63  }
0x2b: {  	_ =	swait.ge [sflag:s11], $0x80  }
0x2c: {  	[sflag:s11] =	ssyncset.done $0x0  }
0x2d: {  	[sflag:s11] =	ssyncadd.s32 $0xFFFFFF80  }
0x2e: {  	v3 =	vld [tilespmem:$0x0];
	_ =	sdelay $0x4  }
0x2f: {  	v4 =	vshll.u32 v3, $0x1  }
0x30: {  	v3 =	vand.u32 $0x7, v3;
	v4 =	vand.u32 $0xFFFFFFF0, v4  }
0x31: {  	v3 =	vor.u32 v3, v4  }
0x32: {  	v4 =	vperm.xlane v3, v0;
	_ =	sdelay $0x1  }
0x33: {  	v3 =	vperm.xlane v3, v2;
	v4 =	vadd.s32 v1, v4;
	_ =	sdelay $0x1  }
0x34: {  	v3 =	vadd.s32 v1, v3;
	_ =	sdelay $0x2  }
0x35: {  	[tilespmem:s13], [sflag:$0x1] =	stream.indirect_vreg.gather [hbm4b:s4+s3], $0x80, v4, vm0, $0xb8;
	[tilespmem:$0xC100] =	vst v63  }
0x36: {  	s14 =	simm.s32 $0x900  }
0x37: {  	[tilespmem:s14], [sflag:$0x1] =	stream.indirect_vreg.gather [hbm4b:s4+s3], $0x80, v3, vm0, $0xb8;
	[tilespmem:$0xC100] =	vst v63  }
0x38: {  	v3 =	vld [tilespmem:$0x10];
	_ =	sdelay $0x4  }
0x39: {  	v57 =	vshll.u32 v3, $0x1  }
0x3a: {  	v3 =	vand.u32 $0x7, v3;
	v4 =	vand.u32 $0xFFFFFFF0, v57  }
0x3b: {  	v3 =	vor.u32 v3, v4  }
0x3c: {  	v4 =	vperm.xlane v3, v0;
	_ =	sdelay $0x1  }
0x3d: {  	v3 =	vperm.xlane v3, v2;
	v4 =	vadd.s32 v1, v4;
	_ =	sdelay $0x1  }
0x3e: {  	v3 =	vadd.s32 v1, v3;
	_ =	sdelay $0x2  }
0x3f: {  	[tilespmem:s15], [sflag:$0x1] =	stream.indirect_vreg.gather [hbm4b:s4+s3], $0x80, v4, vm0, $0xb8;
	[tilespmem:$0xC100] =	vst v63  }
0x40: {  	_ = 	snop  }
0x41: {  	[tilespmem:s16], [sflag:$0x1] =	stream.indirect_vreg.gather [hbm4b:s4+s3], $0x80, v3, vm0, $0xb8;
	[tilespmem:$0xC100] =	vst v63  }
0x42: {  	v3 =	vld [tilespmem:$0x20];
	_ =	sdelay $0x4  }
0x43: {  	v58 =	vshll.u32 v3, $0x1  }
0x44: {  	v3 =	vand.u32 $0x7, v3;
	v4 =	vand.u32 $0xFFFFFFF0, v58  }
0x45: {  	v3 =	vor.u32 v3, v4  }
0x46: {  	v4 =	vperm.xlane v3, v0;
	_ =	sdelay $0x1  }
0x47: {  	v3 =	vperm.xlane v3, v2;
	v4 =	vadd.s32 v1, v4;
	_ =	sdelay $0x1  }
0x48: {  	v3 =	vadd.s32 v1, v3;
	_ =	sdelay $0x2  }
0x49: {  	[tilespmem:s17], [sflag:$0x1] =	stream.indirect_vreg.gather [hbm4b:s4+s3], $0x80, v4, vm0, $0xb8;
	[tilespmem:$0xC100] =	vst v63  }
0x4a: {  	_ = 	snop  }
0x4b: {  	[tilespmem:s18], [sflag:$0x1] =	stream.indirect_vreg.gather [hbm4b:s4+s3], $0x80, v3, vm0, $0xb8;
	[tilespmem:$0xC100] =	vst v63  }
0x4c: {  	v3 =	vld [tilespmem:$0x30];
	_ =	sdelay $0x4  }
0x4d: {  	v59 =	vshll.u32 v3, $0x1  }
0x4e: {  	v3 =	vand.u32 $0x7, v3;
	v4 =	vand.u32 $0xFFFFFFF0, v59  }
0x4f: {  	v3 =	vor.u32 v3, v4  }
0x50: {  	v4 =	vperm.xlane v3, v0;
	_ =	sdelay $0x1  }
0x51: {  	v3 =	vperm.xlane v3, v2;
	v4 =	vadd.s32 v1, v4;
	_ =	sdelay $0x1  }
0x52: {  	v3 =	vadd.s32 v1, v3;
	_ =	sdelay $0x2  }
0x53: {  	[tilespmem:s19], [sflag:$0x1] =	stream.indirect_vreg.gather [hbm4b:s4+s3], $0x80, v4, vm0, $0xb8;
	[tilespmem:$0xC100] =	vst v63  }
0x54: {  	_ = 	snop  }
0x55: {  	[tilespmem:s20], [sflag:$0x1] =	stream.indirect_vreg.gather [hbm4b:s4+s3], $0x80, v3, vm0, $0xb8;
	[tilespmem:$0xC100] =	vst v63  }
0x56: {  	v3 =	vld [tilespmem:$0x40];
	_ =	sdelay $0x4  }
0x57: {  	v60 =	vshll.u32 v3, $0x1  }
0x58: {  	v3 =	vand.u32 $0x7, v3;
	v4 =	vand.u32 $0xFFFFFFF0, v60  }
0x59: {  	v3 =	vor.u32 v3, v4  }
0x5a: {  	v4 =	vperm.xlane v3, v0;
	_ =	sdelay $0x1  }
0x5b: {  	v3 =	vperm.xlane v3, v2;
	v4 =	vadd.s32 v1, v4;
	_ =	sdelay $0x1  }
0x5c: {  	v3 =	vadd.s32 v1, v3;
	_ =	sdelay $0x2  }
0x5d: {  	[tilespmem:s21], [sflag:$0x1] =	stream.indirect_vreg.gather [hbm4b:s4+s3], $0x80, v4, vm0, $0xb8;
	[tilespmem:$0xC100] =	vst v63  }
0x5e: {  	_ = 	snop  }
0x5f: {  	[tilespmem:s22], [sflag:$0x1] =	stream.indirect_vreg.gather [hbm4b:s4+s3], $0x80, v3, vm0, $0xb8;
	[tilespmem:$0xC100] =	vst v63  }
0x60: {  	v3 =	vld [tilespmem:$0x50];
	_ =	sdelay $0x4  }
0x61: {  	v61 =	vshll.u32 v3, $0x1  }
0x62: {  	v3 =	vand.u32 $0x7, v3;
	v4 =	vand.u32 $0xFFFFFFF0, v61  }
0x63: {  	v3 =	vor.u32 v3, v4  }
0x64: {  	v4 =	vperm.xlane v3, v0;
	_ =	sdelay $0x1  }
0x65: {  	v3 =	vperm.xlane v3, v2;
	v4 =	vadd.s32 v1, v4;
	_ =	sdelay $0x1  }
0x66: {  	v3 =	vadd.s32 v1, v3;
	_ =	sdelay $0x2  }
0x67: {  	[tilespmem:s23], [sflag:$0x1] =	stream.indirect_vreg.gather [hbm4b:s4+s3], $0x80, v4, vm0, $0xb8;
	[tilespmem:$0xC100] =	vst v63  }
0x68: {  	_ = 	snop  }
0x69: {  	[tilespmem:s24], [sflag:$0x1] =	stream.indirect_vreg.gather [hbm4b:s4+s3], $0x80, v3, vm0, $0xb8;
	[tilespmem:$0xC100] =	vst v63  }
0x6a: {  	v3 =	vld [tilespmem:$0x60];
	_ =	sdelay $0x4  }
0x6b: {  	v62 =	vshll.u32 v3, $0x1  }
0x6c: {  	v3 =	vand.u32 $0x7, v3;
	v4 =	vand.u32 $0xFFFFFFF0, v62  }
0x6d: {  	v3 =	vor.u32 v3, v4  }
0x6e: {  	v4 =	vperm.xlane v3, v0;
	_ =	sdelay $0x1  }
0x6f: {  	v3 =	vperm.xlane v3, v2;
	v4 =	vadd.s32 v1, v4;
	_ =	sdelay $0x1  }
0x70: {  	v3 =	vadd.s32 v1, v3;
	_ =	sdelay $0x2  }
0x71: {  	[tilespmem:s25], [sflag:$0x1] =	stream.indirect_vreg.gather [hbm4b:s4+s3], $0x80, v4, vm0, $0xb8;
	[tilespmem:$0xC100] =	vst v63  }
0x72: {  	_ = 	snop  }
0x73: {  	[tilespmem:s26], [sflag:$0x1] =	stream.indirect_vreg.gather [hbm4b:s4+s3], $0x80, v3, vm0, $0xb8;
	[tilespmem:$0xC100] =	vst v63  }
0x74: {  	v3 =	vld [tilespmem:$0x70];
	_ =	sdelay $0x4  }
0x75: {  	v63 =	vshll.u32 v3, $0x1  }
0x76: {  	v3 =	vand.u32 $0x7, v3;
	v4 =	vand.u32 $0xFFFFFFF0, v63  }
0x77: {  	v3 =	vor.u32 v3, v4  }
0x78: {  	v4 =	vperm.xlane v3, v0;
	_ =	sdelay $0x1  }
0x79: {  	v3 =	vperm.xlane v3, v2;
	v4 =	vadd.s32 v1, v4;
	_ =	sdelay $0x1  }
0x7a: {  	v3 =	vadd.s32 v1, v3;
	_ =	sdelay $0x2  }
0x7b: {  	[tilespmem:s28], [sflag:$0x1] =	stream.indirect_vreg.gather [hbm4b:s4+s3], $0x80, v4, vm0, $0xb8;
	[tilespmem:$0xC100] =	vst v63  }
0x7c: {  	_ = 	snop  }
0x7d: {  	[tilespmem:s29], [sflag:$0x1] =	stream.indirect_vreg.gather [hbm4b:s4+s3], $0x80, v3, vm0, $0xb8;
	[tilespmem:$0xC100] =	vst v63  }
0x7e: {  	s14 =	rddreg [dreg:$0x1]  }
0x7f: {  	[tilespmem:s30], [sflag:$0x2] =	stream.indirect.gather [hbm4b:s14+s12], $0x80, s12, s12, $0xb8;
	[tilespmem:$0xC100] =	vst v63  }
0x80: {  	_ =	swait.ge [sflag:s31], $0x8000  }
0x81: {  	[sflag:s31] =	ssyncset.done $0x0  }
0x82: {  	[sflag:s31] =	ssyncadd.s32 $0xFFFF8000  }
0x83: {  	_ =	swait.ge [sflag:s0], $0x4000  }
0x84: {  	[sflag:s0] =	ssyncset.done $0x0  }
0x85: {  	[sflag:s0] =	ssyncadd.s32 $0xFFFFC000  }
0x86: {  	[hbm4b:s8+s3] =	stream.linear.scatter [tilespmem:s13], [sflag:$0x4], $0x8000, $0x38;
	[tilespmem:$0xC100] =	vst v63  }
0x87: {  	_ =	swait.ge [sflag:s11], $0x8000  }
0x88: {  	[sflag:s11] =	ssyncset.done $0x0  }
.Ltmp5:
0x89: {  	[sflag:s11] =	ssyncadd.s32 $0xFFFF8000;
	(pc) =	sbr.rel .LBB2_4-.Ltmp5, $4  }
0x8a: {  	[hbm4b:s7+s3] =	stream.linear.scatter [tilespmem:s30], [sflag:$0x3], $0x4000, $0x38;
	[tilespmem:$0xC100] =	vst v63  }
0x8b: {  	_ =	swait.ge [sflag:s1], $0x4000  }
0x8c: {  	[sflag:s1] =	ssyncset.done $0x0  }
0x8d: {  	[sflag:s1] =	ssyncadd.s32 $0xFFFFC000  }
.LBB2_6:
0x8e: {  	_ =	sfence.sel $0x180000  }
0x8f: {  	[bflag:$0x0] =	sbarrier.arrive $0xFFFF  }
0x90: {  	_ =	strace $0x90000056  }
0x91: {  	s0 =	stileid.u32;
	[bflag:$0x2] =	sbarrier.arrive $0xFFFF  }
0x92: {  	p0 =	sne.s32 s0, $0x0;
	s0 =	rddreg [dreg:$0x2]  }
0x93: {  	s0 =	sadd.s32 @!p0 $0x100000, s0  }
0x94: {  	[sflag:s0] =	ssyncadd.tile.s32 @!p0 $0x1;
	_ =	shalt  }
.Lfunc_end2:
_tile_overlayer_lowered:
.L_overlay_start_2:
0x95: {  	(tag) =	ssettag $0x2  }
0x96: {  	s0 =	rddreg [dreg:$0x0];
	s2 =	stileid.u32  }
0x97: {  	s1 =	rddreg [dreg:$0x1];
	p0 =	sne.s32 s2, $0x0  }
0x98: {  	s3 =	rddreg [dreg:$0x2];
	[bflag:$0x3] =	sbarrier.arrive $0xFFFF;
	s2 =	simm.s32 @!p0 $0x1C03  }
0x99: {  	[timem:s3], [sflag:s2] =	dma.local @!p0 [hbm:s0], s1  }
0x9a: {  	s0 =	simm.s32 @!p0 $0x3  }
0x9b: {  	_ =	swait.ge @!p0 [sflag:s0], s1  }
0x9c: {  	s1 =	ssub.s32 @!p0 $0x0, s1;
	[sflag:s0] =	ssyncset.done @!p0 $0x0  }
0x9d: {  	[sflag:s0] =	ssyncadd.s32 @!p0 s1  }
0x9e: {  	[bflag:$0x3] =	sbarrier.arrive $0xFFFF  }
0x9f: {  	_ =	shalt  }

// kernel: kernel.42.cloned.1.call-start
scs
__scs_entry_jumppad:
0x0: {  	(pc) =	sbr.rel $0x88, $3  }
0x1: {  	(tag) =	ssettag $0x0;
	lr =	simm.s32 $0x1  }
0x2: {  	[smem:$0x3F5C] =	sst lr;
	_ =	strace $0xD0000000  }
0x3: {  	_ = 	snop  }
0x4: {  	_ = 	snop  }
0x5: {  	_ = 	snop  }
0x6: {  	_ = 	snop  }
0x7: {  	_ = 	snop  }
__scs_overlays_trampoline_lowered:
0x8: {  	[smem:$0x3F6B] =	sst s0  }
0x9: {  	[smem:$0x3F6C] =	sst s1  }
0xa: {  	[smem:$0x3F6D] =	sst s2  }
0xb: {  	[smem:$0x3F6E] =	sst s3  }
0xc: {  	[smem:$0x3F6F] =	sst s4  }
0xd: {  	[smem:$0x3F70] =	sst s5  }
0xe: {  	[smem:$0x3F71] =	sst s6  }
0xf: {  	[smem:$0x3F72] =	sst s7  }
0x10: {  	[smem:$0x3F73] =	sst s8  }
0x11: {  	[smem:$0x3F74] =	sst s9;
	s0 =	simm.s32 @!p0 $0x0  }
0x12: {  	s1 =	sld [smem:$0x3F5A];
	s0 =	simm.s32 @p0 $0x1  }
0x13: {  	[smem:$0x3F75] =	sst s0;
	s0 =	simm.s32 @!p1 $0x0  }
0x14: {  	s2 =	sld [smem:$0x3F59];
	s0 =	simm.s32 @p1 $0x1  }
0x15: {  	[smem:$0x3F76] =	sst s0;
	s0 =	simm.s32 @!p2 $0x0  }
0x16: {  	s3 =	sld [smem:$0x3FDB];
	s0 =	simm.s32 @p2 $0x1  }
0x17: {  	s4 =	simm.s32 $0x1BF5;
	[smem:$0x3F78] =	sst s0  }
0x18: {  	s0 =	sld [smem:$0x3F5B];
	_ =	swait.ge [sflag:s4], $0x0  }
0x19: {  	s7 =	sld [smem:$0x3F5C]  }
0x1a: {  	s8 =	sadd.s32 $0xFFFFE003, lr  }
0x1b: {  	s9 =	sadd.s32 $0xFFFFFEF7, lr;
	s5 =	simm.s32 $0xFFFFFFFF;
	p2 =	slt.u32 s8, $0xFFFFF086  }
0x1c: {  	p1 =	slt.u32 s9, $0xF7A;
	s5 =	simm.s32 @!p2 $0x0  }
0x1d: {  	s5 =	simm.s32 @p1 $0x1;
	p0 =	seq.s32 s7, s2  }
0x1e: {  	s7 =	smul.u32 @!p0 $0xF7A, s2;
	p2 =	seq.s32 @!p0 s5, $0x0  }
0x1f: {  	s9 =	smul.u32 $0xF7A, s1;
	s8 =	simm.s32 @!p0 $0x1BF5;
	p2 =	por !p2, p0  }
0x20: {  	[sflag:s8] =	ssyncset.s32 @!p0 $0xFFFFF086;
	s6 =	sadd.s32 @!p0 s3, s7;
	s7 =	simm.s32 @!p0 $0x108  }
0x21: {  	s3 =	sadd.s32 s3, s9;
	s6 =	sadd.s32 @!p0 $0x88, s6;
	s7 =	simm.s32 @p2 $0x1082  }
0x22: {  	[simem:s7], [sflag:s8] =	dma.local @!p0 [hbm:s6], $0xF7A  }
0x23: {  	s9 =	sor.u32 $0xD0000000, s2;
	s6 =	simm.s32 $0x108;
	_ =	swait.ge @!p0 [sflag:s8], $0x0  }
0x24: {  	s3 =	sadd.s32 $0x88, s3;
	s6 =	simm.s32 @!p1 $0x1082;
	[sflag:s4] =	ssyncset.s32 $0xFFFFF086  }
0x25: {  	[simem:s6], [sflag:s4] =	dma.local [hbm:s3], $0xF7A  }
0x26: {  	[smem:$0x3F5C] =	sst s1;
	(tag) =	ssettag s2;
	_ =	strace s9  }
0x27: {  	s1 =	sld [smem:$0x3F6C]  }
0x28: {  	s2 =	sld [smem:$0x3F6D]  }
0x29: {  	s4 =	sld [smem:$0x3F6F]  }
0x2a: {  	p0 =	seq.s32 s5, $0x0;
	s5 =	sld [smem:$0x3F70]  }
0x2b: {  	s6 =	sld [smem:$0x3F71]  }
0x2c: {  	s7 =	sld [smem:$0x3F72]  }
0x2d: {  	s3 =	simm.s32 $0x108;
	s8 =	sld [smem:$0x3F73]  }
0x2e: {  	s3 =	simm.s32 @!p0 $0x1082;
	s9 =	sld [smem:$0x3F74]  }
0x2f: {  	lr =	sadd.s32 s0, s3;
	s0 =	sld [smem:$0x3F6B]  }
0x30: {  	s3 =	sld [smem:$0x3F6E]  }
0x31: {  	[smem:$0x3F77] =	sst s10  }
0x32: {  	s10 =	sld [smem:$0x3F75];
	_ =	sdelay $0x3  }
0x33: {  	p0 =	seq.s32 s10, $0x1;
	s10 =	sld [smem:$0x3F77];
	_ =	sdelay $0x3  }
0x34: {  	[smem:$0x3F77] =	sst s10  }
0x35: {  	s10 =	sld [smem:$0x3F76];
	_ =	sdelay $0x3  }
0x36: {  	p1 =	seq.s32 s10, $0x1;
	s10 =	sld [smem:$0x3F77];
	_ =	sdelay $0x3  }
0x37: {  	[smem:$0x3F77] =	sst s10  }
0x38: {  	s10 =	sld [smem:$0x3F78]  }
0x39: {  	_ = 	snop;
	(pc) =	sbr.ind lr, $3  }
0x3a: {  	_ = 	snop  }
0x3b: {  	_ = 	snop  }
0x3c: {  	p2 =	seq.s32 s10, $0x1;
	s10 =	sld [smem:$0x3F77]  }
0x3d: {  	_ =	shalt  }
0x3e: {  	_ =	shalt  }
0x3f: {  	_ =	shalt  }
0x40: {  	_ =	shalt  }
0x41: {  	_ =	shalt  }
0x42: {  	_ =	shalt  }
0x43: {  	_ =	shalt  }
0x44: {  	_ =	shalt  }
0x45: {  	_ =	shalt  }
0x46: {  	_ =	shalt  }
0x47: {  	_ =	shalt  }
0x48: {  	_ =	shalt  }
0x49: {  	_ =	shalt  }
0x4a: {  	_ =	shalt  }
0x4b: {  	_ =	shalt  }
0x4c: {  	_ =	shalt  }
0x4d: {  	_ =	shalt  }
0x4e: {  	_ =	shalt  }
0x4f: {  	_ =	shalt  }
0x50: {  	_ =	shalt  }
0x51: {  	_ =	shalt  }
0x52: {  	_ =	shalt  }
0x53: {  	_ =	shalt  }
0x54: {  	_ =	shalt  }
0x55: {  	_ =	shalt  }
0x56: {  	_ =	shalt  }
0x57: {  	_ =	shalt  }
0x58: {  	_ =	shalt  }
0x59: {  	_ =	shalt  }
0x5a: {  	_ =	shalt  }
0x5b: {  	_ =	shalt  }
0x5c: {  	_ =	shalt  }
0x5d: {  	_ =	shalt  }
0x5e: {  	_ =	shalt  }
0x5f: {  	_ =	shalt  }
0x60: {  	_ =	shalt  }
0x61: {  	_ =	shalt  }
0x62: {  	_ =	shalt  }
0x63: {  	_ =	shalt  }
0x64: {  	_ =	shalt  }
0x65: {  	_ =	shalt  }
0x66: {  	_ =	shalt  }
0x67: {  	_ =	shalt  }
0x68: {  	_ =	shalt  }
0x69: {  	_ =	shalt  }
0x6a: {  	_ =	shalt  }
0x6b: {  	_ =	shalt  }
0x6c: {  	_ =	shalt  }
0x6d: {  	_ =	shalt  }
0x6e: {  	_ =	shalt  }
0x6f: {  	_ =	shalt  }
0x70: {  	_ =	shalt  }
0x71: {  	_ =	shalt  }
0x72: {  	_ =	shalt  }
0x73: {  	_ =	shalt  }
0x74: {  	_ =	shalt  }
0x75: {  	_ =	shalt  }
0x76: {  	_ =	shalt  }
0x77: {  	_ =	shalt  }
0x78: {  	_ =	shalt  }
0x79: {  	_ =	shalt  }
0x7a: {  	_ =	shalt  }
0x7b: {  	_ =	shalt  }
0x7c: {  	_ =	shalt  }
0x7d: {  	_ =	shalt  }
0x7e: {  	_ =	shalt  }
0x7f: {  	_ =	shalt  }
0x80: {  	_ =	shalt  }
0x81: {  	_ =	shalt  }
0x82: {  	_ =	shalt  }
0x83: {  	_ =	shalt  }
0x84: {  	_ =	shalt  }
0x85: {  	_ =	shalt  }
0x86: {  	_ =	shalt  }
0x87: {  	_ =	shalt  }
.Lfunc_end0:
.L_simem_size_0:
called_computation.5_lowered:
.L_overlay_start_0:
0x88: {  	s2 =	sld [smem:$0x3FD9]  }
0x89: {  	s3 =	sld [smem:$0x3FFE];
	_ =	sdelay $0x1  }
0x8a: {  	s1 =	srdreg.scid  }
0x8b: {  	s0 =	sand.u32 $0x1, s1  }
0x8c: {  	s17 =	sshll.u32 s0, $0xA;
	s2 =	sadd.s32 s3, s2  }
0x8d: {  	s2 =	sadd.s32 s2, s17  }
0x8e: {  	[smem:$0x3F83] =	sst s2  }
0x8f: {  	_ = 	snop  }
0x90: {  	(tm) =	ssettm $0x1  }
0x91: {  	s18 =	sld [smem:$0x3FFB];
	_ =	sdelay $0x3  }
0x92: {  	_ =	strace s18  }
0x93: {  	s2 =	sld [smem:$0x3FFC];
	_ =	sdelay $0x3  }
0x94: {  	_ =	strace s2  }
0x95: {  	s2 =	sld [smem:$0x3FFD];
	_ =	sdelay $0x3  }
0x96: {  	_ =	strace s2  }
0x97: {  	_ =	strace $0x8FFFFFFF  }
0x98: {  	s19 =	sld [smem:$0x3FDB];
	_ =	sdelay $0x1  }
0x99: {  	s20 =	simm.s32 $_scs_section_size  }
0x9a: {  	s4 =	simm.s32 $_size__tile_overlayer_lowered;
	s5 =	simm.s32 $_tile_overlayer_lowered  }
0x9b: {  	s6 =	simm.s32 $0x1BFF;
	s21 =	sshll.u32 s5, $0x1;
	s3 =	sadd.s32 s20, s19  }
0x9c: {  	s22 =	simm.s32 $0x0;
	s4 =	sshll.u32 s4, $0x1;
	s5 =	sadd.s32 s21, s3  }
0x9d: {  	[timem:s22], [sflag:s6] =	dma.local [hbm:s5], s4  }
0x9e: {  	_ =	swait.ge [sflag:s6], s4  }
0x9f: {  	s4 =	ssub.s32 $0x0, s4;
	[sflag:s6] =	ssyncset.done $0x0  }
0xa0: {  	[sflag:s6] =	ssyncadd.s32 s4;
	_ =	sdelay $0x1  }
0xa1: {  	s23 =	simm.s32 $0x1B8B  }
0xa2: {  	_ =	swait.ge [sflag:s23], $0x1  }
0xa3: {  	[sflag:s23] =	ssyncset.done $0x0  }
0xa4: {  	[sflag:s23] =	ssyncadd.s32 $0xFFFFFFFF  }
0xa5: {  	s4 =	sld [smem:$0x0]  }
0xa6: {  	s5 =	sand.u32 $0xFFFFFFFE, s1  }
0xa7: {  	p0 =	sne.s32 s1, s5  }
0xa8: {  	s5 =	sshll.u32 @p0 s5, $0xE  }
0xa9: {  	s5 =	sadd.s32 @p0 $0x11B8D, s5;
	s6 =	sshll.u32 @p0 s4, $0x11  }
0xaa: {  	s5 =	sor.u32 @p0 s6, s5  }
0xab: {  	[sflag:s5] =	ssyncadd.remote.s32 @p0 $0x1;
	_ =	sdelay $0x1  }
0xac: {  	s5 =	simm.s32 @p0 $0x1B8D  }
0xad: {  	_ =	swait.eq @p0 [sflag:s5], $0x1  }
0xae: {  	[sflag:s5] =	ssyncadd.s32 @p0 $0xFFFFFFFF  }
0xaf: {  	s6 =	sshll.u32 @!p0 s1, $0xE  }
0xb0: {  	s6 =	sor.u32 @!p0 $0x4000, s6;
	s5 =	simm.s32 @!p0 $0x1B8D  }
0xb1: {  	s4 =	sshll.u32 @!p0 s4, $0x11;
	s6 =	sadd.s32 @!p0 $0x11B8D, s6;
	_ =	swait.eq @!p0 [sflag:s5], $0x1  }
0xb2: {  	s4 =	sor.u32 @!p0 s4, s6;
	[sflag:s5] =	ssyncadd.s32 @!p0 $0xFFFFFFFF  }
0xb3: {  	s25 =	simm.s32 $0x1B8E;
	s24 =	sld [smem:$0x3FFE];
	[sflag:s4] =	ssyncadd.remote.s32 @!p0 $0x1  }
0xb4: {  	s26 =	simm.s32 $execute0_lowered;
	[smem:$0x3FD2] =	sst s25  }
0xb5: {  	s5 =	sshll.u32 s26, $0x1;
	_ =	strace $0x8000005B;
	[dreg:$0x1] =	wrdreg $0xFFFFFFFF  }
0xb6: {  	s28 =	simm.s32 $_size_execute0_lowered;
	s3 =	sadd.s32 s3, s5;
	[dreg:$0x0] =	wrdreg $0x0  }
0xb7: {  	s5 =	sshll.u32 s28, $0x1;
	[dreg:$0x2] =	wrdreg s3  }
0xb8: {  	[dreg:$0x3] =	wrdreg s5  }
0xb9: {  	[dreg:$0x4] =	wrdreg $0xC0  }
0xba: {  	_ =	task [dreg:s22], $0x5FFFF  }
0xbb: {  	[dreg:$0x1] =	wrdreg $0xFFFFFFFF  }
0xbc: {  	[dreg:$0x0] =	wrdreg $0x60  }
0xbd: {  	[dreg:$0x2] =	wrdreg s24  }
0xbe: {  	[dreg:$0x3] =	wrdreg $0x40800  }
0xbf: {  	[dreg:$0x4] =	wrdreg $0x9  }
0xc0: {  	_ =	task.clear_ibuf [dreg:s22], $0x5FFFF;
	_ =	strace $0x9000005B  }
0xc1: {  	s29 =	simm.s32 $0x9;
	_ =	strace $0x8000005D  }
0xc2: {  	_ =	swait.ge [sflag:s29], $0x1  }
0xc3: {  	[sflag:s29] =	ssyncadd.s32 $0xFFFFFFFF  }
0xc4: {  	_ =	strace $0x9000005D  }
0xc5: {  	_ =	sfence  }
0xc6: {  	s30 =	sld [smem:$0x0];
	_ =	sdelay $0x2  }
0xc7: {  	s31 =	sshll.u32 s1, $0xD;
	s1 =	sshrl.u32 s1, $0x2  }
0xc8: {  	s4 =	sand.u32 $0x4000, s31;
	s1 =	sadd.s32 s1, s30  }
0xc9: {  	s0 =	sor.u32 s4, s0;
	s1 =	sshll.u32 s1, $0x11  }
0xca: {  	s0 =	sor.u32 s1, s0  }
0xcb: {  	s0 =	sadd.s32 $0x8F2B, s0  }
0xcc: {  	[sflag:s0] =	ssyncadd.remote.s32 $0x1  }
0xcd: {  	_ =	sfence.sel $0xFFFF  }
0xce: {  	[dreg:$0x0] =	wrdreg $0xFFFFFFFF;
	(pc) =	sbr.abs _section_cstart, $3  }
0xcf: {  	[dreg:$0x1] =	wrdreg $0xFFFFFFFF  }
0xd0: {  	_ =	task.clear_ibuf [dreg:s22], $0x2FFFF;
	_ =	strace $0x9FFFFFFF  }
0xd1: {  	(tm) =	ssettm $0x7FFFFFFF  }
tec
execute0_lowered:
.L_overlay_start_1:
0x0: {  	(tag) =	ssettag $0x1  }
0x1: {  	s4 =	rddreg [dreg:$0x0]  }
0x2: {  	s2 =	rddreg [dreg:$0x1]  }
0x3: {  	s1 =	stileid.u32;
	s3 =	srdreg.scid  }
0x4: {  	s0 =	rddreg [dreg:$0x2];
	s5 =	smul.u32 $0x13C00, s1;
	s6 =	sand.u32 $0x1, s3  }
0x5: {  	s3 =	simm.s32 $0x0;
	s7 =	sshll.u32 s1, $0xC;
	s11 =	smul.u32 $0x4F000, s1  }
0x6: {  	s25 =	sshll.u32 s1, $0x4;
	s31 =	sshll.u32 s1, $0x6;
	s8 =	smul.u32 $0x13C000, s6  }
0x7: {  	[smem:$0x7FF] =	sst s3;
	s9 =	sadd.s32 s7, s4;
	s10 =	sadd.s32 s25, s4  }
0x8: {  	s28 =	ssub.s32 $0x2, s6;
	s13 =	sshll.u32 s6, $0x7;
	s26 =	sshrl.u32 s5, $0x3  }
0x9: {  	s29 =	sshrl.u32 s28, $0x1;
	_ =	strace $0x8000005C;
	s30 =	sshrl.u32 s11, $0x2  }
0xa: {  	s9 =	sadd.s32 s13, s9;
	s5 =	sadd.s32 s5, s8;
	s7 =	sadd.s32 s26, s4  }
0xb: {  	s8 =	ssub.s32 s28, s29;
	s11 =	sadd.s32 s30, s2;
	s5 =	sshrl.u32 s5, $0x3  }
0xc: {  	s9 =	sadd.s32 $0x7EDA00, s9;
	s12 =	sadd.s32 s5, s4;
	s4 =	sadd.s32 $0x90A00, s7  }
0xd: {  	s5 =	sor.u32 $0x1C02, s31;
	s7 =	smax.u32 s8, $0x1;
	s8 =	sadd.s32 $0x7E8A00, s10  }
0xe: {  	s10 =	sshrl.u32 s11, $0x3;
	s11 =	simm.s32 $0x2;
	s6 =	sadd.s32 $0x1B600, s12  }
.LBB2_1:
0xf: {  	[spmem:s10], [sflag:s5] =	dma.local [hbm:s4], $0x2780  }
0x10: {  	_ =	swait.ge [sflag:s11], $0x2780  }
0x11: {  	s12 =	sadd.s32 $0x0, s1;
	[sflag:s11] =	ssyncset.done $0x0  }
0x12: {  	p0 =	sgt.u32 s12, $0x4E1;
	[sflag:s11] =	ssyncadd.s32 $0xFFFFD880  }
0x13: {  	s12 =	simm.s32 @!p0 $0x0;
	s13 =	simm.s32 @!p0 $0x3;
	[bflag:$0x0] =	sbarrier.arrive $0xFFFF  }
0x14: {  	[tilespmem:s12], [sflag:$0x3] =	stream.linear.gather @!p0 [hbm4b:s8+s12], $0x80, $0x38;
	[tilespmem:$0x17C80] =	vst v63  }
0x15: {  	_ =	swait.ge @!p0 [sflag:s13], $0x80  }
0x16: {  	s14 =	simm.s32 @!p0 $0x80;
	s15 =	simm.s32 @!p0 $0x1;
	[sflag:s13] =	ssyncset.done @!p0 $0x0  }
0x17: {  	s16 =	simm.s32 @!p0 $0x800;
	[sflag:s13] =	ssyncadd.s32 @!p0 $0xFFFFFF80;
	s13 =	simm.s32 @!p0 $0x400  }
0x18: {  	[tilespmem:s14], [sflag:$0x1] =	stream.strided.gather @!p0 [hbm4b:s9+s13], $0x4000, s16, s13, $0x38;
	[tilespmem:$0x17C80] =	vst v63  }
0x19: {  	p1 =	por p0, p0;
	_ =	swait.ge @!p0 [sflag:s15], $0x4000  }
0x1a: {  	[sflag:s15] =	ssyncset.done @!p1 $0x0  }
0x1b: {  	s31 =	sadd.s32 $0x10, s1;
	[sflag:s15] =	ssyncadd.s32 @!p1 $0xFFFFC000;
	s15 =	simm.s32 @!p1 $0x2  }
0x1c: {  	[spmem:s2] =	stream.indirect.scatter.add.f32 @!p1 [tilespmem:s14], [sflag:$0x2], $0x80, s12, s14, $0xb8;
	[tilespmem:$0x17C80] =	vst v63  }
0x1d: {  	s13 =	simm.s32 $0x20;
	p0 =	sgt.u32 s31, $0x4E1;
	_ =	swait.ge @!p1 [sflag:s15], $0x4000  }
0x1e: {  	s12 =	sadd.s32 $0x10000, s9;
	s14 =	sadd.s32 $0x100, s8;
	[sflag:s15] =	ssyncset.done @!p1 $0x0  }
.LBB2_2:
0x1f: {  	s16 =	simm.s32 @!p0 $0x0;
	s17 =	simm.s32 @!p0 $0x3;
	[sflag:s15] =	ssyncadd.s32 @!p1 $0xFFFFC000  }
0x20: {  	[tilespmem:s16], [sflag:$0x3] =	stream.linear.gather @!p0 [hbm4b:s14+s16], $0x80, $0x38;
	[tilespmem:$0x17C80] =	vst v63  }
0x21: {  	s18 =	smov.u32 s13;
	s13 =	sadd.s32 $0x10, s13;
	_ =	swait.ge @!p0 [sflag:s17], $0x80  }
0x22: {  	s19 =	simm.s32 @!p0 $0x80;
	s15 =	simm.s32 @!p0 $0x1;
	[sflag:s17] =	ssyncset.done @!p0 $0x0  }
0x23: {  	s20 =	simm.s32 @!p0 $0x800;
	[sflag:s17] =	ssyncadd.s32 @!p0 $0xFFFFFF80;
	s17 =	simm.s32 @!p0 $0x400  }
0x24: {  	[tilespmem:s19], [sflag:$0x1] =	stream.strided.gather @!p0 [hbm4b:s12+s17], $0x4000, s20, s17, $0x38;
	[tilespmem:$0x17C80] =	vst v63  }
0x25: {  	p1 =	por p0, p0;
	p2 =	sne.s32 s13, $0x4F0;
	_ =	swait.ge @!p0 [sflag:s15], $0x4000  }
.Ltmp0:
0x26: {  	[sflag:s15] =	ssyncset.done @!p1 $0x0;
	(pc) =	sbr.rel @p2 .LBB2_2-.Ltmp0, $4  }
0x27: {  	[sflag:s15] =	ssyncadd.s32 @!p1 $0xFFFFC000;
	s15 =	simm.s32 @!p1 $0x2  }
0x28: {  	[spmem:s2] =	stream.indirect.scatter.add.f32 @!p1 [tilespmem:s19], [sflag:$0x2], $0x80, s16, s19, $0xb8;
	[tilespmem:$0x17C80] =	vst v63  }
0x29: {  	s12 =	sadd.s32 $0x10000, s12;
	s16 =	sadd.s32 s18, s1;
	_ =	swait.ge @!p1 [sflag:s15], $0x4000  }
0x2a: {  	s14 =	sadd.s32 $0x100, s14;
	p0 =	sgt.u32 s16, $0x4E1;
	[sflag:s15] =	ssyncset.done @!p1 $0x0  }
0x2b: {  	s13 =	simm.s32 @!p0 $0x0;
	s16 =	simm.s32 @!p0 $0x3;
	[sflag:s15] =	ssyncadd.s32 @!p1 $0xFFFFC000  }
0x2c: {  	[tilespmem:s13], [sflag:$0x3] =	stream.linear.gather @!p0 [hbm4b:s14+s13], $0x80, $0x38;
	[tilespmem:$0x17C80] =	vst v63  }
0x2d: {  	_ =	swait.ge @!p0 [sflag:s16], $0x80  }
0x2e: {  	s15 =	simm.s32 @!p0 $0x1;
	s17 =	simm.s32 @!p0 $0x800;
	[sflag:s16] =	ssyncset.done @!p0 $0x0  }
0x2f: {  	s14 =	simm.s32 @!p0 $0x80;
	[sflag:s16] =	ssyncadd.s32 @!p0 $0xFFFFFF80;
	s16 =	simm.s32 @!p0 $0x400  }
0x30: {  	[tilespmem:s14], [sflag:$0x1] =	stream.strided.gather @!p0 [hbm4b:s12+s16], $0x4000, s17, s16, $0x38;
	[tilespmem:$0x17C80] =	vst v63  }
0x31: {  	_ =	swait.ge @!p0 [sflag:s15], $0x4000;
	p0 =	por p0, p0  }
0x32: {  	[sflag:s15] =	ssyncset.done @!p0 $0x0  }
0x33: {  	s12 =	simm.s32 @!p0 $0x2;
	[sflag:s15] =	ssyncadd.s32 @!p0 $0xFFFFC000  }
0x34: {  	[spmem:s2] =	stream.indirect.scatter.add.f32 @!p0 [tilespmem:s14], [sflag:$0x2], $0x80, s13, s14, $0xb8;
	[tilespmem:$0x17C80] =	vst v63  }
0x35: {  	_ =	swait.ge @!p0 [sflag:s12], $0x4000  }
0x36: {  	s3 =	sadd.s32 $0x1, s3;
	[sflag:s12] =	ssyncset.done @!p0 $0x0  }
0x37: {  	[sflag:s12] =	ssyncadd.s32 @!p0 $0xFFFFC000;
	p0 =	sne.s32 s3, s7  }
.Ltmp1:
0x38: {  	[bflag:$0x0] =	sbarrier.arrive $0xFFFF;
	(pc) =	sbr.rel @p0 .LBB2_1-.Ltmp1, $4  }
0x39: {  	[hbm:s6], [sflag:s5] =	dma.local [spmem:s10], $0x2780  }
0x3a: {  	_ =	swait.ge [sflag:s11], $0x2780  }
0x3b: {  	[sflag:s11] =	ssyncset.done $0x0  }
0x3c: {  	[sflag:s11] =	ssyncadd.s32 $0xFFFFD880  }
0x3d: {  	_ =	sfence.sel $0x180000  }
0x3e: {  	[bflag:$0x0] =	sbarrier.arrive $0xFFFF  }
0x3f: {  	p0 =	sne.s32 s1, $0x0;
	_ =	strace $0x9000005C  }
0x40: {  	s0 =	sadd.s32 @!p0 $0x100000, s0;
	[bflag:$0x2] =	sbarrier.arrive $0xFFFF  }
0x41: {  	[sflag:s0] =	ssyncadd.tile.s32 @!p0 $0x1;
	_ =	shalt  }
.Lfunc_end2:
_tile_overlayer_lowered:
.L_overlay_start_2:
0x42: {  	(tag) =	ssettag $0x2  }
0x43: {  	s0 =	rddreg [dreg:$0x0];
	s2 =	stileid.u32  }
0x44: {  	s1 =	rddreg [dreg:$0x1];
	p0 =	sne.s32 s2, $0x0  }
0x45: {  	s3 =	rddreg [dreg:$0x2];
	[bflag:$0x3] =	sbarrier.arrive $0xFFFF;
	s2 =	simm.s32 @!p0 $0x1C02  }
0x46: {  	[timem:s3], [sflag:s2] =	dma.local @!p0 [hbm:s0], s1  }
0x47: {  	s0 =	simm.s32 @!p0 $0x2  }
0x48: {  	_ =	swait.ge @!p0 [sflag:s0], s1  }
0x49: {  	s1 =	ssub.s32 @!p0 $0x0, s1;
	[sflag:s0] =	ssyncset.done @!p0 $0x0  }
0x4a: {  	[sflag:s0] =	ssyncadd.s32 @!p0 s1  }
0x4b: {  	[bflag:$0x3] =	sbarrier.arrive $0xFFFF  }
0x4c: {  	_ =	shalt  }

// kernel: kernel.45.cloned.1.call-start
scs
__scs_entry_jumppad:
0x0: {  	(pc) =	sbr.rel $0x88, $3  }
0x1: {  	(tag) =	ssettag $0x0;
	lr =	simm.s32 $0x1  }
0x2: {  	[smem:$0x3F5C] =	sst lr;
	_ =	strace $0xD0000000  }
0x3: {  	_ = 	snop  }
0x4: {  	_ = 	snop  }
0x5: {  	_ = 	snop  }
0x6: {  	_ = 	snop  }
0x7: {  	_ = 	snop  }
__scs_overlays_trampoline_lowered:
0x8: {  	[smem:$0x3F6B] =	sst s0  }
0x9: {  	[smem:$0x3F6C] =	sst s1  }
0xa: {  	[smem:$0x3F6D] =	sst s2  }
0xb: {  	[smem:$0x3F6E] =	sst s3  }
0xc: {  	[smem:$0x3F6F] =	sst s4  }
0xd: {  	[smem:$0x3F70] =	sst s5  }
0xe: {  	[smem:$0x3F71] =	sst s6  }
0xf: {  	[smem:$0x3F72] =	sst s7  }
0x10: {  	[smem:$0x3F73] =	sst s8  }
0x11: {  	[smem:$0x3F74] =	sst s9;
	s0 =	simm.s32 @!p0 $0x0  }
0x12: {  	s1 =	sld [smem:$0x3F5A];
	s0 =	simm.s32 @p0 $0x1  }
0x13: {  	[smem:$0x3F75] =	sst s0;
	s0 =	simm.s32 @!p1 $0x0  }
0x14: {  	s2 =	sld [smem:$0x3F59];
	s0 =	simm.s32 @p1 $0x1  }
0x15: {  	[smem:$0x3F76] =	sst s0;
	s0 =	simm.s32 @!p2 $0x0  }
0x16: {  	s3 =	sld [smem:$0x3FDB];
	s0 =	simm.s32 @p2 $0x1  }
0x17: {  	s4 =	simm.s32 $0x1BF5;
	[smem:$0x3F78] =	sst s0  }
0x18: {  	s0 =	sld [smem:$0x3F5B];
	_ =	swait.ge [sflag:s4], $0x0  }
0x19: {  	s7 =	sld [smem:$0x3F5C]  }
0x1a: {  	s8 =	sadd.s32 $0xFFFFE003, lr  }
0x1b: {  	s9 =	sadd.s32 $0xFFFFFEF7, lr;
	s5 =	simm.s32 $0xFFFFFFFF;
	p2 =	slt.u32 s8, $0xFFFFF086  }
0x1c: {  	p1 =	slt.u32 s9, $0xF7A;
	s5 =	simm.s32 @!p2 $0x0  }
0x1d: {  	s5 =	simm.s32 @p1 $0x1;
	p0 =	seq.s32 s7, s2  }
0x1e: {  	s7 =	smul.u32 @!p0 $0xF7A, s2;
	p2 =	seq.s32 @!p0 s5, $0x0  }
0x1f: {  	s9 =	smul.u32 $0xF7A, s1;
	s8 =	simm.s32 @!p0 $0x1BF5;
	p2 =	por !p2, p0  }
0x20: {  	[sflag:s8] =	ssyncset.s32 @!p0 $0xFFFFF086;
	s6 =	sadd.s32 @!p0 s3, s7;
	s7 =	simm.s32 @!p0 $0x108  }
0x21: {  	s3 =	sadd.s32 s3, s9;
	s6 =	sadd.s32 @!p0 $0x88, s6;
	s7 =	simm.s32 @p2 $0x1082  }
0x22: {  	[simem:s7], [sflag:s8] =	dma.local @!p0 [hbm:s6], $0xF7A  }
0x23: {  	s9 =	sor.u32 $0xD0000000, s2;
	s6 =	simm.s32 $0x108;
	_ =	swait.ge @!p0 [sflag:s8], $0x0  }
0x24: {  	s3 =	sadd.s32 $0x88, s3;
	s6 =	simm.s32 @!p1 $0x1082;
	[sflag:s4] =	ssyncset.s32 $0xFFFFF086  }
0x25: {  	[simem:s6], [sflag:s4] =	dma.local [hbm:s3], $0xF7A  }
0x26: {  	[smem:$0x3F5C] =	sst s1;
	(tag) =	ssettag s2;
	_ =	strace s9  }
0x27: {  	s1 =	sld [smem:$0x3F6C]  }
0x28: {  	s2 =	sld [smem:$0x3F6D]  }
0x29: {  	s4 =	sld [smem:$0x3F6F]  }
0x2a: {  	p0 =	seq.s32 s5, $0x0;
	s5 =	sld [smem:$0x3F70]  }
0x2b: {  	s6 =	sld [smem:$0x3F71]  }
0x2c: {  	s7 =	sld [smem:$0x3F72]  }
0x2d: {  	s3 =	simm.s32 $0x108;
	s8 =	sld [smem:$0x3F73]  }
0x2e: {  	s3 =	simm.s32 @!p0 $0x1082;
	s9 =	sld [smem:$0x3F74]  }
0x2f: {  	lr =	sadd.s32 s0, s3;
	s0 =	sld [smem:$0x3F6B]  }
0x30: {  	s3 =	sld [smem:$0x3F6E]  }
0x31: {  	[smem:$0x3F77] =	sst s10  }
0x32: {  	s10 =	sld [smem:$0x3F75];
	_ =	sdelay $0x3  }
0x33: {  	p0 =	seq.s32 s10, $0x1;
	s10 =	sld [smem:$0x3F77];
	_ =	sdelay $0x3  }
0x34: {  	[smem:$0x3F77] =	sst s10  }
0x35: {  	s10 =	sld [smem:$0x3F76];
	_ =	sdelay $0x3  }
0x36: {  	p1 =	seq.s32 s10, $0x1;
	s10 =	sld [smem:$0x3F77];
	_ =	sdelay $0x3  }
0x37: {  	[smem:$0x3F77] =	sst s10  }
0x38: {  	s10 =	sld [smem:$0x3F78]  }
0x39: {  	_ = 	snop;
	(pc) =	sbr.ind lr, $3  }
0x3a: {  	_ = 	snop  }
0x3b: {  	_ = 	snop  }
0x3c: {  	p2 =	seq.s32 s10, $0x1;
	s10 =	sld [smem:$0x3F77]  }
0x3d: {  	_ =	shalt  }
0x3e: {  	_ =	shalt  }
0x3f: {  	_ =	shalt  }
0x40: {  	_ =	shalt  }
0x41: {  	_ =	shalt  }
0x42: {  	_ =	shalt  }
0x43: {  	_ =	shalt  }
0x44: {  	_ =	shalt  }
0x45: {  	_ =	shalt  }
0x46: {  	_ =	shalt  }
0x47: {  	_ =	shalt  }
0x48: {  	_ =	shalt  }
0x49: {  	_ =	shalt  }
0x4a: {  	_ =	shalt  }
0x4b: {  	_ =	shalt  }
0x4c: {  	_ =	shalt  }
0x4d: {  	_ =	shalt  }
0x4e: {  	_ =	shalt  }
0x4f: {  	_ =	shalt  }
0x50: {  	_ =	shalt  }
0x51: {  	_ =	shalt  }
0x52: {  	_ =	shalt  }
0x53: {  	_ =	shalt  }
0x54: {  	_ =	shalt  }
0x55: {  	_ =	shalt  }
0x56: {  	_ =	shalt  }
0x57: {  	_ =	shalt  }
0x58: {  	_ =	shalt  }
0x59: {  	_ =	shalt  }
0x5a: {  	_ =	shalt  }
0x5b: {  	_ =	shalt  }
0x5c: {  	_ =	shalt  }
0x5d: {  	_ =	shalt  }
0x5e: {  	_ =	shalt  }
0x5f: {  	_ =	shalt  }
0x60: {  	_ =	shalt  }
0x61: {  	_ =	shalt  }
0x62: {  	_ =	shalt  }
0x63: {  	_ =	shalt  }
0x64: {  	_ =	shalt  }
0x65: {  	_ =	shalt  }
0x66: {  	_ =	shalt  }
0x67: {  	_ =	shalt  }
0x68: {  	_ =	shalt  }
0x69: {  	_ =	shalt  }
0x6a: {  	_ =	shalt  }
0x6b: {  	_ =	shalt  }
0x6c: {  	_ =	shalt  }
0x6d: {  	_ =	shalt  }
0x6e: {  	_ =	shalt  }
0x6f: {  	_ =	shalt  }
0x70: {  	_ =	shalt  }
0x71: {  	_ =	shalt  }
0x72: {  	_ =	shalt  }
0x73: {  	_ =	shalt  }
0x74: {  	_ =	shalt  }
0x75: {  	_ =	shalt  }
0x76: {  	_ =	shalt  }
0x77: {  	_ =	shalt  }
0x78: {  	_ =	shalt  }
0x79: {  	_ =	shalt  }
0x7a: {  	_ =	shalt  }
0x7b: {  	_ =	shalt  }
0x7c: {  	_ =	shalt  }
0x7d: {  	_ =	shalt  }
0x7e: {  	_ =	shalt  }
0x7f: {  	_ =	shalt  }
0x80: {  	_ =	shalt  }
0x81: {  	_ =	shalt  }
0x82: {  	_ =	shalt  }
0x83: {  	_ =	shalt  }
0x84: {  	_ =	shalt  }
0x85: {  	_ =	shalt  }
0x86: {  	_ =	shalt  }
0x87: {  	_ =	shalt  }
.Lfunc_end0:
.L_simem_size_0:
called_computation.6_lowered:
.L_overlay_start_0:
0x88: {  	s2 =	sld [smem:$0x3FD9]  }
0x89: {  	s3 =	sld [smem:$0x3FFE];
	_ =	sdelay $0x1  }
0x8a: {  	s1 =	srdreg.scid  }
0x8b: {  	s0 =	sand.u32 $0x1, s1  }
0x8c: {  	s17 =	sshll.u32 s0, $0xA;
	s2 =	sadd.s32 s3, s2  }
0x8d: {  	s2 =	sadd.s32 s2, s17  }
0x8e: {  	[smem:$0x3F83] =	sst s2  }
0x8f: {  	_ = 	snop  }
0x90: {  	s2 =	sld [smem:$0x3FD0];
	(tm) =	ssettm $0x1  }
0x91: {  	s18 =	sld [smem:$0x3FFB];
	_ =	sdelay $0x3  }
0x92: {  	_ =	strace s18  }
0x93: {  	s3 =	sld [smem:$0x3FFC];
	_ =	sdelay $0x3  }
0x94: {  	_ =	strace s3  }
0x95: {  	s3 =	sld [smem:$0x3FFD];
	_ =	sdelay $0x3  }
0x96: {  	_ =	strace s3  }
0x97: {  	_ =	strace $0x8FFFFFFF  }
0x98: {  	s19 =	sld [smem:$0x3FDB];
	_ =	sdelay $0x1  }
0x99: {  	s4 =	simm.s32 $_scs_section_size  }
0x9a: {  	s5 =	simm.s32 $_size__tile_overlayer_lowered;
	s6 =	simm.s32 $_tile_overlayer_lowered  }
0x9b: {  	s22 =	simm.s32 $0x1BFF;
	s21 =	sshll.u32 s6, $0x1;
	s3 =	sadd.s32 s4, s19  }
0x9c: {  	s7 =	simm.s32 $0x0;
	s20 =	sshll.u32 s5, $0x1;
	s5 =	sadd.s32 s21, s3  }
0x9d: {  	[timem:s7], [sflag:s22] =	dma.local [hbm:s5], s20  }
0x9e: {  	_ =	swait.ge [sflag:s22], s20  }
0x9f: {  	s4 =	ssub.s32 $0x0, s20;
	[sflag:s22] =	ssyncset.done $0x0  }
0xa0: {  	[sflag:s22] =	ssyncadd.s32 s4;
	_ =	sdelay $0x1  }
0xa1: {  	s23 =	simm.s32 $0x1B8B  }
0xa2: {  	_ =	swait.ge [sflag:s23], $0x1  }
0xa3: {  	[sflag:s23] =	ssyncset.done $0x0  }
0xa4: {  	s25 =	simm.s32 $0x1B8E;
	s24 =	sld [smem:$0x3FFE];
	[sflag:s23] =	ssyncadd.s32 $0xFFFFFFFF  }
0xa5: {  	s26 =	simm.s32 $execute0_lowered;
	[smem:$0x3FD2] =	sst s25  }
0xa6: {  	s5 =	sshll.u32 s26, $0x1;
	_ =	strace $0x80000052;
	[dreg:$0x1] =	wrdreg $0xFFFFFFFF  }
0xa7: {  	s28 =	simm.s32 $_size_execute0_lowered;
	s3 =	sadd.s32 s3, s5;
	[dreg:$0x0] =	wrdreg $0x0  }
0xa8: {  	s5 =	sshll.u32 s28, $0x1;
	[dreg:$0x2] =	wrdreg s3  }
0xa9: {  	[dreg:$0x3] =	wrdreg s5  }
0xaa: {  	[dreg:$0x4] =	wrdreg $0xC0  }
0xab: {  	_ =	task [dreg:s7], $0x5FFFF  }
0xac: {  	[dreg:$0x1] =	wrdreg $0xFFFFFFFF  }
0xad: {  	[dreg:$0x0] =	wrdreg $0x60  }
0xae: {  	[dreg:$0x2] =	wrdreg s24  }
0xaf: {  	[dreg:$0x3] =	wrdreg s2  }
0xb0: {  	[dreg:$0x4] =	wrdreg $0xA  }
0xb1: {  	_ =	task.clear_ibuf [dreg:s7], $0x5FFFF;
	_ =	strace $0x90000052  }
0xb2: {  	s29 =	simm.s32 $0xA;
	_ =	strace $0x80000054  }
0xb3: {  	_ =	swait.ge [sflag:s29], $0x1  }
0xb4: {  	[sflag:s29] =	ssyncadd.s32 $0xFFFFFFFF  }
0xb5: {  	_ =	strace $0x90000054  }
0xb6: {  	_ =	sfence  }
0xb7: {  	s30 =	sld [smem:$0x0];
	_ =	sdelay $0x2  }
0xb8: {  	s31 =	sshll.u32 s1, $0xD;
	s1 =	sshrl.u32 s1, $0x2  }
0xb9: {  	s3 =	sand.u32 $0x4000, s31;
	s1 =	sadd.s32 s1, s30  }
0xba: {  	s0 =	sor.u32 s3, s0;
	s1 =	sshll.u32 s1, $0x11  }
0xbb: {  	s0 =	sor.u32 s1, s0  }
0xbc: {  	s0 =	sadd.s32 $0x8F2B, s0  }
0xbd: {  	[sflag:s0] =	ssyncadd.remote.s32 $0x1  }
0xbe: {  	_ =	sfence.sel $0xFFFF  }
0xbf: {  	[dreg:$0x0] =	wrdreg $0xFFFFFFFF;
	(pc) =	sbr.abs _section_cstart, $3  }
0xc0: {  	[dreg:$0x1] =	wrdreg $0xFFFFFFFF  }
0xc1: {  	_ =	task.clear_ibuf [dreg:s7], $0x2FFFF;
	_ =	strace $0x9FFFFFFF  }
0xc2: {  	(tm) =	ssettm $0x7FFFFFFF  }
0xc3: {  	_ =	shalt  }
tec
execute0_lowered:
.L_overlay_start_1:
0x0: {  	(tag) =	ssettag $0x1  }
0x1: {  	s0 =	rddreg [dreg:$0x0];
	s3 =	simm.s32 $0x0  }
0x2: {  	s8 =	stileid.u32;
	s2 =	srdreg.scid;
	s11 =	simm.s32 $0x4  }
0x3: {  	s12 =	simm.s32 $0x80;
	s13 =	simm.s32 $0x100;
	s15 =	simm.s32 $0x1100  }
0x4: {  	s16 =	simm.s32 $0x1900;
	s17 =	simm.s32 $0x2100;
	s18 =	simm.s32 $0x2900  }
0x5: {  	s19 =	simm.s32 $0x3100;
	s20 =	simm.s32 $0x3900;
	s28 =	simm.s32 $0x7100  }
0x6: {  	s29 =	simm.s32 $0x7900;
	s30 =	simm.s32 $0x8100;
	s31 =	simm.s32 $0x1  }
0x7: {  	[smem:$0x7FF] =	sst s3;
	s1 =	sshll.u32 s8, $0x5;
	s4 =	sadd.s32 $0x1B600, s0  }
0x8: {  	s2 =	sand.u32 $0x1, s2;
	s5 =	sshll.u32 s8, $0xD;
	s6 =	sshll.u32 s8, $0xC  }
0x9: {  	s22 =	sshll.u32 s8, $0x1;
	_ =	strace $0x80000053;
	s1 =	sadd.s32 s1, s0  }
0xa: {  	s7 =	ssub.s32 $0x2, s2;
	s5 =	sadd.s32 s5, s0;
	s0 =	sadd.s32 s6, s0  }
0xb: {  	[dreg:$0x3] =	wrdreg s22;
	s23 =	sshll.u32 s2, $0xB;
	s24 =	sshll.u32 s2, $0xC  }
0xc: {  	s2 =	sshll.u32 s2, $0x4;
	s22 =	simm.s32 $0x4900;
	s21 =	sshrl.u32 s7, $0x1  }
0xd: {  	s0 =	sadd.s32 s23, s0;
	s25 =	sadd.s32 s24, s5;
	s1 =	sadd.s32 s2, s1  }
0xe: {  	s23 =	simm.s32 $0x5100;
	s24 =	simm.s32 $0x5900;
	s5 =	simm.s32 $0x0  }
.Ltmp0:
0xf: {  	s6 =	ssub.s32 s7, s21;
	s0 =	sadd.s32 $0xCCFA00, s0;
	(pc) =	sbr.rel .LBB2_1-.Ltmp0, $4  }
0x10: {  	s9 =	sadd.s32 $0x11600, s1;
	s10 =	sadd.s32 $0x16600, s1;
	s21 =	simm.s32 $0x4100  }
0x11: {  	v2 =	vlaneseq.u32;
	s1 =	simm.s32 $0x3;
	[dreg:$0x4] =	wrdreg s0;
	s26 =	smax.u32 s6, $0x1  }
0x12: {  	vm0 =	vmmov $0xffff;
	v1 =	vshrl.u32 v2, $0x3;
	s0 =	sadd.s32 $0x7EDA00, s25;
	s25 =	simm.s32 $0x6100;
	[dreg:$0x5] =	wrdreg s26  }
0x13: {  	v0 =	vand.u32 $0x7, v2;
	v2 =	vor.u32 $0x8, v2;
	v1 =	vmul.u32 $0x8, v1;
	[dreg:$0x6] =	wrdreg s0;
	s26 =	simm.s32 $0x6900;
	s0 =	simm.s32 $0x2  }
.LBB2_5:
0x14: {  	s5 =	sadd.s32 $0x1, s5;
	s2 =	rddreg [dreg:$0x5]  }
0x15: {  	p0 =	sne.s32 s5, s2  }
.Ltmp1:
0x16: {  	_ = 	snop;
	(pc) =	sbr.rel @!p0 .LBB2_6-.Ltmp1, $1  }
0x17: {  	_ =	sdelay $0x3  }
.LBB2_1:
.Ltmp2:
0x18: {  	(pc) =	sbr.rel .LBB2_2-.Ltmp2, $4  }
0x19: {  	_ = 	snop  }
0x1a: {  	s6 =	rddreg [dreg:$0x3]  }
0x1b: {  	s8 =	rddreg [dreg:$0x6]  }
0x1c: {  	s7 =	rddreg [dreg:$0x4];
	s2 =	simm.s32 $0x0  }
.LBB2_4:
0x1d: {  	s2 =	sadd.s32 $0x200, s2  }
0x1e: {  	p0 =	sne.s32 s2, $0x5000  }
.Ltmp3:
0x1f: {  	_ = 	snop;
	(pc) =	sbr.rel @!p0 .LBB2_5-.Ltmp3, $2  }
0x20: {  	_ =	sdelay $0x2  }
0x21: {  	s7 =	sadd.s32 $0x10000, s7;
	s8 =	sadd.s32 $0x20000, s8;
	s6 =	sadd.s32 $0x20, s6  }
.LBB2_2:
0x22: {  	p0 =	sgt.u32 s6, $0x4E1  }
.Ltmp4:
0x23: {  	_ = 	snop;
	(pc) =	sbr.rel @p0 .LBB2_4-.Ltmp4, $1  }
0x24: {  	_ =	sdelay $0x3  }
0x25: {  	s14 =	sadd.s32 s2, s10  }
0x26: {  	[tilespmem:s3], [sflag:$0x4] =	stream.linear.gather [hbm4b:s14+s3], $0x80, $0x38;
	[tilespmem:$0xC100] =	vst v63  }
0x27: {  	_ =	swait.ge [sflag:s11], $0x80  }
0x28: {  	[sflag:s11] =	ssyncset.done $0x0  }
0x29: {  	s14 =	sadd.s32 s2, s9;
	[sflag:s11] =	ssyncadd.s32 $0xFFFFFF80  }
0x2a: {  	[tilespmem:s12], [sflag:$0x4] =	stream.linear.gather [hbm4b:s14+s3], $0x80, $0x38;
	[tilespmem:$0xC100] =	vst v63  }
0x2b: {  	_ =	swait.ge [sflag:s11], $0x80  }
0x2c: {  	[sflag:s11] =	ssyncset.done $0x0  }
0x2d: {  	[sflag:s11] =	ssyncadd.s32 $0xFFFFFF80  }
0x2e: {  	v3 =	vld [tilespmem:$0x0];
	_ =	sdelay $0x4  }
0x2f: {  	v4 =	vshll.u32 v3, $0x1  }
0x30: {  	v3 =	vand.u32 $0x7, v3;
	v4 =	vand.u32 $0xFFFFFFF0, v4  }
0x31: {  	v3 =	vor.u32 v3, v4  }
0x32: {  	v4 =	vperm.xlane v3, v0;
	_ =	sdelay $0x1  }
0x33: {  	v3 =	vperm.xlane v3, v2;
	v4 =	vadd.s32 v1, v4;
	_ =	sdelay $0x1  }
0x34: {  	v3 =	vadd.s32 v1, v3;
	_ =	sdelay $0x2  }
0x35: {  	[tilespmem:s13], [sflag:$0x1] =	stream.indirect_vreg.gather [hbm4b:s4+s3], $0x80, v4, vm0, $0xb8;
	[tilespmem:$0xC100] =	vst v63  }
0x36: {  	s14 =	simm.s32 $0x900  }
0x37: {  	[tilespmem:s14], [sflag:$0x1] =	stream.indirect_vreg.gather [hbm4b:s4+s3], $0x80, v3, vm0, $0xb8;
	[tilespmem:$0xC100] =	vst v63  }
0x38: {  	v3 =	vld [tilespmem:$0x10];
	_ =	sdelay $0x4  }
0x39: {  	v57 =	vshll.u32 v3, $0x1  }
0x3a: {  	v3 =	vand.u32 $0x7, v3;
	v4 =	vand.u32 $0xFFFFFFF0, v57  }
0x3b: {  	v3 =	vor.u32 v3, v4  }
0x3c: {  	v4 =	vperm.xlane v3, v0;
	_ =	sdelay $0x1  }
0x3d: {  	v3 =	vperm.xlane v3, v2;
	v4 =	vadd.s32 v1, v4;
	_ =	sdelay $0x1  }
0x3e: {  	v3 =	vadd.s32 v1, v3;
	_ =	sdelay $0x2  }
0x3f: {  	[tilespmem:s15], [sflag:$0x1] =	stream.indirect_vreg.gather [hbm4b:s4+s3], $0x80, v4, vm0, $0xb8;
	[tilespmem:$0xC100] =	vst v63  }
0x40: {  	_ = 	snop  }
0x41: {  	[tilespmem:s16], [sflag:$0x1] =	stream.indirect_vreg.gather [hbm4b:s4+s3], $0x80, v3, vm0, $0xb8;
	[tilespmem:$0xC100] =	vst v63  }
0x42: {  	v3 =	vld [tilespmem:$0x20];
	_ =	sdelay $0x4  }
0x43: {  	v58 =	vshll.u32 v3, $0x1  }
0x44: {  	v3 =	vand.u32 $0x7, v3;
	v4 =	vand.u32 $0xFFFFFFF0, v58  }
0x45: {  	v3 =	vor.u32 v3, v4  }
0x46: {  	v4 =	vperm.xlane v3, v0;
	_ =	sdelay $0x1  }
0x47: {  	v3 =	vperm.xlane v3, v2;
	v4 =	vadd.s32 v1, v4;
	_ =	sdelay $0x1  }
0x48: {  	v3 =	vadd.s32 v1, v3;
	_ =	sdelay $0x2  }
0x49: {  	[tilespmem:s17], [sflag:$0x1] =	stream.indirect_vreg.gather [hbm4b:s4+s3], $0x80, v4, vm0, $0xb8;
	[tilespmem:$0xC100] =	vst v63  }
0x4a: {  	_ = 	snop  }
0x4b: {  	[tilespmem:s18], [sflag:$0x1] =	stream.indirect_vreg.gather [hbm4b:s4+s3], $0x80, v3, vm0, $0xb8;
	[tilespmem:$0xC100] =	vst v63  }
0x4c: {  	v3 =	vld [tilespmem:$0x30];
	_ =	sdelay $0x4  }
0x4d: {  	v59 =	vshll.u32 v3, $0x1  }
0x4e: {  	v3 =	vand.u32 $0x7, v3;
	v4 =	vand.u32 $0xFFFFFFF0, v59  }
0x4f: {  	v3 =	vor.u32 v3, v4  }
0x50: {  	v4 =	vperm.xlane v3, v0;
	_ =	sdelay $0x1  }
0x51: {  	v3 =	vperm.xlane v3, v2;
	v4 =	vadd.s32 v1, v4;
	_ =	sdelay $0x1  }
0x52: {  	v3 =	vadd.s32 v1, v3;
	_ =	sdelay $0x2  }
0x53: {  	[tilespmem:s19], [sflag:$0x1] =	stream.indirect_vreg.gather [hbm4b:s4+s3], $0x80, v4, vm0, $0xb8;
	[tilespmem:$0xC100] =	vst v63  }
0x54: {  	_ = 	snop  }
0x55: {  	[tilespmem:s20], [sflag:$0x1] =	stream.indirect_vreg.gather [hbm4b:s4+s3], $0x80, v3, vm0, $0xb8;
	[tilespmem:$0xC100] =	vst v63  }
0x56: {  	v3 =	vld [tilespmem:$0x40];
	_ =	sdelay $0x4  }
0x57: {  	v60 =	vshll.u32 v3, $0x1  }
0x58: {  	v3 =	vand.u32 $0x7, v3;
	v4 =	vand.u32 $0xFFFFFFF0, v60  }
0x59: {  	v3 =	vor.u32 v3, v4  }
0x5a: {  	v4 =	vperm.xlane v3, v0;
	_ =	sdelay $0x1  }
0x5b: {  	v3 =	vperm.xlane v3, v2;
	v4 =	vadd.s32 v1, v4;
	_ =	sdelay $0x1  }
0x5c: {  	v3 =	vadd.s32 v1, v3;
	_ =	sdelay $0x2  }
0x5d: {  	[tilespmem:s21], [sflag:$0x1] =	stream.indirect_vreg.gather [hbm4b:s4+s3], $0x80, v4, vm0, $0xb8;
	[tilespmem:$0xC100] =	vst v63  }
0x5e: {  	_ = 	snop  }
0x5f: {  	[tilespmem:s22], [sflag:$0x1] =	stream.indirect_vreg.gather [hbm4b:s4+s3], $0x80, v3, vm0, $0xb8;
	[tilespmem:$0xC100] =	vst v63  }
0x60: {  	v3 =	vld [tilespmem:$0x50];
	_ =	sdelay $0x4  }
0x61: {  	v61 =	vshll.u32 v3, $0x1  }
0x62: {  	v3 =	vand.u32 $0x7, v3;
	v4 =	vand.u32 $0xFFFFFFF0, v61  }
0x63: {  	v3 =	vor.u32 v3, v4  }
0x64: {  	v4 =	vperm.xlane v3, v0;
	_ =	sdelay $0x1  }
0x65: {  	v3 =	vperm.xlane v3, v2;
	v4 =	vadd.s32 v1, v4;
	_ =	sdelay $0x1  }
0x66: {  	v3 =	vadd.s32 v1, v3;
	_ =	sdelay $0x2  }
0x67: {  	[tilespmem:s23], [sflag:$0x1] =	stream.indirect_vreg.gather [hbm4b:s4+s3], $0x80, v4, vm0, $0xb8;
	[tilespmem:$0xC100] =	vst v63  }
0x68: {  	_ = 	snop  }
0x69: {  	[tilespmem:s24], [sflag:$0x1] =	stream.indirect_vreg.gather [hbm4b:s4+s3], $0x80, v3, vm0, $0xb8;
	[tilespmem:$0xC100] =	vst v63  }
0x6a: {  	v3 =	vld [tilespmem:$0x60];
	_ =	sdelay $0x4  }
0x6b: {  	v62 =	vshll.u32 v3, $0x1  }
0x6c: {  	v3 =	vand.u32 $0x7, v3;
	v4 =	vand.u32 $0xFFFFFFF0, v62  }
0x6d: {  	v3 =	vor.u32 v3, v4  }
0x6e: {  	v4 =	vperm.xlane v3, v0;
	_ =	sdelay $0x1  }
0x6f: {  	v3 =	vperm.xlane v3, v2;
	v4 =	vadd.s32 v1, v4;
	_ =	sdelay $0x1  }
0x70: {  	v3 =	vadd.s32 v1, v3;
	_ =	sdelay $0x2  }
0x71: {  	[tilespmem:s25], [sflag:$0x1] =	stream.indirect_vreg.gather [hbm4b:s4+s3], $0x80, v4, vm0, $0xb8;
	[tilespmem:$0xC100] =	vst v63  }
0x72: {  	_ = 	snop  }
0x73: {  	[tilespmem:s26], [sflag:$0x1] =	stream.indirect_vreg.gather [hbm4b:s4+s3], $0x80, v3, vm0, $0xb8;
	[tilespmem:$0xC100] =	vst v63  }
0x74: {  	v3 =	vld [tilespmem:$0x70];
	_ =	sdelay $0x4  }
0x75: {  	v63 =	vshll.u32 v3, $0x1  }
0x76: {  	v3 =	vand.u32 $0x7, v3;
	v4 =	vand.u32 $0xFFFFFFF0, v63  }
0x77: {  	v3 =	vor.u32 v3, v4  }
0x78: {  	v4 =	vperm.xlane v3, v0;
	_ =	sdelay $0x1  }
0x79: {  	v3 =	vperm.xlane v3, v2;
	v4 =	vadd.s32 v1, v4;
	_ =	sdelay $0x1  }
0x7a: {  	v3 =	vadd.s32 v1, v3;
	_ =	sdelay $0x2  }
0x7b: {  	[tilespmem:s28], [sflag:$0x1] =	stream.indirect_vreg.gather [hbm4b:s4+s3], $0x80, v4, vm0, $0xb8;
	[tilespmem:$0xC100] =	vst v63  }
0x7c: {  	_ = 	snop  }
0x7d: {  	[tilespmem:s29], [sflag:$0x1] =	stream.indirect_vreg.gather [hbm4b:s4+s3], $0x80, v3, vm0, $0xb8;
	[tilespmem:$0xC100] =	vst v63  }
0x7e: {  	s14 =	rddreg [dreg:$0x1]  }
0x7f: {  	[tilespmem:s30], [sflag:$0x2] =	stream.indirect.gather [hbm4b:s14+s12], $0x80, s12, s12, $0xb8;
	[tilespmem:$0xC100] =	vst v63  }
0x80: {  	_ =	swait.ge [sflag:s31], $0x8000  }
0x81: {  	[sflag:s31] =	ssyncset.done $0x0  }
0x82: {  	[sflag:s31] =	ssyncadd.s32 $0xFFFF8000  }
0x83: {  	_ =	swait.ge [sflag:s0], $0x4000  }
0x84: {  	[sflag:s0] =	ssyncset.done $0x0  }
0x85: {  	[sflag:s0] =	ssyncadd.s32 $0xFFFFC000  }
0x86: {  	[hbm4b:s8+s3] =	stream.linear.scatter [tilespmem:s13], [sflag:$0x4], $0x8000, $0x38;
	[tilespmem:$0xC100] =	vst v63  }
0x87: {  	_ =	swait.ge [sflag:s11], $0x8000  }
0x88: {  	[sflag:s11] =	ssyncset.done $0x0  }
.Ltmp5:
0x89: {  	[sflag:s11] =	ssyncadd.s32 $0xFFFF8000;
	(pc) =	sbr.rel .LBB2_4-.Ltmp5, $4  }
0x8a: {  	[hbm4b:s7+s3] =	stream.linear.scatter [tilespmem:s30], [sflag:$0x3], $0x4000, $0x38;
	[tilespmem:$0xC100] =	vst v63  }
0x8b: {  	_ =	swait.ge [sflag:s1], $0x4000  }
0x8c: {  	[sflag:s1] =	ssyncset.done $0x0  }
0x8d: {  	[sflag:s1] =	ssyncadd.s32 $0xFFFFC000  }
.LBB2_6:
0x8e: {  	_ =	sfence.sel $0x180000  }
0x8f: {  	[bflag:$0x0] =	sbarrier.arrive $0xFFFF  }
0x90: {  	_ =	strace $0x90000053  }
0x91: {  	s0 =	stileid.u32;
	[bflag:$0x2] =	sbarrier.arrive $0xFFFF  }
0x92: {  	p0 =	sne.s32 s0, $0x0;
	s0 =	rddreg [dreg:$0x2]  }
0x93: {  	s0 =	sadd.s32 @!p0 $0x100000, s0  }
0x94: {  	[sflag:s0] =	ssyncadd.tile.s32 @!p0 $0x1;
	_ =	shalt  }
.Lfunc_end2:
_tile_overlayer_lowered:
.L_overlay_start_2:
0x95: {  	(tag) =	ssettag $0x2  }
0x96: {  	s0 =	rddreg [dreg:$0x0];
	s2 =	stileid.u32  }
0x97: {  	s1 =	rddreg [dreg:$0x1];
	p0 =	sne.s32 s2, $0x0  }
0x98: {  	s3 =	rddreg [dreg:$0x2];
	[bflag:$0x3] =	sbarrier.arrive $0xFFFF;
	s2 =	simm.s32 @!p0 $0x1C03  }
0x99: {  	[timem:s3], [sflag:s2] =	dma.local @!p0 [hbm:s0], s1  }
0x9a: {  	s0 =	simm.s32 @!p0 $0x3  }
0x9b: {  	_ =	swait.ge @!p0 [sflag:s0], s1  }
0x9c: {  	s1 =	ssub.s32 @!p0 $0x0, s1;
	[sflag:s0] =	ssyncset.done @!p0 $0x0  }
0x9d: {  	[sflag:s0] =	ssyncadd.s32 @!p0 s1  }
0x9e: {  	[bflag:$0x3] =	sbarrier.arrive $0xFFFF  }
0x9f: {  	_ =	shalt  }

// kernel: kernel.48.cloned.1.call-start
scs
__scs_entry_jumppad:
0x0: {  	(pc) =	sbr.rel $0x88, $3  }
0x1: {  	(tag) =	ssettag $0x0;
	lr =	simm.s32 $0x1  }
0x2: {  	[smem:$0x3F5C] =	sst lr;
	_ =	strace $0xD0000000  }
0x3: {  	_ = 	snop  }
0x4: {  	_ = 	snop  }
0x5: {  	_ = 	snop  }
0x6: {  	_ = 	snop  }
0x7: {  	_ = 	snop  }
__scs_overlays_trampoline_lowered:
0x8: {  	[smem:$0x3F6B] =	sst s0  }
0x9: {  	[smem:$0x3F6C] =	sst s1  }
0xa: {  	[smem:$0x3F6D] =	sst s2  }
0xb: {  	[smem:$0x3F6E] =	sst s3  }
0xc: {  	[smem:$0x3F6F] =	sst s4  }
0xd: {  	[smem:$0x3F70] =	sst s5  }
0xe: {  	[smem:$0x3F71] =	sst s6  }
0xf: {  	[smem:$0x3F72] =	sst s7  }
0x10: {  	[smem:$0x3F73] =	sst s8  }
0x11: {  	[smem:$0x3F74] =	sst s9;
	s0 =	simm.s32 @!p0 $0x0  }
0x12: {  	s1 =	sld [smem:$0x3F5A];
	s0 =	simm.s32 @p0 $0x1  }
0x13: {  	[smem:$0x3F75] =	sst s0;
	s0 =	simm.s32 @!p1 $0x0  }
0x14: {  	s2 =	sld [smem:$0x3F59];
	s0 =	simm.s32 @p1 $0x1  }
0x15: {  	[smem:$0x3F76] =	sst s0;
	s0 =	simm.s32 @!p2 $0x0  }
0x16: {  	s3 =	sld [smem:$0x3FDB];
	s0 =	simm.s32 @p2 $0x1  }
0x17: {  	s4 =	simm.s32 $0x1BF5;
	[smem:$0x3F78] =	sst s0  }
0x18: {  	s0 =	sld [smem:$0x3F5B];
	_ =	swait.ge [sflag:s4], $0x0  }
0x19: {  	s7 =	sld [smem:$0x3F5C]  }
0x1a: {  	s8 =	sadd.s32 $0xFFFFE003, lr  }
0x1b: {  	s9 =	sadd.s32 $0xFFFFFEF7, lr;
	s5 =	simm.s32 $0xFFFFFFFF;
	p2 =	slt.u32 s8, $0xFFFFF086  }
0x1c: {  	p1 =	slt.u32 s9, $0xF7A;
	s5 =	simm.s32 @!p2 $0x0  }
0x1d: {  	s5 =	simm.s32 @p1 $0x1;
	p0 =	seq.s32 s7, s2  }
0x1e: {  	s7 =	smul.u32 @!p0 $0xF7A, s2;
	p2 =	seq.s32 @!p0 s5, $0x0  }
0x1f: {  	s9 =	smul.u32 $0xF7A, s1;
	s8 =	simm.s32 @!p0 $0x1BF5;
	p2 =	por !p2, p0  }
0x20: {  	[sflag:s8] =	ssyncset.s32 @!p0 $0xFFFFF086;
	s6 =	sadd.s32 @!p0 s3, s7;
	s7 =	simm.s32 @!p0 $0x108  }
0x21: {  	s3 =	sadd.s32 s3, s9;
	s6 =	sadd.s32 @!p0 $0x88, s6;
	s7 =	simm.s32 @p2 $0x1082  }
0x22: {  	[simem:s7], [sflag:s8] =	dma.local @!p0 [hbm:s6], $0xF7A  }
0x23: {  	s9 =	sor.u32 $0xD0000000, s2;
	s6 =	simm.s32 $0x108;
	_ =	swait.ge @!p0 [sflag:s8], $0x0  }
0x24: {  	s3 =	sadd.s32 $0x88, s3;
	s6 =	simm.s32 @!p1 $0x1082;
	[sflag:s4] =	ssyncset.s32 $0xFFFFF086  }
0x25: {  	[simem:s6], [sflag:s4] =	dma.local [hbm:s3], $0xF7A  }
0x26: {  	[smem:$0x3F5C] =	sst s1;
	(tag) =	ssettag s2;
	_ =	strace s9  }
0x27: {  	s1 =	sld [smem:$0x3F6C]  }
0x28: {  	s2 =	sld [smem:$0x3F6D]  }
0x29: {  	s4 =	sld [smem:$0x3F6F]  }
0x2a: {  	p0 =	seq.s32 s5, $0x0;
	s5 =	sld [smem:$0x3F70]  }
0x2b: {  	s6 =	sld [smem:$0x3F71]  }
0x2c: {  	s7 =	sld [smem:$0x3F72]  }
0x2d: {  	s3 =	simm.s32 $0x108;
	s8 =	sld [smem:$0x3F73]  }
0x2e: {  	s3 =	simm.s32 @!p0 $0x1082;
	s9 =	sld [smem:$0x3F74]  }
0x2f: {  	lr =	sadd.s32 s0, s3;
	s0 =	sld [smem:$0x3F6B]  }
0x30: {  	s3 =	sld [smem:$0x3F6E]  }
0x31: {  	[smem:$0x3F77] =	sst s10  }
0x32: {  	s10 =	sld [smem:$0x3F75];
	_ =	sdelay $0x3  }
0x33: {  	p0 =	seq.s32 s10, $0x1;
	s10 =	sld [smem:$0x3F77];
	_ =	sdelay $0x3  }
0x34: {  	[smem:$0x3F77] =	sst s10  }
0x35: {  	s10 =	sld [smem:$0x3F76];
	_ =	sdelay $0x3  }
0x36: {  	p1 =	seq.s32 s10, $0x1;
	s10 =	sld [smem:$0x3F77];
	_ =	sdelay $0x3  }
0x37: {  	[smem:$0x3F77] =	sst s10  }
0x38: {  	s10 =	sld [smem:$0x3F78]  }
0x39: {  	_ = 	snop;
	(pc) =	sbr.ind lr, $3  }
0x3a: {  	_ = 	snop  }
0x3b: {  	_ = 	snop  }
0x3c: {  	p2 =	seq.s32 s10, $0x1;
	s10 =	sld [smem:$0x3F77]  }
0x3d: {  	_ =	shalt  }
0x3e: {  	_ =	shalt  }
0x3f: {  	_ =	shalt  }
0x40: {  	_ =	shalt  }
0x41: {  	_ =	shalt  }
0x42: {  	_ =	shalt  }
0x43: {  	_ =	shalt  }
0x44: {  	_ =	shalt  }
0x45: {  	_ =	shalt  }
0x46: {  	_ =	shalt  }
0x47: {  	_ =	shalt  }
0x48: {  	_ =	shalt  }
0x49: {  	_ =	shalt  }
0x4a: {  	_ =	shalt  }
0x4b: {  	_ =	shalt  }
0x4c: {  	_ =	shalt  }
0x4d: {  	_ =	shalt  }
0x4e: {  	_ =	shalt  }
0x4f: {  	_ =	shalt  }
0x50: {  	_ =	shalt  }
0x51: {  	_ =	shalt  }
0x52: {  	_ =	shalt  }
0x53: {  	_ =	shalt  }
0x54: {  	_ =	shalt  }
0x55: {  	_ =	shalt  }
0x56: {  	_ =	shalt  }
0x57: {  	_ =	shalt  }
0x58: {  	_ =	shalt  }
0x59: {  	_ =	shalt  }
0x5a: {  	_ =	shalt  }
0x5b: {  	_ =	shalt  }
0x5c: {  	_ =	shalt  }
0x5d: {  	_ =	shalt  }
0x5e: {  	_ =	shalt  }
0x5f: {  	_ =	shalt  }
0x60: {  	_ =	shalt  }
0x61: {  	_ =	shalt  }
0x62: {  	_ =	shalt  }
0x63: {  	_ =	shalt  }
0x64: {  	_ =	shalt  }
0x65: {  	_ =	shalt  }
0x66: {  	_ =	shalt  }
0x67: {  	_ =	shalt  }
0x68: {  	_ =	shalt  }
0x69: {  	_ =	shalt  }
0x6a: {  	_ =	shalt  }
0x6b: {  	_ =	shalt  }
0x6c: {  	_ =	shalt  }
0x6d: {  	_ =	shalt  }
0x6e: {  	_ =	shalt  }
0x6f: {  	_ =	shalt  }
0x70: {  	_ =	shalt  }
0x71: {  	_ =	shalt  }
0x72: {  	_ =	shalt  }
0x73: {  	_ =	shalt  }
0x74: {  	_ =	shalt  }
0x75: {  	_ =	shalt  }
0x76: {  	_ =	shalt  }
0x77: {  	_ =	shalt  }
0x78: {  	_ =	shalt  }
0x79: {  	_ =	shalt  }
0x7a: {  	_ =	shalt  }
0x7b: {  	_ =	shalt  }
0x7c: {  	_ =	shalt  }
0x7d: {  	_ =	shalt  }
0x7e: {  	_ =	shalt  }
0x7f: {  	_ =	shalt  }
0x80: {  	_ =	shalt  }
0x81: {  	_ =	shalt  }
0x82: {  	_ =	shalt  }
0x83: {  	_ =	shalt  }
0x84: {  	_ =	shalt  }
0x85: {  	_ =	shalt  }
0x86: {  	_ =	shalt  }
0x87: {  	_ =	shalt  }
.Lfunc_end0:
.L_simem_size_0:
called_computation.7_lowered:
.L_overlay_start_0:
0x88: {  	s2 =	sld [smem:$0x3FD9]  }
0x89: {  	s3 =	sld [smem:$0x3FFE];
	_ =	sdelay $0x1  }
0x8a: {  	s1 =	srdreg.scid  }
0x8b: {  	s0 =	sand.u32 $0x1, s1  }
0x8c: {  	s17 =	sshll.u32 s0, $0xA;
	s2 =	sadd.s32 s3, s2  }
0x8d: {  	s2 =	sadd.s32 s2, s17  }
0x8e: {  	[smem:$0x3F83] =	sst s2  }
0x8f: {  	_ = 	snop  }
0x90: {  	(tm) =	ssettm $0x1  }
0x91: {  	s18 =	sld [smem:$0x3FFB];
	_ =	sdelay $0x3  }
0x92: {  	_ =	strace s18  }
0x93: {  	s2 =	sld [smem:$0x3FFC];
	_ =	sdelay $0x3  }
0x94: {  	_ =	strace s2  }
0x95: {  	s2 =	sld [smem:$0x3FFD];
	_ =	sdelay $0x3  }
0x96: {  	_ =	strace s2  }
0x97: {  	_ =	strace $0x8FFFFFFF  }
0x98: {  	s19 =	sld [smem:$0x3FDB];
	_ =	sdelay $0x1  }
0x99: {  	s20 =	simm.s32 $_scs_section_size  }
0x9a: {  	s4 =	simm.s32 $_size__tile_overlayer_lowered;
	s5 =	simm.s32 $_tile_overlayer_lowered  }
0x9b: {  	s6 =	simm.s32 $0x1BFF;
	s21 =	sshll.u32 s5, $0x1;
	s3 =	sadd.s32 s20, s19  }
0x9c: {  	s22 =	simm.s32 $0x0;
	s4 =	sshll.u32 s4, $0x1;
	s5 =	sadd.s32 s21, s3  }
0x9d: {  	[timem:s22], [sflag:s6] =	dma.local [hbm:s5], s4  }
0x9e: {  	_ =	swait.ge [sflag:s6], s4  }
0x9f: {  	s4 =	ssub.s32 $0x0, s4;
	[sflag:s6] =	ssyncset.done $0x0  }
0xa0: {  	[sflag:s6] =	ssyncadd.s32 s4;
	_ =	sdelay $0x1  }
0xa1: {  	s23 =	simm.s32 $0x1B8B  }
0xa2: {  	_ =	swait.ge [sflag:s23], $0x1  }
0xa3: {  	[sflag:s23] =	ssyncset.done $0x0  }
0xa4: {  	[sflag:s23] =	ssyncadd.s32 $0xFFFFFFFF  }
0xa5: {  	s4 =	sld [smem:$0x0]  }
0xa6: {  	s5 =	sand.u32 $0xFFFFFFFE, s1  }
0xa7: {  	p0 =	sne.s32 s1, s5  }
0xa8: {  	s5 =	sshll.u32 @p0 s5, $0xE  }
0xa9: {  	s5 =	sadd.s32 @p0 $0x11B8D, s5;
	s6 =	sshll.u32 @p0 s4, $0x11  }
0xaa: {  	s5 =	sor.u32 @p0 s6, s5  }
0xab: {  	[sflag:s5] =	ssyncadd.remote.s32 @p0 $0x1;
	_ =	sdelay $0x1  }
0xac: {  	s5 =	simm.s32 @p0 $0x1B8D  }
0xad: {  	_ =	swait.eq @p0 [sflag:s5], $0x1  }
0xae: {  	[sflag:s5] =	ssyncadd.s32 @p0 $0xFFFFFFFF  }
0xaf: {  	s6 =	sshll.u32 @!p0 s1, $0xE  }
0xb0: {  	s6 =	sor.u32 @!p0 $0x4000, s6;
	s5 =	simm.s32 @!p0 $0x1B8D  }
0xb1: {  	s4 =	sshll.u32 @!p0 s4, $0x11;
	s6 =	sadd.s32 @!p0 $0x11B8D, s6;
	_ =	swait.eq @!p0 [sflag:s5], $0x1  }
0xb2: {  	s4 =	sor.u32 @!p0 s4, s6;
	[sflag:s5] =	ssyncadd.s32 @!p0 $0xFFFFFFFF  }
0xb3: {  	s25 =	simm.s32 $0x1B8E;
	s24 =	sld [smem:$0x3FFE];
	[sflag:s4] =	ssyncadd.remote.s32 @!p0 $0x1  }
0xb4: {  	s26 =	simm.s32 $execute0_lowered;
	[smem:$0x3FD2] =	sst s25  }
0xb5: {  	s5 =	sshll.u32 s26, $0x1;
	_ =	strace $0x80000058;
	[dreg:$0x1] =	wrdreg $0xFFFFFFFF  }
0xb6: {  	s28 =	simm.s32 $_size_execute0_lowered;
	s3 =	sadd.s32 s3, s5;
	[dreg:$0x0] =	wrdreg $0x0  }
0xb7: {  	s5 =	sshll.u32 s28, $0x1;
	[dreg:$0x2] =	wrdreg s3  }
0xb8: {  	[dreg:$0x3] =	wrdreg s5  }
0xb9: {  	[dreg:$0x4] =	wrdreg $0xC0  }
0xba: {  	_ =	task [dreg:s22], $0x5FFFF  }
0xbb: {  	[dreg:$0x1] =	wrdreg $0xFFFFFFFF  }
0xbc: {  	[dreg:$0x0] =	wrdreg $0x60  }
0xbd: {  	[dreg:$0x2] =	wrdreg s24  }
0xbe: {  	[dreg:$0x3] =	wrdreg $0x40800  }
0xbf: {  	[dreg:$0x4] =	wrdreg $0xA  }
0xc0: {  	_ =	task.clear_ibuf [dreg:s22], $0x5FFFF;
	_ =	strace $0x90000058  }
0xc1: {  	s29 =	simm.s32 $0xA;
	_ =	strace $0x8000005A  }
0xc2: {  	_ =	swait.ge [sflag:s29], $0x1  }
0xc3: {  	[sflag:s29] =	ssyncadd.s32 $0xFFFFFFFF  }
0xc4: {  	_ =	strace $0x9000005A  }
0xc5: {  	_ =	sfence  }
0xc6: {  	s30 =	sld [smem:$0x0];
	_ =	sdelay $0x2  }
0xc7: {  	s31 =	sshll.u32 s1, $0xD;
	s1 =	sshrl.u32 s1, $0x2  }
0xc8: {  	s4 =	sand.u32 $0x4000, s31;
	s1 =	sadd.s32 s1, s30  }
0xc9: {  	s0 =	sor.u32 s4, s0;
	s1 =	sshll.u32 s1, $0x11  }
0xca: {  	s0 =	sor.u32 s1, s0  }
0xcb: {  	s0 =	sadd.s32 $0x8F2B, s0  }
0xcc: {  	[sflag:s0] =	ssyncadd.remote.s32 $0x1  }
0xcd: {  	_ =	sfence.sel $0xFFFF  }
0xce: {  	[dreg:$0x0] =	wrdreg $0xFFFFFFFF;
	(pc) =	sbr.abs _section_cstart, $3  }
0xcf: {  	[dreg:$0x1] =	wrdreg $0xFFFFFFFF  }
0xd0: {  	_ =	task.clear_ibuf [dreg:s22], $0x2FFFF;
	_ =	strace $0x9FFFFFFF  }
0xd1: {  	(tm) =	ssettm $0x7FFFFFFF  }
tec
execute0_lowered:
.L_overlay_start_1:
0x0: {  	(tag) =	ssettag $0x1  }
0x1: {  	s4 =	rddreg [dreg:$0x0]  }
0x2: {  	s2 =	rddreg [dreg:$0x1]  }
0x3: {  	s1 =	stileid.u32;
	s3 =	srdreg.scid  }
0x4: {  	s0 =	rddreg [dreg:$0x2];
	s5 =	smul.u32 $0x13C00, s1;
	s6 =	sand.u32 $0x1, s3  }
0x5: {  	s3 =	simm.s32 $0x0;
	s7 =	sshll.u32 s1, $0xC;
	s11 =	smul.u32 $0x4F000, s1  }
0x6: {  	s25 =	sshll.u32 s1, $0x4;
	s31 =	sshll.u32 s1, $0x6;
	s8 =	smul.u32 $0x13C000, s6  }
0x7: {  	[smem:$0x7FF] =	sst s3;
	s9 =	sadd.s32 s7, s4;
	s10 =	sadd.s32 s25, s4  }
0x8: {  	s28 =	ssub.s32 $0x2, s6;
	s13 =	sshll.u32 s6, $0x7;
	s26 =	sshrl.u32 s5, $0x3  }
0x9: {  	s29 =	sshrl.u32 s28, $0x1;
	_ =	strace $0x80000059;
	s30 =	sshrl.u32 s11, $0x2  }
0xa: {  	s9 =	sadd.s32 s13, s9;
	s5 =	sadd.s32 s5, s8;
	s7 =	sadd.s32 s26, s4  }
0xb: {  	s8 =	ssub.s32 s28, s29;
	s11 =	sadd.s32 s30, s2;
	s5 =	sshrl.u32 s5, $0x3  }
0xc: {  	s9 =	sadd.s32 $0x1B8E400, s9;
	s12 =	sadd.s32 s5, s4;
	s4 =	sadd.s32 $0x90A00, s7  }
0xd: {  	s5 =	sor.u32 $0x1C02, s31;
	s7 =	smax.u32 s8, $0x1;
	s8 =	sadd.s32 $0x11600, s10  }
0xe: {  	s10 =	sshrl.u32 s11, $0x3;
	s11 =	simm.s32 $0x2;
	s6 =	sadd.s32 $0x5E9200, s12  }
.LBB2_1:
0xf: {  	[spmem:s10], [sflag:s5] =	dma.local [hbm:s4], $0x2780  }
0x10: {  	_ =	swait.ge [sflag:s11], $0x2780  }
0x11: {  	s12 =	sadd.s32 $0x0, s1;
	[sflag:s11] =	ssyncset.done $0x0  }
0x12: {  	p0 =	sgt.u32 s12, $0x4E1;
	[sflag:s11] =	ssyncadd.s32 $0xFFFFD880  }
0x13: {  	s12 =	simm.s32 @!p0 $0x0;
	s13 =	simm.s32 @!p0 $0x3;
	[bflag:$0x0] =	sbarrier.arrive $0xFFFF  }
0x14: {  	[tilespmem:s12], [sflag:$0x3] =	stream.linear.gather @!p0 [hbm4b:s8+s12], $0x80, $0x38;
	[tilespmem:$0x17C80] =	vst v63  }
0x15: {  	_ =	swait.ge @!p0 [sflag:s13], $0x80  }
0x16: {  	s14 =	simm.s32 @!p0 $0x80;
	s15 =	simm.s32 @!p0 $0x1;
	[sflag:s13] =	ssyncset.done @!p0 $0x0  }
0x17: {  	s16 =	simm.s32 @!p0 $0x800;
	[sflag:s13] =	ssyncadd.s32 @!p0 $0xFFFFFF80;
	s13 =	simm.s32 @!p0 $0x400  }
0x18: {  	[tilespmem:s14], [sflag:$0x1] =	stream.strided.gather @!p0 [hbm4b:s9+s13], $0x4000, s16, s13, $0x38;
	[tilespmem:$0x17C80] =	vst v63  }
0x19: {  	p1 =	por p0, p0;
	_ =	swait.ge @!p0 [sflag:s15], $0x4000  }
0x1a: {  	[sflag:s15] =	ssyncset.done @!p1 $0x0  }
0x1b: {  	s31 =	sadd.s32 $0x10, s1;
	[sflag:s15] =	ssyncadd.s32 @!p1 $0xFFFFC000;
	s15 =	simm.s32 @!p1 $0x2  }
0x1c: {  	[spmem:s2] =	stream.indirect.scatter.add.f32 @!p1 [tilespmem:s14], [sflag:$0x2], $0x80, s12, s14, $0xb8;
	[tilespmem:$0x17C80] =	vst v63  }
0x1d: {  	s13 =	simm.s32 $0x20;
	p0 =	sgt.u32 s31, $0x4E1;
	_ =	swait.ge @!p1 [sflag:s15], $0x4000  }
0x1e: {  	s12 =	sadd.s32 $0x10000, s9;
	s14 =	sadd.s32 $0x100, s8;
	[sflag:s15] =	ssyncset.done @!p1 $0x0  }
.LBB2_2:
0x1f: {  	s16 =	simm.s32 @!p0 $0x0;
	s17 =	simm.s32 @!p0 $0x3;
	[sflag:s15] =	ssyncadd.s32 @!p1 $0xFFFFC000  }
0x20: {  	[tilespmem:s16], [sflag:$0x3] =	stream.linear.gather @!p0 [hbm4b:s14+s16], $0x80, $0x38;
	[tilespmem:$0x17C80] =	vst v63  }
0x21: {  	s18 =	smov.u32 s13;
	s13 =	sadd.s32 $0x10, s13;
	_ =	swait.ge @!p0 [sflag:s17], $0x80  }
0x22: {  	s19 =	simm.s32 @!p0 $0x80;
	s15 =	simm.s32 @!p0 $0x1;
	[sflag:s17] =	ssyncset.done @!p0 $0x0  }
0x23: {  	s20 =	simm.s32 @!p0 $0x800;
	[sflag:s17] =	ssyncadd.s32 @!p0 $0xFFFFFF80;
	s17 =	simm.s32 @!p0 $0x400  }
0x24: {  	[tilespmem:s19], [sflag:$0x1] =	stream.strided.gather @!p0 [hbm4b:s12+s17], $0x4000, s20, s17, $0x38;
	[tilespmem:$0x17C80] =	vst v63  }
0x25: {  	p1 =	por p0, p0;
	p2 =	sne.s32 s13, $0x4F0;
	_ =	swait.ge @!p0 [sflag:s15], $0x4000  }
.Ltmp0:
0x26: {  	[sflag:s15] =	ssyncset.done @!p1 $0x0;
	(pc) =	sbr.rel @p2 .LBB2_2-.Ltmp0, $4  }
0x27: {  	[sflag:s15] =	ssyncadd.s32 @!p1 $0xFFFFC000;
	s15 =	simm.s32 @!p1 $0x2  }
0x28: {  	[spmem:s2] =	stream.indirect.scatter.add.f32 @!p1 [tilespmem:s19], [sflag:$0x2], $0x80, s16, s19, $0xb8;
	[tilespmem:$0x17C80] =	vst v63  }
0x29: {  	s12 =	sadd.s32 $0x10000, s12;
	s16 =	sadd.s32 s18, s1;
	_ =	swait.ge @!p1 [sflag:s15], $0x4000  }
0x2a: {  	s14 =	sadd.s32 $0x100, s14;
	p0 =	sgt.u32 s16, $0x4E1;
	[sflag:s15] =	ssyncset.done @!p1 $0x0  }
0x2b: {  	s13 =	simm.s32 @!p0 $0x0;
	s16 =	simm.s32 @!p0 $0x3;
	[sflag:s15] =	ssyncadd.s32 @!p1 $0xFFFFC000  }
0x2c: {  	[tilespmem:s13], [sflag:$0x3] =	stream.linear.gather @!p0 [hbm4b:s14+s13], $0x80, $0x38;
	[tilespmem:$0x17C80] =	vst v63  }
0x2d: {  	_ =	swait.ge @!p0 [sflag:s16], $0x80  }
0x2e: {  	s15 =	simm.s32 @!p0 $0x1;
	s17 =	simm.s32 @!p0 $0x800;
	[sflag:s16] =	ssyncset.done @!p0 $0x0  }
0x2f: {  	s14 =	simm.s32 @!p0 $0x80;
	[sflag:s16] =	ssyncadd.s32 @!p0 $0xFFFFFF80;
	s16 =	simm.s32 @!p0 $0x400  }
0x30: {  	[tilespmem:s14], [sflag:$0x1] =	stream.strided.gather @!p0 [hbm4b:s12+s16], $0x4000, s17, s16, $0x38;
	[tilespmem:$0x17C80] =	vst v63  }
0x31: {  	_ =	swait.ge @!p0 [sflag:s15], $0x4000;
	p0 =	por p0, p0  }
0x32: {  	[sflag:s15] =	ssyncset.done @!p0 $0x0  }
0x33: {  	s12 =	simm.s32 @!p0 $0x2;
	[sflag:s15] =	ssyncadd.s32 @!p0 $0xFFFFC000  }
0x34: {  	[spmem:s2] =	stream.indirect.scatter.add.f32 @!p0 [tilespmem:s14], [sflag:$0x2], $0x80, s13, s14, $0xb8;
	[tilespmem:$0x17C80] =	vst v63  }
0x35: {  	_ =	swait.ge @!p0 [sflag:s12], $0x4000  }
0x36: {  	s3 =	sadd.s32 $0x1, s3;
	[sflag:s12] =	ssyncset.done @!p0 $0x0  }
0x37: {  	[sflag:s12] =	ssyncadd.s32 @!p0 $0xFFFFC000;
	p0 =	sne.s32 s3, s7  }
.Ltmp1:
0x38: {  	[bflag:$0x0] =	sbarrier.arrive $0xFFFF;
	(pc) =	sbr.rel @p0 .LBB2_1-.Ltmp1, $4  }
0x39: {  	[hbm:s6], [sflag:s5] =	dma.local [spmem:s10], $0x2780  }
0x3a: {  	_ =	swait.ge [sflag:s11], $0x2780  }
0x3b: {  	[sflag:s11] =	ssyncset.done $0x0  }
0x3c: {  	[sflag:s11] =	ssyncadd.s32 $0xFFFFD880  }
0x3d: {  	_ =	sfence.sel $0x180000  }
0x3e: {  	[bflag:$0x0] =	sbarrier.arrive $0xFFFF  }
0x3f: {  	p0 =	sne.s32 s1, $0x0;
	_ =	strace $0x90000059  }
0x40: {  	s0 =	sadd.s32 @!p0 $0x100000, s0;
	[bflag:$0x2] =	sbarrier.arrive $0xFFFF  }
0x41: {  	[sflag:s0] =	ssyncadd.tile.s32 @!p0 $0x1;
	_ =	shalt  }
.Lfunc_end2:
_tile_overlayer_lowered:
.L_overlay_start_2:
0x42: {  	(tag) =	ssettag $0x2  }
0x43: {  	s0 =	rddreg [dreg:$0x0];
	s2 =	stileid.u32  }
0x44: {  	s1 =	rddreg [dreg:$0x1];
	p0 =	sne.s32 s2, $0x0  }
0x45: {  	s3 =	rddreg [dreg:$0x2];
	[bflag:$0x3] =	sbarrier.arrive $0xFFFF;
	s2 =	simm.s32 @!p0 $0x1C02  }
0x46: {  	[timem:s3], [sflag:s2] =	dma.local @!p0 [hbm:s0], s1  }
0x47: {  	s0 =	simm.s32 @!p0 $0x2  }
0x48: {  	_ =	swait.ge @!p0 [sflag:s0], s1  }
0x49: {  	s1 =	ssub.s32 @!p0 $0x0, s1;
	[sflag:s0] =	ssyncset.done @!p0 $0x0  }
0x4a: {  	[sflag:s0] =	ssyncadd.s32 @!p0 s1  }
0x4b: {  	[bflag:$0x3] =	sbarrier.arrive $0xFFFF  }
0x4c: {  	_ =	shalt  }

// kernel: kernel.51.cloned.1.call-start
scs
__scs_entry_jumppad:
0x0: {  	(pc) =	sbr.rel $0x88, $3  }
0x1: {  	(tag) =	ssettag $0x0;
	lr =	simm.s32 $0x1  }
0x2: {  	[smem:$0x3F5C] =	sst lr;
	_ =	strace $0xD0000000  }
0x3: {  	_ = 	snop  }
0x4: {  	_ = 	snop  }
0x5: {  	_ = 	snop  }
0x6: {  	_ = 	snop  }
0x7: {  	_ = 	snop  }
__scs_overlays_trampoline_lowered:
0x8: {  	[smem:$0x3F6B] =	sst s0  }
0x9: {  	[smem:$0x3F6C] =	sst s1  }
0xa: {  	[smem:$0x3F6D] =	sst s2  }
0xb: {  	[smem:$0x3F6E] =	sst s3  }
0xc: {  	[smem:$0x3F6F] =	sst s4  }
0xd: {  	[smem:$0x3F70] =	sst s5  }
0xe: {  	[smem:$0x3F71] =	sst s6  }
0xf: {  	[smem:$0x3F72] =	sst s7  }
0x10: {  	[smem:$0x3F73] =	sst s8  }
0x11: {  	[smem:$0x3F74] =	sst s9;
	s0 =	simm.s32 @!p0 $0x0  }
0x12: {  	s1 =	sld [smem:$0x3F5A];
	s0 =	simm.s32 @p0 $0x1  }
0x13: {  	[smem:$0x3F75] =	sst s0;
	s0 =	simm.s32 @!p1 $0x0  }
0x14: {  	s2 =	sld [smem:$0x3F59];
	s0 =	simm.s32 @p1 $0x1  }
0x15: {  	[smem:$0x3F76] =	sst s0;
	s0 =	simm.s32 @!p2 $0x0  }
0x16: {  	s3 =	sld [smem:$0x3FDB];
	s0 =	simm.s32 @p2 $0x1  }
0x17: {  	s4 =	simm.s32 $0x1BF5;
	[smem:$0x3F78] =	sst s0  }
0x18: {  	s0 =	sld [smem:$0x3F5B];
	_ =	swait.ge [sflag:s4], $0x0  }
0x19: {  	s7 =	sld [smem:$0x3F5C]  }
0x1a: {  	s8 =	sadd.s32 $0xFFFFE003, lr  }
0x1b: {  	s9 =	sadd.s32 $0xFFFFFEF7, lr;
	s5 =	simm.s32 $0xFFFFFFFF;
	p2 =	slt.u32 s8, $0xFFFFF086  }
0x1c: {  	p1 =	slt.u32 s9, $0xF7A;
	s5 =	simm.s32 @!p2 $0x0  }
0x1d: {  	s5 =	simm.s32 @p1 $0x1;
	p0 =	seq.s32 s7, s2  }
0x1e: {  	s7 =	smul.u32 @!p0 $0xF7A, s2;
	p2 =	seq.s32 @!p0 s5, $0x0  }
0x1f: {  	s9 =	smul.u32 $0xF7A, s1;
	s8 =	simm.s32 @!p0 $0x1BF5;
	p2 =	por !p2, p0  }
0x20: {  	[sflag:s8] =	ssyncset.s32 @!p0 $0xFFFFF086;
	s6 =	sadd.s32 @!p0 s3, s7;
	s7 =	simm.s32 @!p0 $0x108  }
0x21: {  	s3 =	sadd.s32 s3, s9;
	s6 =	sadd.s32 @!p0 $0x88, s6;
	s7 =	simm.s32 @p2 $0x1082  }
0x22: {  	[simem:s7], [sflag:s8] =	dma.local @!p0 [hbm:s6], $0xF7A  }
0x23: {  	s9 =	sor.u32 $0xD0000000, s2;
	s6 =	simm.s32 $0x108;
	_ =	swait.ge @!p0 [sflag:s8], $0x0  }
0x24: {  	s3 =	sadd.s32 $0x88, s3;
	s6 =	simm.s32 @!p1 $0x1082;
	[sflag:s4] =	ssyncset.s32 $0xFFFFF086  }
0x25: {  	[simem:s6], [sflag:s4] =	dma.local [hbm:s3], $0xF7A  }
0x26: {  	[smem:$0x3F5C] =	sst s1;
	(tag) =	ssettag s2;
	_ =	strace s9  }
0x27: {  	s1 =	sld [smem:$0x3F6C]  }
0x28: {  	s2 =	sld [smem:$0x3F6D]  }
0x29: {  	s4 =	sld [smem:$0x3F6F]  }
0x2a: {  	p0 =	seq.s32 s5, $0x0;
	s5 =	sld [smem:$0x3F70]  }
0x2b: {  	s6 =	sld [smem:$0x3F71]  }
0x2c: {  	s7 =	sld [smem:$0x3F72]  }
0x2d: {  	s3 =	simm.s32 $0x108;
	s8 =	sld [smem:$0x3F73]  }
0x2e: {  	s3 =	simm.s32 @!p0 $0x1082;
	s9 =	sld [smem:$0x3F74]  }
0x2f: {  	lr =	sadd.s32 s0, s3;
	s0 =	sld [smem:$0x3F6B]  }
0x30: {  	s3 =	sld [smem:$0x3F6E]  }
0x31: {  	[smem:$0x3F77] =	sst s10  }
0x32: {  	s10 =	sld [smem:$0x3F75];
	_ =	sdelay $0x3  }
0x33: {  	p0 =	seq.s32 s10, $0x1;
	s10 =	sld [smem:$0x3F77];
	_ =	sdelay $0x3  }
0x34: {  	[smem:$0x3F77] =	sst s10  }
0x35: {  	s10 =	sld [smem:$0x3F76];
	_ =	sdelay $0x3  }
0x36: {  	p1 =	seq.s32 s10, $0x1;
	s10 =	sld [smem:$0x3F77];
	_ =	sdelay $0x3  }
0x37: {  	[smem:$0x3F77] =	sst s10  }
0x38: {  	s10 =	sld [smem:$0x3F78]  }
0x39: {  	_ = 	snop;
	(pc) =	sbr.ind lr, $3  }
0x3a: {  	_ = 	snop  }
0x3b: {  	_ = 	snop  }
0x3c: {  	p2 =	seq.s32 s10, $0x1;
	s10 =	sld [smem:$0x3F77]  }
0x3d: {  	_ =	shalt  }
0x3e: {  	_ =	shalt  }
0x3f: {  	_ =	shalt  }
0x40: {  	_ =	shalt  }
0x41: {  	_ =	shalt  }
0x42: {  	_ =	shalt  }
0x43: {  	_ =	shalt  }
0x44: {  	_ =	shalt  }
0x45: {  	_ =	shalt  }
0x46: {  	_ =	shalt  }
0x47: {  	_ =	shalt  }
0x48: {  	_ =	shalt  }
0x49: {  	_ =	shalt  }
0x4a: {  	_ =	shalt  }
0x4b: {  	_ =	shalt  }
0x4c: {  	_ =	shalt  }
0x4d: {  	_ =	shalt  }
0x4e: {  	_ =	shalt  }
0x4f: {  	_ =	shalt  }
0x50: {  	_ =	shalt  }
0x51: {  	_ =	shalt  }
0x52: {  	_ =	shalt  }
0x53: {  	_ =	shalt  }
0x54: {  	_ =	shalt  }
0x55: {  	_ =	shalt  }
0x56: {  	_ =	shalt  }
0x57: {  	_ =	shalt  }
0x58: {  	_ =	shalt  }
0x59: {  	_ =	shalt  }
0x5a: {  	_ =	shalt  }
0x5b: {  	_ =	shalt  }
0x5c: {  	_ =	shalt  }
0x5d: {  	_ =	shalt  }
0x5e: {  	_ =	shalt  }
0x5f: {  	_ =	shalt  }
0x60: {  	_ =	shalt  }
0x61: {  	_ =	shalt  }
0x62: {  	_ =	shalt  }
0x63: {  	_ =	shalt  }
0x64: {  	_ =	shalt  }
0x65: {  	_ =	shalt  }
0x66: {  	_ =	shalt  }
0x67: {  	_ =	shalt  }
0x68: {  	_ =	shalt  }
0x69: {  	_ =	shalt  }
0x6a: {  	_ =	shalt  }
0x6b: {  	_ =	shalt  }
0x6c: {  	_ =	shalt  }
0x6d: {  	_ =	shalt  }
0x6e: {  	_ =	shalt  }
0x6f: {  	_ =	shalt  }
0x70: {  	_ =	shalt  }
0x71: {  	_ =	shalt  }
0x72: {  	_ =	shalt  }
0x73: {  	_ =	shalt  }
0x74: {  	_ =	shalt  }
0x75: {  	_ =	shalt  }
0x76: {  	_ =	shalt  }
0x77: {  	_ =	shalt  }
0x78: {  	_ =	shalt  }
0x79: {  	_ =	shalt  }
0x7a: {  	_ =	shalt  }
0x7b: {  	_ =	shalt  }
0x7c: {  	_ =	shalt  }
0x7d: {  	_ =	shalt  }
0x7e: {  	_ =	shalt  }
0x7f: {  	_ =	shalt  }
0x80: {  	_ =	shalt  }
0x81: {  	_ =	shalt  }
0x82: {  	_ =	shalt  }
0x83: {  	_ =	shalt  }
0x84: {  	_ =	shalt  }
0x85: {  	_ =	shalt  }
0x86: {  	_ =	shalt  }
0x87: {  	_ =	shalt  }
.Lfunc_end0:
.L_simem_size_0:
called_computation.8_lowered:
.L_overlay_start_0:
0x88: {  	s2 =	sld [smem:$0x3FD9]  }
0x89: {  	s3 =	sld [smem:$0x3FFE];
	_ =	sdelay $0x1  }
0x8a: {  	s1 =	srdreg.scid  }
0x8b: {  	s0 =	sand.u32 $0x1, s1  }
0x8c: {  	s17 =	sshll.u32 s0, $0xA;
	s2 =	sadd.s32 s3, s2  }
0x8d: {  	s2 =	sadd.s32 s2, s17  }
0x8e: {  	[smem:$0x3F83] =	sst s2  }
0x8f: {  	_ = 	snop  }
0x90: {  	s18 =	sld [smem:$0x3FD0];
	(tm) =	ssettm $0x1  }
0x91: {  	s19 =	sld [smem:$0x3FFB];
	_ =	sdelay $0x3  }
0x92: {  	_ =	strace s19  }
0x93: {  	s2 =	sld [smem:$0x3FFC];
	_ =	sdelay $0x3  }
0x94: {  	_ =	strace s2  }
0x95: {  	s2 =	sld [smem:$0x3FFD];
	_ =	sdelay $0x3  }
0x96: {  	_ =	strace s2  }
0x97: {  	_ =	strace $0x8FFFFFFF  }
0x98: {  	s20 =	sld [smem:$0x3FDB];
	_ =	sdelay $0x1  }
0x99: {  	s4 =	simm.s32 $_scs_section_size  }
0x9a: {  	s5 =	simm.s32 $_size__tile_overlayer_lowered;
	s6 =	simm.s32 $_tile_overlayer_lowered  }
0x9b: {  	s7 =	simm.s32 $0x1BFF;
	s21 =	sshll.u32 s6, $0x1;
	s4 =	sadd.s32 s4, s20  }
0x9c: {  	s22 =	simm.s32 $0x0;
	s5 =	sshll.u32 s5, $0x1;
	s6 =	sadd.s32 s21, s4  }
0x9d: {  	[timem:s22], [sflag:s7] =	dma.local [hbm:s6], s5  }
0x9e: {  	_ =	swait.ge [sflag:s7], s5  }
0x9f: {  	s5 =	ssub.s32 $0x0, s5;
	[sflag:s7] =	ssyncset.done $0x0  }
0xa0: {  	[sflag:s7] =	ssyncadd.s32 s5;
	_ =	sdelay $0x1  }
0xa1: {  	s23 =	simm.s32 $0x1B8B  }
0xa2: {  	_ =	swait.ge [sflag:s23], $0x1  }
0xa3: {  	[sflag:s23] =	ssyncset.done $0x0  }
0xa4: {  	[sflag:s23] =	ssyncadd.s32 $0xFFFFFFFF  }
0xa5: {  	s5 =	sld [smem:$0x0]  }
0xa6: {  	s6 =	sand.u32 $0xFFFFFFFE, s1  }
0xa7: {  	p0 =	sne.s32 s1, s6  }
0xa8: {  	s6 =	sshll.u32 @p0 s6, $0xE  }
0xa9: {  	s6 =	sadd.s32 @p0 $0x11B8D, s6;
	s7 =	sshll.u32 @p0 s5, $0x11  }
0xaa: {  	s6 =	sor.u32 @p0 s7, s6  }
0xab: {  	[sflag:s6] =	ssyncadd.remote.s32 @p0 $0x1;
	_ =	sdelay $0x1  }
0xac: {  	s6 =	simm.s32 @p0 $0x1B8D  }
0xad: {  	_ =	swait.eq @p0 [sflag:s6], $0x1  }
0xae: {  	[sflag:s6] =	ssyncadd.s32 @p0 $0xFFFFFFFF  }
0xaf: {  	s7 =	sshll.u32 @!p0 s1, $0xE  }
0xb0: {  	s7 =	sor.u32 @!p0 $0x4000, s7;
	s6 =	simm.s32 @!p0 $0x1B8D  }
0xb1: {  	s5 =	sshll.u32 @!p0 s5, $0x11;
	s7 =	sadd.s32 @!p0 $0x11B8D, s7;
	_ =	swait.eq @!p0 [sflag:s6], $0x1  }
0xb2: {  	s5 =	sor.u32 @!p0 s5, s7;
	[sflag:s6] =	ssyncadd.s32 @!p0 $0xFFFFFFFF  }
0xb3: {  	s25 =	simm.s32 $0x1B8E;
	s24 =	sld [smem:$0x3FFE];
	[sflag:s5] =	ssyncadd.remote.s32 @!p0 $0x1  }
0xb4: {  	s26 =	simm.s32 $execute0_lowered;
	[smem:$0x3FD2] =	sst s25  }
0xb5: {  	s6 =	sshll.u32 s26, $0x1;
	_ =	strace $0x80000061;
	[dreg:$0x1] =	wrdreg $0xFFFFFFFF  }
0xb6: {  	s28 =	simm.s32 $_size_execute0_lowered;
	s4 =	sadd.s32 s4, s6;
	[dreg:$0x0] =	wrdreg $0x0  }
0xb7: {  	s6 =	sshll.u32 s28, $0x1;
	[dreg:$0x2] =	wrdreg s4  }
0xb8: {  	[dreg:$0x3] =	wrdreg s6  }
0xb9: {  	[dreg:$0x4] =	wrdreg $0xC0  }
0xba: {  	_ =	task [dreg:s22], $0x5FFFF  }
0xbb: {  	[dreg:$0x1] =	wrdreg $0xFFFFFFFF  }
0xbc: {  	[dreg:$0x0] =	wrdreg $0x60  }
0xbd: {  	[dreg:$0x2] =	wrdreg s24  }
0xbe: {  	[dreg:$0x3] =	wrdreg s18  }
0xbf: {  	[dreg:$0x4] =	wrdreg $0x9  }
0xc0: {  	_ =	task.clear_ibuf [dreg:s22], $0x5FFFF;
	_ =	strace $0x90000061  }
0xc1: {  	s29 =	simm.s32 $0x9;
	_ =	strace $0x80000063  }
0xc2: {  	_ =	swait.ge [sflag:s29], $0x1  }
0xc3: {  	[sflag:s29] =	ssyncadd.s32 $0xFFFFFFFF  }
0xc4: {  	_ =	strace $0x90000063  }
0xc5: {  	_ =	sfence  }
0xc6: {  	s30 =	sld [smem:$0x0];
	_ =	sdelay $0x2  }
0xc7: {  	s31 =	sshll.u32 s1, $0xD;
	s1 =	sshrl.u32 s1, $0x2  }
0xc8: {  	s4 =	sand.u32 $0x4000, s31;
	s1 =	sadd.s32 s1, s30  }
0xc9: {  	s0 =	sor.u32 s4, s0;
	s1 =	sshll.u32 s1, $0x11  }
0xca: {  	s0 =	sor.u32 s1, s0  }
0xcb: {  	s0 =	sadd.s32 $0x8F2B, s0  }
0xcc: {  	[sflag:s0] =	ssyncadd.remote.s32 $0x1  }
0xcd: {  	_ =	sfence.sel $0xFFFF  }
0xce: {  	[dreg:$0x0] =	wrdreg $0xFFFFFFFF;
	(pc) =	sbr.abs _section_cstart, $3  }
0xcf: {  	[dreg:$0x1] =	wrdreg $0xFFFFFFFF  }
0xd0: {  	_ =	task.clear_ibuf [dreg:s22], $0x2FFFF;
	_ =	strace $0x9FFFFFFF  }
0xd1: {  	(tm) =	ssettm $0x7FFFFFFF  }
tec
execute0_lowered:
.L_overlay_start_1:
0x0: {  	(tag) =	ssettag $0x1  }
0x1: {  	s0 =	rddreg [dreg:$0x0];
	s3 =	simm.s32 $0x0  }
0x2: {  	s8 =	stileid.u32;
	s2 =	srdreg.scid;
	s11 =	simm.s32 $0x4  }
0x3: {  	s12 =	simm.s32 $0x80;
	s13 =	simm.s32 $0x100;
	s15 =	simm.s32 $0x1100  }
0x4: {  	s16 =	simm.s32 $0x1900;
	s17 =	simm.s32 $0x2100;
	s18 =	simm.s32 $0x2900  }
0x5: {  	s19 =	simm.s32 $0x3100;
	s20 =	simm.s32 $0x3900;
	s28 =	simm.s32 $0x7100  }
0x6: {  	s29 =	simm.s32 $0x7900;
	s30 =	simm.s32 $0x8100;
	s31 =	simm.s32 $0x1  }
0x7: {  	[smem:$0x7FF] =	sst s3;
	s1 =	sshll.u32 s8, $0x5;
	s4 =	sadd.s32 $0x1B600, s0  }
0x8: {  	s2 =	sand.u32 $0x1, s2;
	s5 =	sshll.u32 s8, $0xD;
	s6 =	sshll.u32 s8, $0xC  }
0x9: {  	s22 =	sshll.u32 s8, $0x1;
	_ =	strace $0x80000062;
	s1 =	sadd.s32 s1, s0  }
0xa: {  	s7 =	ssub.s32 $0x2, s2;
	s5 =	sadd.s32 s5, s0;
	s0 =	sadd.s32 s6, s0  }
0xb: {  	[dreg:$0x3] =	wrdreg s22;
	s23 =	sshll.u32 s2, $0xB;
	s24 =	sshll.u32 s2, $0xC  }
0xc: {  	s2 =	sshll.u32 s2, $0x4;
	s22 =	simm.s32 $0x4900;
	s21 =	sshrl.u32 s7, $0x1  }
0xd: {  	s0 =	sadd.s32 s23, s0;
	s25 =	sadd.s32 s24, s5;
	s1 =	sadd.s32 s2, s1  }
0xe: {  	s23 =	simm.s32 $0x5100;
	s24 =	simm.s32 $0x5900;
	s0 =	sadd.s32 $0x191D400, s0  }
.Ltmp0:
0xf: {  	s5 =	simm.s32 $0x0;
	s9 =	sadd.s32 $0x7E8A00, s1;
	(pc) =	sbr.rel .LBB2_1-.Ltmp0, $4  }
0x10: {  	s6 =	ssub.s32 s7, s21;
	s10 =	sadd.s32 $0x7E3A00, s1;
	s21 =	simm.s32 $0x4100  }
0x11: {  	v2 =	vlaneseq.u32;
	s1 =	simm.s32 $0x3;
	[dreg:$0x4] =	wrdreg s0;
	s26 =	smax.u32 s6, $0x1  }
0x12: {  	vm0 =	vmmov $0xffff;
	v1 =	vshrl.u32 v2, $0x3;
	s0 =	sadd.s32 $0x143B400, s25;
	s25 =	simm.s32 $0x6100;
	[dreg:$0x5] =	wrdreg s26  }
0x13: {  	v0 =	vand.u32 $0x7, v2;
	v2 =	vor.u32 $0x8, v2;
	v1 =	vmul.u32 $0x8, v1;
	[dreg:$0x6] =	wrdreg s0;
	s26 =	simm.s32 $0x6900;
	s0 =	simm.s32 $0x2  }
.LBB2_5:
0x14: {  	s5 =	sadd.s32 $0x1, s5;
	s2 =	rddreg [dreg:$0x5]  }
0x15: {  	p0 =	sne.s32 s5, s2  }
.Ltmp1:
0x16: {  	_ = 	snop;
	(pc) =	sbr.rel @!p0 .LBB2_6-.Ltmp1, $1  }
0x17: {  	_ =	sdelay $0x3  }
.LBB2_1:
.Ltmp2:
0x18: {  	(pc) =	sbr.rel .LBB2_2-.Ltmp2, $4  }
0x19: {  	_ = 	snop  }
0x1a: {  	s6 =	rddreg [dreg:$0x3]  }
0x1b: {  	s8 =	rddreg [dreg:$0x6]  }
0x1c: {  	s7 =	rddreg [dreg:$0x4];
	s2 =	simm.s32 $0x0  }
.LBB2_4:
0x1d: {  	s2 =	sadd.s32 $0x200, s2  }
0x1e: {  	p0 =	sne.s32 s2, $0x5000  }
.Ltmp3:
0x1f: {  	_ = 	snop;
	(pc) =	sbr.rel @!p0 .LBB2_5-.Ltmp3, $2  }
0x20: {  	_ =	sdelay $0x2  }
0x21: {  	s7 =	sadd.s32 $0x10000, s7;
	s8 =	sadd.s32 $0x20000, s8;
	s6 =	sadd.s32 $0x20, s6  }
.LBB2_2:
0x22: {  	p0 =	sgt.u32 s6, $0x4E1  }
.Ltmp4:
0x23: {  	_ = 	snop;
	(pc) =	sbr.rel @p0 .LBB2_4-.Ltmp4, $1  }
0x24: {  	_ =	sdelay $0x3  }
0x25: {  	s14 =	sadd.s32 s2, s10  }
0x26: {  	[tilespmem:s3], [sflag:$0x4] =	stream.linear.gather [hbm4b:s14+s3], $0x80, $0x38;
	[tilespmem:$0xC100] =	vst v63  }
0x27: {  	_ =	swait.ge [sflag:s11], $0x80  }
0x28: {  	[sflag:s11] =	ssyncset.done $0x0  }
0x29: {  	s14 =	sadd.s32 s2, s9;
	[sflag:s11] =	ssyncadd.s32 $0xFFFFFF80  }
0x2a: {  	[tilespmem:s12], [sflag:$0x4] =	stream.linear.gather [hbm4b:s14+s3], $0x80, $0x38;
	[tilespmem:$0xC100] =	vst v63  }
0x2b: {  	_ =	swait.ge [sflag:s11], $0x80  }
0x2c: {  	[sflag:s11] =	ssyncset.done $0x0  }
0x2d: {  	[sflag:s11] =	ssyncadd.s32 $0xFFFFFF80  }
0x2e: {  	v3 =	vld [tilespmem:$0x0];
	_ =	sdelay $0x4  }
0x2f: {  	v4 =	vshll.u32 v3, $0x1  }
0x30: {  	v3 =	vand.u32 $0x7, v3;
	v4 =	vand.u32 $0xFFFFFFF0, v4  }
0x31: {  	v3 =	vor.u32 v3, v4  }
0x32: {  	v4 =	vperm.xlane v3, v0;
	_ =	sdelay $0x1  }
0x33: {  	v3 =	vperm.xlane v3, v2;
	v4 =	vadd.s32 v1, v4;
	_ =	sdelay $0x1  }
0x34: {  	v3 =	vadd.s32 v1, v3;
	_ =	sdelay $0x2  }
0x35: {  	[tilespmem:s13], [sflag:$0x1] =	stream.indirect_vreg.gather [hbm4b:s4+s3], $0x80, v4, vm0, $0xb8;
	[tilespmem:$0xC100] =	vst v63  }
0x36: {  	s14 =	simm.s32 $0x900  }
0x37: {  	[tilespmem:s14], [sflag:$0x1] =	stream.indirect_vreg.gather [hbm4b:s4+s3], $0x80, v3, vm0, $0xb8;
	[tilespmem:$0xC100] =	vst v63  }
0x38: {  	v3 =	vld [tilespmem:$0x10];
	_ =	sdelay $0x4  }
0x39: {  	v57 =	vshll.u32 v3, $0x1  }
0x3a: {  	v3 =	vand.u32 $0x7, v3;
	v4 =	vand.u32 $0xFFFFFFF0, v57  }
0x3b: {  	v3 =	vor.u32 v3, v4  }
0x3c: {  	v4 =	vperm.xlane v3, v0;
	_ =	sdelay $0x1  }
0x3d: {  	v3 =	vperm.xlane v3, v2;
	v4 =	vadd.s32 v1, v4;
	_ =	sdelay $0x1  }
0x3e: {  	v3 =	vadd.s32 v1, v3;
	_ =	sdelay $0x2  }
0x3f: {  	[tilespmem:s15], [sflag:$0x1] =	stream.indirect_vreg.gather [hbm4b:s4+s3], $0x80, v4, vm0, $0xb8;
	[tilespmem:$0xC100] =	vst v63  }
0x40: {  	_ = 	snop  }
0x41: {  	[tilespmem:s16], [sflag:$0x1] =	stream.indirect_vreg.gather [hbm4b:s4+s3], $0x80, v3, vm0, $0xb8;
	[tilespmem:$0xC100] =	vst v63  }
0x42: {  	v3 =	vld [tilespmem:$0x20];
	_ =	sdelay $0x4  }
0x43: {  	v58 =	vshll.u32 v3, $0x1  }
0x44: {  	v3 =	vand.u32 $0x7, v3;
	v4 =	vand.u32 $0xFFFFFFF0, v58  }
0x45: {  	v3 =	vor.u32 v3, v4  }
0x46: {  	v4 =	vperm.xlane v3, v0;
	_ =	sdelay $0x1  }
0x47: {  	v3 =	vperm.xlane v3, v2;
	v4 =	vadd.s32 v1, v4;
	_ =	sdelay $0x1  }
0x48: {  	v3 =	vadd.s32 v1, v3;
	_ =	sdelay $0x2  }
0x49: {  	[tilespmem:s17], [sflag:$0x1] =	stream.indirect_vreg.gather [hbm4b:s4+s3], $0x80, v4, vm0, $0xb8;
	[tilespmem:$0xC100] =	vst v63  }
0x4a: {  	_ = 	snop  }
0x4b: {  	[tilespmem:s18], [sflag:$0x1] =	stream.indirect_vreg.gather [hbm4b:s4+s3], $0x80, v3, vm0, $0xb8;
	[tilespmem:$0xC100] =	vst v63  }
0x4c: {  	v3 =	vld [tilespmem:$0x30];
	_ =	sdelay $0x4  }
0x4d: {  	v59 =	vshll.u32 v3, $0x1  }
0x4e: {  	v3 =	vand.u32 $0x7, v3;
	v4 =	vand.u32 $0xFFFFFFF0, v59  }
0x4f: {  	v3 =	vor.u32 v3, v4  }
0x50: {  	v4 =	vperm.xlane v3, v0;
	_ =	sdelay $0x1  }
0x51: {  	v3 =	vperm.xlane v3, v2;
	v4 =	vadd.s32 v1, v4;
	_ =	sdelay $0x1  }
0x52: {  	v3 =	vadd.s32 v1, v3;
	_ =	sdelay $0x2  }
0x53: {  	[tilespmem:s19], [sflag:$0x1] =	stream.indirect_vreg.gather [hbm4b:s4+s3], $0x80, v4, vm0, $0xb8;
	[tilespmem:$0xC100] =	vst v63  }
0x54: {  	_ = 	snop  }
0x55: {  	[tilespmem:s20], [sflag:$0x1] =	stream.indirect_vreg.gather [hbm4b:s4+s3], $0x80, v3, vm0, $0xb8;
	[tilespmem:$0xC100] =	vst v63  }
0x56: {  	v3 =	vld [tilespmem:$0x40];
	_ =	sdelay $0x4  }
0x57: {  	v60 =	vshll.u32 v3, $0x1  }
0x58: {  	v3 =	vand.u32 $0x7, v3;
	v4 =	vand.u32 $0xFFFFFFF0, v60  }
0x59: {  	v3 =	vor.u32 v3, v4  }
0x5a: {  	v4 =	vperm.xlane v3, v0;
	_ =	sdelay $0x1  }
0x5b: {  	v3 =	vperm.xlane v3, v2;
	v4 =	vadd.s32 v1, v4;
	_ =	sdelay $0x1  }
0x5c: {  	v3 =	vadd.s32 v1, v3;
	_ =	sdelay $0x2  }
0x5d: {  	[tilespmem:s21], [sflag:$0x1] =	stream.indirect_vreg.gather [hbm4b:s4+s3], $0x80, v4, vm0, $0xb8;
	[tilespmem:$0xC100] =	vst v63  }
0x5e: {  	_ = 	snop  }
0x5f: {  	[tilespmem:s22], [sflag:$0x1] =	stream.indirect_vreg.gather [hbm4b:s4+s3], $0x80, v3, vm0, $0xb8;
	[tilespmem:$0xC100] =	vst v63  }
0x60: {  	v3 =	vld [tilespmem:$0x50];
	_ =	sdelay $0x4  }
0x61: {  	v61 =	vshll.u32 v3, $0x1  }
0x62: {  	v3 =	vand.u32 $0x7, v3;
	v4 =	vand.u32 $0xFFFFFFF0, v61  }
0x63: {  	v3 =	vor.u32 v3, v4  }
0x64: {  	v4 =	vperm.xlane v3, v0;
	_ =	sdelay $0x1  }
0x65: {  	v3 =	vperm.xlane v3, v2;
	v4 =	vadd.s32 v1, v4;
	_ =	sdelay $0x1  }
0x66: {  	v3 =	vadd.s32 v1, v3;
	_ =	sdelay $0x2  }
0x67: {  	[tilespmem:s23], [sflag:$0x1] =	stream.indirect_vreg.gather [hbm4b:s4+s3], $0x80, v4, vm0, $0xb8;
	[tilespmem:$0xC100] =	vst v63  }
0x68: {  	_ = 	snop  }
0x69: {  	[tilespmem:s24], [sflag:$0x1] =	stream.indirect_vreg.gather [hbm4b:s4+s3], $0x80, v3, vm0, $0xb8;
	[tilespmem:$0xC100] =	vst v63  }
0x6a: {  	v3 =	vld [tilespmem:$0x60];
	_ =	sdelay $0x4  }
0x6b: {  	v62 =	vshll.u32 v3, $0x1  }
0x6c: {  	v3 =	vand.u32 $0x7, v3;
	v4 =	vand.u32 $0xFFFFFFF0, v62  }
0x6d: {  	v3 =	vor.u32 v3, v4  }
0x6e: {  	v4 =	vperm.xlane v3, v0;
	_ =	sdelay $0x1  }
0x6f: {  	v3 =	vperm.xlane v3, v2;
	v4 =	vadd.s32 v1, v4;
	_ =	sdelay $0x1  }
0x70: {  	v3 =	vadd.s32 v1, v3;
	_ =	sdelay $0x2  }
0x71: {  	[tilespmem:s25], [sflag:$0x1] =	stream.indirect_vreg.gather [hbm4b:s4+s3], $0x80, v4, vm0, $0xb8;
	[tilespmem:$0xC100] =	vst v63  }
0x72: {  	_ = 	snop  }
0x73: {  	[tilespmem:s26], [sflag:$0x1] =	stream.indirect_vreg.gather [hbm4b:s4+s3], $0x80, v3, vm0, $0xb8;
	[tilespmem:$0xC100] =	vst v63  }
0x74: {  	v3 =	vld [tilespmem:$0x70];
	_ =	sdelay $0x4  }
0x75: {  	v63 =	vshll.u32 v3, $0x1  }
0x76: {  	v3 =	vand.u32 $0x7, v3;
	v4 =	vand.u32 $0xFFFFFFF0, v63  }
0x77: {  	v3 =	vor.u32 v3, v4  }
0x78: {  	v4 =	vperm.xlane v3, v0;
	_ =	sdelay $0x1  }
0x79: {  	v3 =	vperm.xlane v3, v2;
	v4 =	vadd.s32 v1, v4;
	_ =	sdelay $0x1  }
0x7a: {  	v3 =	vadd.s32 v1, v3;
	_ =	sdelay $0x2  }
0x7b: {  	[tilespmem:s28], [sflag:$0x1] =	stream.indirect_vreg.gather [hbm4b:s4+s3], $0x80, v4, vm0, $0xb8;
	[tilespmem:$0xC100] =	vst v63  }
0x7c: {  	_ = 	snop  }
0x7d: {  	[tilespmem:s29], [sflag:$0x1] =	stream.indirect_vreg.gather [hbm4b:s4+s3], $0x80, v3, vm0, $0xb8;
	[tilespmem:$0xC100] =	vst v63  }
0x7e: {  	s14 =	rddreg [dreg:$0x1]  }
0x7f: {  	[tilespmem:s30], [sflag:$0x2] =	stream.indirect.gather [hbm4b:s14+s12], $0x80, s12, s12, $0xb8;
	[tilespmem:$0xC100] =	vst v63  }
0x80: {  	_ =	swait.ge [sflag:s31], $0x8000  }
0x81: {  	[sflag:s31] =	ssyncset.done $0x0  }
0x82: {  	[sflag:s31] =	ssyncadd.s32 $0xFFFF8000  }
0x83: {  	_ =	swait.ge [sflag:s0], $0x4000  }
0x84: {  	[sflag:s0] =	ssyncset.done $0x0  }
0x85: {  	[sflag:s0] =	ssyncadd.s32 $0xFFFFC000  }
0x86: {  	[hbm4b:s8+s3] =	stream.linear.scatter [tilespmem:s13], [sflag:$0x4], $0x8000, $0x38;
	[tilespmem:$0xC100] =	vst v63  }
0x87: {  	_ =	swait.ge [sflag:s11], $0x8000  }
0x88: {  	[sflag:s11] =	ssyncset.done $0x0  }
.Ltmp5:
0x89: {  	[sflag:s11] =	ssyncadd.s32 $0xFFFF8000;
	(pc) =	sbr.rel .LBB2_4-.Ltmp5, $4  }
0x8a: {  	[hbm4b:s7+s3] =	stream.linear.scatter [tilespmem:s30], [sflag:$0x3], $0x4000, $0x38;
	[tilespmem:$0xC100] =	vst v63  }
0x8b: {  	_ =	swait.ge [sflag:s1], $0x4000  }
0x8c: {  	[sflag:s1] =	ssyncset.done $0x0  }
0x8d: {  	[sflag:s1] =	ssyncadd.s32 $0xFFFFC000  }
.LBB2_6:
0x8e: {  	_ =	sfence.sel $0x180000  }
0x8f: {  	[bflag:$0x0] =	sbarrier.arrive $0xFFFF  }
0x90: {  	_ =	strace $0x90000062  }
0x91: {  	s0 =	stileid.u32;
	[bflag:$0x2] =	sbarrier.arrive $0xFFFF  }
0x92: {  	p0 =	sne.s32 s0, $0x0;
	s0 =	rddreg [dreg:$0x2]  }
0x93: {  	s0 =	sadd.s32 @!p0 $0x100000, s0  }
0x94: {  	[sflag:s0] =	ssyncadd.tile.s32 @!p0 $0x1;
	_ =	shalt  }
.Lfunc_end2:
_tile_overlayer_lowered:
.L_overlay_start_2:
0x95: {  	(tag) =	ssettag $0x2  }
0x96: {  	s0 =	rddreg [dreg:$0x0];
	s2 =	stileid.u32  }
0x97: {  	s1 =	rddreg [dreg:$0x1];
	p0 =	sne.s32 s2, $0x0  }
0x98: {  	s3 =	rddreg [dreg:$0x2];
	[bflag:$0x3] =	sbarrier.arrive $0xFFFF;
	s2 =	simm.s32 @!p0 $0x1C03  }
0x99: {  	[timem:s3], [sflag:s2] =	dma.local @!p0 [hbm:s0], s1  }
0x9a: {  	s0 =	simm.s32 @!p0 $0x3  }
0x9b: {  	_ =	swait.ge @!p0 [sflag:s0], s1  }
0x9c: {  	s1 =	ssub.s32 @!p0 $0x0, s1;
	[sflag:s0] =	ssyncset.done @!p0 $0x0  }
0x9d: {  	[sflag:s0] =	ssyncadd.s32 @!p0 s1  }
0x9e: {  	[bflag:$0x3] =	sbarrier.arrive $0xFFFF  }
0x9f: {  	_ =	shalt  }

// kernel: kernel.54.cloned.1.call-start
scs
__scs_entry_jumppad:
0x0: {  	(pc) =	sbr.rel $0x88, $3  }
0x1: {  	(tag) =	ssettag $0x0;
	lr =	simm.s32 $0x1  }
0x2: {  	[smem:$0x3F5C] =	sst lr;
	_ =	strace $0xD0000000  }
0x3: {  	_ = 	snop  }
0x4: {  	_ = 	snop  }
0x5: {  	_ = 	snop  }
0x6: {  	_ = 	snop  }
0x7: {  	_ = 	snop  }
__scs_overlays_trampoline_lowered:
0x8: {  	[smem:$0x3F6B] =	sst s0  }
0x9: {  	[smem:$0x3F6C] =	sst s1  }
0xa: {  	[smem:$0x3F6D] =	sst s2  }
0xb: {  	[smem:$0x3F6E] =	sst s3  }
0xc: {  	[smem:$0x3F6F] =	sst s4  }
0xd: {  	[smem:$0x3F70] =	sst s5  }
0xe: {  	[smem:$0x3F71] =	sst s6  }
0xf: {  	[smem:$0x3F72] =	sst s7  }
0x10: {  	[smem:$0x3F73] =	sst s8  }
0x11: {  	[smem:$0x3F74] =	sst s9;
	s0 =	simm.s32 @!p0 $0x0  }
0x12: {  	s1 =	sld [smem:$0x3F5A];
	s0 =	simm.s32 @p0 $0x1  }
0x13: {  	[smem:$0x3F75] =	sst s0;
	s0 =	simm.s32 @!p1 $0x0  }
0x14: {  	s2 =	sld [smem:$0x3F59];
	s0 =	simm.s32 @p1 $0x1  }
0x15: {  	[smem:$0x3F76] =	sst s0;
	s0 =	simm.s32 @!p2 $0x0  }
0x16: {  	s3 =	sld [smem:$0x3FDB];
	s0 =	simm.s32 @p2 $0x1  }
0x17: {  	s4 =	simm.s32 $0x1BF5;
	[smem:$0x3F78] =	sst s0  }
0x18: {  	s0 =	sld [smem:$0x3F5B];
	_ =	swait.ge [sflag:s4], $0x0  }
0x19: {  	s7 =	sld [smem:$0x3F5C]  }
0x1a: {  	s8 =	sadd.s32 $0xFFFFE003, lr  }
0x1b: {  	s9 =	sadd.s32 $0xFFFFFEF7, lr;
	s5 =	simm.s32 $0xFFFFFFFF;
	p2 =	slt.u32 s8, $0xFFFFF086  }
0x1c: {  	p1 =	slt.u32 s9, $0xF7A;
	s5 =	simm.s32 @!p2 $0x0  }
0x1d: {  	s5 =	simm.s32 @p1 $0x1;
	p0 =	seq.s32 s7, s2  }
0x1e: {  	s7 =	smul.u32 @!p0 $0xF7A, s2;
	p2 =	seq.s32 @!p0 s5, $0x0  }
0x1f: {  	s9 =	smul.u32 $0xF7A, s1;
	s8 =	simm.s32 @!p0 $0x1BF5;
	p2 =	por !p2, p0  }
0x20: {  	[sflag:s8] =	ssyncset.s32 @!p0 $0xFFFFF086;
	s6 =	sadd.s32 @!p0 s3, s7;
	s7 =	simm.s32 @!p0 $0x108  }
0x21: {  	s3 =	sadd.s32 s3, s9;
	s6 =	sadd.s32 @!p0 $0x88, s6;
	s7 =	simm.s32 @p2 $0x1082  }
0x22: {  	[simem:s7], [sflag:s8] =	dma.local @!p0 [hbm:s6], $0xF7A  }
0x23: {  	s9 =	sor.u32 $0xD0000000, s2;
	s6 =	simm.s32 $0x108;
	_ =	swait.ge @!p0 [sflag:s8], $0x0  }
0x24: {  	s3 =	sadd.s32 $0x88, s3;
	s6 =	simm.s32 @!p1 $0x1082;
	[sflag:s4] =	ssyncset.s32 $0xFFFFF086  }
0x25: {  	[simem:s6], [sflag:s4] =	dma.local [hbm:s3], $0xF7A  }
0x26: {  	[smem:$0x3F5C] =	sst s1;
	(tag) =	ssettag s2;
	_ =	strace s9  }
0x27: {  	s1 =	sld [smem:$0x3F6C]  }
0x28: {  	s2 =	sld [smem:$0x3F6D]  }
0x29: {  	s4 =	sld [smem:$0x3F6F]  }
0x2a: {  	p0 =	seq.s32 s5, $0x0;
	s5 =	sld [smem:$0x3F70]  }
0x2b: {  	s6 =	sld [smem:$0x3F71]  }
0x2c: {  	s7 =	sld [smem:$0x3F72]  }
0x2d: {  	s3 =	simm.s32 $0x108;
	s8 =	sld [smem:$0x3F73]  }
0x2e: {  	s3 =	simm.s32 @!p0 $0x1082;
	s9 =	sld [smem:$0x3F74]  }
0x2f: {  	lr =	sadd.s32 s0, s3;
	s0 =	sld [smem:$0x3F6B]  }
0x30: {  	s3 =	sld [smem:$0x3F6E]  }
0x31: {  	[smem:$0x3F77] =	sst s10  }
0x32: {  	s10 =	sld [smem:$0x3F75];
	_ =	sdelay $0x3  }
0x33: {  	p0 =	seq.s32 s10, $0x1;
	s10 =	sld [smem:$0x3F77];
	_ =	sdelay $0x3  }
0x34: {  	[smem:$0x3F77] =	sst s10  }
0x35: {  	s10 =	sld [smem:$0x3F76];
	_ =	sdelay $0x3  }
0x36: {  	p1 =	seq.s32 s10, $0x1;
	s10 =	sld [smem:$0x3F77];
	_ =	sdelay $0x3  }
0x37: {  	[smem:$0x3F77] =	sst s10  }
0x38: {  	s10 =	sld [smem:$0x3F78]  }
0x39: {  	_ = 	snop;
	(pc) =	sbr.ind lr, $3  }
0x3a: {  	_ = 	snop  }
0x3b: {  	_ = 	snop  }
0x3c: {  	p2 =	seq.s32 s10, $0x1;
	s10 =	sld [smem:$0x3F77]  }
0x3d: {  	_ =	shalt  }
0x3e: {  	_ =	shalt  }
0x3f: {  	_ =	shalt  }
0x40: {  	_ =	shalt  }
0x41: {  	_ =	shalt  }
0x42: {  	_ =	shalt  }
0x43: {  	_ =	shalt  }
0x44: {  	_ =	shalt  }
0x45: {  	_ =	shalt  }
0x46: {  	_ =	shalt  }
0x47: {  	_ =	shalt  }
0x48: {  	_ =	shalt  }
0x49: {  	_ =	shalt  }
0x4a: {  	_ =	shalt  }
0x4b: {  	_ =	shalt  }
0x4c: {  	_ =	shalt  }
0x4d: {  	_ =	shalt  }
0x4e: {  	_ =	shalt  }
0x4f: {  	_ =	shalt  }
0x50: {  	_ =	shalt  }
0x51: {  	_ =	shalt  }
0x52: {  	_ =	shalt  }
0x53: {  	_ =	shalt  }
0x54: {  	_ =	shalt  }
0x55: {  	_ =	shalt  }
0x56: {  	_ =	shalt  }
0x57: {  	_ =	shalt  }
0x58: {  	_ =	shalt  }
0x59: {  	_ =	shalt  }
0x5a: {  	_ =	shalt  }
0x5b: {  	_ =	shalt  }
0x5c: {  	_ =	shalt  }
0x5d: {  	_ =	shalt  }
0x5e: {  	_ =	shalt  }
0x5f: {  	_ =	shalt  }
0x60: {  	_ =	shalt  }
0x61: {  	_ =	shalt  }
0x62: {  	_ =	shalt  }
0x63: {  	_ =	shalt  }
0x64: {  	_ =	shalt  }
0x65: {  	_ =	shalt  }
0x66: {  	_ =	shalt  }
0x67: {  	_ =	shalt  }
0x68: {  	_ =	shalt  }
0x69: {  	_ =	shalt  }
0x6a: {  	_ =	shalt  }
0x6b: {  	_ =	shalt  }
0x6c: {  	_ =	shalt  }
0x6d: {  	_ =	shalt  }
0x6e: {  	_ =	shalt  }
0x6f: {  	_ =	shalt  }
0x70: {  	_ =	shalt  }
0x71: {  	_ =	shalt  }
0x72: {  	_ =	shalt  }
0x73: {  	_ =	shalt  }
0x74: {  	_ =	shalt  }
0x75: {  	_ =	shalt  }
0x76: {  	_ =	shalt  }
0x77: {  	_ =	shalt  }
0x78: {  	_ =	shalt  }
0x79: {  	_ =	shalt  }
0x7a: {  	_ =	shalt  }
0x7b: {  	_ =	shalt  }
0x7c: {  	_ =	shalt  }
0x7d: {  	_ =	shalt  }
0x7e: {  	_ =	shalt  }
0x7f: {  	_ =	shalt  }
0x80: {  	_ =	shalt  }
0x81: {  	_ =	shalt  }
0x82: {  	_ =	shalt  }
0x83: {  	_ =	shalt  }
0x84: {  	_ =	shalt  }
0x85: {  	_ =	shalt  }
0x86: {  	_ =	shalt  }
0x87: {  	_ =	shalt  }
.Lfunc_end0:
.L_simem_size_0:
called_computation.9_lowered:
.L_overlay_start_0:
0x88: {  	s2 =	sld [smem:$0x3FD9]  }
0x89: {  	s3 =	sld [smem:$0x3FFE];
	_ =	sdelay $0x1  }
0x8a: {  	s1 =	srdreg.scid  }
0x8b: {  	s0 =	sand.u32 $0x1, s1  }
0x8c: {  	s17 =	sshll.u32 s0, $0xA;
	s2 =	sadd.s32 s3, s2  }
0x8d: {  	s2 =	sadd.s32 s2, s17  }
0x8e: {  	[smem:$0x3F83] =	sst s2  }
0x8f: {  	_ = 	snop  }
0x90: {  	(tm) =	ssettm $0x1  }
0x91: {  	s18 =	sld [smem:$0x3FFB];
	_ =	sdelay $0x3  }
0x92: {  	_ =	strace s18  }
0x93: {  	s2 =	sld [smem:$0x3FFC];
	_ =	sdelay $0x3  }
0x94: {  	_ =	strace s2  }
0x95: {  	s2 =	sld [smem:$0x3FFD];
	_ =	sdelay $0x3  }
0x96: {  	_ =	strace s2  }
0x97: {  	_ =	strace $0x8FFFFFFF  }
0x98: {  	s19 =	sld [smem:$0x3FDB];
	_ =	sdelay $0x1  }
0x99: {  	s20 =	simm.s32 $_scs_section_size  }
0x9a: {  	s4 =	simm.s32 $_size__tile_overlayer_lowered;
	s5 =	simm.s32 $_tile_overlayer_lowered  }
0x9b: {  	s6 =	simm.s32 $0x1BFF;
	s21 =	sshll.u32 s5, $0x1;
	s3 =	sadd.s32 s20, s19  }
0x9c: {  	s22 =	simm.s32 $0x0;
	s4 =	sshll.u32 s4, $0x1;
	s5 =	sadd.s32 s21, s3  }
0x9d: {  	[timem:s22], [sflag:s6] =	dma.local [hbm:s5], s4  }
0x9e: {  	_ =	swait.ge [sflag:s6], s4  }
0x9f: {  	s4 =	ssub.s32 $0x0, s4;
	[sflag:s6] =	ssyncset.done $0x0  }
0xa0: {  	[sflag:s6] =	ssyncadd.s32 s4;
	_ =	sdelay $0x1  }
0xa1: {  	s23 =	simm.s32 $0x1B8B  }
0xa2: {  	_ =	swait.ge [sflag:s23], $0x1  }
0xa3: {  	[sflag:s23] =	ssyncset.done $0x0  }
0xa4: {  	[sflag:s23] =	ssyncadd.s32 $0xFFFFFFFF  }
0xa5: {  	s4 =	sld [smem:$0x0]  }
0xa6: {  	s5 =	sand.u32 $0xFFFFFFFE, s1  }
0xa7: {  	p0 =	sne.s32 s1, s5  }
0xa8: {  	s5 =	sshll.u32 @p0 s5, $0xE  }
0xa9: {  	s5 =	sadd.s32 @p0 $0x11B8D, s5;
	s6 =	sshll.u32 @p0 s4, $0x11  }
0xaa: {  	s5 =	sor.u32 @p0 s6, s5  }
0xab: {  	[sflag:s5] =	ssyncadd.remote.s32 @p0 $0x1;
	_ =	sdelay $0x1  }
0xac: {  	s5 =	simm.s32 @p0 $0x1B8D  }
0xad: {  	_ =	swait.eq @p0 [sflag:s5], $0x1  }
0xae: {  	[sflag:s5] =	ssyncadd.s32 @p0 $0xFFFFFFFF  }
0xaf: {  	s6 =	sshll.u32 @!p0 s1, $0xE  }
0xb0: {  	s6 =	sor.u32 @!p0 $0x4000, s6;
	s5 =	simm.s32 @!p0 $0x1B8D  }
0xb1: {  	s4 =	sshll.u32 @!p0 s4, $0x11;
	s6 =	sadd.s32 @!p0 $0x11B8D, s6;
	_ =	swait.eq @!p0 [sflag:s5], $0x1  }
0xb2: {  	s4 =	sor.u32 @!p0 s4, s6;
	[sflag:s5] =	ssyncadd.s32 @!p0 $0xFFFFFFFF  }
0xb3: {  	s25 =	simm.s32 $0x1B8E;
	s24 =	sld [smem:$0x3FFE];
	[sflag:s4] =	ssyncadd.remote.s32 @!p0 $0x1  }
0xb4: {  	s26 =	simm.s32 $execute0_lowered;
	[smem:$0x3FD2] =	sst s25  }
0xb5: {  	s5 =	sshll.u32 s26, $0x1;
	_ =	strace $0x80000067;
	[dreg:$0x1] =	wrdreg $0xFFFFFFFF  }
0xb6: {  	s28 =	simm.s32 $_size_execute0_lowered;
	s3 =	sadd.s32 s3, s5;
	[dreg:$0x0] =	wrdreg $0x0  }
0xb7: {  	s5 =	sshll.u32 s28, $0x1;
	[dreg:$0x2] =	wrdreg s3  }
0xb8: {  	[dreg:$0x3] =	wrdreg s5  }
0xb9: {  	[dreg:$0x4] =	wrdreg $0xC0  }
0xba: {  	_ =	task [dreg:s22], $0x5FFFF  }
0xbb: {  	[dreg:$0x1] =	wrdreg $0xFFFFFFFF  }
0xbc: {  	[dreg:$0x0] =	wrdreg $0x60  }
0xbd: {  	[dreg:$0x2] =	wrdreg s24  }
0xbe: {  	[dreg:$0x3] =	wrdreg $0x40800  }
0xbf: {  	[dreg:$0x4] =	wrdreg $0x9  }
0xc0: {  	_ =	task.clear_ibuf [dreg:s22], $0x5FFFF;
	_ =	strace $0x90000067  }
0xc1: {  	s29 =	simm.s32 $0x9;
	_ =	strace $0x80000069  }
0xc2: {  	_ =	swait.ge [sflag:s29], $0x1  }
0xc3: {  	[sflag:s29] =	ssyncadd.s32 $0xFFFFFFFF  }
0xc4: {  	_ =	strace $0x90000069  }
0xc5: {  	_ =	sfence  }
0xc6: {  	s30 =	sld [smem:$0x0];
	_ =	sdelay $0x2  }
0xc7: {  	s31 =	sshll.u32 s1, $0xD;
	s1 =	sshrl.u32 s1, $0x2  }
0xc8: {  	s4 =	sand.u32 $0x4000, s31;
	s1 =	sadd.s32 s1, s30  }
0xc9: {  	s0 =	sor.u32 s4, s0;
	s1 =	sshll.u32 s1, $0x11  }
0xca: {  	s0 =	sor.u32 s1, s0  }
0xcb: {  	s0 =	sadd.s32 $0x8F2B, s0  }
0xcc: {  	[sflag:s0] =	ssyncadd.remote.s32 $0x1  }
0xcd: {  	_ =	sfence.sel $0xFFFF  }
0xce: {  	[dreg:$0x0] =	wrdreg $0xFFFFFFFF;
	(pc) =	sbr.abs _section_cstart, $3  }
0xcf: {  	[dreg:$0x1] =	wrdreg $0xFFFFFFFF  }
0xd0: {  	_ =	task.clear_ibuf [dreg:s22], $0x2FFFF;
	_ =	strace $0x9FFFFFFF  }
0xd1: {  	(tm) =	ssettm $0x7FFFFFFF  }
tec
execute0_lowered:
.L_overlay_start_1:
0x0: {  	(tag) =	ssettag $0x1  }
0x1: {  	s4 =	rddreg [dreg:$0x0]  }
0x2: {  	s2 =	rddreg [dreg:$0x1]  }
0x3: {  	s1 =	stileid.u32;
	s3 =	srdreg.scid  }
0x4: {  	s0 =	rddreg [dreg:$0x2];
	s5 =	smul.u32 $0x13C00, s1;
	s6 =	sand.u32 $0x1, s3  }
0x5: {  	s3 =	simm.s32 $0x0;
	s7 =	sshll.u32 s1, $0xC;
	s11 =	smul.u32 $0x4F000, s1  }
0x6: {  	s25 =	sshll.u32 s1, $0x4;
	s31 =	sshll.u32 s1, $0x6;
	s8 =	smul.u32 $0x13C000, s6  }
0x7: {  	[smem:$0x7FF] =	sst s3;
	s9 =	sadd.s32 s7, s4;
	s10 =	sadd.s32 s25, s4  }
0x8: {  	s28 =	ssub.s32 $0x2, s6;
	s13 =	sshll.u32 s6, $0x7;
	s26 =	sshrl.u32 s5, $0x3  }
0x9: {  	s29 =	sshrl.u32 s28, $0x1;
	_ =	strace $0x80000068;
	s30 =	sshrl.u32 s11, $0x2  }
0xa: {  	s9 =	sadd.s32 s13, s9;
	s5 =	sadd.s32 s5, s8;
	s7 =	sadd.s32 s26, s4  }
0xb: {  	s8 =	ssub.s32 s28, s29;
	s11 =	sadd.s32 s30, s2;
	s5 =	sshrl.u32 s5, $0x3  }
0xc: {  	s9 =	sadd.s32 $0x7EDA00, s9;
	s12 =	sadd.s32 s5, s4;
	s4 =	sadd.s32 $0x90A00, s7  }
0xd: {  	s5 =	sor.u32 $0x1C02, s31;
	s7 =	smax.u32 s8, $0x1;
	s8 =	sadd.s32 $0x7E8A00, s10  }
0xe: {  	s10 =	sshrl.u32 s11, $0x3;
	s11 =	simm.s32 $0x2;
	s6 =	sadd.s32 $0x16600, s12  }
.LBB2_1:
0xf: {  	[spmem:s10], [sflag:s5] =	dma.local [hbm:s4], $0x2780  }
0x10: {  	_ =	swait.ge [sflag:s11], $0x2780  }
0x11: {  	s12 =	sadd.s32 $0x0, s1;
	[sflag:s11] =	ssyncset.done $0x0  }
0x12: {  	p0 =	sgt.u32 s12, $0x4E1;
	[sflag:s11] =	ssyncadd.s32 $0xFFFFD880  }
0x13: {  	s12 =	simm.s32 @!p0 $0x0;
	s13 =	simm.s32 @!p0 $0x3;
	[bflag:$0x0] =	sbarrier.arrive $0xFFFF  }
0x14: {  	[tilespmem:s12], [sflag:$0x3] =	stream.linear.gather @!p0 [hbm4b:s8+s12], $0x80, $0x38;
	[tilespmem:$0x17C80] =	vst v63  }
0x15: {  	_ =	swait.ge @!p0 [sflag:s13], $0x80  }
0x16: {  	s14 =	simm.s32 @!p0 $0x80;
	s15 =	simm.s32 @!p0 $0x1;
	[sflag:s13] =	ssyncset.done @!p0 $0x0  }
0x17: {  	s16 =	simm.s32 @!p0 $0x800;
	[sflag:s13] =	ssyncadd.s32 @!p0 $0xFFFFFF80;
	s13 =	simm.s32 @!p0 $0x400  }
0x18: {  	[tilespmem:s14], [sflag:$0x1] =	stream.strided.gather @!p0 [hbm4b:s9+s13], $0x4000, s16, s13, $0x38;
	[tilespmem:$0x17C80] =	vst v63  }
0x19: {  	p1 =	por p0, p0;
	_ =	swait.ge @!p0 [sflag:s15], $0x4000  }
0x1a: {  	[sflag:s15] =	ssyncset.done @!p1 $0x0  }
0x1b: {  	s31 =	sadd.s32 $0x10, s1;
	[sflag:s15] =	ssyncadd.s32 @!p1 $0xFFFFC000;
	s15 =	simm.s32 @!p1 $0x2  }
0x1c: {  	[spmem:s2] =	stream.indirect.scatter.add.f32 @!p1 [tilespmem:s14], [sflag:$0x2], $0x80, s12, s14, $0xb8;
	[tilespmem:$0x17C80] =	vst v63  }
0x1d: {  	s13 =	simm.s32 $0x20;
	p0 =	sgt.u32 s31, $0x4E1;
	_ =	swait.ge @!p1 [sflag:s15], $0x4000  }
0x1e: {  	s12 =	sadd.s32 $0x10000, s9;
	s14 =	sadd.s32 $0x100, s8;
	[sflag:s15] =	ssyncset.done @!p1 $0x0  }
.LBB2_2:
0x1f: {  	s16 =	simm.s32 @!p0 $0x0;
	s17 =	simm.s32 @!p0 $0x3;
	[sflag:s15] =	ssyncadd.s32 @!p1 $0xFFFFC000  }
0x20: {  	[tilespmem:s16], [sflag:$0x3] =	stream.linear.gather @!p0 [hbm4b:s14+s16], $0x80, $0x38;
	[tilespmem:$0x17C80] =	vst v63  }
0x21: {  	s18 =	smov.u32 s13;
	s13 =	sadd.s32 $0x10, s13;
	_ =	swait.ge @!p0 [sflag:s17], $0x80  }
0x22: {  	s19 =	simm.s32 @!p0 $0x80;
	s15 =	simm.s32 @!p0 $0x1;
	[sflag:s17] =	ssyncset.done @!p0 $0x0  }
0x23: {  	s20 =	simm.s32 @!p0 $0x800;
	[sflag:s17] =	ssyncadd.s32 @!p0 $0xFFFFFF80;
	s17 =	simm.s32 @!p0 $0x400  }
0x24: {  	[tilespmem:s19], [sflag:$0x1] =	stream.strided.gather @!p0 [hbm4b:s12+s17], $0x4000, s20, s17, $0x38;
	[tilespmem:$0x17C80] =	vst v63  }
0x25: {  	p1 =	por p0, p0;
	p2 =	sne.s32 s13, $0x4F0;
	_ =	swait.ge @!p0 [sflag:s15], $0x4000  }
.Ltmp0:
0x26: {  	[sflag:s15] =	ssyncset.done @!p1 $0x0;
	(pc) =	sbr.rel @p2 .LBB2_2-.Ltmp0, $4  }
0x27: {  	[sflag:s15] =	ssyncadd.s32 @!p1 $0xFFFFC000;
	s15 =	simm.s32 @!p1 $0x2  }
0x28: {  	[spmem:s2] =	stream.indirect.scatter.add.f32 @!p1 [tilespmem:s19], [sflag:$0x2], $0x80, s16, s19, $0xb8;
	[tilespmem:$0x17C80] =	vst v63  }
0x29: {  	s12 =	sadd.s32 $0x10000, s12;
	s16 =	sadd.s32 s18, s1;
	_ =	swait.ge @!p1 [sflag:s15], $0x4000  }
0x2a: {  	s14 =	sadd.s32 $0x100, s14;
	p0 =	sgt.u32 s16, $0x4E1;
	[sflag:s15] =	ssyncset.done @!p1 $0x0  }
0x2b: {  	s13 =	simm.s32 @!p0 $0x0;
	s16 =	simm.s32 @!p0 $0x3;
	[sflag:s15] =	ssyncadd.s32 @!p1 $0xFFFFC000  }
0x2c: {  	[tilespmem:s13], [sflag:$0x3] =	stream.linear.gather @!p0 [hbm4b:s14+s13], $0x80, $0x38;
	[tilespmem:$0x17C80] =	vst v63  }
0x2d: {  	_ =	swait.ge @!p0 [sflag:s16], $0x80  }
0x2e: {  	s15 =	simm.s32 @!p0 $0x1;
	s17 =	simm.s32 @!p0 $0x800;
	[sflag:s16] =	ssyncset.done @!p0 $0x0  }
0x2f: {  	s14 =	simm.s32 @!p0 $0x80;
	[sflag:s16] =	ssyncadd.s32 @!p0 $0xFFFFFF80;
	s16 =	simm.s32 @!p0 $0x400  }
0x30: {  	[tilespmem:s14], [sflag:$0x1] =	stream.strided.gather @!p0 [hbm4b:s12+s16], $0x4000, s17, s16, $0x38;
	[tilespmem:$0x17C80] =	vst v63  }
0x31: {  	_ =	swait.ge @!p0 [sflag:s15], $0x4000;
	p0 =	por p0, p0  }
0x32: {  	[sflag:s15] =	ssyncset.done @!p0 $0x0  }
0x33: {  	s12 =	simm.s32 @!p0 $0x2;
	[sflag:s15] =	ssyncadd.s32 @!p0 $0xFFFFC000  }
0x34: {  	[spmem:s2] =	stream.indirect.scatter.add.f32 @!p0 [tilespmem:s14], [sflag:$0x2], $0x80, s13, s14, $0xb8;
	[tilespmem:$0x17C80] =	vst v63  }
0x35: {  	_ =	swait.ge @!p0 [sflag:s12], $0x4000  }
0x36: {  	s3 =	sadd.s32 $0x1, s3;
	[sflag:s12] =	ssyncset.done @!p0 $0x0  }
0x37: {  	[sflag:s12] =	ssyncadd.s32 @!p0 $0xFFFFC000;
	p0 =	sne.s32 s3, s7  }
.Ltmp1:
0x38: {  	[bflag:$0x0] =	sbarrier.arrive $0xFFFF;
	(pc) =	sbr.rel @p0 .LBB2_1-.Ltmp1, $4  }
0x39: {  	[hbm:s6], [sflag:s5] =	dma.local [spmem:s10], $0x2780  }
0x3a: {  	_ =	swait.ge [sflag:s11], $0x2780  }
0x3b: {  	[sflag:s11] =	ssyncset.done $0x0  }
0x3c: {  	[sflag:s11] =	ssyncadd.s32 $0xFFFFD880  }
0x3d: {  	_ =	sfence.sel $0x180000  }
0x3e: {  	[bflag:$0x0] =	sbarrier.arrive $0xFFFF  }
0x3f: {  	p0 =	sne.s32 s1, $0x0;
	_ =	strace $0x90000068  }
0x40: {  	s0 =	sadd.s32 @!p0 $0x100000, s0;
	[bflag:$0x2] =	sbarrier.arrive $0xFFFF  }
0x41: {  	[sflag:s0] =	ssyncadd.tile.s32 @!p0 $0x1;
	_ =	shalt  }
.Lfunc_end2:
_tile_overlayer_lowered:
.L_overlay_start_2:
0x42: {  	(tag) =	ssettag $0x2  }
0x43: {  	s0 =	rddreg [dreg:$0x0];
	s2 =	stileid.u32  }
0x44: {  	s1 =	rddreg [dreg:$0x1];
	p0 =	sne.s32 s2, $0x0  }
0x45: {  	s3 =	rddreg [dreg:$0x2];
	[bflag:$0x3] =	sbarrier.arrive $0xFFFF;
	s2 =	simm.s32 @!p0 $0x1C02  }
0x46: {  	[timem:s3], [sflag:s2] =	dma.local @!p0 [hbm:s0], s1  }
0x47: {  	s0 =	simm.s32 @!p0 $0x2  }
0x48: {  	_ =	swait.ge @!p0 [sflag:s0], s1  }
0x49: {  	s1 =	ssub.s32 @!p0 $0x0, s1;
	[sflag:s0] =	ssyncset.done @!p0 $0x0  }
0x4a: {  	[sflag:s0] =	ssyncadd.s32 @!p0 s1  }
0x4b: {  	[bflag:$0x3] =	sbarrier.arrive $0xFFFF  }
0x4c: {  	_ =	shalt  }

// kernel: kernel.57.cloned.1.call-start
scs
__scs_entry_jumppad:
0x0: {  	(pc) =	sbr.rel $0x88, $3  }
0x1: {  	(tag) =	ssettag $0x0;
	lr =	simm.s32 $0x1  }
0x2: {  	[smem:$0x3F5C] =	sst lr;
	_ =	strace $0xD0000000  }
0x3: {  	_ = 	snop  }
0x4: {  	_ = 	snop  }
0x5: {  	_ = 	snop  }
0x6: {  	_ = 	snop  }
0x7: {  	_ = 	snop  }
__scs_overlays_trampoline_lowered:
0x8: {  	[smem:$0x3F6B] =	sst s0  }
0x9: {  	[smem:$0x3F6C] =	sst s1  }
0xa: {  	[smem:$0x3F6D] =	sst s2  }
0xb: {  	[smem:$0x3F6E] =	sst s3  }
0xc: {  	[smem:$0x3F6F] =	sst s4  }
0xd: {  	[smem:$0x3F70] =	sst s5  }
0xe: {  	[smem:$0x3F71] =	sst s6  }
0xf: {  	[smem:$0x3F72] =	sst s7  }
0x10: {  	[smem:$0x3F73] =	sst s8  }
0x11: {  	[smem:$0x3F74] =	sst s9;
	s0 =	simm.s32 @!p0 $0x0  }
0x12: {  	s1 =	sld [smem:$0x3F5A];
	s0 =	simm.s32 @p0 $0x1  }
0x13: {  	[smem:$0x3F75] =	sst s0;
	s0 =	simm.s32 @!p1 $0x0  }
0x14: {  	s2 =	sld [smem:$0x3F59];
	s0 =	simm.s32 @p1 $0x1  }
0x15: {  	[smem:$0x3F76] =	sst s0;
	s0 =	simm.s32 @!p2 $0x0  }
0x16: {  	s3 =	sld [smem:$0x3FDB];
	s0 =	simm.s32 @p2 $0x1  }
0x17: {  	s4 =	simm.s32 $0x1BF5;
	[smem:$0x3F78] =	sst s0  }
0x18: {  	s0 =	sld [smem:$0x3F5B];
	_ =	swait.ge [sflag:s4], $0x0  }
0x19: {  	s7 =	sld [smem:$0x3F5C]  }
0x1a: {  	s8 =	sadd.s32 $0xFFFFE003, lr  }
0x1b: {  	s9 =	sadd.s32 $0xFFFFFEF7, lr;
	s5 =	simm.s32 $0xFFFFFFFF;
	p2 =	slt.u32 s8, $0xFFFFF086  }
0x1c: {  	p1 =	slt.u32 s9, $0xF7A;
	s5 =	simm.s32 @!p2 $0x0  }
0x1d: {  	s5 =	simm.s32 @p1 $0x1;
	p0 =	seq.s32 s7, s2  }
0x1e: {  	s7 =	smul.u32 @!p0 $0xF7A, s2;
	p2 =	seq.s32 @!p0 s5, $0x0  }
0x1f: {  	s9 =	smul.u32 $0xF7A, s1;
	s8 =	simm.s32 @!p0 $0x1BF5;
	p2 =	por !p2, p0  }
0x20: {  	[sflag:s8] =	ssyncset.s32 @!p0 $0xFFFFF086;
	s6 =	sadd.s32 @!p0 s3, s7;
	s7 =	simm.s32 @!p0 $0x108  }
0x21: {  	s3 =	sadd.s32 s3, s9;
	s6 =	sadd.s32 @!p0 $0x88, s6;
	s7 =	simm.s32 @p2 $0x1082  }
0x22: {  	[simem:s7], [sflag:s8] =	dma.local @!p0 [hbm:s6], $0xF7A  }
0x23: {  	s9 =	sor.u32 $0xD0000000, s2;
	s6 =	simm.s32 $0x108;
	_ =	swait.ge @!p0 [sflag:s8], $0x0  }
0x24: {  	s3 =	sadd.s32 $0x88, s3;
	s6 =	simm.s32 @!p1 $0x1082;
	[sflag:s4] =	ssyncset.s32 $0xFFFFF086  }
0x25: {  	[simem:s6], [sflag:s4] =	dma.local [hbm:s3], $0xF7A  }
0x26: {  	[smem:$0x3F5C] =	sst s1;
	(tag) =	ssettag s2;
	_ =	strace s9  }
0x27: {  	s1 =	sld [smem:$0x3F6C]  }
0x28: {  	s2 =	sld [smem:$0x3F6D]  }
0x29: {  	s4 =	sld [smem:$0x3F6F]  }
0x2a: {  	p0 =	seq.s32 s5, $0x0;
	s5 =	sld [smem:$0x3F70]  }
0x2b: {  	s6 =	sld [smem:$0x3F71]  }
0x2c: {  	s7 =	sld [smem:$0x3F72]  }
0x2d: {  	s3 =	simm.s32 $0x108;
	s8 =	sld [smem:$0x3F73]  }
0x2e: {  	s3 =	simm.s32 @!p0 $0x1082;
	s9 =	sld [smem:$0x3F74]  }
0x2f: {  	lr =	sadd.s32 s0, s3;
	s0 =	sld [smem:$0x3F6B]  }
0x30: {  	s3 =	sld [smem:$0x3F6E]  }
0x31: {  	[smem:$0x3F77] =	sst s10  }
0x32: {  	s10 =	sld [smem:$0x3F75];
	_ =	sdelay $0x3  }
0x33: {  	p0 =	seq.s32 s10, $0x1;
	s10 =	sld [smem:$0x3F77];
	_ =	sdelay $0x3  }
0x34: {  	[smem:$0x3F77] =	sst s10  }
0x35: {  	s10 =	sld [smem:$0x3F76];
	_ =	sdelay $0x3  }
0x36: {  	p1 =	seq.s32 s10, $0x1;
	s10 =	sld [smem:$0x3F77];
	_ =	sdelay $0x3  }
0x37: {  	[smem:$0x3F77] =	sst s10  }
0x38: {  	s10 =	sld [smem:$0x3F78]  }
0x39: {  	_ = 	snop;
	(pc) =	sbr.ind lr, $3  }
0x3a: {  	_ = 	snop  }
0x3b: {  	_ = 	snop  }
0x3c: {  	p2 =	seq.s32 s10, $0x1;
	s10 =	sld [smem:$0x3F77]  }
0x3d: {  	_ =	shalt  }
0x3e: {  	_ =	shalt  }
0x3f: {  	_ =	shalt  }
0x40: {  	_ =	shalt  }
0x41: {  	_ =	shalt  }
0x42: {  	_ =	shalt  }
0x43: {  	_ =	shalt  }
0x44: {  	_ =	shalt  }
0x45: {  	_ =	shalt  }
0x46: {  	_ =	shalt  }
0x47: {  	_ =	shalt  }
0x48: {  	_ =	shalt  }
0x49: {  	_ =	shalt  }
0x4a: {  	_ =	shalt  }
0x4b: {  	_ =	shalt  }
0x4c: {  	_ =	shalt  }
0x4d: {  	_ =	shalt  }
0x4e: {  	_ =	shalt  }
0x4f: {  	_ =	shalt  }
0x50: {  	_ =	shalt  }
0x51: {  	_ =	shalt  }
0x52: {  	_ =	shalt  }
0x53: {  	_ =	shalt  }
0x54: {  	_ =	shalt  }
0x55: {  	_ =	shalt  }
0x56: {  	_ =	shalt  }
0x57: {  	_ =	shalt  }
0x58: {  	_ =	shalt  }
0x59: {  	_ =	shalt  }
0x5a: {  	_ =	shalt  }
0x5b: {  	_ =	shalt  }
0x5c: {  	_ =	shalt  }
0x5d: {  	_ =	shalt  }
0x5e: {  	_ =	shalt  }
0x5f: {  	_ =	shalt  }
0x60: {  	_ =	shalt  }
0x61: {  	_ =	shalt  }
0x62: {  	_ =	shalt  }
0x63: {  	_ =	shalt  }
0x64: {  	_ =	shalt  }
0x65: {  	_ =	shalt  }
0x66: {  	_ =	shalt  }
0x67: {  	_ =	shalt  }
0x68: {  	_ =	shalt  }
0x69: {  	_ =	shalt  }
0x6a: {  	_ =	shalt  }
0x6b: {  	_ =	shalt  }
0x6c: {  	_ =	shalt  }
0x6d: {  	_ =	shalt  }
0x6e: {  	_ =	shalt  }
0x6f: {  	_ =	shalt  }
0x70: {  	_ =	shalt  }
0x71: {  	_ =	shalt  }
0x72: {  	_ =	shalt  }
0x73: {  	_ =	shalt  }
0x74: {  	_ =	shalt  }
0x75: {  	_ =	shalt  }
0x76: {  	_ =	shalt  }
0x77: {  	_ =	shalt  }
0x78: {  	_ =	shalt  }
0x79: {  	_ =	shalt  }
0x7a: {  	_ =	shalt  }
0x7b: {  	_ =	shalt  }
0x7c: {  	_ =	shalt  }
0x7d: {  	_ =	shalt  }
0x7e: {  	_ =	shalt  }
0x7f: {  	_ =	shalt  }
0x80: {  	_ =	shalt  }
0x81: {  	_ =	shalt  }
0x82: {  	_ =	shalt  }
0x83: {  	_ =	shalt  }
0x84: {  	_ =	shalt  }
0x85: {  	_ =	shalt  }
0x86: {  	_ =	shalt  }
0x87: {  	_ =	shalt  }
.Lfunc_end0:
.L_simem_size_0:
called_computation.10_lowered:
.L_overlay_start_0:
0x88: {  	s2 =	sld [smem:$0x3FD9]  }
0x89: {  	s3 =	sld [smem:$0x3FFE];
	_ =	sdelay $0x1  }
0x8a: {  	s1 =	srdreg.scid  }
0x8b: {  	s0 =	sand.u32 $0x1, s1  }
0x8c: {  	s17 =	sshll.u32 s0, $0xA;
	s2 =	sadd.s32 s3, s2  }
0x8d: {  	s2 =	sadd.s32 s2, s17  }
0x8e: {  	[smem:$0x3F83] =	sst s2  }
0x8f: {  	_ = 	snop  }
0x90: {  	s2 =	sld [smem:$0x3FD0];
	(tm) =	ssettm $0x1  }
0x91: {  	s18 =	sld [smem:$0x3FFB];
	_ =	sdelay $0x3  }
0x92: {  	_ =	strace s18  }
0x93: {  	s3 =	sld [smem:$0x3FFC];
	_ =	sdelay $0x3  }
0x94: {  	_ =	strace s3  }
0x95: {  	s3 =	sld [smem:$0x3FFD];
	_ =	sdelay $0x3  }
0x96: {  	_ =	strace s3  }
0x97: {  	_ =	strace $0x8FFFFFFF  }
0x98: {  	s19 =	sld [smem:$0x3FDB];
	_ =	sdelay $0x1  }
0x99: {  	s4 =	simm.s32 $_scs_section_size  }
0x9a: {  	s5 =	simm.s32 $_size__tile_overlayer_lowered;
	s6 =	simm.s32 $_tile_overlayer_lowered  }
0x9b: {  	s22 =	simm.s32 $0x1BFF;
	s21 =	sshll.u32 s6, $0x1;
	s3 =	sadd.s32 s4, s19  }
0x9c: {  	s7 =	simm.s32 $0x0;
	s20 =	sshll.u32 s5, $0x1;
	s5 =	sadd.s32 s21, s3  }
0x9d: {  	[timem:s7], [sflag:s22] =	dma.local [hbm:s5], s20  }
0x9e: {  	_ =	swait.ge [sflag:s22], s20  }
0x9f: {  	s4 =	ssub.s32 $0x0, s20;
	[sflag:s22] =	ssyncset.done $0x0  }
0xa0: {  	[sflag:s22] =	ssyncadd.s32 s4;
	_ =	sdelay $0x1  }
0xa1: {  	s23 =	simm.s32 $0x1B8B  }
0xa2: {  	_ =	swait.ge [sflag:s23], $0x1  }
0xa3: {  	[sflag:s23] =	ssyncset.done $0x0  }
0xa4: {  	s25 =	simm.s32 $0x1B8E;
	s24 =	sld [smem:$0x3FFE];
	[sflag:s23] =	ssyncadd.s32 $0xFFFFFFFF  }
0xa5: {  	s26 =	simm.s32 $execute0_lowered;
	[smem:$0x3FD2] =	sst s25  }
0xa6: {  	s5 =	sshll.u32 s26, $0x1;
	_ =	strace $0x8000005E;
	[dreg:$0x1] =	wrdreg $0xFFFFFFFF  }
0xa7: {  	s28 =	simm.s32 $_size_execute0_lowered;
	s3 =	sadd.s32 s3, s5;
	[dreg:$0x0] =	wrdreg $0x0  }
0xa8: {  	s5 =	sshll.u32 s28, $0x1;
	[dreg:$0x2] =	wrdreg s3  }
0xa9: {  	[dreg:$0x3] =	wrdreg s5  }
0xaa: {  	[dreg:$0x4] =	wrdreg $0xC0  }
0xab: {  	_ =	task [dreg:s7], $0x5FFFF  }
0xac: {  	[dreg:$0x1] =	wrdreg $0xFFFFFFFF  }
0xad: {  	[dreg:$0x0] =	wrdreg $0x60  }
0xae: {  	[dreg:$0x2] =	wrdreg s24  }
0xaf: {  	[dreg:$0x3] =	wrdreg s2  }
0xb0: {  	[dreg:$0x4] =	wrdreg $0xA  }
0xb1: {  	_ =	task.clear_ibuf [dreg:s7], $0x5FFFF;
	_ =	strace $0x9000005E  }
0xb2: {  	s29 =	simm.s32 $0xA;
	_ =	strace $0x80000060  }
0xb3: {  	_ =	swait.ge [sflag:s29], $0x1  }
0xb4: {  	[sflag:s29] =	ssyncadd.s32 $0xFFFFFFFF  }
0xb5: {  	_ =	strace $0x90000060  }
0xb6: {  	_ =	sfence  }
0xb7: {  	s30 =	sld [smem:$0x0];
	_ =	sdelay $0x2  }
0xb8: {  	s31 =	sshll.u32 s1, $0xD;
	s1 =	sshrl.u32 s1, $0x2  }
0xb9: {  	s3 =	sand.u32 $0x4000, s31;
	s1 =	sadd.s32 s1, s30  }
0xba: {  	s0 =	sor.u32 s3, s0;
	s1 =	sshll.u32 s1, $0x11  }
0xbb: {  	s0 =	sor.u32 s1, s0  }
0xbc: {  	s0 =	sadd.s32 $0x8F2B, s0  }
0xbd: {  	[sflag:s0] =	ssyncadd.remote.s32 $0x1  }
0xbe: {  	_ =	sfence.sel $0xFFFF  }
0xbf: {  	[dreg:$0x0] =	wrdreg $0xFFFFFFFF;
	(pc) =	sbr.abs _section_cstart, $3  }
0xc0: {  	[dreg:$0x1] =	wrdreg $0xFFFFFFFF  }
0xc1: {  	_ =	task.clear_ibuf [dreg:s7], $0x2FFFF;
	_ =	strace $0x9FFFFFFF  }
0xc2: {  	(tm) =	ssettm $0x7FFFFFFF  }
0xc3: {  	_ =	shalt  }
tec
execute0_lowered:
.L_overlay_start_1:
0x0: {  	(tag) =	ssettag $0x1  }
0x1: {  	s0 =	rddreg [dreg:$0x0];
	s3 =	simm.s32 $0x0  }
0x2: {  	s8 =	stileid.u32;
	s2 =	srdreg.scid;
	s11 =	simm.s32 $0x4  }
0x3: {  	s12 =	simm.s32 $0x80;
	s13 =	simm.s32 $0x100;
	s15 =	simm.s32 $0x1100  }
0x4: {  	s16 =	simm.s32 $0x1900;
	s17 =	simm.s32 $0x2100;
	s18 =	simm.s32 $0x2900  }
0x5: {  	s19 =	simm.s32 $0x3100;
	s20 =	simm.s32 $0x3900;
	s28 =	simm.s32 $0x7100  }
0x6: {  	s29 =	simm.s32 $0x7900;
	s30 =	simm.s32 $0x8100;
	s31 =	simm.s32 $0x1  }
0x7: {  	[smem:$0x7FF] =	sst s3;
	s1 =	sshll.u32 s8, $0x5;
	s4 =	sadd.s32 $0x1B600, s0  }
0x8: {  	s2 =	sand.u32 $0x1, s2;
	s5 =	sshll.u32 s8, $0xD;
	s6 =	sshll.u32 s8, $0xC  }
0x9: {  	s22 =	sshll.u32 s8, $0x1;
	_ =	strace $0x8000005F;
	s1 =	sadd.s32 s1, s0  }
0xa: {  	s7 =	ssub.s32 $0x2, s2;
	s5 =	sadd.s32 s5, s0;
	s0 =	sadd.s32 s6, s0  }
0xb: {  	[dreg:$0x3] =	wrdreg s22;
	s23 =	sshll.u32 s2, $0xB;
	s24 =	sshll.u32 s2, $0xC  }
0xc: {  	s2 =	sshll.u32 s2, $0x4;
	s22 =	simm.s32 $0x4900;
	s21 =	sshrl.u32 s7, $0x1  }
0xd: {  	s0 =	sadd.s32 s23, s0;
	s25 =	sadd.s32 s24, s5;
	s1 =	sadd.s32 s2, s1  }
0xe: {  	s23 =	simm.s32 $0x5100;
	s24 =	simm.s32 $0x5900;
	s5 =	simm.s32 $0x0  }
.Ltmp0:
0xf: {  	s6 =	ssub.s32 s7, s21;
	s0 =	sadd.s32 $0xCCFA00, s0;
	(pc) =	sbr.rel .LBB2_1-.Ltmp0, $4  }
0x10: {  	s9 =	sadd.s32 $0x11600, s1;
	s10 =	sadd.s32 $0x16600, s1;
	s21 =	simm.s32 $0x4100  }
0x11: {  	v2 =	vlaneseq.u32;
	s1 =	simm.s32 $0x3;
	[dreg:$0x4] =	wrdreg s0;
	s26 =	smax.u32 s6, $0x1  }
0x12: {  	vm0 =	vmmov $0xffff;
	v1 =	vshrl.u32 v2, $0x3;
	s0 =	sadd.s32 $0x7EDA00, s25;
	s25 =	simm.s32 $0x6100;
	[dreg:$0x5] =	wrdreg s26  }
0x13: {  	v0 =	vand.u32 $0x7, v2;
	v2 =	vor.u32 $0x8, v2;
	v1 =	vmul.u32 $0x8, v1;
	[dreg:$0x6] =	wrdreg s0;
	s26 =	simm.s32 $0x6900;
	s0 =	simm.s32 $0x2  }
.LBB2_5:
0x14: {  	s5 =	sadd.s32 $0x1, s5;
	s2 =	rddreg [dreg:$0x5]  }
0x15: {  	p0 =	sne.s32 s5, s2  }
.Ltmp1:
0x16: {  	_ = 	snop;
	(pc) =	sbr.rel @!p0 .LBB2_6-.Ltmp1, $1  }
0x17: {  	_ =	sdelay $0x3  }
.LBB2_1:
.Ltmp2:
0x18: {  	(pc) =	sbr.rel .LBB2_2-.Ltmp2, $4  }
0x19: {  	_ = 	snop  }
0x1a: {  	s6 =	rddreg [dreg:$0x3]  }
0x1b: {  	s8 =	rddreg [dreg:$0x6]  }
0x1c: {  	s7 =	rddreg [dreg:$0x4];
	s2 =	simm.s32 $0x0  }
.LBB2_4:
0x1d: {  	s2 =	sadd.s32 $0x200, s2  }
0x1e: {  	p0 =	sne.s32 s2, $0x5000  }
.Ltmp3:
0x1f: {  	_ = 	snop;
	(pc) =	sbr.rel @!p0 .LBB2_5-.Ltmp3, $2  }
0x20: {  	_ =	sdelay $0x2  }
0x21: {  	s7 =	sadd.s32 $0x10000, s7;
	s8 =	sadd.s32 $0x20000, s8;
	s6 =	sadd.s32 $0x20, s6  }
.LBB2_2:
0x22: {  	p0 =	sgt.u32 s6, $0x4E1  }
.Ltmp4:
0x23: {  	_ = 	snop;
	(pc) =	sbr.rel @p0 .LBB2_4-.Ltmp4, $1  }
0x24: {  	_ =	sdelay $0x3  }
0x25: {  	s14 =	sadd.s32 s2, s10  }
0x26: {  	[tilespmem:s3], [sflag:$0x4] =	stream.linear.gather [hbm4b:s14+s3], $0x80, $0x38;
	[tilespmem:$0xC100] =	vst v63  }
0x27: {  	_ =	swait.ge [sflag:s11], $0x80  }
0x28: {  	[sflag:s11] =	ssyncset.done $0x0  }
0x29: {  	s14 =	sadd.s32 s2, s9;
	[sflag:s11] =	ssyncadd.s32 $0xFFFFFF80  }
0x2a: {  	[tilespmem:s12], [sflag:$0x4] =	stream.linear.gather [hbm4b:s14+s3], $0x80, $0x38;
	[tilespmem:$0xC100] =	vst v63  }
0x2b: {  	_ =	swait.ge [sflag:s11], $0x80  }
0x2c: {  	[sflag:s11] =	ssyncset.done $0x0  }
0x2d: {  	[sflag:s11] =	ssyncadd.s32 $0xFFFFFF80  }
0x2e: {  	v3 =	vld [tilespmem:$0x0];
	_ =	sdelay $0x4  }
0x2f: {  	v4 =	vshll.u32 v3, $0x1  }
0x30: {  	v3 =	vand.u32 $0x7, v3;
	v4 =	vand.u32 $0xFFFFFFF0, v4  }
0x31: {  	v3 =	vor.u32 v3, v4  }
0x32: {  	v4 =	vperm.xlane v3, v0;
	_ =	sdelay $0x1  }
0x33: {  	v3 =	vperm.xlane v3, v2;
	v4 =	vadd.s32 v1, v4;
	_ =	sdelay $0x1  }
0x34: {  	v3 =	vadd.s32 v1, v3;
	_ =	sdelay $0x2  }
0x35: {  	[tilespmem:s13], [sflag:$0x1] =	stream.indirect_vreg.gather [hbm4b:s4+s3], $0x80, v4, vm0, $0xb8;
	[tilespmem:$0xC100] =	vst v63  }
0x36: {  	s14 =	simm.s32 $0x900  }
0x37: {  	[tilespmem:s14], [sflag:$0x1] =	stream.indirect_vreg.gather [hbm4b:s4+s3], $0x80, v3, vm0, $0xb8;
	[tilespmem:$0xC100] =	vst v63  }
0x38: {  	v3 =	vld [tilespmem:$0x10];
	_ =	sdelay $0x4  }
0x39: {  	v57 =	vshll.u32 v3, $0x1  }
0x3a: {  	v3 =	vand.u32 $0x7, v3;
	v4 =	vand.u32 $0xFFFFFFF0, v57  }
0x3b: {  	v3 =	vor.u32 v3, v4  }
0x3c: {  	v4 =	vperm.xlane v3, v0;
	_ =	sdelay $0x1  }
0x3d: {  	v3 =	vperm.xlane v3, v2;
	v4 =	vadd.s32 v1, v4;
	_ =	sdelay $0x1  }
0x3e: {  	v3 =	vadd.s32 v1, v3;
	_ =	sdelay $0x2  }
0x3f: {  	[tilespmem:s15], [sflag:$0x1] =	stream.indirect_vreg.gather [hbm4b:s4+s3], $0x80, v4, vm0, $0xb8;
	[tilespmem:$0xC100] =	vst v63  }
0x40: {  	_ = 	snop  }
0x41: {  	[tilespmem:s16], [sflag:$0x1] =	stream.indirect_vreg.gather [hbm4b:s4+s3], $0x80, v3, vm0, $0xb8;
	[tilespmem:$0xC100] =	vst v63  }
0x42: {  	v3 =	vld [tilespmem:$0x20];
	_ =	sdelay $0x4  }
0x43: {  	v58 =	vshll.u32 v3, $0x1  }
0x44: {  	v3 =	vand.u32 $0x7, v3;
	v4 =	vand.u32 $0xFFFFFFF0, v58  }
0x45: {  	v3 =	vor.u32 v3, v4  }
0x46: {  	v4 =	vperm.xlane v3, v0;
	_ =	sdelay $0x1  }
0x47: {  	v3 =	vperm.xlane v3, v2;
	v4 =	vadd.s32 v1, v4;
	_ =	sdelay $0x1  }
0x48: {  	v3 =	vadd.s32 v1, v3;
	_ =	sdelay $0x2  }
0x49: {  	[tilespmem:s17], [sflag:$0x1] =	stream.indirect_vreg.gather [hbm4b:s4+s3], $0x80, v4, vm0, $0xb8;
	[tilespmem:$0xC100] =	vst v63  }
0x4a: {  	_ = 	snop  }
0x4b: {  	[tilespmem:s18], [sflag:$0x1] =	stream.indirect_vreg.gather [hbm4b:s4+s3], $0x80, v3, vm0, $0xb8;
	[tilespmem:$0xC100] =	vst v63  }
0x4c: {  	v3 =	vld [tilespmem:$0x30];
	_ =	sdelay $0x4  }
0x4d: {  	v59 =	vshll.u32 v3, $0x1  }
0x4e: {  	v3 =	vand.u32 $0x7, v3;
	v4 =	vand.u32 $0xFFFFFFF0, v59  }
0x4f: {  	v3 =	vor.u32 v3, v4  }
0x50: {  	v4 =	vperm.xlane v3, v0;
	_ =	sdelay $0x1  }
0x51: {  	v3 =	vperm.xlane v3, v2;
	v4 =	vadd.s32 v1, v4;
	_ =	sdelay $0x1  }
0x52: {  	v3 =	vadd.s32 v1, v3;
	_ =	sdelay $0x2  }
0x53: {  	[tilespmem:s19], [sflag:$0x1] =	stream.indirect_vreg.gather [hbm4b:s4+s3], $0x80, v4, vm0, $0xb8;
	[tilespmem:$0xC100] =	vst v63  }
0x54: {  	_ = 	snop  }
0x55: {  	[tilespmem:s20], [sflag:$0x1] =	stream.indirect_vreg.gather [hbm4b:s4+s3], $0x80, v3, vm0, $0xb8;
	[tilespmem:$0xC100] =	vst v63  }
0x56: {  	v3 =	vld [tilespmem:$0x40];
	_ =	sdelay $0x4  }
0x57: {  	v60 =	vshll.u32 v3, $0x1  }
0x58: {  	v3 =	vand.u32 $0x7, v3;
	v4 =	vand.u32 $0xFFFFFFF0, v60  }
0x59: {  	v3 =	vor.u32 v3, v4  }
0x5a: {  	v4 =	vperm.xlane v3, v0;
	_ =	sdelay $0x1  }
0x5b: {  	v3 =	vperm.xlane v3, v2;
	v4 =	vadd.s32 v1, v4;
	_ =	sdelay $0x1  }
0x5c: {  	v3 =	vadd.s32 v1, v3;
	_ =	sdelay $0x2  }
0x5d: {  	[tilespmem:s21], [sflag:$0x1] =	stream.indirect_vreg.gather [hbm4b:s4+s3], $0x80, v4, vm0, $0xb8;
	[tilespmem:$0xC100] =	vst v63  }
0x5e: {  	_ = 	snop  }
0x5f: {  	[tilespmem:s22], [sflag:$0x1] =	stream.indirect_vreg.gather [hbm4b:s4+s3], $0x80, v3, vm0, $0xb8;
	[tilespmem:$0xC100] =	vst v63  }
0x60: {  	v3 =	vld [tilespmem:$0x50];
	_ =	sdelay $0x4  }
0x61: {  	v61 =	vshll.u32 v3, $0x1  }
0x62: {  	v3 =	vand.u32 $0x7, v3;
	v4 =	vand.u32 $0xFFFFFFF0, v61  }
0x63: {  	v3 =	vor.u32 v3, v4  }
0x64: {  	v4 =	vperm.xlane v3, v0;
	_ =	sdelay $0x1  }
0x65: {  	v3 =	vperm.xlane v3, v2;
	v4 =	vadd.s32 v1, v4;
	_ =	sdelay $0x1  }
0x66: {  	v3 =	vadd.s32 v1, v3;
	_ =	sdelay $0x2  }
0x67: {  	[tilespmem:s23], [sflag:$0x1] =	stream.indirect_vreg.gather [hbm4b:s4+s3], $0x80, v4, vm0, $0xb8;
	[tilespmem:$0xC100] =	vst v63  }
0x68: {  	_ = 	snop  }
0x69: {  	[tilespmem:s24], [sflag:$0x1] =	stream.indirect_vreg.gather [hbm4b:s4+s3], $0x80, v3, vm0, $0xb8;
	[tilespmem:$0xC100] =	vst v63  }
0x6a: {  	v3 =	vld [tilespmem:$0x60];
	_ =	sdelay $0x4  }
0x6b: {  	v62 =	vshll.u32 v3, $0x1  }
0x6c: {  	v3 =	vand.u32 $0x7, v3;
	v4 =	vand.u32 $0xFFFFFFF0, v62  }
0x6d: {  	v3 =	vor.u32 v3, v4  }
0x6e: {  	v4 =	vperm.xlane v3, v0;
	_ =	sdelay $0x1  }
0x6f: {  	v3 =	vperm.xlane v3, v2;
	v4 =	vadd.s32 v1, v4;
	_ =	sdelay $0x1  }
0x70: {  	v3 =	vadd.s32 v1, v3;
	_ =	sdelay $0x2  }
0x71: {  	[tilespmem:s25], [sflag:$0x1] =	stream.indirect_vreg.gather [hbm4b:s4+s3], $0x80, v4, vm0, $0xb8;
	[tilespmem:$0xC100] =	vst v63  }
0x72: {  	_ = 	snop  }
0x73: {  	[tilespmem:s26], [sflag:$0x1] =	stream.indirect_vreg.gather [hbm4b:s4+s3], $0x80, v3, vm0, $0xb8;
	[tilespmem:$0xC100] =	vst v63  }
0x74: {  	v3 =	vld [tilespmem:$0x70];
	_ =	sdelay $0x4  }
0x75: {  	v63 =	vshll.u32 v3, $0x1  }
0x76: {  	v3 =	vand.u32 $0x7, v3;
	v4 =	vand.u32 $0xFFFFFFF0, v63  }
0x77: {  	v3 =	vor.u32 v3, v4  }
0x78: {  	v4 =	vperm.xlane v3, v0;
	_ =	sdelay $0x1  }
0x79: {  	v3 =	vperm.xlane v3, v2;
	v4 =	vadd.s32 v1, v4;
	_ =	sdelay $0x1  }
0x7a: {  	v3 =	vadd.s32 v1, v3;
	_ =	sdelay $0x2  }
0x7b: {  	[tilespmem:s28], [sflag:$0x1] =	stream.indirect_vreg.gather [hbm4b:s4+s3], $0x80, v4, vm0, $0xb8;
	[tilespmem:$0xC100] =	vst v63  }
0x7c: {  	_ = 	snop  }
0x7d: {  	[tilespmem:s29], [sflag:$0x1] =	stream.indirect_vreg.gather [hbm4b:s4+s3], $0x80, v3, vm0, $0xb8;
	[tilespmem:$0xC100] =	vst v63  }
0x7e: {  	s14 =	rddreg [dreg:$0x1]  }
0x7f: {  	[tilespmem:s30], [sflag:$0x2] =	stream.indirect.gather [hbm4b:s14+s12], $0x80, s12, s12, $0xb8;
	[tilespmem:$0xC100] =	vst v63  }
0x80: {  	_ =	swait.ge [sflag:s31], $0x8000  }
0x81: {  	[sflag:s31] =	ssyncset.done $0x0  }
0x82: {  	[sflag:s31] =	ssyncadd.s32 $0xFFFF8000  }
0x83: {  	_ =	swait.ge [sflag:s0], $0x4000  }
0x84: {  	[sflag:s0] =	ssyncset.done $0x0  }
0x85: {  	[sflag:s0] =	ssyncadd.s32 $0xFFFFC000  }
0x86: {  	[hbm4b:s8+s3] =	stream.linear.scatter [tilespmem:s13], [sflag:$0x4], $0x8000, $0x38;
	[tilespmem:$0xC100] =	vst v63  }
0x87: {  	_ =	swait.ge [sflag:s11], $0x8000  }
0x88: {  	[sflag:s11] =	ssyncset.done $0x0  }
.Ltmp5:
0x89: {  	[sflag:s11] =	ssyncadd.s32 $0xFFFF8000;
	(pc) =	sbr.rel .LBB2_4-.Ltmp5, $4  }
0x8a: {  	[hbm4b:s7+s3] =	stream.linear.scatter [tilespmem:s30], [sflag:$0x3], $0x4000, $0x38;
	[tilespmem:$0xC100] =	vst v63  }
0x8b: {  	_ =	swait.ge [sflag:s1], $0x4000  }
0x8c: {  	[sflag:s1] =	ssyncset.done $0x0  }
0x8d: {  	[sflag:s1] =	ssyncadd.s32 $0xFFFFC000  }
.LBB2_6:
0x8e: {  	_ =	sfence.sel $0x180000  }
0x8f: {  	[bflag:$0x0] =	sbarrier.arrive $0xFFFF  }
0x90: {  	_ =	strace $0x9000005F  }
0x91: {  	s0 =	stileid.u32;
	[bflag:$0x2] =	sbarrier.arrive $0xFFFF  }
0x92: {  	p0 =	sne.s32 s0, $0x0;
	s0 =	rddreg [dreg:$0x2]  }
0x93: {  	s0 =	sadd.s32 @!p0 $0x100000, s0  }
0x94: {  	[sflag:s0] =	ssyncadd.tile.s32 @!p0 $0x1;
	_ =	shalt  }
.Lfunc_end2:
_tile_overlayer_lowered:
.L_overlay_start_2:
0x95: {  	(tag) =	ssettag $0x2  }
0x96: {  	s0 =	rddreg [dreg:$0x0];
	s2 =	stileid.u32  }
0x97: {  	s1 =	rddreg [dreg:$0x1];
	p0 =	sne.s32 s2, $0x0  }
0x98: {  	s3 =	rddreg [dreg:$0x2];
	[bflag:$0x3] =	sbarrier.arrive $0xFFFF;
	s2 =	simm.s32 @!p0 $0x1C03  }
0x99: {  	[timem:s3], [sflag:s2] =	dma.local @!p0 [hbm:s0], s1  }
0x9a: {  	s0 =	simm.s32 @!p0 $0x3  }
0x9b: {  	_ =	swait.ge @!p0 [sflag:s0], s1  }
0x9c: {  	s1 =	ssub.s32 @!p0 $0x0, s1;
	[sflag:s0] =	ssyncset.done @!p0 $0x0  }
0x9d: {  	[sflag:s0] =	ssyncadd.s32 @!p0 s1  }
0x9e: {  	[bflag:$0x3] =	sbarrier.arrive $0xFFFF  }
0x9f: {  	_ =	shalt  }

// kernel: kernel.60.cloned.1.call-start
scs
__scs_entry_jumppad:
0x0: {  	(pc) =	sbr.rel $0x88, $3  }
0x1: {  	(tag) =	ssettag $0x0;
	lr =	simm.s32 $0x1  }
0x2: {  	[smem:$0x3F5C] =	sst lr;
	_ =	strace $0xD0000000  }
0x3: {  	_ = 	snop  }
0x4: {  	_ = 	snop  }
0x5: {  	_ = 	snop  }
0x6: {  	_ = 	snop  }
0x7: {  	_ = 	snop  }
__scs_overlays_trampoline_lowered:
0x8: {  	[smem:$0x3F6B] =	sst s0  }
0x9: {  	[smem:$0x3F6C] =	sst s1  }
0xa: {  	[smem:$0x3F6D] =	sst s2  }
0xb: {  	[smem:$0x3F6E] =	sst s3  }
0xc: {  	[smem:$0x3F6F] =	sst s4  }
0xd: {  	[smem:$0x3F70] =	sst s5  }
0xe: {  	[smem:$0x3F71] =	sst s6  }
0xf: {  	[smem:$0x3F72] =	sst s7  }
0x10: {  	[smem:$0x3F73] =	sst s8  }
0x11: {  	[smem:$0x3F74] =	sst s9;
	s0 =	simm.s32 @!p0 $0x0  }
0x12: {  	s1 =	sld [smem:$0x3F5A];
	s0 =	simm.s32 @p0 $0x1  }
0x13: {  	[smem:$0x3F75] =	sst s0;
	s0 =	simm.s32 @!p1 $0x0  }
0x14: {  	s2 =	sld [smem:$0x3F59];
	s0 =	simm.s32 @p1 $0x1  }
0x15: {  	[smem:$0x3F76] =	sst s0;
	s0 =	simm.s32 @!p2 $0x0  }
0x16: {  	s3 =	sld [smem:$0x3FDB];
	s0 =	simm.s32 @p2 $0x1  }
0x17: {  	s4 =	simm.s32 $0x1BF5;
	[smem:$0x3F78] =	sst s0  }
0x18: {  	s0 =	sld [smem:$0x3F5B];
	_ =	swait.ge [sflag:s4], $0x0  }
0x19: {  	s7 =	sld [smem:$0x3F5C]  }
0x1a: {  	s8 =	sadd.s32 $0xFFFFE003, lr  }
0x1b: {  	s9 =	sadd.s32 $0xFFFFFEF7, lr;
	s5 =	simm.s32 $0xFFFFFFFF;
	p2 =	slt.u32 s8, $0xFFFFF086  }
0x1c: {  	p1 =	slt.u32 s9, $0xF7A;
	s5 =	simm.s32 @!p2 $0x0  }
0x1d: {  	s5 =	simm.s32 @p1 $0x1;
	p0 =	seq.s32 s7, s2  }
0x1e: {  	s7 =	smul.u32 @!p0 $0xF7A, s2;
	p2 =	seq.s32 @!p0 s5, $0x0  }
0x1f: {  	s9 =	smul.u32 $0xF7A, s1;
	s8 =	simm.s32 @!p0 $0x1BF5;
	p2 =	por !p2, p0  }
0x20: {  	[sflag:s8] =	ssyncset.s32 @!p0 $0xFFFFF086;
	s6 =	sadd.s32 @!p0 s3, s7;
	s7 =	simm.s32 @!p0 $0x108  }
0x21: {  	s3 =	sadd.s32 s3, s9;
	s6 =	sadd.s32 @!p0 $0x88, s6;
	s7 =	simm.s32 @p2 $0x1082  }
0x22: {  	[simem:s7], [sflag:s8] =	dma.local @!p0 [hbm:s6], $0xF7A  }
0x23: {  	s9 =	sor.u32 $0xD0000000, s2;
	s6 =	simm.s32 $0x108;
	_ =	swait.ge @!p0 [sflag:s8], $0x0  }
0x24: {  	s3 =	sadd.s32 $0x88, s3;
	s6 =	simm.s32 @!p1 $0x1082;
	[sflag:s4] =	ssyncset.s32 $0xFFFFF086  }
0x25: {  	[simem:s6], [sflag:s4] =	dma.local [hbm:s3], $0xF7A  }
0x26: {  	[smem:$0x3F5C] =	sst s1;
	(tag) =	ssettag s2;
	_ =	strace s9  }
0x27: {  	s1 =	sld [smem:$0x3F6C]  }
0x28: {  	s2 =	sld [smem:$0x3F6D]  }
0x29: {  	s4 =	sld [smem:$0x3F6F]  }
0x2a: {  	p0 =	seq.s32 s5, $0x0;
	s5 =	sld [smem:$0x3F70]  }
0x2b: {  	s6 =	sld [smem:$0x3F71]  }
0x2c: {  	s7 =	sld [smem:$0x3F72]  }
0x2d: {  	s3 =	simm.s32 $0x108;
	s8 =	sld [smem:$0x3F73]  }
0x2e: {  	s3 =	simm.s32 @!p0 $0x1082;
	s9 =	sld [smem:$0x3F74]  }
0x2f: {  	lr =	sadd.s32 s0, s3;
	s0 =	sld [smem:$0x3F6B]  }
0x30: {  	s3 =	sld [smem:$0x3F6E]  }
0x31: {  	[smem:$0x3F77] =	sst s10  }
0x32: {  	s10 =	sld [smem:$0x3F75];
	_ =	sdelay $0x3  }
0x33: {  	p0 =	seq.s32 s10, $0x1;
	s10 =	sld [smem:$0x3F77];
	_ =	sdelay $0x3  }
0x34: {  	[smem:$0x3F77] =	sst s10  }
0x35: {  	s10 =	sld [smem:$0x3F76];
	_ =	sdelay $0x3  }
0x36: {  	p1 =	seq.s32 s10, $0x1;
	s10 =	sld [smem:$0x3F77];
	_ =	sdelay $0x3  }
0x37: {  	[smem:$0x3F77] =	sst s10  }
0x38: {  	s10 =	sld [smem:$0x3F78]  }
0x39: {  	_ = 	snop;
	(pc) =	sbr.ind lr, $3  }
0x3a: {  	_ = 	snop  }
0x3b: {  	_ = 	snop  }
0x3c: {  	p2 =	seq.s32 s10, $0x1;
	s10 =	sld [smem:$0x3F77]  }
0x3d: {  	_ =	shalt  }
0x3e: {  	_ =	shalt  }
0x3f: {  	_ =	shalt  }
0x40: {  	_ =	shalt  }
0x41: {  	_ =	shalt  }
0x42: {  	_ =	shalt  }
0x43: {  	_ =	shalt  }
0x44: {  	_ =	shalt  }
0x45: {  	_ =	shalt  }
0x46: {  	_ =	shalt  }
0x47: {  	_ =	shalt  }
0x48: {  	_ =	shalt  }
0x49: {  	_ =	shalt  }
0x4a: {  	_ =	shalt  }
0x4b: {  	_ =	shalt  }
0x4c: {  	_ =	shalt  }
0x4d: {  	_ =	shalt  }
0x4e: {  	_ =	shalt  }
0x4f: {  	_ =	shalt  }
0x50: {  	_ =	shalt  }
0x51: {  	_ =	shalt  }
0x52: {  	_ =	shalt  }
0x53: {  	_ =	shalt  }
0x54: {  	_ =	shalt  }
0x55: {  	_ =	shalt  }
0x56: {  	_ =	shalt  }
0x57: {  	_ =	shalt  }
0x58: {  	_ =	shalt  }
0x59: {  	_ =	shalt  }
0x5a: {  	_ =	shalt  }
0x5b: {  	_ =	shalt  }
0x5c: {  	_ =	shalt  }
0x5d: {  	_ =	shalt  }
0x5e: {  	_ =	shalt  }
0x5f: {  	_ =	shalt  }
0x60: {  	_ =	shalt  }
0x61: {  	_ =	shalt  }
0x62: {  	_ =	shalt  }
0x63: {  	_ =	shalt  }
0x64: {  	_ =	shalt  }
0x65: {  	_ =	shalt  }
0x66: {  	_ =	shalt  }
0x67: {  	_ =	shalt  }
0x68: {  	_ =	shalt  }
0x69: {  	_ =	shalt  }
0x6a: {  	_ =	shalt  }
0x6b: {  	_ =	shalt  }
0x6c: {  	_ =	shalt  }
0x6d: {  	_ =	shalt  }
0x6e: {  	_ =	shalt  }
0x6f: {  	_ =	shalt  }
0x70: {  	_ =	shalt  }
0x71: {  	_ =	shalt  }
0x72: {  	_ =	shalt  }
0x73: {  	_ =	shalt  }
0x74: {  	_ =	shalt  }
0x75: {  	_ =	shalt  }
0x76: {  	_ =	shalt  }
0x77: {  	_ =	shalt  }
0x78: {  	_ =	shalt  }
0x79: {  	_ =	shalt  }
0x7a: {  	_ =	shalt  }
0x7b: {  	_ =	shalt  }
0x7c: {  	_ =	shalt  }
0x7d: {  	_ =	shalt  }
0x7e: {  	_ =	shalt  }
0x7f: {  	_ =	shalt  }
0x80: {  	_ =	shalt  }
0x81: {  	_ =	shalt  }
0x82: {  	_ =	shalt  }
0x83: {  	_ =	shalt  }
0x84: {  	_ =	shalt  }
0x85: {  	_ =	shalt  }
0x86: {  	_ =	shalt  }
0x87: {  	_ =	shalt  }
.Lfunc_end0:
.L_simem_size_0:
called_computation.11_lowered:
.L_overlay_start_0:
0x88: {  	s2 =	sld [smem:$0x3FD9]  }
0x89: {  	s3 =	sld [smem:$0x3FFE];
	_ =	sdelay $0x1  }
0x8a: {  	s1 =	srdreg.scid  }
0x8b: {  	s0 =	sand.u32 $0x1, s1  }
0x8c: {  	s17 =	sshll.u32 s0, $0xA;
	s2 =	sadd.s32 s3, s2  }
0x8d: {  	s2 =	sadd.s32 s2, s17  }
0x8e: {  	[smem:$0x3F83] =	sst s2  }
0x8f: {  	_ = 	snop  }
0x90: {  	(tm) =	ssettm $0x1  }
0x91: {  	s18 =	sld [smem:$0x3FFB];
	_ =	sdelay $0x3  }
0x92: {  	_ =	strace s18  }
0x93: {  	s2 =	sld [smem:$0x3FFC];
	_ =	sdelay $0x3  }
0x94: {  	_ =	strace s2  }
0x95: {  	s2 =	sld [smem:$0x3FFD];
	_ =	sdelay $0x3  }
0x96: {  	_ =	strace s2  }
0x97: {  	_ =	strace $0x8FFFFFFF  }
0x98: {  	s19 =	sld [smem:$0x3FDB];
	_ =	sdelay $0x1  }
0x99: {  	s20 =	simm.s32 $_scs_section_size  }
0x9a: {  	s4 =	simm.s32 $_size__tile_overlayer_lowered;
	s5 =	simm.s32 $_tile_overlayer_lowered  }
0x9b: {  	s6 =	simm.s32 $0x1BFF;
	s21 =	sshll.u32 s5, $0x1;
	s3 =	sadd.s32 s20, s19  }
0x9c: {  	s22 =	simm.s32 $0x0;
	s4 =	sshll.u32 s4, $0x1;
	s5 =	sadd.s32 s21, s3  }
0x9d: {  	[timem:s22], [sflag:s6] =	dma.local [hbm:s5], s4  }
0x9e: {  	_ =	swait.ge [sflag:s6], s4  }
0x9f: {  	s4 =	ssub.s32 $0x0, s4;
	[sflag:s6] =	ssyncset.done $0x0  }
0xa0: {  	[sflag:s6] =	ssyncadd.s32 s4;
	_ =	sdelay $0x1  }
0xa1: {  	s23 =	simm.s32 $0x1B8B  }
0xa2: {  	_ =	swait.ge [sflag:s23], $0x1  }
0xa3: {  	[sflag:s23] =	ssyncset.done $0x0  }
0xa4: {  	[sflag:s23] =	ssyncadd.s32 $0xFFFFFFFF  }
0xa5: {  	s4 =	sld [smem:$0x0]  }
0xa6: {  	s5 =	sand.u32 $0xFFFFFFFE, s1  }
0xa7: {  	p0 =	sne.s32 s1, s5  }
0xa8: {  	s5 =	sshll.u32 @p0 s5, $0xE  }
0xa9: {  	s5 =	sadd.s32 @p0 $0x11B8D, s5;
	s6 =	sshll.u32 @p0 s4, $0x11  }
0xaa: {  	s5 =	sor.u32 @p0 s6, s5  }
0xab: {  	[sflag:s5] =	ssyncadd.remote.s32 @p0 $0x1;
	_ =	sdelay $0x1  }
0xac: {  	s5 =	simm.s32 @p0 $0x1B8D  }
0xad: {  	_ =	swait.eq @p0 [sflag:s5], $0x1  }
0xae: {  	[sflag:s5] =	ssyncadd.s32 @p0 $0xFFFFFFFF  }
0xaf: {  	s6 =	sshll.u32 @!p0 s1, $0xE  }
0xb0: {  	s6 =	sor.u32 @!p0 $0x4000, s6;
	s5 =	simm.s32 @!p0 $0x1B8D  }
0xb1: {  	s4 =	sshll.u32 @!p0 s4, $0x11;
	s6 =	sadd.s32 @!p0 $0x11B8D, s6;
	_ =	swait.eq @!p0 [sflag:s5], $0x1  }
0xb2: {  	s4 =	sor.u32 @!p0 s4, s6;
	[sflag:s5] =	ssyncadd.s32 @!p0 $0xFFFFFFFF  }
0xb3: {  	s25 =	simm.s32 $0x1B8E;
	s24 =	sld [smem:$0x3FFE];
	[sflag:s4] =	ssyncadd.remote.s32 @!p0 $0x1  }
0xb4: {  	s26 =	simm.s32 $execute0_lowered;
	[smem:$0x3FD2] =	sst s25  }
0xb5: {  	s5 =	sshll.u32 s26, $0x1;
	_ =	strace $0x80000064;
	[dreg:$0x1] =	wrdreg $0xFFFFFFFF  }
0xb6: {  	s28 =	simm.s32 $_size_execute0_lowered;
	s3 =	sadd.s32 s3, s5;
	[dreg:$0x0] =	wrdreg $0x0  }
0xb7: {  	s5 =	sshll.u32 s28, $0x1;
	[dreg:$0x2] =	wrdreg s3  }
0xb8: {  	[dreg:$0x3] =	wrdreg s5  }
0xb9: {  	[dreg:$0x4] =	wrdreg $0xC0  }
0xba: {  	_ =	task [dreg:s22], $0x5FFFF  }
0xbb: {  	[dreg:$0x1] =	wrdreg $0xFFFFFFFF  }
0xbc: {  	[dreg:$0x0] =	wrdreg $0x60  }
0xbd: {  	[dreg:$0x2] =	wrdreg s24  }
0xbe: {  	[dreg:$0x3] =	wrdreg $0x40800  }
0xbf: {  	[dreg:$0x4] =	wrdreg $0xA  }
0xc0: {  	_ =	task.clear_ibuf [dreg:s22], $0x5FFFF;
	_ =	strace $0x90000064  }
0xc1: {  	s29 =	simm.s32 $0xA;
	_ =	strace $0x80000066  }
0xc2: {  	_ =	swait.ge [sflag:s29], $0x1  }
0xc3: {  	[sflag:s29] =	ssyncadd.s32 $0xFFFFFFFF  }
0xc4: {  	_ =	strace $0x90000066  }
0xc5: {  	_ =	sfence  }
0xc6: {  	s30 =	sld [smem:$0x0];
	_ =	sdelay $0x2  }
0xc7: {  	s31 =	sshll.u32 s1, $0xD;
	s1 =	sshrl.u32 s1, $0x2  }
0xc8: {  	s4 =	sand.u32 $0x4000, s31;
	s1 =	sadd.s32 s1, s30  }
0xc9: {  	s0 =	sor.u32 s4, s0;
	s1 =	sshll.u32 s1, $0x11  }
0xca: {  	s0 =	sor.u32 s1, s0  }
0xcb: {  	s0 =	sadd.s32 $0x8F2B, s0  }
0xcc: {  	[sflag:s0] =	ssyncadd.remote.s32 $0x1  }
0xcd: {  	_ =	sfence.sel $0xFFFF  }
0xce: {  	[dreg:$0x0] =	wrdreg $0xFFFFFFFF;
	(pc) =	sbr.abs _section_cstart, $3  }
0xcf: {  	[dreg:$0x1] =	wrdreg $0xFFFFFFFF  }
0xd0: {  	_ =	task.clear_ibuf [dreg:s22], $0x2FFFF;
	_ =	strace $0x9FFFFFFF  }
0xd1: {  	(tm) =	ssettm $0x7FFFFFFF  }
tec
execute0_lowered:
.L_overlay_start_1:
0x0: {  	(tag) =	ssettag $0x1  }
0x1: {  	s4 =	rddreg [dreg:$0x0]  }
0x2: {  	s2 =	rddreg [dreg:$0x1]  }
0x3: {  	s1 =	stileid.u32;
	s3 =	srdreg.scid  }
0x4: {  	s0 =	rddreg [dreg:$0x2];
	s5 =	smul.u32 $0x13C00, s1;
	s6 =	sand.u32 $0x1, s3  }
0x5: {  	s3 =	simm.s32 $0x0;
	s7 =	sshll.u32 s1, $0xC;
	s11 =	smul.u32 $0x4F000, s1  }
0x6: {  	s25 =	sshll.u32 s1, $0x4;
	s31 =	sshll.u32 s1, $0x6;
	s8 =	smul.u32 $0x13C000, s6  }
0x7: {  	[smem:$0x7FF] =	sst s3;
	s9 =	sadd.s32 s7, s4;
	s10 =	sadd.s32 s25, s4  }
0x8: {  	s28 =	ssub.s32 $0x2, s6;
	s13 =	sshll.u32 s6, $0x7;
	s26 =	sshrl.u32 s5, $0x3  }
0x9: {  	s29 =	sshrl.u32 s28, $0x1;
	_ =	strace $0x80000065;
	s30 =	sshrl.u32 s11, $0x2  }
0xa: {  	s9 =	sadd.s32 s13, s9;
	s5 =	sadd.s32 s5, s8;
	s7 =	sadd.s32 s26, s4  }
0xb: {  	s8 =	ssub.s32 s28, s29;
	s11 =	sadd.s32 s30, s2;
	s5 =	sshrl.u32 s5, $0x3  }
0xc: {  	s9 =	sadd.s32 $0x1B8E400, s9;
	s12 =	sadd.s32 s5, s4;
	s4 =	sadd.s32 $0x90A00, s7  }
0xd: {  	s5 =	sor.u32 $0x1C02, s31;
	s7 =	smax.u32 s8, $0x1;
	s8 =	sadd.s32 $0x11600, s10  }
0xe: {  	s10 =	sshrl.u32 s11, $0x3;
	s11 =	simm.s32 $0x2;
	s6 =	sadd.s32 $0x5E9200, s12  }
.LBB2_1:
0xf: {  	[spmem:s10], [sflag:s5] =	dma.local [hbm:s4], $0x2780  }
0x10: {  	_ =	swait.ge [sflag:s11], $0x2780  }
0x11: {  	s12 =	sadd.s32 $0x0, s1;
	[sflag:s11] =	ssyncset.done $0x0  }
0x12: {  	p0 =	sgt.u32 s12, $0x4E1;
	[sflag:s11] =	ssyncadd.s32 $0xFFFFD880  }
0x13: {  	s12 =	simm.s32 @!p0 $0x0;
	s13 =	simm.s32 @!p0 $0x3;
	[bflag:$0x0] =	sbarrier.arrive $0xFFFF  }
0x14: {  	[tilespmem:s12], [sflag:$0x3] =	stream.linear.gather @!p0 [hbm4b:s8+s12], $0x80, $0x38;
	[tilespmem:$0x17C80] =	vst v63  }
0x15: {  	_ =	swait.ge @!p0 [sflag:s13], $0x80  }
0x16: {  	s14 =	simm.s32 @!p0 $0x80;
	s15 =	simm.s32 @!p0 $0x1;
	[sflag:s13] =	ssyncset.done @!p0 $0x0  }
0x17: {  	s16 =	simm.s32 @!p0 $0x800;
	[sflag:s13] =	ssyncadd.s32 @!p0 $0xFFFFFF80;
	s13 =	simm.s32 @!p0 $0x400  }
0x18: {  	[tilespmem:s14], [sflag:$0x1] =	stream.strided.gather @!p0 [hbm4b:s9+s13], $0x4000, s16, s13, $0x38;
	[tilespmem:$0x17C80] =	vst v63  }
0x19: {  	p1 =	por p0, p0;
	_ =	swait.ge @!p0 [sflag:s15], $0x4000  }
0x1a: {  	[sflag:s15] =	ssyncset.done @!p1 $0x0  }
0x1b: {  	s31 =	sadd.s32 $0x10, s1;
	[sflag:s15] =	ssyncadd.s32 @!p1 $0xFFFFC000;
	s15 =	simm.s32 @!p1 $0x2  }
0x1c: {  	[spmem:s2] =	stream.indirect.scatter.add.f32 @!p1 [tilespmem:s14], [sflag:$0x2], $0x80, s12, s14, $0xb8;
	[tilespmem:$0x17C80] =	vst v63  }
0x1d: {  	s13 =	simm.s32 $0x20;
	p0 =	sgt.u32 s31, $0x4E1;
	_ =	swait.ge @!p1 [sflag:s15], $0x4000  }
0x1e: {  	s12 =	sadd.s32 $0x10000, s9;
	s14 =	sadd.s32 $0x100, s8;
	[sflag:s15] =	ssyncset.done @!p1 $0x0  }
.LBB2_2:
0x1f: {  	s16 =	simm.s32 @!p0 $0x0;
	s17 =	simm.s32 @!p0 $0x3;
	[sflag:s15] =	ssyncadd.s32 @!p1 $0xFFFFC000  }
0x20: {  	[tilespmem:s16], [sflag:$0x3] =	stream.linear.gather @!p0 [hbm4b:s14+s16], $0x80, $0x38;
	[tilespmem:$0x17C80] =	vst v63  }
0x21: {  	s18 =	smov.u32 s13;
	s13 =	sadd.s32 $0x10, s13;
	_ =	swait.ge @!p0 [sflag:s17], $0x80  }
0x22: {  	s19 =	simm.s32 @!p0 $0x80;
	s15 =	simm.s32 @!p0 $0x1;
	[sflag:s17] =	ssyncset.done @!p0 $0x0  }
0x23: {  	s20 =	simm.s32 @!p0 $0x800;
	[sflag:s17] =	ssyncadd.s32 @!p0 $0xFFFFFF80;
	s17 =	simm.s32 @!p0 $0x400  }
0x24: {  	[tilespmem:s19], [sflag:$0x1] =	stream.strided.gather @!p0 [hbm4b:s12+s17], $0x4000, s20, s17, $0x38;
	[tilespmem:$0x17C80] =	vst v63  }
0x25: {  	p1 =	por p0, p0;
	p2 =	sne.s32 s13, $0x4F0;
	_ =	swait.ge @!p0 [sflag:s15], $0x4000  }
.Ltmp0:
0x26: {  	[sflag:s15] =	ssyncset.done @!p1 $0x0;
	(pc) =	sbr.rel @p2 .LBB2_2-.Ltmp0, $4  }
0x27: {  	[sflag:s15] =	ssyncadd.s32 @!p1 $0xFFFFC000;
	s15 =	simm.s32 @!p1 $0x2  }
0x28: {  	[spmem:s2] =	stream.indirect.scatter.add.f32 @!p1 [tilespmem:s19], [sflag:$0x2], $0x80, s16, s19, $0xb8;
	[tilespmem:$0x17C80] =	vst v63  }
0x29: {  	s12 =	sadd.s32 $0x10000, s12;
	s16 =	sadd.s32 s18, s1;
	_ =	swait.ge @!p1 [sflag:s15], $0x4000  }
0x2a: {  	s14 =	sadd.s32 $0x100, s14;
	p0 =	sgt.u32 s16, $0x4E1;
	[sflag:s15] =	ssyncset.done @!p1 $0x0  }
0x2b: {  	s13 =	simm.s32 @!p0 $0x0;
	s16 =	simm.s32 @!p0 $0x3;
	[sflag:s15] =	ssyncadd.s32 @!p1 $0xFFFFC000  }
0x2c: {  	[tilespmem:s13], [sflag:$0x3] =	stream.linear.gather @!p0 [hbm4b:s14+s13], $0x80, $0x38;
	[tilespmem:$0x17C80] =	vst v63  }
0x2d: {  	_ =	swait.ge @!p0 [sflag:s16], $0x80  }
0x2e: {  	s15 =	simm.s32 @!p0 $0x1;
	s17 =	simm.s32 @!p0 $0x800;
	[sflag:s16] =	ssyncset.done @!p0 $0x0  }
0x2f: {  	s14 =	simm.s32 @!p0 $0x80;
	[sflag:s16] =	ssyncadd.s32 @!p0 $0xFFFFFF80;
	s16 =	simm.s32 @!p0 $0x400  }
0x30: {  	[tilespmem:s14], [sflag:$0x1] =	stream.strided.gather @!p0 [hbm4b:s12+s16], $0x4000, s17, s16, $0x38;
	[tilespmem:$0x17C80] =	vst v63  }
0x31: {  	_ =	swait.ge @!p0 [sflag:s15], $0x4000;
	p0 =	por p0, p0  }
0x32: {  	[sflag:s15] =	ssyncset.done @!p0 $0x0  }
0x33: {  	s12 =	simm.s32 @!p0 $0x2;
	[sflag:s15] =	ssyncadd.s32 @!p0 $0xFFFFC000  }
0x34: {  	[spmem:s2] =	stream.indirect.scatter.add.f32 @!p0 [tilespmem:s14], [sflag:$0x2], $0x80, s13, s14, $0xb8;
	[tilespmem:$0x17C80] =	vst v63  }
0x35: {  	_ =	swait.ge @!p0 [sflag:s12], $0x4000  }
0x36: {  	s3 =	sadd.s32 $0x1, s3;
	[sflag:s12] =	ssyncset.done @!p0 $0x0  }
0x37: {  	[sflag:s12] =	ssyncadd.s32 @!p0 $0xFFFFC000;
	p0 =	sne.s32 s3, s7  }
.Ltmp1:
0x38: {  	[bflag:$0x0] =	sbarrier.arrive $0xFFFF;
	(pc) =	sbr.rel @p0 .LBB2_1-.Ltmp1, $4  }
0x39: {  	[hbm:s6], [sflag:s5] =	dma.local [spmem:s10], $0x2780  }
0x3a: {  	_ =	swait.ge [sflag:s11], $0x2780  }
0x3b: {  	[sflag:s11] =	ssyncset.done $0x0  }
0x3c: {  	[sflag:s11] =	ssyncadd.s32 $0xFFFFD880  }
0x3d: {  	_ =	sfence.sel $0x180000  }
0x3e: {  	[bflag:$0x0] =	sbarrier.arrive $0xFFFF  }
0x3f: {  	p0 =	sne.s32 s1, $0x0;
	_ =	strace $0x90000065  }
0x40: {  	s0 =	sadd.s32 @!p0 $0x100000, s0;
	[bflag:$0x2] =	sbarrier.arrive $0xFFFF  }
0x41: {  	[sflag:s0] =	ssyncadd.tile.s32 @!p0 $0x1;
	_ =	shalt  }
.Lfunc_end2:
_tile_overlayer_lowered:
.L_overlay_start_2:
0x42: {  	(tag) =	ssettag $0x2  }
0x43: {  	s0 =	rddreg [dreg:$0x0];
	s2 =	stileid.u32  }
0x44: {  	s1 =	rddreg [dreg:$0x1];
	p0 =	sne.s32 s2, $0x0  }
0x45: {  	s3 =	rddreg [dreg:$0x2];
	[bflag:$0x3] =	sbarrier.arrive $0xFFFF;
	s2 =	simm.s32 @!p0 $0x1C02  }
0x46: {  	[timem:s3], [sflag:s2] =	dma.local @!p0 [hbm:s0], s1  }
0x47: {  	s0 =	simm.s32 @!p0 $0x2  }
0x48: {  	_ =	swait.ge @!p0 [sflag:s0], s1  }
0x49: {  	s1 =	ssub.s32 @!p0 $0x0, s1;
	[sflag:s0] =	ssyncset.done @!p0 $0x0  }
0x4a: {  	[sflag:s0] =	ssyncadd.s32 @!p0 s1  }
0x4b: {  	[bflag:$0x3] =	sbarrier.arrive $0xFFFF  }
0x4c: {  	_ =	shalt  }

</sc_bundles>
